<compile_context>
chip_gen: v7x
topology: tpu7x:2x2x1
jax: 0.10.2.dev20260603
libtpu: 0.0.44.dev20260713+nightly
codegen_flags: <defaults>
</compile_context>

<pallas_src>
import functools
import math

import jax
import jax.numpy as jnp
import numpy as np
from jax import lax
from jax.experimental import pallas as pl
from jax.experimental.pallas import tpu as pltpu
from jax.experimental.pallas import tpu_sc as plsc
N_SYMBOLS = 1000000
D = 64
B = 1024
L = 200
N = B * L

NC, NS = 2, 16
NW = NC * NS
ROWS_PER_W = N // NW
SEQ_PER_W = ROWS_PER_W // L
CHUNK = 800
NCHUNK = ROWS_PER_W // CHUNK
SEQ_PER_CHUNK = CHUNK // L
G = 80
GPC = CHUNK // G


def _position_signal() -> np.ndarray:
    position = np.arange(L, dtype=np.float32)
    num_timescales = D // 2
    log_inc = math.log(1.0e4) / max(num_timescales - 1, 1)
    inv_timescales = np.exp(np.arange(num_timescales, dtype=np.float32) * -log_inc).astype(np.float32)
    scaled = position[:, None] * inv_timescales[None, :]
    return np.concatenate([np.sin(scaled), np.cos(scaled)], axis=1).astype(np.float32)


_MESH = plsc.VectorSubcoreMesh(
    core_axis_name="c", subcore_axis_name="s", num_cores=NC, num_subcores=NS
)


@functools.partial(
    pl.kernel,
    out_type=jax.ShapeDtypeStruct((B, L, D), jnp.float32),
    mesh=_MESH,
    compiler_params=pltpu.CompilerParams(use_tc_tiling_on_sc=False),
    scratch_types=[
        pltpu.VMEM((ROWS_PER_W,), jnp.int32),
        pltpu.VMEM((L, D), jnp.float32),
        pltpu.VMEM((CHUNK, D), jnp.float32),
        pltpu.VMEM((CHUNK, D), jnp.float32),
        pltpu.SemaphoreType.DMA,
        pltpu.SemaphoreType.DMA,
        pltpu.SemaphoreType.DMA,
        pltpu.SemaphoreType.DMA,
    ],
)
def _embed_kernel(idx_hbm, table_hbm, sig_hbm, out_hbm,
                  idx_v, sig_v, rows0, rows1, gsem0, gsem1, wsem0, wsem1):
    wid = lax.axis_index("s") * NC + lax.axis_index("c")
    base = pl.multiple_of(wid * ROWS_PER_W, ROWS_PER_W)
    seq_base = pl.multiple_of(wid * SEQ_PER_W, SEQ_PER_W)

    pltpu.sync_copy(sig_hbm, sig_v)
    pltpu.sync_copy(idx_hbm.at[pl.ds(base, ROWS_PER_W)], idx_v)

    bufs = (rows0, rows1)
    gsems = (gsem0, gsem1)
    wsems = (wsem0, wsem1)

    def fire_gathers(c):
        buf = bufs[c % 2]
        sem = gsems[c % 2]
        handles = []
        for g in range(GPC):
            off = c * CHUNK + g * G
            handles.append(
                pltpu.async_copy(
                    table_hbm.at[idx_v.at[pl.ds(off, G)]],
                    buf.at[pl.ds(g * G, G), :],
                    sem,
                )
            )
        return handles

    def add_signal(c):
        buf = bufs[c % 2]

        def body(p, _):
            sig = [sig_v[p, pl.ds(k * 16, 16)] for k in range(4)]
            for s in range(SEQ_PER_CHUNK):
                r = s * L + p
                for k in range(4):
                    plsc.addupdate(buf.at[r, pl.ds(k * 16, 16)], sig[k])
            return _

        lax.fori_loop(0, L, body, None)

    def fire_write(c):
        buf = bufs[c % 2]
        s0 = seq_base + c * SEQ_PER_CHUNK
        handles = []
        for s in range(SEQ_PER_CHUNK):
            handles.append(
                pltpu.async_copy(
                    buf.at[pl.ds(s * L, L), :], out_hbm.at[s0 + s], wsems[c % 2]
                )
            )
        return handles

    write_handles = [None, None]
    gather_handles = fire_gathers(0)
    for c in range(NCHUNK):
        nxt = c + 1
        if nxt < NCHUNK:
            if write_handles[nxt % 2] is not None:
                for wh in write_handles[nxt % 2]:
                    wh.wait()
                write_handles[nxt % 2] = None
            next_gathers = fire_gathers(nxt)
        for h in gather_handles:
            h.wait()
        add_signal(c)
        write_handles[c % 2] = fire_write(c)
        if nxt < NCHUNK:
            gather_handles = next_gathers
    for whs in write_handles:
        if whs is not None:
            for wh in whs:
                wh.wait()


def kernel(inputs, embedding_table):
    idx_flat = inputs.reshape(N).astype(jnp.int32)
    sig = jnp.asarray(_position_signal())
    return _embed_kernel(idx_flat, embedding_table, sig)

# --- scband reference (transcript-rebuilt; emitter-appended) ---
"""Pipeline reference for scband-transformer-input-embedding-50225347559783 (READ-ONLY COPY).

The authoritative reference and input builder live on the scoring server;
editing this copy changes nothing except your own understanding.
"""

import jax, jax.numpy as jnp
import numpy as np

N_SYMBOLS = 1000000
EMBED_SIZE = 64
BATCH = 1024
SEQ_LEN = 200


def _sinusoidal_position_signal(length, channels, min_timescale=1.0, max_timescale=1.0e4):
    position = jnp.arange(length, dtype=jnp.float32)
    num_timescales = channels // 2
    log_timescale_increment = np.log(float(max_timescale) / float(min_timescale)) / (max(num_timescales - 1, 1))
    inv_timescales = min_timescale * jnp.exp(jnp.arange(num_timescales, dtype=jnp.float32) * -log_timescale_increment)
    scaled_time = position[:, None] * inv_timescales[None, :]
    signal = jnp.concatenate([jnp.sin(scaled_time), jnp.cos(scaled_time)], axis=1)
    pad = channels - 2 * num_timescales
    if pad > 0:
        signal = jnp.pad(signal, ((0, 0), (0, pad)))
    return signal  # [length, channels]


def setup_inputs(seed: int = 0) -> dict:
    key = jax.random.key(seed)
    k_idx, k_tab = jax.random.split(key)
    inputs = jax.random.randint(k_idx, (BATCH, SEQ_LEN), 0, N_SYMBOLS, dtype=jnp.int64 if jax.config.jax_enable_x64 else jnp.int32)
    embedding_table = jax.random.normal(k_tab, (N_SYMBOLS, EMBED_SIZE), dtype=jnp.float32) * 0.02
    return {"inputs": inputs, "embedding_table": embedding_table}


def reference(inputs, embedding_table):
    # Embedding lookup (gather)
    embedding = jnp.take(embedding_table, inputs, axis=0)  # [B, L, D]
    # PositionEmbedding: add sinusoidal timing signal
    signal = _sinusoidal_position_signal(embedding.shape[1], embedding.shape[2])
    embedding = embedding + signal[None, :, :]
    return embedding


if False:  # reference __main__ guard neutralized (emitter)
    out = reference(**setup_inputs())
    print(out.shape, out.dtype)

if __name__ == "__main__":
    import jax
    _d = setup_inputs()
    print(jax.jit(kernel)(*tuple(_d.values())))

</pallas_src>

<mosaic_0001>
#map = affine_map<(d0, d1) -> (0)>
#map1 = affine_map<(d0, d1) -> (0, 0)>
#map2 = affine_map<(d0, d1) -> (0, 0, 0)>
module attributes {stable_mosaic.version = 14 : i64} {
  func.func @_embed_kernel(%arg0: i32, %arg1: i32, %arg2: memref<204800xi32, #tpu.memory_space<hbm>>, %arg3: memref<1000000x64xf32, #tpu.memory_space<hbm>>, %arg4: memref<200x64xf32, #tpu.memory_space<hbm>>, %arg5: memref<1024x200x64xf32, #tpu.memory_space<hbm>>, %arg6: memref<6400xi32, #tpu.memory_space<vmem>>, %arg7: memref<200x64xf32, #tpu.memory_space<vmem>>, %arg8: memref<800x64xf32, #tpu.memory_space<vmem>>, %arg9: memref<800x64xf32, #tpu.memory_space<vmem>>, %arg10: memref<!tpu.dma_semaphore, #tpu.memory_space<semaphore_mem>>, %arg11: memref<!tpu.dma_semaphore, #tpu.memory_space<semaphore_mem>>, %arg12: memref<!tpu.dma_semaphore, #tpu.memory_space<semaphore_mem>>, %arg13: memref<!tpu.dma_semaphore, #tpu.memory_space<semaphore_mem>>) attributes {dimension_semantics = [#tpu.dimension_semantics<core_parallel>, #tpu.dimension_semantics<subcore_parallel>], iteration_bounds = array<i64: 2, 16>, scalar_prefetch = 0 : i64, scratch_operands = 8 : i64, tpu.core_type = #tpu.core_type<sc_vector_subcore>, window_params = [{transform_indices = #map}, {transform_indices = #map1}, {transform_indices = #map1}, {transform_indices = #map2}]} {
    %mul3A = arith.constant 2 : i32
    %mul3A_0 = arith.muli %arg1, %mul3A : i32
    %add3A = arith.addi %mul3A_0, %arg0 : i32
    %mul3A_1 = arith.constant 6400 : i32
    %mul3A_2 = arith.muli %add3A, %mul3A_1 : i32
    %multiple_of3A = tpu.assume_multiple %mul3A_2, 6400 : i32
    %mul3A_3 = arith.constant 32 : i32
    %mul3A_4 = arith.muli %add3A, %mul3A_3 : i32
    %multiple_of3A_5 = tpu.assume_multiple %mul3A_4, 32 : i32
    "tpu.region"() ({
      %run_scoped3A = tpu.sem_alloc : memref<!tpu.dma_semaphore, #tpu.memory_space<semaphore_mem>>
      tpu.enqueue_dma source(%arg4 : memref<200x64xf32, #tpu.memory_space<hbm>>) target(%arg7 : memref<200x64xf32, #tpu.memory_space<vmem>>) target_semaphore(%run_scoped3A : memref<!tpu.dma_semaphore, #tpu.memory_space<semaphore_mem>>)
      tpu.wait_dma2 semaphore(%run_scoped3A : memref<!tpu.dma_semaphore, #tpu.memory_space<semaphore_mem>>) src(%arg4 : memref<200x64xf32, #tpu.memory_space<hbm>>) dst(%arg7 : memref<200x64xf32, #tpu.memory_space<vmem>>)
      tpu.yield
    }) : () -> ()
    "tpu.region"() ({
      %run_scoped3A = tpu.sem_alloc : memref<!tpu.dma_semaphore, #tpu.memory_space<semaphore_mem>>
      %dma_start3A_2299 = tpu.memref_slice %arg2[%multiple_of3A] : memref<204800xi32, #tpu.memory_space<hbm>> -> memref<6400xi32, #tpu.memory_space<hbm>>
      %dma_start3A_2300 = tpu.memref_slice %arg2[%multiple_of3A] : memref<204800xi32, #tpu.memory_space<hbm>> -> memref<6400xi32, #tpu.memory_space<hbm>>
      tpu.enqueue_dma source(%dma_start3A_2300 : memref<6400xi32, #tpu.memory_space<hbm>>) target(%arg6 : memref<6400xi32, #tpu.memory_space<vmem>>) target_semaphore(%run_scoped3A : memref<!tpu.dma_semaphore, #tpu.memory_space<semaphore_mem>>)
      %dma_wait3A_2301 = tpu.memref_slice %arg2[%multiple_of3A] : memref<204800xi32, #tpu.memory_space<hbm>> -> memref<6400xi32, #tpu.memory_space<hbm>>
      %dma_wait3A_2302 = tpu.memref_slice %arg2[%multiple_of3A] : memref<204800xi32, #tpu.memory_space<hbm>> -> memref<6400xi32, #tpu.memory_space<hbm>>
      tpu.wait_dma2 semaphore(%run_scoped3A : memref<!tpu.dma_semaphore, #tpu.memory_space<semaphore_mem>>) src(%dma_wait3A_2302 : memref<6400xi32, #tpu.memory_space<hbm>>) dst(%arg6 : memref<6400xi32, #tpu.memory_space<vmem>>)
      tpu.yield
    }) : () -> ()
    %dma_start3A = arith.constant 0 : i32
    %dma_start3A_6 = arith.constant 0 : i32
    %dma_start3A_7 = tpu.memref_slice %arg8[%dma_start3A, %dma_start3A_6] : memref<800x64xf32, #tpu.memory_space<vmem>> -> memref<80x64xf32, #tpu.memory_space<vmem>>
    %dma_start3A_8 = arith.constant 0 : i32
    %dma_start3A_9 = tpu.memref_slice %arg6[%dma_start3A_8] : memref<6400xi32, #tpu.memory_space<vmem>> -> memref<80xi32, #tpu.memory_space<vmem>>
    %dma_start3A_10 = arith.constant 0 : i32
    %dma_start3A_11 = arith.constant 0 : i32
    %dma_start3A_12 = tpu.memref_slice %arg3[%dma_start3A_10, %dma_start3A_11] : memref<1000000x64xf32, #tpu.memory_space<hbm>> -> memref<1000000x64xf32, #tpu.memory_space<hbm>>
    tpu.enqueue_indirect_dma source(%dma_start3A_12 : memref<1000000x64xf32, #tpu.memory_space<hbm>>) target(%dma_start3A_7 : memref<80x64xf32, #tpu.memory_space<vmem>>) offsets(%dma_start3A_9 : memref<80xi32, #tpu.memory_space<vmem>>) semaphore(%arg10 : memref<!tpu.dma_semaphore, #tpu.memory_space<semaphore_mem>>)
    %dma_start3A_13 = arith.constant 80 : i32
    %dma_start3A_14 = arith.constant 0 : i32
    %dma_start3A_15 = tpu.memref_slice %arg8[%dma_start3A_13, %dma_start3A_14] : memref<800x64xf32, #tpu.memory_space<vmem>> -> memref<80x64xf32, #tpu.memory_space<vmem>>
    %dma_start3A_16 = arith.constant 80 : i32
    %dma_start3A_17 = tpu.memref_slice %arg6[%dma_start3A_16] : memref<6400xi32, #tpu.memory_space<vmem>> -> memref<80xi32, #tpu.memory_space<vmem>>
    %dma_start3A_18 = arith.constant 0 : i32
    %dma_start3A_19 = arith.constant 0 : i32
    %dma_start3A_20 = tpu.memref_slice %arg3[%dma_start3A_18, %dma_start3A_19] : memref<1000000x64xf32, #tpu.memory_space<hbm>> -> memref<1000000x64xf32, #tpu.memory_space<hbm>>
    tpu.enqueue_indirect_dma source(%dma_start3A_20 : memref<1000000x64xf32, #tpu.memory_space<hbm>>) target(%dma_start3A_15 : memref<80x64xf32, #tpu.memory_space<vmem>>) offsets(%dma_start3A_17 : memref<80xi32, #tpu.memory_space<vmem>>) semaphore(%arg10 : memref<!tpu.dma_semaphore, #tpu.memory_space<semaphore_mem>>)
    %dma_start3A_21 = arith.constant 160 : i32
    %dma_start3A_22 = arith.constant 0 : i32
    %dma_start3A_23 = tpu.memref_slice %arg8[%dma_start3A_21, %dma_start3A_22] : memref<800x64xf32, #tpu.memory_space<vmem>> -> memref<80x64xf32, #tpu.memory_space<vmem>>
    %dma_start3A_24 = arith.constant 160 : i32
    %dma_start3A_25 = tpu.memref_slice %arg6[%dma_start3A_24] : memref<6400xi32, #tpu.memory_space<vmem>> -> memref<80xi32, #tpu.memory_space<vmem>>
    %dma_start3A_26 = arith.constant 0 : i32
    %dma_start3A_27 = arith.constant 0 : i32
    %dma_start3A_28 = tpu.memref_slice %arg3[%dma_start3A_26, %dma_start3A_27] : memref<1000000x64xf32, #tpu.memory_space<hbm>> -> memref<1000000x64xf32, #tpu.memory_space<hbm>>
    tpu.enqueue_indirect_dma source(%dma_start3A_28 : memref<1000000x64xf32, #tpu.memory_space<hbm>>) target(%dma_start3A_23 : memref<80x64xf32, #tpu.memory_space<vmem>>) offsets(%dma_start3A_25 : memref<80xi32, #tpu.memory_space<vmem>>) semaphore(%arg10 : memref<!tpu.dma_semaphore, #tpu.memory_space<semaphore_mem>>)
    %dma_start3A_29 = arith.constant 240 : i32
    %dma_start3A_30 = arith.constant 0 : i32
    %dma_start3A_31 = tpu.memref_slice %arg8[%dma_start3A_29, %dma_start3A_30] : memref<800x64xf32, #tpu.memory_space<vmem>> -> memref<80x64xf32, #tpu.memory_space<vmem>>
    %dma_start3A_32 = arith.constant 240 : i32
    %dma_start3A_33 = tpu.memref_slice %arg6[%dma_start3A_32] : memref<6400xi32, #tpu.memory_space<vmem>> -> memref<80xi32, #tpu.memory_space<vmem>>
    %dma_start3A_34 = arith.constant 0 : i32
    %dma_start3A_35 = arith.constant 0 : i32
    %dma_start3A_36 = tpu.memref_slice %arg3[%dma_start3A_34, %dma_start3A_35] : memref<1000000x64xf32, #tpu.memory_space<hbm>> -> memref<1000000x64xf32, #tpu.memory_space<hbm>>
    tpu.enqueue_indirect_dma source(%dma_start3A_36 : memref<1000000x64xf32, #tpu.memory_space<hbm>>) target(%dma_start3A_31 : memref<80x64xf32, #tpu.memory_space<vmem>>) offsets(%dma_start3A_33 : memref<80xi32, #tpu.memory_space<vmem>>) semaphore(%arg10 : memref<!tpu.dma_semaphore, #tpu.memory_space<semaphore_mem>>)
    %dma_start3A_37 = arith.constant 320 : i32
    %dma_start3A_38 = arith.constant 0 : i32
    %dma_start3A_39 = tpu.memref_slice %arg8[%dma_start3A_37, %dma_start3A_38] : memref<800x64xf32, #tpu.memory_space<vmem>> -> memref<80x64xf32, #tpu.memory_space<vmem>>
    %dma_start3A_40 = arith.constant 320 : i32
    %dma_start3A_41 = tpu.memref_slice %arg6[%dma_start3A_40] : memref<6400xi32, #tpu.memory_space<vmem>> -> memref<80xi32, #tpu.memory_space<vmem>>
    %dma_start3A_42 = arith.constant 0 : i32
    %dma_start3A_43 = arith.constant 0 : i32
    %dma_start3A_44 = tpu.memref_slice %arg3[%dma_start3A_42, %dma_start3A_43] : memref<1000000x64xf32, #tpu.memory_space<hbm>> -> memref<1000000x64xf32, #tpu.memory_space<hbm>>
    tpu.enqueue_indirect_dma source(%dma_start3A_44 : memref<1000000x64xf32, #tpu.memory_space<hbm>>) target(%dma_start3A_39 : memref<80x64xf32, #tpu.memory_space<vmem>>) offsets(%dma_start3A_41 : memref<80xi32, #tpu.memory_space<vmem>>) semaphore(%arg10 : memref<!tpu.dma_semaphore, #tpu.memory_space<semaphore_mem>>)
    %dma_start3A_45 = arith.constant 400 : i32
    %dma_start3A_46 = arith.constant 0 : i32
    %dma_start3A_47 = tpu.memref_slice %arg8[%dma_start3A_45, %dma_start3A_46] : memref<800x64xf32, #tpu.memory_space<vmem>> -> memref<80x64xf32, #tpu.memory_space<vmem>>
    %dma_start3A_48 = arith.constant 400 : i32
    %dma_start3A_49 = tpu.memref_slice %arg6[%dma_start3A_48] : memref<6400xi32, #tpu.memory_space<vmem>> -> memref<80xi32, #tpu.memory_space<vmem>>
    %dma_start3A_50 = arith.constant 0 : i32
    %dma_start3A_51 = arith.constant 0 : i32
    %dma_start3A_52 = tpu.memref_slice %arg3[%dma_start3A_50, %dma_start3A_51] : memref<1000000x64xf32, #tpu.memory_space<hbm>> -> memref<1000000x64xf32, #tpu.memory_space<hbm>>
    tpu.enqueue_indirect_dma source(%dma_start3A_52 : memref<1000000x64xf32, #tpu.memory_space<hbm>>) target(%dma_start3A_47 : memref<80x64xf32, #tpu.memory_space<vmem>>) offsets(%dma_start3A_49 : memref<80xi32, #tpu.memory_space<vmem>>) semaphore(%arg10 : memref<!tpu.dma_semaphore, #tpu.memory_space<semaphore_mem>>)
    %dma_start3A_53 = arith.constant 480 : i32
    %dma_start3A_54 = arith.constant 0 : i32
    %dma_start3A_55 = tpu.memref_slice %arg8[%dma_start3A_53, %dma_start3A_54] : memref<800x64xf32, #tpu.memory_space<vmem>> -> memref<80x64xf32, #tpu.memory_space<vmem>>
    %dma_start3A_56 = arith.constant 480 : i32
    %dma_start3A_57 = tpu.memref_slice %arg6[%dma_start3A_56] : memref<6400xi32, #tpu.memory_space<vmem>> -> memref<80xi32, #tpu.memory_space<vmem>>
    %dma_start3A_58 = arith.constant 0 : i32
    %dma_start3A_59 = arith.constant 0 : i32
    %dma_start3A_60 = tpu.memref_slice %arg3[%dma_start3A_58, %dma_start3A_59] : memref<1000000x64xf32, #tpu.memory_space<hbm>> -> memref<1000000x64xf32, #tpu.memory_space<hbm>>
    tpu.enqueue_indirect_dma source(%dma_start3A_60 : memref<1000000x64xf32, #tpu.memory_space<hbm>>) target(%dma_start3A_55 : memref<80x64xf32, #tpu.memory_space<vmem>>) offsets(%dma_start3A_57 : memref<80xi32, #tpu.memory_space<vmem>>) semaphore(%arg10 : memref<!tpu.dma_semaphore, #tpu.memory_space<semaphore_mem>>)
    %dma_start3A_61 = arith.constant 560 : i32
    %dma_start3A_62 = arith.constant 0 : i32
    %dma_start3A_63 = tpu.memref_slice %arg8[%dma_start3A_61, %dma_start3A_62] : memref<800x64xf32, #tpu.memory_space<vmem>> -> memref<80x64xf32, #tpu.memory_space<vmem>>
    %dma_start3A_64 = arith.constant 560 : i32
    %dma_start3A_65 = tpu.memref_slice %arg6[%dma_start3A_64] : memref<6400xi32, #tpu.memory_space<vmem>> -> memref<80xi32, #tpu.memory_space<vmem>>
    %dma_start3A_66 = arith.constant 0 : i32
    %dma_start3A_67 = arith.constant 0 : i32
    %dma_start3A_68 = tpu.memref_slice %arg3[%dma_start3A_66, %dma_start3A_67] : memref<1000000x64xf32, #tpu.memory_space<hbm>> -> memref<1000000x64xf32, #tpu.memory_space<hbm>>
    tpu.enqueue_indirect_dma source(%dma_start3A_68 : memref<1000000x64xf32, #tpu.memory_space<hbm>>) target(%dma_start3A_63 : memref<80x64xf32, #tpu.memory_space<vmem>>) offsets(%dma_start3A_65 : memref<80xi32, #tpu.memory_space<vmem>>) semaphore(%arg10 : memref<!tpu.dma_semaphore, #tpu.memory_space<semaphore_mem>>)
    %dma_start3A_69 = arith.constant 640 : i32
    %dma_start3A_70 = arith.constant 0 : i32
    %dma_start3A_71 = tpu.memref_slice %arg8[%dma_start3A_69, %dma_start3A_70] : memref<800x64xf32, #tpu.memory_space<vmem>> -> memref<80x64xf32, #tpu.memory_space<vmem>>
    %dma_start3A_72 = arith.constant 640 : i32
    %dma_start3A_73 = tpu.memref_slice %arg6[%dma_start3A_72] : memref<6400xi32, #tpu.memory_space<vmem>> -> memref<80xi32, #tpu.memory_space<vmem>>
    %dma_start3A_74 = arith.constant 0 : i32
    %dma_start3A_75 = arith.constant 0 : i32
    %dma_start3A_76 = tpu.memref_slice %arg3[%dma_start3A_74, %dma_start3A_75] : memref<1000000x64xf32, #tpu.memory_space<hbm>> -> memref<1000000x64xf32, #tpu.memory_space<hbm>>
    tpu.enqueue_indirect_dma source(%dma_start3A_76 : memref<1000000x64xf32, #tpu.memory_space<hbm>>) target(%dma_start3A_71 : memref<80x64xf32, #tpu.memory_space<vmem>>) offsets(%dma_start3A_73 : memref<80xi32, #tpu.memory_space<vmem>>) semaphore(%arg10 : memref<!tpu.dma_semaphore, #tpu.memory_space<semaphore_mem>>)
    %dma_start3A_77 = arith.constant 720 : i32
    %dma_start3A_78 = arith.constant 0 : i32
    %dma_start3A_79 = tpu.memref_slice %arg8[%dma_start3A_77, %dma_start3A_78] : memref<800x64xf32, #tpu.memory_space<vmem>> -> memref<80x64xf32, #tpu.memory_space<vmem>>
    %dma_start3A_80 = arith.constant 720 : i32
    %dma_start3A_81 = tpu.memref_slice %arg6[%dma_start3A_80] : memref<6400xi32, #tpu.memory_space<vmem>> -> memref<80xi32, #tpu.memory_space<vmem>>
    %dma_start3A_82 = arith.constant 0 : i32
    %dma_start3A_83 = arith.constant 0 : i32
    %dma_start3A_84 = tpu.memref_slice %arg3[%dma_start3A_82, %dma_start3A_83] : memref<1000000x64xf32, #tpu.memory_space<hbm>> -> memref<1000000x64xf32, #tpu.memory_space<hbm>>
    tpu.enqueue_indirect_dma source(%dma_start3A_84 : memref<1000000x64xf32, #tpu.memory_space<hbm>>) target(%dma_start3A_79 : memref<80x64xf32, #tpu.memory_space<vmem>>) offsets(%dma_start3A_81 : memref<80xi32, #tpu.memory_space<vmem>>) semaphore(%arg10 : memref<!tpu.dma_semaphore, #tpu.memory_space<semaphore_mem>>)
    %dma_start3A_85 = arith.constant 0 : i32
    %dma_start3A_86 = arith.constant 0 : i32
    %dma_start3A_87 = tpu.memref_slice %arg9[%dma_start3A_85, %dma_start3A_86] : memref<800x64xf32, #tpu.memory_space<vmem>> -> memref<80x64xf32, #tpu.memory_space<vmem>>
    %dma_start3A_88 = arith.constant 800 : i32
    %dma_start3A_89 = tpu.memref_slice %arg6[%dma_start3A_88] : memref<6400xi32, #tpu.memory_space<vmem>> -> memref<80xi32, #tpu.memory_space<vmem>>
    %dma_start3A_90 = arith.constant 0 : i32
    %dma_start3A_91 = arith.constant 0 : i32
    %dma_start3A_92 = tpu.memref_slice %arg3[%dma_start3A_90, %dma_start3A_91] : memref<1000000x64xf32, #tpu.memory_space<hbm>> -> memref<1000000x64xf32, #tpu.memory_space<hbm>>
    tpu.enqueue_indirect_dma source(%dma_start3A_92 : memref<1000000x64xf32, #tpu.memory_space<hbm>>) target(%dma_start3A_87 : memref<80x64xf32, #tpu.memory_space<vmem>>) offsets(%dma_start3A_89 : memref<80xi32, #tpu.memory_space<vmem>>) semaphore(%arg11 : memref<!tpu.dma_semaphore, #tpu.memory_space<semaphore_mem>>)
    %dma_start3A_93 = arith.constant 80 : i32
    %dma_start3A_94 = arith.constant 0 : i32
    %dma_start3A_95 = tpu.memref_slice %arg9[%dma_start3A_93, %dma_start3A_94] : memref<800x64xf32, #tpu.memory_space<vmem>> -> memref<80x64xf32, #tpu.memory_space<vmem>>
    %dma_start3A_96 = arith.constant 880 : i32
    %dma_start3A_97 = tpu.memref_slice %arg6[%dma_start3A_96] : memref<6400xi32, #tpu.memory_space<vmem>> -> memref<80xi32, #tpu.memory_space<vmem>>
    %dma_start3A_98 = arith.constant 0 : i32
    %dma_start3A_99 = arith.constant 0 : i32
    %dma_start3A_100 = tpu.memref_slice %arg3[%dma_start3A_98, %dma_start3A_99] : memref<1000000x64xf32, #tpu.memory_space<hbm>> -> memref<1000000x64xf32, #tpu.memory_space<hbm>>
    tpu.enqueue_indirect_dma source(%dma_start3A_100 : memref<1000000x64xf32, #tpu.memory_space<hbm>>) target(%dma_start3A_95 : memref<80x64xf32, #tpu.memory_space<vmem>>) offsets(%dma_start3A_97 : memref<80xi32, #tpu.memory_space<vmem>>) semaphore(%arg11 : memref<!tpu.dma_semaphore, #tpu.memory_space<semaphore_mem>>)
    %dma_start3A_101 = arith.constant 160 : i32
    %dma_start3A_102 = arith.constant 0 : i32
    %dma_start3A_103 = tpu.memref_slice %arg9[%dma_start3A_101, %dma_start3A_102] : memref<800x64xf32, #tpu.memory_space<vmem>> -> memref<80x64xf32, #tpu.memory_space<vmem>>
    %dma_start3A_104 = arith.constant 960 : i32
    %dma_start3A_105 = tpu.memref_slice %arg6[%dma_start3A_104] : memref<6400xi32, #tpu.memory_space<vmem>> -> memref<80xi32, #tpu.memory_space<vmem>>
    %dma_start3A_106 = arith.constant 0 : i32
    %dma_start3A_107 = arith.constant 0 : i32
    %dma_start3A_108 = tpu.memref_slice %arg3[%dma_start3A_106, %dma_start3A_107] : memref<1000000x64xf32, #tpu.memory_space<hbm>> -> memref<1000000x64xf32, #tpu.memory_space<hbm>>
    tpu.enqueue_indirect_dma source(%dma_start3A_108 : memref<1000000x64xf32, #tpu.memory_space<hbm>>) target(%dma_start3A_103 : memref<80x64xf32, #tpu.memory_space<vmem>>) offsets(%dma_start3A_105 : memref<80xi32, #tpu.memory_space<vmem>>) semaphore(%arg11 : memref<!tpu.dma_semaphore, #tpu.memory_space<semaphore_mem>>)
    %dma_start3A_109 = arith.constant 240 : i32
    %dma_start3A_110 = arith.constant 0 : i32
    %dma_start3A_111 = tpu.memref_slice %arg9[%dma_start3A_109, %dma_start3A_110] : memref<800x64xf32, #tpu.memory_space<vmem>> -> memref<80x64xf32, #tpu.memory_space<vmem>>
    %dma_start3A_112 = arith.constant 1040 : i32
    %dma_start3A_113 = tpu.memref_slice %arg6[%dma_start3A_112] : memref<6400xi32, #tpu.memory_space<vmem>> -> memref<80xi32, #tpu.memory_space<vmem>>
    %dma_start3A_114 = arith.constant 0 : i32
    %dma_start3A_115 = arith.constant 0 : i32
    %dma_start3A_116 = tpu.memref_slice %arg3[%dma_start3A_114, %dma_start3A_115] : memref<1000000x64xf32, #tpu.memory_space<hbm>> -> memref<1000000x64xf32, #tpu.memory_space<hbm>>
    tpu.enqueue_indirect_dma source(%dma_start3A_116 : memref<1000000x64xf32, #tpu.memory_space<hbm>>) target(%dma_start3A_111 : memref<80x64xf32, #tpu.memory_space<vmem>>) offsets(%dma_start3A_113 : memref<80xi32, #tpu.memory_space<vmem>>) semaphore(%arg11 : memref<!tpu.dma_semaphore, #tpu.memory_space<semaphore_mem>>)
    %dma_start3A_117 = arith.constant 320 : i32
    %dma_start3A_118 = arith.constant 0 : i32
    %dma_start3A_119 = tpu.memref_slice %arg9[%dma_start3A_117, %dma_start3A_118] : memref<800x64xf32, #tpu.memory_space<vmem>> -> memref<80x64xf32, #tpu.memory_space<vmem>>
    %dma_start3A_120 = arith.constant 1120 : i32
    %dma_start3A_121 = tpu.memref_slice %arg6[%dma_start3A_120] : memref<6400xi32, #tpu.memory_space<vmem>> -> memref<80xi32, #tpu.memory_space<vmem>>
    %dma_start3A_122 = arith.constant 0 : i32
    %dma_start3A_123 = arith.constant 0 : i32
    %dma_start3A_124 = tpu.memref_slice %arg3[%dma_start3A_122, %dma_start3A_123] : memref<1000000x64xf32, #tpu.memory_space<hbm>> -> memref<1000000x64xf32, #tpu.memory_space<hbm>>
    tpu.enqueue_indirect_dma source(%dma_start3A_124 : memref<1000000x64xf32, #tpu.memory_space<hbm>>) target(%dma_start3A_119 : memref<80x64xf32, #tpu.memory_space<vmem>>) offsets(%dma_start3A_121 : memref<80xi32, #tpu.memory_space<vmem>>) semaphore(%arg11 : memref<!tpu.dma_semaphore, #tpu.memory_space<semaphore_mem>>)
    %dma_start3A_125 = arith.constant 400 : i32
    %dma_start3A_126 = arith.constant 0 : i32
    %dma_start3A_127 = tpu.memref_slice %arg9[%dma_start3A_125, %dma_start3A_126] : memref<800x64xf32, #tpu.memory_space<vmem>> -> memref<80x64xf32, #tpu.memory_space<vmem>>
    %dma_start3A_128 = arith.constant 1200 : i32
    %dma_start3A_129 = tpu.memref_slice %arg6[%dma_start3A_128] : memref<6400xi32, #tpu.memory_space<vmem>> -> memref<80xi32, #tpu.memory_space<vmem>>
    %dma_start3A_130 = arith.constant 0 : i32
    %dma_start3A_131 = arith.constant 0 : i32
    %dma_start3A_132 = tpu.memref_slice %arg3[%dma_start3A_130, %dma_start3A_131] : memref<1000000x64xf32, #tpu.memory_space<hbm>> -> memref<1000000x64xf32, #tpu.memory_space<hbm>>
    tpu.enqueue_indirect_dma source(%dma_start3A_132 : memref<1000000x64xf32, #tpu.memory_space<hbm>>) target(%dma_start3A_127 : memref<80x64xf32, #tpu.memory_space<vmem>>) offsets(%dma_start3A_129 : memref<80xi32, #tpu.memory_space<vmem>>) semaphore(%arg11 : memref<!tpu.dma_semaphore, #tpu.memory_space<semaphore_mem>>)
    %dma_start3A_133 = arith.constant 480 : i32
    %dma_start3A_134 = arith.constant 0 : i32
    %dma_start3A_135 = tpu.memref_slice %arg9[%dma_start3A_133, %dma_start3A_134] : memref<800x64xf32, #tpu.memory_space<vmem>> -> memref<80x64xf32, #tpu.memory_space<vmem>>
    %dma_start3A_136 = arith.constant 1280 : i32
    %dma_start3A_137 = tpu.memref_slice %arg6[%dma_start3A_136] : memref<6400xi32, #tpu.memory_space<vmem>> -> memref<80xi32, #tpu.memory_space<vmem>>
    %dma_start3A_138 = arith.constant 0 : i32
    %dma_start3A_139 = arith.constant 0 : i32
    %dma_start3A_140 = tpu.memref_slice %arg3[%dma_start3A_138, %dma_start3A_139] : memref<1000000x64xf32, #tpu.memory_space<hbm>> -> memref<1000000x64xf32, #tpu.memory_space<hbm>>
    tpu.enqueue_indirect_dma source(%dma_start3A_140 : memref<1000000x64xf32, #tpu.memory_space<hbm>>) target(%dma_start3A_135 : memref<80x64xf32, #tpu.memory_space<vmem>>) offsets(%dma_start3A_137 : memref<80xi32, #tpu.memory_space<vmem>>) semaphore(%arg11 : memref<!tpu.dma_semaphore, #tpu.memory_space<semaphore_mem>>)
    %dma_start3A_141 = arith.constant 560 : i32
    %dma_start3A_142 = arith.constant 0 : i32
    %dma_start3A_143 = tpu.memref_slice %arg9[%dma_start3A_141, %dma_start3A_142] : memref<800x64xf32, #tpu.memory_space<vmem>> -> memref<80x64xf32, #tpu.memory_space<vmem>>
    %dma_start3A_144 = arith.constant 1360 : i32
    %dma_start3A_145 = tpu.memref_slice %arg6[%dma_start3A_144] : memref<6400xi32, #tpu.memory_space<vmem>> -> memref<80xi32, #tpu.memory_space<vmem>>
    %dma_start3A_146 = arith.constant 0 : i32
    %dma_start3A_147 = arith.constant 0 : i32
    %dma_start3A_148 = tpu.memref_slice %arg3[%dma_start3A_146, %dma_start3A_147] : memref<1000000x64xf32, #tpu.memory_space<hbm>> -> memref<1000000x64xf32, #tpu.memory_space<hbm>>
    tpu.enqueue_indirect_dma source(%dma_start3A_148 : memref<1000000x64xf32, #tpu.memory_space<hbm>>) target(%dma_start3A_143 : memref<80x64xf32, #tpu.memory_space<vmem>>) offsets(%dma_start3A_145 : memref<80xi32, #tpu.memory_space<vmem>>) semaphore(%arg11 : memref<!tpu.dma_semaphore, #tpu.memory_space<semaphore_mem>>)
    %dma_start3A_149 = arith.constant 640 : i32
    %dma_start3A_150 = arith.constant 0 : i32
    %dma_start3A_151 = tpu.memref_slice %arg9[%dma_start3A_149, %dma_start3A_150] : memref<800x64xf32, #tpu.memory_space<vmem>> -> memref<80x64xf32, #tpu.memory_space<vmem>>
    %dma_start3A_152 = arith.constant 1440 : i32
    %dma_start3A_153 = tpu.memref_slice %arg6[%dma_start3A_152] : memref<6400xi32, #tpu.memory_space<vmem>> -> memref<80xi32, #tpu.memory_space<vmem>>
    %dma_start3A_154 = arith.constant 0 : i32
    %dma_start3A_155 = arith.constant 0 : i32
    %dma_start3A_156 = tpu.memref_slice %arg3[%dma_start3A_154, %dma_start3A_155] : memref<1000000x64xf32, #tpu.memory_space<hbm>> -> memref<1000000x64xf32, #tpu.memory_space<hbm>>
    tpu.enqueue_indirect_dma source(%dma_start3A_156 : memref<1000000x64xf32, #tpu.memory_space<hbm>>) target(%dma_start3A_151 : memref<80x64xf32, #tpu.memory_space<vmem>>) offsets(%dma_start3A_153 : memref<80xi32, #tpu.memory_space<vmem>>) semaphore(%arg11 : memref<!tpu.dma_semaphore, #tpu.memory_space<semaphore_mem>>)
    %dma_start3A_157 = arith.constant 720 : i32
    %dma_start3A_158 = arith.constant 0 : i32
    %dma_start3A_159 = tpu.memref_slice %arg9[%dma_start3A_157, %dma_start3A_158] : memref<800x64xf32, #tpu.memory_space<vmem>> -> memref<80x64xf32, #tpu.memory_space<vmem>>
    %dma_start3A_160 = arith.constant 1520 : i32
    %dma_start3A_161 = tpu.memref_slice %arg6[%dma_start3A_160] : memref<6400xi32, #tpu.memory_space<vmem>> -> memref<80xi32, #tpu.memory_space<vmem>>
    %dma_start3A_162 = arith.constant 0 : i32
    %dma_start3A_163 = arith.constant 0 : i32
    %dma_start3A_164 = tpu.memref_slice %arg3[%dma_start3A_162, %dma_start3A_163] : memref<1000000x64xf32, #tpu.memory_space<hbm>> -> memref<1000000x64xf32, #tpu.memory_space<hbm>>
    tpu.enqueue_indirect_dma source(%dma_start3A_164 : memref<1000000x64xf32, #tpu.memory_space<hbm>>) target(%dma_start3A_159 : memref<80x64xf32, #tpu.memory_space<vmem>>) offsets(%dma_start3A_161 : memref<80xi32, #tpu.memory_space<vmem>>) semaphore(%arg11 : memref<!tpu.dma_semaphore, #tpu.memory_space<semaphore_mem>>)
    %dma_wait3A = arith.constant 0 : i32
    %dma_wait3A_165 = arith.constant 0 : i32
    %dma_wait3A_166 = tpu.memref_slice %arg8[%dma_wait3A, %dma_wait3A_165] : memref<800x64xf32, #tpu.memory_space<vmem>> -> memref<80x64xf32, #tpu.memory_space<vmem>>
    %dma_wait3A_167 = arith.constant 0 : i32
    %dma_wait3A_168 = tpu.memref_slice %arg6[%dma_wait3A_167] : memref<6400xi32, #tpu.memory_space<vmem>> -> memref<80xi32, #tpu.memory_space<vmem>>
    %dma_wait3A_169 = arith.constant 0 : i32
    %dma_wait3A_170 = arith.constant 0 : i32
    %dma_wait3A_171 = tpu.memref_slice %arg3[%dma_wait3A_169, %dma_wait3A_170] : memref<1000000x64xf32, #tpu.memory_space<hbm>> -> memref<1000000x64xf32, #tpu.memory_space<hbm>>
    tpu.wait_indirect_dma semaphore(%arg10 : memref<!tpu.dma_semaphore, #tpu.memory_space<semaphore_mem>>) src(%dma_wait3A_171 : memref<1000000x64xf32, #tpu.memory_space<hbm>>) dst(%dma_wait3A_166 : memref<80x64xf32, #tpu.memory_space<vmem>>)
    %dma_wait3A_172 = arith.constant 80 : i32
    %dma_wait3A_173 = arith.constant 0 : i32
    %dma_wait3A_174 = tpu.memref_slice %arg8[%dma_wait3A_172, %dma_wait3A_173] : memref<800x64xf32, #tpu.memory_space<vmem>> -> memref<80x64xf32, #tpu.memory_space<vmem>>
    %dma_wait3A_175 = arith.constant 80 : i32
    %dma_wait3A_176 = tpu.memref_slice %arg6[%dma_wait3A_175] : memref<6400xi32, #tpu.memory_space<vmem>> -> memref<80xi32, #tpu.memory_space<vmem>>
    %dma_wait3A_177 = arith.constant 0 : i32
    %dma_wait3A_178 = arith.constant 0 : i32
    %dma_wait3A_179 = tpu.memref_slice %arg3[%dma_wait3A_177, %dma_wait3A_178] : memref<1000000x64xf32, #tpu.memory_space<hbm>> -> memref<1000000x64xf32, #tpu.memory_space<hbm>>
    tpu.wait_indirect_dma semaphore(%arg10 : memref<!tpu.dma_semaphore, #tpu.memory_space<semaphore_mem>>) src(%dma_wait3A_179 : memref<1000000x64xf32, #tpu.memory_space<hbm>>) dst(%dma_wait3A_174 : memref<80x64xf32, #tpu.memory_space<vmem>>)
    %dma_wait3A_180 = arith.constant 160 : i32
    %dma_wait3A_181 = arith.constant 0 : i32
    %dma_wait3A_182 = tpu.memref_slice %arg8[%dma_wait3A_180, %dma_wait3A_181] : memref<800x64xf32, #tpu.memory_space<vmem>> -> memref<80x64xf32, #tpu.memory_space<vmem>>
    %dma_wait3A_183 = arith.constant 160 : i32
    %dma_wait3A_184 = tpu.memref_slice %arg6[%dma_wait3A_183] : memref<6400xi32, #tpu.memory_space<vmem>> -> memref<80xi32, #tpu.memory_space<vmem>>
    %dma_wait3A_185 = arith.constant 0 : i32
    %dma_wait3A_186 = arith.constant 0 : i32
    %dma_wait3A_187 = tpu.memref_slice %arg3[%dma_wait3A_185, %dma_wait3A_186] : memref<1000000x64xf32, #tpu.memory_space<hbm>> -> memref<1000000x64xf32, #tpu.memory_space<hbm>>
    tpu.wait_indirect_dma semaphore(%arg10 : memref<!tpu.dma_semaphore, #tpu.memory_space<semaphore_mem>>) src(%dma_wait3A_187 : memref<1000000x64xf32, #tpu.memory_space<hbm>>) dst(%dma_wait3A_182 : memref<80x64xf32, #tpu.memory_space<vmem>>)
    %dma_wait3A_188 = arith.constant 240 : i32
    %dma_wait3A_189 = arith.constant 0 : i32
    %dma_wait3A_190 = tpu.memref_slice %arg8[%dma_wait3A_188, %dma_wait3A_189] : memref<800x64xf32, #tpu.memory_space<vmem>> -> memref<80x64xf32, #tpu.memory_space<vmem>>
    %dma_wait3A_191 = arith.constant 240 : i32
    %dma_wait3A_192 = tpu.memref_slice %arg6[%dma_wait3A_191] : memref<6400xi32, #tpu.memory_space<vmem>> -> memref<80xi32, #tpu.memory_space<vmem>>
    %dma_wait3A_193 = arith.constant 0 : i32
    %dma_wait3A_194 = arith.constant 0 : i32
    %dma_wait3A_195 = tpu.memref_slice %arg3[%dma_wait3A_193, %dma_wait3A_194] : memref<1000000x64xf32, #tpu.memory_space<hbm>> -> memref<1000000x64xf32, #tpu.memory_space<hbm>>
    tpu.wait_indirect_dma semaphore(%arg10 : memref<!tpu.dma_semaphore, #tpu.memory_space<semaphore_mem>>) src(%dma_wait3A_195 : memref<1000000x64xf32, #tpu.memory_space<hbm>>) dst(%dma_wait3A_190 : memref<80x64xf32, #tpu.memory_space<vmem>>)
    %dma_wait3A_196 = arith.constant 320 : i32
    %dma_wait3A_197 = arith.constant 0 : i32
    %dma_wait3A_198 = tpu.memref_slice %arg8[%dma_wait3A_196, %dma_wait3A_197] : memref<800x64xf32, #tpu.memory_space<vmem>> -> memref<80x64xf32, #tpu.memory_space<vmem>>
    %dma_wait3A_199 = arith.constant 320 : i32
    %dma_wait3A_200 = tpu.memref_slice %arg6[%dma_wait3A_199] : memref<6400xi32, #tpu.memory_space<vmem>> -> memref<80xi32, #tpu.memory_space<vmem>>
    %dma_wait3A_201 = arith.constant 0 : i32
    %dma_wait3A_202 = arith.constant 0 : i32
    %dma_wait3A_203 = tpu.memref_slice %arg3[%dma_wait3A_201, %dma_wait3A_202] : memref<1000000x64xf32, #tpu.memory_space<hbm>> -> memref<1000000x64xf32, #tpu.memory_space<hbm>>
    tpu.wait_indirect_dma semaphore(%arg10 : memref<!tpu.dma_semaphore, #tpu.memory_space<semaphore_mem>>) src(%dma_wait3A_203 : memref<1000000x64xf32, #tpu.memory_space<hbm>>) dst(%dma_wait3A_198 : memref<80x64xf32, #tpu.memory_space<vmem>>)
    %dma_wait3A_204 = arith.constant 400 : i32
    %dma_wait3A_205 = arith.constant 0 : i32
    %dma_wait3A_206 = tpu.memref_slice %arg8[%dma_wait3A_204, %dma_wait3A_205] : memref<800x64xf32, #tpu.memory_space<vmem>> -> memref<80x64xf32, #tpu.memory_space<vmem>>
    %dma_wait3A_207 = arith.constant 400 : i32
    %dma_wait3A_208 = tpu.memref_slice %arg6[%dma_wait3A_207] : memref<6400xi32, #tpu.memory_space<vmem>> -> memref<80xi32, #tpu.memory_space<vmem>>
    %dma_wait3A_209 = arith.constant 0 : i32
    %dma_wait3A_210 = arith.constant 0 : i32
    %dma_wait3A_211 = tpu.memref_slice %arg3[%dma_wait3A_209, %dma_wait3A_210] : memref<1000000x64xf32, #tpu.memory_space<hbm>> -> memref<1000000x64xf32, #tpu.memory_space<hbm>>
    tpu.wait_indirect_dma semaphore(%arg10 : memref<!tpu.dma_semaphore, #tpu.memory_space<semaphore_mem>>) src(%dma_wait3A_211 : memref<1000000x64xf32, #tpu.memory_space<hbm>>) dst(%dma_wait3A_206 : memref<80x64xf32, #tpu.memory_space<vmem>>)
    %dma_wait3A_212 = arith.constant 480 : i32
    %dma_wait3A_213 = arith.constant 0 : i32
    %dma_wait3A_214 = tpu.memref_slice %arg8[%dma_wait3A_212, %dma_wait3A_213] : memref<800x64xf32, #tpu.memory_space<vmem>> -> memref<80x64xf32, #tpu.memory_space<vmem>>
    %dma_wait3A_215 = arith.constant 480 : i32
    %dma_wait3A_216 = tpu.memref_slice %arg6[%dma_wait3A_215] : memref<6400xi32, #tpu.memory_space<vmem>> -> memref<80xi32, #tpu.memory_space<vmem>>
    %dma_wait3A_217 = arith.constant 0 : i32
    %dma_wait3A_218 = arith.constant 0 : i32
    %dma_wait3A_219 = tpu.memref_slice %arg3[%dma_wait3A_217, %dma_wait3A_218] : memref<1000000x64xf32, #tpu.memory_space<hbm>> -> memref<1000000x64xf32, #tpu.memory_space<hbm>>
    tpu.wait_indirect_dma semaphore(%arg10 : memref<!tpu.dma_semaphore, #tpu.memory_space<semaphore_mem>>) src(%dma_wait3A_219 : memref<1000000x64xf32, #tpu.memory_space<hbm>>) dst(%dma_wait3A_214 : memref<80x64xf32, #tpu.memory_space<vmem>>)
    %dma_wait3A_220 = arith.constant 560 : i32
    %dma_wait3A_221 = arith.constant 0 : i32
    %dma_wait3A_222 = tpu.memref_slice %arg8[%dma_wait3A_220, %dma_wait3A_221] : memref<800x64xf32, #tpu.memory_space<vmem>> -> memref<80x64xf32, #tpu.memory_space<vmem>>
    %dma_wait3A_223 = arith.constant 560 : i32
    %dma_wait3A_224 = tpu.memref_slice %arg6[%dma_wait3A_223] : memref<6400xi32, #tpu.memory_space<vmem>> -> memref<80xi32, #tpu.memory_space<vmem>>
    %dma_wait3A_225 = arith.constant 0 : i32
    %dma_wait3A_226 = arith.constant 0 : i32
    %dma_wait3A_227 = tpu.memref_slice %arg3[%dma_wait3A_225, %dma_wait3A_226] : memref<1000000x64xf32, #tpu.memory_space<hbm>> -> memref<1000000x64xf32, #tpu.memory_space<hbm>>
    tpu.wait_indirect_dma semaphore(%arg10 : memref<!tpu.dma_semaphore, #tpu.memory_space<semaphore_mem>>) src(%dma_wait3A_227 : memref<1000000x64xf32, #tpu.memory_space<hbm>>) dst(%dma_wait3A_222 : memref<80x64xf32, #tpu.memory_space<vmem>>)
    %dma_wait3A_228 = arith.constant 640 : i32
    %dma_wait3A_229 = arith.constant 0 : i32
    %dma_wait3A_230 = tpu.memref_slice %arg8[%dma_wait3A_228, %dma_wait3A_229] : memref<800x64xf32, #tpu.memory_space<vmem>> -> memref<80x64xf32, #tpu.memory_space<vmem>>
    %dma_wait3A_231 = arith.constant 640 : i32
    %dma_wait3A_232 = tpu.memref_slice %arg6[%dma_wait3A_231] : memref<6400xi32, #tpu.memory_space<vmem>> -> memref<80xi32, #tpu.memory_space<vmem>>
    %dma_wait3A_233 = arith.constant 0 : i32
    %dma_wait3A_234 = arith.constant 0 : i32
    %dma_wait3A_235 = tpu.memref_slice %arg3[%dma_wait3A_233, %dma_wait3A_234] : memref<1000000x64xf32, #tpu.memory_space<hbm>> -> memref<1000000x64xf32, #tpu.memory_space<hbm>>
    tpu.wait_indirect_dma semaphore(%arg10 : memref<!tpu.dma_semaphore, #tpu.memory_space<semaphore_mem>>) src(%dma_wait3A_235 : memref<1000000x64xf32, #tpu.memory_space<hbm>>) dst(%dma_wait3A_230 : memref<80x64xf32, #tpu.memory_space<vmem>>)
    %dma_wait3A_236 = arith.constant 720 : i32
    %dma_wait3A_237 = arith.constant 0 : i32
    %dma_wait3A_238 = tpu.memref_slice %arg8[%dma_wait3A_236, %dma_wait3A_237] : memref<800x64xf32, #tpu.memory_space<vmem>> -> memref<80x64xf32, #tpu.memory_space<vmem>>
    %dma_wait3A_239 = arith.constant 720 : i32
    %dma_wait3A_240 = tpu.memref_slice %arg6[%dma_wait3A_239] : memref<6400xi32, #tpu.memory_space<vmem>> -> memref<80xi32, #tpu.memory_space<vmem>>
    %dma_wait3A_241 = arith.constant 0 : i32
    %dma_wait3A_242 = arith.constant 0 : i32
    %dma_wait3A_243 = tpu.memref_slice %arg3[%dma_wait3A_241, %dma_wait3A_242] : memref<1000000x64xf32, #tpu.memory_space<hbm>> -> memref<1000000x64xf32, #tpu.memory_space<hbm>>
    tpu.wait_indirect_dma semaphore(%arg10 : memref<!tpu.dma_semaphore, #tpu.memory_space<semaphore_mem>>) src(%dma_wait3A_243 : memref<1000000x64xf32, #tpu.memory_space<hbm>>) dst(%dma_wait3A_238 : memref<80x64xf32, #tpu.memory_space<vmem>>)
    %scan3A = arith.constant 0 : i32
    %scan3A_244 = arith.constant 200 : i32
    %scan3A_245 = arith.addi %scan3A, %scan3A_244 : i32
    %scan3A_246 = arith.constant 1 : i32
    scf.for %scan3A_2299 = %scan3A to %scan3A_245 step %scan3A_246  : i32 {
      %get3A = arith.index_cast %scan3A_2299 : i32 to index
      %get3A_2300 = arith.constant 0 : index
      %get3A_2301 = tpu.vector_load %arg7[%get3A, %get3A_2300] {strides = array<i32>} : memref<200x64xf32, #tpu.memory_space<vmem>>, vector<1x16xf32>,
      %get3A_2302 = vector.shape_cast %get3A_2301 : vector<1x16xf32> to vector<16xf32>
      %get3A_2303 = arith.index_cast %scan3A_2299 : i32 to index
      %get3A_2304 = arith.constant 16 : index
      %get3A_2305 = tpu.vector_load %arg7[%get3A_2303, %get3A_2304] {strides = array<i32>} : memref<200x64xf32, #tpu.memory_space<vmem>>, vector<1x16xf32>,
      %get3A_2306 = vector.shape_cast %get3A_2305 : vector<1x16xf32> to vector<16xf32>
      %get3A_2307 = arith.index_cast %scan3A_2299 : i32 to index
      %get3A_2308 = arith.constant 32 : index
      %get3A_2309 = tpu.vector_load %arg7[%get3A_2307, %get3A_2308] {strides = array<i32>} : memref<200x64xf32, #tpu.memory_space<vmem>>, vector<1x16xf32>,
      %get3A_2310 = vector.shape_cast %get3A_2309 : vector<1x16xf32> to vector<16xf32>
      %get3A_2311 = arith.index_cast %scan3A_2299 : i32 to index
      %get3A_2312 = arith.constant 48 : index
      %get3A_2313 = tpu.vector_load %arg7[%get3A_2311, %get3A_2312] {strides = array<i32>} : memref<200x64xf32, #tpu.memory_space<vmem>>, vector<1x16xf32>,
      %get3A_2314 = vector.shape_cast %get3A_2313 : vector<1x16xf32> to vector<16xf32>
      %add3A_2315 = arith.constant 0 : i32
      %add3A_2316 = arith.addi %add3A_2315, %scan3A_2299 : i32
      %swap3A = arith.index_cast %add3A_2316 : i32 to index
      %swap3A_2317 = arith.constant 0 : index
      %swap3A_2318 = tpu.vector_load %arg8[%swap3A, %swap3A_2317] {strides = array<i32>} : memref<800x64xf32, #tpu.memory_space<vmem>>, vector<1x16xf32>,
      %swap3A_2319 = vector.shape_cast %swap3A_2318 : vector<1x16xf32> to vector<16xf32>
      %swap3A_2320 = vector.shape_cast %get3A_2302 : vector<16xf32> to vector<1x16xf32>
      tpu.vector_store %arg8[%swap3A, %swap3A_2317], %swap3A_2320 {add = true, strides = array<i32>} : memref<800x64xf32, #tpu.memory_space<vmem>>, vector<1x16xf32>,
      %swap3A_2321 = arith.index_cast %add3A_2316 : i32 to index
      %swap3A_2322 = arith.constant 16 : index
      %swap3A_2323 = tpu.vector_load %arg8[%swap3A_2321, %swap3A_2322] {strides = array<i32>} : memref<800x64xf32, #tpu.memory_space<vmem>>, vector<1x16xf32>,
      %swap3A_2324 = vector.shape_cast %swap3A_2323 : vector<1x16xf32> to vector<16xf32>
      %swap3A_2325 = vector.shape_cast %get3A_2306 : vector<16xf32> to vector<1x16xf32>
      tpu.vector_store %arg8[%swap3A_2321, %swap3A_2322], %swap3A_2325 {add = true, strides = array<i32>} : memref<800x64xf32, #tpu.memory_space<vmem>>, vector<1x16xf32>,
      %swap3A_2326 = arith.index_cast %add3A_2316 : i32 to index
      %swap3A_2327 = arith.constant 32 : index
      %swap3A_2328 = tpu.vector_load %arg8[%swap3A_2326, %swap3A_2327] {strides = array<i32>} : memref<800x64xf32, #tpu.memory_space<vmem>>, vector<1x16xf32>,
      %swap3A_2329 = vector.shape_cast %swap3A_2328 : vector<1x16xf32> to vector<16xf32>
      %swap3A_2330 = vector.shape_cast %get3A_2310 : vector<16xf32> to vector<1x16xf32>
      tpu.vector_store %arg8[%swap3A_2326, %swap3A_2327], %swap3A_2330 {add = true, strides = array<i32>} : memref<800x64xf32, #tpu.memory_space<vmem>>, vector<1x16xf32>,
      %swap3A_2331 = arith.index_cast %add3A_2316 : i32 to index
      %swap3A_2332 = arith.constant 48 : index
      %swap3A_2333 = tpu.vector_load %arg8[%swap3A_2331, %swap3A_2332] {strides = array<i32>} : memref<800x64xf32, #tpu.memory_space<vmem>>, vector<1x16xf32>,
      %swap3A_2334 = vector.shape_cast %swap3A_2333 : vector<1x16xf32> to vector<16xf32>
      %swap3A_2335 = vector.shape_cast %get3A_2314 : vector<16xf32> to vector<1x16xf32>
      tpu.vector_store %arg8[%swap3A_2331, %swap3A_2332], %swap3A_2335 {add = true, strides = array<i32>} : memref<800x64xf32, #tpu.memory_space<vmem>>, vector<1x16xf32>,
      %add3A_2336 = arith.constant 200 : i32
      %add3A_2337 = arith.addi %add3A_2336, %scan3A_2299 : i32
      %swap3A_2338 = arith.index_cast %add3A_2337 : i32 to index
      %swap3A_2339 = arith.constant 0 : index
      %swap3A_2340 = tpu.vector_load %arg8[%swap3A_2338, %swap3A_2339] {strides = array<i32>} : memref<800x64xf32, #tpu.memory_space<vmem>>, vector<1x16xf32>,
      %swap3A_2341 = vector.shape_cast %swap3A_2340 : vector<1x16xf32> to vector<16xf32>
      %swap3A_2342 = vector.shape_cast %get3A_2302 : vector<16xf32> to vector<1x16xf32>
      tpu.vector_store %arg8[%swap3A_2338, %swap3A_2339], %swap3A_2342 {add = true, strides = array<i32>} : memref<800x64xf32, #tpu.memory_space<vmem>>, vector<1x16xf32>,
      %swap3A_2343 = arith.index_cast %add3A_2337 : i32 to index
      %swap3A_2344 = arith.constant 16 : index
      %swap3A_2345 = tpu.vector_load %arg8[%swap3A_2343, %swap3A_2344] {strides = array<i32>} : memref<800x64xf32, #tpu.memory_space<vmem>>, vector<1x16xf32>,
      %swap3A_2346 = vector.shape_cast %swap3A_2345 : vector<1x16xf32> to vector<16xf32>
      %swap3A_2347 = vector.shape_cast %get3A_2306 : vector<16xf32> to vector<1x16xf32>
      tpu.vector_store %arg8[%swap3A_2343, %swap3A_2344], %swap3A_2347 {add = true, strides = array<i32>} : memref<800x64xf32, #tpu.memory_space<vmem>>, vector<1x16xf32>,
      %swap3A_2348 = arith.index_cast %add3A_2337 : i32 to index
      %swap3A_2349 = arith.constant 32 : index
      %swap3A_2350 = tpu.vector_load %arg8[%swap3A_2348, %swap3A_2349] {strides = array<i32>} : memref<800x64xf32, #tpu.memory_space<vmem>>, vector<1x16xf32>,
      %swap3A_2351 = vector.shape_cast %swap3A_2350 : vector<1x16xf32> to vector<16xf32>
      %swap3A_2352 = vector.shape_cast %get3A_2310 : vector<16xf32> to vector<1x16xf32>
      tpu.vector_store %arg8[%swap3A_2348, %swap3A_2349], %swap3A_2352 {add = true, strides = array<i32>} : memref<800x64xf32, #tpu.memory_space<vmem>>, vector<1x16xf32>,
      %swap3A_2353 = arith.index_cast %add3A_2337 : i32 to index
      %swap3A_2354 = arith.constant 48 : index
      %swap3A_2355 = tpu.vector_load %arg8[%swap3A_2353, %swap3A_2354] {strides = array<i32>} : memref<800x64xf32, #tpu.memory_space<vmem>>, vector<1x16xf32>,
      %swap3A_2356 = vector.shape_cast %swap3A_2355 : vector<1x16xf32> to vector<16xf32>
      %swap3A_2357 = vector.shape_cast %get3A_2314 : vector<16xf32> to vector<1x16xf32>
      tpu.vector_store %arg8[%swap3A_2353, %swap3A_2354], %swap3A_2357 {add = true, strides = array<i32>} : memref<800x64xf32, #tpu.memory_space<vmem>>, vector<1x16xf32>,
      %add3A_2358 = arith.constant 400 : i32
      %add3A_2359 = arith.addi %add3A_2358, %scan3A_2299 : i32
      %swap3A_2360 = arith.index_cast %add3A_2359 : i32 to index
      %swap3A_2361 = arith.constant 0 : index
      %swap3A_2362 = tpu.vector_load %arg8[%swap3A_2360, %swap3A_2361] {strides = array<i32>} : memref<800x64xf32, #tpu.memory_space<vmem>>, vector<1x16xf32>,
      %swap3A_2363 = vector.shape_cast %swap3A_2362 : vector<1x16xf32> to vector<16xf32>
      %swap3A_2364 = vector.shape_cast %get3A_2302 : vector<16xf32> to vector<1x16xf32>
      tpu.vector_store %arg8[%swap3A_2360, %swap3A_2361], %swap3A_2364 {add = true, strides = array<i32>} : memref<800x64xf32, #tpu.memory_space<vmem>>, vector<1x16xf32>,
      %swap3A_2365 = arith.index_cast %add3A_2359 : i32 to index
      %swap3A_2366 = arith.constant 16 : index
      %swap3A_2367 = tpu.vector_load %arg8[%swap3A_2365, %swap3A_2366] {strides = array<i32>} : memref<800x64xf32, #tpu.memory_space<vmem>>, vector<1x16xf32>,
      %swap3A_2368 = vector.shape_cast %swap3A_2367 : vector<1x16xf32> to vector<16xf32>
      %swap3A_2369 = vector.shape_cast %get3A_2306 : vector<16xf32> to vector<1x16xf32>
      tpu.vector_store %arg8[%swap3A_2365, %swap3A_2366], %swap3A_2369 {add = true, strides = array<i32>} : memref<800x64xf32, #tpu.memory_space<vmem>>, vector<1x16xf32>,
      %swap3A_2370 = arith.index_cast %add3A_2359 : i32 to index
      %swap3A_2371 = arith.constant 32 : index
      %swap3A_2372 = tpu.vector_load %arg8[%swap3A_2370, %swap3A_2371] {strides = array<i32>} : memref<800x64xf32, #tpu.memory_space<vmem>>, vector<1x16xf32>,
      %swap3A_2373 = vector.shape_cast %swap3A_2372 : vector<1x16xf32> to vector<16xf32>
      %swap3A_2374 = vector.shape_cast %get3A_2310 : vector<16xf32> to vector<1x16xf32>
      tpu.vector_store %arg8[%swap3A_2370, %swap3A_2371], %swap3A_2374 {add = true, strides = array<i32>} : memref<800x64xf32, #tpu.memory_space<vmem>>, vector<1x16xf32>,
      %swap3A_2375 = arith.index_cast %add3A_2359 : i32 to index
      %swap3A_2376 = arith.constant 48 : index
      %swap3A_2377 = tpu.vector_load %arg8[%swap3A_2375, %swap3A_2376] {strides = array<i32>} : memref<800x64xf32, #tpu.memory_space<vmem>>, vector<1x16xf32>,
      %swap3A_2378 = vector.shape_cast %swap3A_2377 : vector<1x16xf32> to vector<16xf32>
      %swap3A_2379 = vector.shape_cast %get3A_2314 : vector<16xf32> to vector<1x16xf32>
      tpu.vector_store %arg8[%swap3A_2375, %swap3A_2376], %swap3A_2379 {add = true, strides = array<i32>} : memref<800x64xf32, #tpu.memory_space<vmem>>, vector<1x16xf32>,
      %add3A_2380 = arith.constant 600 : i32
      %add3A_2381 = arith.addi %add3A_2380, %scan3A_2299 : i32
      %swap3A_2382 = arith.index_cast %add3A_2381 : i32 to index
      %swap3A_2383 = arith.constant 0 : index
      %swap3A_2384 = tpu.vector_load %arg8[%swap3A_2382, %swap3A_2383] {strides = array<i32>} : memref<800x64xf32, #tpu.memory_space<vmem>>, vector<1x16xf32>,
      %swap3A_2385 = vector.shape_cast %swap3A_2384 : vector<1x16xf32> to vector<16xf32>
      %swap3A_2386 = vector.shape_cast %get3A_2302 : vector<16xf32> to vector<1x16xf32>
      tpu.vector_store %arg8[%swap3A_2382, %swap3A_2383], %swap3A_2386 {add = true, strides = array<i32>} : memref<800x64xf32, #tpu.memory_space<vmem>>, vector<1x16xf32>,
      %swap3A_2387 = arith.index_cast %add3A_2381 : i32 to index
      %swap3A_2388 = arith.constant 16 : index
      %swap3A_2389 = tpu.vector_load %arg8[%swap3A_2387, %swap3A_2388] {strides = array<i32>} : memref<800x64xf32, #tpu.memory_space<vmem>>, vector<1x16xf32>,
      %swap3A_2390 = vector.shape_cast %swap3A_2389 : vector<1x16xf32> to vector<16xf32>
      %swap3A_2391 = vector.shape_cast %get3A_2306 : vector<16xf32> to vector<1x16xf32>
      tpu.vector_store %arg8[%swap3A_2387, %swap3A_2388], %swap3A_2391 {add = true, strides = array<i32>} : memref<800x64xf32, #tpu.memory_space<vmem>>, vector<1x16xf32>,
      %swap3A_2392 = arith.index_cast %add3A_2381 : i32 to index
      %swap3A_2393 = arith.constant 32 : index
      %swap3A_2394 = tpu.vector_load %arg8[%swap3A_2392, %swap3A_2393] {strides = array<i32>} : memref<800x64xf32, #tpu.memory_space<vmem>>, vector<1x16xf32>,
      %swap3A_2395 = vector.shape_cast %swap3A_2394 : vector<1x16xf32> to vector<16xf32>
      %swap3A_2396 = vector.shape_cast %get3A_2310 : vector<16xf32> to vector<1x16xf32>
      tpu.vector_store %arg8[%swap3A_2392, %swap3A_2393], %swap3A_2396 {add = true, strides = array<i32>} : memref<800x64xf32, #tpu.memory_space<vmem>>, vector<1x16xf32>,
      %swap3A_2397 = arith.index_cast %add3A_2381 : i32 to index
      %swap3A_2398 = arith.constant 48 : index
      %swap3A_2399 = tpu.vector_load %arg8[%swap3A_2397, %swap3A_2398] {strides = array<i32>} : memref<800x64xf32, #tpu.memory_space<vmem>>, vector<1x16xf32>,
      %swap3A_2400 = vector.shape_cast %swap3A_2399 : vector<1x16xf32> to vector<16xf32>
      %swap3A_2401 = vector.shape_cast %get3A_2314 : vector<16xf32> to vector<1x16xf32>
      tpu.vector_store %arg8[%swap3A_2397, %swap3A_2398], %swap3A_2401 {add = true, strides = array<i32>} : memref<800x64xf32, #tpu.memory_space<vmem>>, vector<1x16xf32>,
    }
    %scan3A_247 = arith.constant 200 : i32
    %add3A_248 = arith.constant 0 : i32
    %add3A_249 = arith.addi %multiple_of3A_5, %add3A_248 : i32
    %add3A_250 = arith.constant 0 : i32
    %add3A_251 = arith.addi %add3A_249, %add3A_250 : i32
    %dma_start3A_252 = arith.constant 0 : i32
    %dma_start3A_253 = arith.constant 0 : i32
    %dma_start3A_254 = tpu.memref_slice %arg8[%dma_start3A_252, %dma_start3A_253] : memref<800x64xf32, #tpu.memory_space<vmem>> -> memref<200x64xf32, #tpu.memory_space<vmem>>
    %dma_start3A_255 = arith.constant 0 : i32
    %dma_start3A_256 = arith.constant 0 : i32
    %dma_start3A_257 = tpu.memref_slice %arg5[%add3A_251, %dma_start3A_255, %dma_start3A_256] : memref<1024x200x64xf32, #tpu.memory_space<hbm>> -> memref<1x200x64xf32, #tpu.memory_space<hbm>>
    %dma_start3A_258 = tpu.memref_squeeze %dma_start3A_257 : memref<1x200x64xf32, #tpu.memory_space<hbm>> -> memref<200x64xf32, #tpu.memory_space<hbm>>
    %dma_start3A_259 = arith.constant 0 : i32
    %dma_start3A_260 = arith.constant 0 : i32
    %dma_start3A_261 = tpu.memref_slice %arg5[%add3A_251, %dma_start3A_259, %dma_start3A_260] : memref<1024x200x64xf32, #tpu.memory_space<hbm>> -> memref<1x200x64xf32, #tpu.memory_space<hbm>>
    %dma_start3A_262 = tpu.memref_squeeze %dma_start3A_261 : memref<1x200x64xf32, #tpu.memory_space<hbm>> -> memref<200x64xf32, #tpu.memory_space<hbm>>
    %dma_start3A_263 = arith.constant 0 : i32
    %dma_start3A_264 = arith.constant 0 : i32
    %dma_start3A_265 = tpu.memref_slice %arg8[%dma_start3A_263, %dma_start3A_264] : memref<800x64xf32, #tpu.memory_space<vmem>> -> memref<200x64xf32, #tpu.memory_space<vmem>>
    tpu.enqueue_dma source(%dma_start3A_265 : memref<200x64xf32, #tpu.memory_space<vmem>>) target(%dma_start3A_262 : memref<200x64xf32, #tpu.memory_space<hbm>>) target_semaphore(%arg12 : memref<!tpu.dma_semaphore, #tpu.memory_space<semaphore_mem>>)
    %add3A_266 = arith.constant 1 : i32
    %add3A_267 = arith.addi %add3A_249, %add3A_266 : i32
    %dma_start3A_268 = arith.constant 200 : i32
    %dma_start3A_269 = arith.constant 0 : i32
    %dma_start3A_270 = tpu.memref_slice %arg8[%dma_start3A_268, %dma_start3A_269] : memref<800x64xf32, #tpu.memory_space<vmem>> -> memref<200x64xf32, #tpu.memory_space<vmem>>
    %dma_start3A_271 = arith.constant 0 : i32
    %dma_start3A_272 = arith.constant 0 : i32
    %dma_start3A_273 = tpu.memref_slice %arg5[%add3A_267, %dma_start3A_271, %dma_start3A_272] : memref<1024x200x64xf32, #tpu.memory_space<hbm>> -> memref<1x200x64xf32, #tpu.memory_space<hbm>>
    %dma_start3A_274 = tpu.memref_squeeze %dma_start3A_273 : memref<1x200x64xf32, #tpu.memory_space<hbm>> -> memref<200x64xf32, #tpu.memory_space<hbm>>
    %dma_start3A_275 = arith.constant 0 : i32
    %dma_start3A_276 = arith.constant 0 : i32
    %dma_start3A_277 = tpu.memref_slice %arg5[%add3A_267, %dma_start3A_275, %dma_start3A_276] : memref<1024x200x64xf32, #tpu.memory_space<hbm>> -> memref<1x200x64xf32, #tpu.memory_space<hbm>>
    %dma_start3A_278 = tpu.memref_squeeze %dma_start3A_277 : memref<1x200x64xf32, #tpu.memory_space<hbm>> -> memref<200x64xf32, #tpu.memory_space<hbm>>
    %dma_start3A_279 = arith.constant 200 : i32
    %dma_start3A_280 = arith.constant 0 : i32
    %dma_start3A_281 = tpu.memref_slice %arg8[%dma_start3A_279, %dma_start3A_280] : memref<800x64xf32, #tpu.memory_space<vmem>> -> memref<200x64xf32, #tpu.memory_space<vmem>>
    tpu.enqueue_dma source(%dma_start3A_281 : memref<200x64xf32, #tpu.memory_space<vmem>>) target(%dma_start3A_278 : memref<200x64xf32, #tpu.memory_space<hbm>>) target_semaphore(%arg12 : memref<!tpu.dma_semaphore, #tpu.memory_space<semaphore_mem>>)
    %add3A_282 = arith.constant 2 : i32
    %add3A_283 = arith.addi %add3A_249, %add3A_282 : i32
    %dma_start3A_284 = arith.constant 400 : i32
    %dma_start3A_285 = arith.constant 0 : i32
    %dma_start3A_286 = tpu.memref_slice %arg8[%dma_start3A_284, %dma_start3A_285] : memref<800x64xf32, #tpu.memory_space<vmem>> -> memref<200x64xf32, #tpu.memory_space<vmem>>
    %dma_start3A_287 = arith.constant 0 : i32
    %dma_start3A_288 = arith.constant 0 : i32
    %dma_start3A_289 = tpu.memref_slice %arg5[%add3A_283, %dma_start3A_287, %dma_start3A_288] : memref<1024x200x64xf32, #tpu.memory_space<hbm>> -> memref<1x200x64xf32, #tpu.memory_space<hbm>>
    %dma_start3A_290 = tpu.memref_squeeze %dma_start3A_289 : memref<1x200x64xf32, #tpu.memory_space<hbm>> -> memref<200x64xf32, #tpu.memory_space<hbm>>
    %dma_start3A_291 = arith.constant 0 : i32
    %dma_start3A_292 = arith.constant 0 : i32
    %dma_start3A_293 = tpu.memref_slice %arg5[%add3A_283, %dma_start3A_291, %dma_start3A_292] : memref<1024x200x64xf32, #tpu.memory_space<hbm>> -> memref<1x200x64xf32, #tpu.memory_space<hbm>>
    %dma_start3A_294 = tpu.memref_squeeze %dma_start3A_293 : memref<1x200x64xf32, #tpu.memory_space<hbm>> -> memref<200x64xf32, #tpu.memory_space<hbm>>
    %dma_start3A_295 = arith.constant 400 : i32
    %dma_start3A_296 = arith.constant 0 : i32
    %dma_start3A_297 = tpu.memref_slice %arg8[%dma_start3A_295, %dma_start3A_296] : memref<800x64xf32, #tpu.memory_space<vmem>> -> memref<200x64xf32, #tpu.memory_space<vmem>>
    tpu.enqueue_dma source(%dma_start3A_297 : memref<200x64xf32, #tpu.memory_space<vmem>>) target(%dma_start3A_294 : memref<200x64xf32, #tpu.memory_space<hbm>>) target_semaphore(%arg12 : memref<!tpu.dma_semaphore, #tpu.memory_space<semaphore_mem>>)
    %add3A_298 = arith.constant 3 : i32
    %add3A_299 = arith.addi %add3A_249, %add3A_298 : i32
    %dma_start3A_300 = arith.constant 600 : i32
    %dma_start3A_301 = arith.constant 0 : i32
    %dma_start3A_302 = tpu.memref_slice %arg8[%dma_start3A_300, %dma_start3A_301] : memref<800x64xf32, #tpu.memory_space<vmem>> -> memref<200x64xf32, #tpu.memory_space<vmem>>
    %dma_start3A_303 = arith.constant 0 : i32
    %dma_start3A_304 = arith.constant 0 : i32
    %dma_start3A_305 = tpu.memref_slice %arg5[%add3A_299, %dma_start3A_303, %dma_start3A_304] : memref<1024x200x64xf32, #tpu.memory_space<hbm>> -> memref<1x200x64xf32, #tpu.memory_space<hbm>>
    %dma_start3A_306 = tpu.memref_squeeze %dma_start3A_305 : memref<1x200x64xf32, #tpu.memory_space<hbm>> -> memref<200x64xf32, #tpu.memory_space<hbm>>
    %dma_start3A_307 = arith.constant 0 : i32
    %dma_start3A_308 = arith.constant 0 : i32
    %dma_start3A_309 = tpu.memref_slice %arg5[%add3A_299, %dma_start3A_307, %dma_start3A_308] : memref<1024x200x64xf32, #tpu.memory_space<hbm>> -> memref<1x200x64xf32, #tpu.memory_space<hbm>>
    %dma_start3A_310 = tpu.memref_squeeze %dma_start3A_309 : memref<1x200x64xf32, #tpu.memory_space<hbm>> -> memref<200x64xf32, #tpu.memory_space<hbm>>
    %dma_start3A_311 = arith.constant 600 : i32
    %dma_start3A_312 = arith.constant 0 : i32
    %dma_start3A_313 = tpu.memref_slice %arg8[%dma_start3A_311, %dma_start3A_312] : memref<800x64xf32, #tpu.memory_space<vmem>> -> memref<200x64xf32, #tpu.memory_space<vmem>>
    tpu.enqueue_dma source(%dma_start3A_313 : memref<200x64xf32, #tpu.memory_space<vmem>>) target(%dma_start3A_310 : memref<200x64xf32, #tpu.memory_space<hbm>>) target_semaphore(%arg12 : memref<!tpu.dma_semaphore, #tpu.memory_space<semaphore_mem>>)
    %dma_wait3A_314 = arith.constant 0 : i32
    %dma_wait3A_315 = arith.constant 0 : i32
    %dma_wait3A_316 = tpu.memref_slice %arg8[%dma_wait3A_314, %dma_wait3A_315] : memref<800x64xf32, #tpu.memory_space<vmem>> -> memref<200x64xf32, #tpu.memory_space<vmem>>
    %dma_wait3A_317 = arith.constant 0 : i32
    %dma_wait3A_318 = arith.constant 0 : i32
    %dma_wait3A_319 = tpu.memref_slice %arg5[%add3A_251, %dma_wait3A_317, %dma_wait3A_318] : memref<1024x200x64xf32, #tpu.memory_space<hbm>> -> memref<1x200x64xf32, #tpu.memory_space<hbm>>
    %dma_wait3A_320 = tpu.memref_squeeze %dma_wait3A_319 : memref<1x200x64xf32, #tpu.memory_space<hbm>> -> memref<200x64xf32, #tpu.memory_space<hbm>>
    %dma_wait3A_321 = arith.constant 0 : i32
    %dma_wait3A_322 = arith.constant 0 : i32
    %dma_wait3A_323 = tpu.memref_slice %arg5[%add3A_251, %dma_wait3A_321, %dma_wait3A_322] : memref<1024x200x64xf32, #tpu.memory_space<hbm>> -> memref<1x200x64xf32, #tpu.memory_space<hbm>>
    %dma_wait3A_324 = tpu.memref_squeeze %dma_wait3A_323 : memref<1x200x64xf32, #tpu.memory_space<hbm>> -> memref<200x64xf32, #tpu.memory_space<hbm>>
    %dma_wait3A_325 = arith.constant 0 : i32
    %dma_wait3A_326 = arith.constant 0 : i32
    %dma_wait3A_327 = tpu.memref_slice %arg8[%dma_wait3A_325, %dma_wait3A_326] : memref<800x64xf32, #tpu.memory_space<vmem>> -> memref<200x64xf32, #tpu.memory_space<vmem>>
    tpu.wait_dma2 semaphore(%arg12 : memref<!tpu.dma_semaphore, #tpu.memory_space<semaphore_mem>>) src(%dma_wait3A_327 : memref<200x64xf32, #tpu.memory_space<vmem>>) dst(%dma_wait3A_324 : memref<200x64xf32, #tpu.memory_space<hbm>>)
    %dma_wait3A_328 = arith.constant 200 : i32
    %dma_wait3A_329 = arith.constant 0 : i32
    %dma_wait3A_330 = tpu.memref_slice %arg8[%dma_wait3A_328, %dma_wait3A_329] : memref<800x64xf32, #tpu.memory_space<vmem>> -> memref<200x64xf32, #tpu.memory_space<vmem>>
    %dma_wait3A_331 = arith.constant 0 : i32
    %dma_wait3A_332 = arith.constant 0 : i32
    %dma_wait3A_333 = tpu.memref_slice %arg5[%add3A_267, %dma_wait3A_331, %dma_wait3A_332] : memref<1024x200x64xf32, #tpu.memory_space<hbm>> -> memref<1x200x64xf32, #tpu.memory_space<hbm>>
    %dma_wait3A_334 = tpu.memref_squeeze %dma_wait3A_333 : memref<1x200x64xf32, #tpu.memory_space<hbm>> -> memref<200x64xf32, #tpu.memory_space<hbm>>
    %dma_wait3A_335 = arith.constant 0 : i32
    %dma_wait3A_336 = arith.constant 0 : i32
    %dma_wait3A_337 = tpu.memref_slice %arg5[%add3A_267, %dma_wait3A_335, %dma_wait3A_336] : memref<1024x200x64xf32, #tpu.memory_space<hbm>> -> memref<1x200x64xf32, #tpu.memory_space<hbm>>
    %dma_wait3A_338 = tpu.memref_squeeze %dma_wait3A_337 : memref<1x200x64xf32, #tpu.memory_space<hbm>> -> memref<200x64xf32, #tpu.memory_space<hbm>>
    %dma_wait3A_339 = arith.constant 200 : i32
    %dma_wait3A_340 = arith.constant 0 : i32
    %dma_wait3A_341 = tpu.memref_slice %arg8[%dma_wait3A_339, %dma_wait3A_340] : memref<800x64xf32, #tpu.memory_space<vmem>> -> memref<200x64xf32, #tpu.memory_space<vmem>>
    tpu.wait_dma2 semaphore(%arg12 : memref<!tpu.dma_semaphore, #tpu.memory_space<semaphore_mem>>) src(%dma_wait3A_341 : memref<200x64xf32, #tpu.memory_space<vmem>>) dst(%dma_wait3A_338 : memref<200x64xf32, #tpu.memory_space<hbm>>)
    %dma_wait3A_342 = arith.constant 400 : i32
    %dma_wait3A_343 = arith.constant 0 : i32
    %dma_wait3A_344 = tpu.memref_slice %arg8[%dma_wait3A_342, %dma_wait3A_343] : memref<800x64xf32, #tpu.memory_space<vmem>> -> memref<200x64xf32, #tpu.memory_space<vmem>>
    %dma_wait3A_345 = arith.constant 0 : i32
    %dma_wait3A_346 = arith.constant 0 : i32
    %dma_wait3A_347 = tpu.memref_slice %arg5[%add3A_283, %dma_wait3A_345, %dma_wait3A_346] : memref<1024x200x64xf32, #tpu.memory_space<hbm>> -> memref<1x200x64xf32, #tpu.memory_space<hbm>>
    %dma_wait3A_348 = tpu.memref_squeeze %dma_wait3A_347 : memref<1x200x64xf32, #tpu.memory_space<hbm>> -> memref<200x64xf32, #tpu.memory_space<hbm>>
    %dma_wait3A_349 = arith.constant 0 : i32
    %dma_wait3A_350 = arith.constant 0 : i32
    %dma_wait3A_351 = tpu.memref_slice %arg5[%add3A_283, %dma_wait3A_349, %dma_wait3A_350] : memref<1024x200x64xf32, #tpu.memory_space<hbm>> -> memref<1x200x64xf32, #tpu.memory_space<hbm>>
    %dma_wait3A_352 = tpu.memref_squeeze %dma_wait3A_351 : memref<1x200x64xf32, #tpu.memory_space<hbm>> -> memref<200x64xf32, #tpu.memory_space<hbm>>
    %dma_wait3A_353 = arith.constant 400 : i32
    %dma_wait3A_354 = arith.constant 0 : i32
    %dma_wait3A_355 = tpu.memref_slice %arg8[%dma_wait3A_353, %dma_wait3A_354] : memref<800x64xf32, #tpu.memory_space<vmem>> -> memref<200x64xf32, #tpu.memory_space<vmem>>
    tpu.wait_dma2 semaphore(%arg12 : memref<!tpu.dma_semaphore, #tpu.memory_space<semaphore_mem>>) src(%dma_wait3A_355 : memref<200x64xf32, #tpu.memory_space<vmem>>) dst(%dma_wait3A_352 : memref<200x64xf32, #tpu.memory_space<hbm>>)
    %dma_wait3A_356 = arith.constant 600 : i32
    %dma_wait3A_357 = arith.constant 0 : i32
    %dma_wait3A_358 = tpu.memref_slice %arg8[%dma_wait3A_356, %dma_wait3A_357] : memref<800x64xf32, #tpu.memory_space<vmem>> -> memref<200x64xf32, #tpu.memory_space<vmem>>
    %dma_wait3A_359 = arith.constant 0 : i32
    %dma_wait3A_360 = arith.constant 0 : i32
    %dma_wait3A_361 = tpu.memref_slice %arg5[%add3A_299, %dma_wait3A_359, %dma_wait3A_360] : memref<1024x200x64xf32, #tpu.memory_space<hbm>> -> memref<1x200x64xf32, #tpu.memory_space<hbm>>
    %dma_wait3A_362 = tpu.memref_squeeze %dma_wait3A_361 : memref<1x200x64xf32, #tpu.memory_space<hbm>> -> memref<200x64xf32, #tpu.memory_space<hbm>>
    %dma_wait3A_363 = arith.constant 0 : i32
    %dma_wait3A_364 = arith.constant 0 : i32
    %dma_wait3A_365 = tpu.memref_slice %arg5[%add3A_299, %dma_wait3A_363, %dma_wait3A_364] : memref<1024x200x64xf32, #tpu.memory_space<hbm>> -> memref<1x200x64xf32, #tpu.memory_space<hbm>>
    %dma_wait3A_366 = tpu.memref_squeeze %dma_wait3A_365 : memref<1x200x64xf32, #tpu.memory_space<hbm>> -> memref<200x64xf32, #tpu.memory_space<hbm>>
    %dma_wait3A_367 = arith.constant 600 : i32
    %dma_wait3A_368 = arith.constant 0 : i32
    %dma_wait3A_369 = tpu.memref_slice %arg8[%dma_wait3A_367, %dma_wait3A_368] : memref<800x64xf32, #tpu.memory_space<vmem>> -> memref<200x64xf32, #tpu.memory_space<vmem>>
    tpu.wait_dma2 semaphore(%arg12 : memref<!tpu.dma_semaphore, #tpu.memory_space<semaphore_mem>>) src(%dma_wait3A_369 : memref<200x64xf32, #tpu.memory_space<vmem>>) dst(%dma_wait3A_366 : memref<200x64xf32, #tpu.memory_space<hbm>>)
    %dma_start3A_370 = arith.constant 0 : i32
    %dma_start3A_371 = arith.constant 0 : i32
    %dma_start3A_372 = tpu.memref_slice %arg8[%dma_start3A_370, %dma_start3A_371] : memref<800x64xf32, #tpu.memory_space<vmem>> -> memref<80x64xf32, #tpu.memory_space<vmem>>
    %dma_start3A_373 = arith.constant 1600 : i32
    %dma_start3A_374 = tpu.memref_slice %arg6[%dma_start3A_373] : memref<6400xi32, #tpu.memory_space<vmem>> -> memref<80xi32, #tpu.memory_space<vmem>>
    %dma_start3A_375 = arith.constant 0 : i32
    %dma_start3A_376 = arith.constant 0 : i32
    %dma_start3A_377 = tpu.memref_slice %arg3[%dma_start3A_375, %dma_start3A_376] : memref<1000000x64xf32, #tpu.memory_space<hbm>> -> memref<1000000x64xf32, #tpu.memory_space<hbm>>
    tpu.enqueue_indirect_dma source(%dma_start3A_377 : memref<1000000x64xf32, #tpu.memory_space<hbm>>) target(%dma_start3A_372 : memref<80x64xf32, #tpu.memory_space<vmem>>) offsets(%dma_start3A_374 : memref<80xi32, #tpu.memory_space<vmem>>) semaphore(%arg10 : memref<!tpu.dma_semaphore, #tpu.memory_space<semaphore_mem>>)
    %dma_start3A_378 = arith.constant 80 : i32
    %dma_start3A_379 = arith.constant 0 : i32
    %dma_start3A_380 = tpu.memref_slice %arg8[%dma_start3A_378, %dma_start3A_379] : memref<800x64xf32, #tpu.memory_space<vmem>> -> memref<80x64xf32, #tpu.memory_space<vmem>>
    %dma_start3A_381 = arith.constant 1680 : i32
    %dma_start3A_382 = tpu.memref_slice %arg6[%dma_start3A_381] : memref<6400xi32, #tpu.memory_space<vmem>> -> memref<80xi32, #tpu.memory_space<vmem>>
    %dma_start3A_383 = arith.constant 0 : i32
    %dma_start3A_384 = arith.constant 0 : i32
    %dma_start3A_385 = tpu.memref_slice %arg3[%dma_start3A_383, %dma_start3A_384] : memref<1000000x64xf32, #tpu.memory_space<hbm>> -> memref<1000000x64xf32, #tpu.memory_space<hbm>>
    tpu.enqueue_indirect_dma source(%dma_start3A_385 : memref<1000000x64xf32, #tpu.memory_space<hbm>>) target(%dma_start3A_380 : memref<80x64xf32, #tpu.memory_space<vmem>>) offsets(%dma_start3A_382 : memref<80xi32, #tpu.memory_space<vmem>>) semaphore(%arg10 : memref<!tpu.dma_semaphore, #tpu.memory_space<semaphore_mem>>)
    %dma_start3A_386 = arith.constant 160 : i32
    %dma_start3A_387 = arith.constant 0 : i32
    %dma_start3A_388 = tpu.memref_slice %arg8[%dma_start3A_386, %dma_start3A_387] : memref<800x64xf32, #tpu.memory_space<vmem>> -> memref<80x64xf32, #tpu.memory_space<vmem>>
    %dma_start3A_389 = arith.constant 1760 : i32
    %dma_start3A_390 = tpu.memref_slice %arg6[%dma_start3A_389] : memref<6400xi32, #tpu.memory_space<vmem>> -> memref<80xi32, #tpu.memory_space<vmem>>
    %dma_start3A_391 = arith.constant 0 : i32
    %dma_start3A_392 = arith.constant 0 : i32
    %dma_start3A_393 = tpu.memref_slice %arg3[%dma_start3A_391, %dma_start3A_392] : memref<1000000x64xf32, #tpu.memory_space<hbm>> -> memref<1000000x64xf32, #tpu.memory_space<hbm>>
    tpu.enqueue_indirect_dma source(%dma_start3A_393 : memref<1000000x64xf32, #tpu.memory_space<hbm>>) target(%dma_start3A_388 : memref<80x64xf32, #tpu.memory_space<vmem>>) offsets(%dma_start3A_390 : memref<80xi32, #tpu.memory_space<vmem>>) semaphore(%arg10 : memref<!tpu.dma_semaphore, #tpu.memory_space<semaphore_mem>>)
    %dma_start3A_394 = arith.constant 240 : i32
    %dma_start3A_395 = arith.constant 0 : i32
    %dma_start3A_396 = tpu.memref_slice %arg8[%dma_start3A_394, %dma_start3A_395] : memref<800x64xf32, #tpu.memory_space<vmem>> -> memref<80x64xf32, #tpu.memory_space<vmem>>
    %dma_start3A_397 = arith.constant 1840 : i32
    %dma_start3A_398 = tpu.memref_slice %arg6[%dma_start3A_397] : memref<6400xi32, #tpu.memory_space<vmem>> -> memref<80xi32, #tpu.memory_space<vmem>>
    %dma_start3A_399 = arith.constant 0 : i32
    %dma_start3A_400 = arith.constant 0 : i32
    %dma_start3A_401 = tpu.memref_slice %arg3[%dma_start3A_399, %dma_start3A_400] : memref<1000000x64xf32, #tpu.memory_space<hbm>> -> memref<1000000x64xf32, #tpu.memory_space<hbm>>
    tpu.enqueue_indirect_dma source(%dma_start3A_401 : memref<1000000x64xf32, #tpu.memory_space<hbm>>) target(%dma_start3A_396 : memref<80x64xf32, #tpu.memory_space<vmem>>) offsets(%dma_start3A_398 : memref<80xi32, #tpu.memory_space<vmem>>) semaphore(%arg10 : memref<!tpu.dma_semaphore, #tpu.memory_space<semaphore_mem>>)
    %dma_start3A_402 = arith.constant 320 : i32
    %dma_start3A_403 = arith.constant 0 : i32
    %dma_start3A_404 = tpu.memref_slice %arg8[%dma_start3A_402, %dma_start3A_403] : memref<800x64xf32, #tpu.memory_space<vmem>> -> memref<80x64xf32, #tpu.memory_space<vmem>>
    %dma_start3A_405 = arith.constant 1920 : i32
    %dma_start3A_406 = tpu.memref_slice %arg6[%dma_start3A_405] : memref<6400xi32, #tpu.memory_space<vmem>> -> memref<80xi32, #tpu.memory_space<vmem>>
    %dma_start3A_407 = arith.constant 0 : i32
    %dma_start3A_408 = arith.constant 0 : i32
    %dma_start3A_409 = tpu.memref_slice %arg3[%dma_start3A_407, %dma_start3A_408] : memref<1000000x64xf32, #tpu.memory_space<hbm>> -> memref<1000000x64xf32, #tpu.memory_space<hbm>>
    tpu.enqueue_indirect_dma source(%dma_start3A_409 : memref<1000000x64xf32, #tpu.memory_space<hbm>>) target(%dma_start3A_404 : memref<80x64xf32, #tpu.memory_space<vmem>>) offsets(%dma_start3A_406 : memref<80xi32, #tpu.memory_space<vmem>>) semaphore(%arg10 : memref<!tpu.dma_semaphore, #tpu.memory_space<semaphore_mem>>)
    %dma_start3A_410 = arith.constant 400 : i32
    %dma_start3A_411 = arith.constant 0 : i32
    %dma_start3A_412 = tpu.memref_slice %arg8[%dma_start3A_410, %dma_start3A_411] : memref<800x64xf32, #tpu.memory_space<vmem>> -> memref<80x64xf32, #tpu.memory_space<vmem>>
    %dma_start3A_413 = arith.constant 2000 : i32
    %dma_start3A_414 = tpu.memref_slice %arg6[%dma_start3A_413] : memref<6400xi32, #tpu.memory_space<vmem>> -> memref<80xi32, #tpu.memory_space<vmem>>
    %dma_start3A_415 = arith.constant 0 : i32
    %dma_start3A_416 = arith.constant 0 : i32
    %dma_start3A_417 = tpu.memref_slice %arg3[%dma_start3A_415, %dma_start3A_416] : memref<1000000x64xf32, #tpu.memory_space<hbm>> -> memref<1000000x64xf32, #tpu.memory_space<hbm>>
    tpu.enqueue_indirect_dma source(%dma_start3A_417 : memref<1000000x64xf32, #tpu.memory_space<hbm>>) target(%dma_start3A_412 : memref<80x64xf32, #tpu.memory_space<vmem>>) offsets(%dma_start3A_414 : memref<80xi32, #tpu.memory_space<vmem>>) semaphore(%arg10 : memref<!tpu.dma_semaphore, #tpu.memory_space<semaphore_mem>>)
    %dma_start3A_418 = arith.constant 480 : i32
    %dma_start3A_419 = arith.constant 0 : i32
    %dma_start3A_420 = tpu.memref_slice %arg8[%dma_start3A_418, %dma_start3A_419] : memref<800x64xf32, #tpu.memory_space<vmem>> -> memref<80x64xf32, #tpu.memory_space<vmem>>
    %dma_start3A_421 = arith.constant 2080 : i32
    %dma_start3A_422 = tpu.memref_slice %arg6[%dma_start3A_421] : memref<6400xi32, #tpu.memory_space<vmem>> -> memref<80xi32, #tpu.memory_space<vmem>>
    %dma_start3A_423 = arith.constant 0 : i32
    %dma_start3A_424 = arith.constant 0 : i32
    %dma_start3A_425 = tpu.memref_slice %arg3[%dma_start3A_423, %dma_start3A_424] : memref<1000000x64xf32, #tpu.memory_space<hbm>> -> memref<1000000x64xf32, #tpu.memory_space<hbm>>
    tpu.enqueue_indirect_dma source(%dma_start3A_425 : memref<1000000x64xf32, #tpu.memory_space<hbm>>) target(%dma_start3A_420 : memref<80x64xf32, #tpu.memory_space<vmem>>) offsets(%dma_start3A_422 : memref<80xi32, #tpu.memory_space<vmem>>) semaphore(%arg10 : memref<!tpu.dma_semaphore, #tpu.memory_space<semaphore_mem>>)
    %dma_start3A_426 = arith.constant 560 : i32
    %dma_start3A_427 = arith.constant 0 : i32
    %dma_start3A_428 = tpu.memref_slice %arg8[%dma_start3A_426, %dma_start3A_427] : memref<800x64xf32, #tpu.memory_space<vmem>> -> memref<80x64xf32, #tpu.memory_space<vmem>>
    %dma_start3A_429 = arith.constant 2160 : i32
    %dma_start3A_430 = tpu.memref_slice %arg6[%dma_start3A_429] : memref<6400xi32, #tpu.memory_space<vmem>> -> memref<80xi32, #tpu.memory_space<vmem>>
    %dma_start3A_431 = arith.constant 0 : i32
    %dma_start3A_432 = arith.constant 0 : i32
    %dma_start3A_433 = tpu.memref_slice %arg3[%dma_start3A_431, %dma_start3A_432] : memref<1000000x64xf32, #tpu.memory_space<hbm>> -> memref<1000000x64xf32, #tpu.memory_space<hbm>>
    tpu.enqueue_indirect_dma source(%dma_start3A_433 : memref<1000000x64xf32, #tpu.memory_space<hbm>>) target(%dma_start3A_428 : memref<80x64xf32, #tpu.memory_space<vmem>>) offsets(%dma_start3A_430 : memref<80xi32, #tpu.memory_space<vmem>>) semaphore(%arg10 : memref<!tpu.dma_semaphore, #tpu.memory_space<semaphore_mem>>)
    %dma_start3A_434 = arith.constant 640 : i32
    %dma_start3A_435 = arith.constant 0 : i32
    %dma_start3A_436 = tpu.memref_slice %arg8[%dma_start3A_434, %dma_start3A_435] : memref<800x64xf32, #tpu.memory_space<vmem>> -> memref<80x64xf32, #tpu.memory_space<vmem>>
    %dma_start3A_437 = arith.constant 2240 : i32
    %dma_start3A_438 = tpu.memref_slice %arg6[%dma_start3A_437] : memref<6400xi32, #tpu.memory_space<vmem>> -> memref<80xi32, #tpu.memory_space<vmem>>
    %dma_start3A_439 = arith.constant 0 : i32
    %dma_start3A_440 = arith.constant 0 : i32
    %dma_start3A_441 = tpu.memref_slice %arg3[%dma_start3A_439, %dma_start3A_440] : memref<1000000x64xf32, #tpu.memory_space<hbm>> -> memref<1000000x64xf32, #tpu.memory_space<hbm>>
    tpu.enqueue_indirect_dma source(%dma_start3A_441 : memref<1000000x64xf32, #tpu.memory_space<hbm>>) target(%dma_start3A_436 : memref<80x64xf32, #tpu.memory_space<vmem>>) offsets(%dma_start3A_438 : memref<80xi32, #tpu.memory_space<vmem>>) semaphore(%arg10 : memref<!tpu.dma_semaphore, #tpu.memory_space<semaphore_mem>>)
    %dma_start3A_442 = arith.constant 720 : i32
    %dma_start3A_443 = arith.constant 0 : i32
    %dma_start3A_444 = tpu.memref_slice %arg8[%dma_start3A_442, %dma_start3A_443] : memref<800x64xf32, #tpu.memory_space<vmem>> -> memref<80x64xf32, #tpu.memory_space<vmem>>
    %dma_start3A_445 = arith.constant 2320 : i32
    %dma_start3A_446 = tpu.memref_slice %arg6[%dma_start3A_445] : memref<6400xi32, #tpu.memory_space<vmem>> -> memref<80xi32, #tpu.memory_space<vmem>>
    %dma_start3A_447 = arith.constant 0 : i32
    %dma_start3A_448 = arith.constant 0 : i32
    %dma_start3A_449 = tpu.memref_slice %arg3[%dma_start3A_447, %dma_start3A_448] : memref<1000000x64xf32, #tpu.memory_space<hbm>> -> memref<1000000x64xf32, #tpu.memory_space<hbm>>
    tpu.enqueue_indirect_dma source(%dma_start3A_449 : memref<1000000x64xf32, #tpu.memory_space<hbm>>) target(%dma_start3A_444 : memref<80x64xf32, #tpu.memory_space<vmem>>) offsets(%dma_start3A_446 : memref<80xi32, #tpu.memory_space<vmem>>) semaphore(%arg10 : memref<!tpu.dma_semaphore, #tpu.memory_space<semaphore_mem>>)
    %dma_wait3A_450 = arith.constant 0 : i32
    %dma_wait3A_451 = arith.constant 0 : i32
    %dma_wait3A_452 = tpu.memref_slice %arg9[%dma_wait3A_450, %dma_wait3A_451] : memref<800x64xf32, #tpu.memory_space<vmem>> -> memref<80x64xf32, #tpu.memory_space<vmem>>
    %dma_wait3A_453 = arith.constant 800 : i32
    %dma_wait3A_454 = tpu.memref_slice %arg6[%dma_wait3A_453] : memref<6400xi32, #tpu.memory_space<vmem>> -> memref<80xi32, #tpu.memory_space<vmem>>
    %dma_wait3A_455 = arith.constant 0 : i32
    %dma_wait3A_456 = arith.constant 0 : i32
    %dma_wait3A_457 = tpu.memref_slice %arg3[%dma_wait3A_455, %dma_wait3A_456] : memref<1000000x64xf32, #tpu.memory_space<hbm>> -> memref<1000000x64xf32, #tpu.memory_space<hbm>>
    tpu.wait_indirect_dma semaphore(%arg11 : memref<!tpu.dma_semaphore, #tpu.memory_space<semaphore_mem>>) src(%dma_wait3A_457 : memref<1000000x64xf32, #tpu.memory_space<hbm>>) dst(%dma_wait3A_452 : memref<80x64xf32, #tpu.memory_space<vmem>>)
    %dma_wait3A_458 = arith.constant 80 : i32
    %dma_wait3A_459 = arith.constant 0 : i32
    %dma_wait3A_460 = tpu.memref_slice %arg9[%dma_wait3A_458, %dma_wait3A_459] : memref<800x64xf32, #tpu.memory_space<vmem>> -> memref<80x64xf32, #tpu.memory_space<vmem>>
    %dma_wait3A_461 = arith.constant 880 : i32
    %dma_wait3A_462 = tpu.memref_slice %arg6[%dma_wait3A_461] : memref<6400xi32, #tpu.memory_space<vmem>> -> memref<80xi32, #tpu.memory_space<vmem>>
    %dma_wait3A_463 = arith.constant 0 : i32
    %dma_wait3A_464 = arith.constant 0 : i32
    %dma_wait3A_465 = tpu.memref_slice %arg3[%dma_wait3A_463, %dma_wait3A_464] : memref<1000000x64xf32, #tpu.memory_space<hbm>> -> memref<1000000x64xf32, #tpu.memory_space<hbm>>
    tpu.wait_indirect_dma semaphore(%arg11 : memref<!tpu.dma_semaphore, #tpu.memory_space<semaphore_mem>>) src(%dma_wait3A_465 : memref<1000000x64xf32, #tpu.memory_space<hbm>>) dst(%dma_wait3A_460 : memref<80x64xf32, #tpu.memory_space<vmem>>)
    %dma_wait3A_466 = arith.constant 160 : i32
    %dma_wait3A_467 = arith.constant 0 : i32
    %dma_wait3A_468 = tpu.memref_slice %arg9[%dma_wait3A_466, %dma_wait3A_467] : memref<800x64xf32, #tpu.memory_space<vmem>> -> memref<80x64xf32, #tpu.memory_space<vmem>>
    %dma_wait3A_469 = arith.constant 960 : i32
    %dma_wait3A_470 = tpu.memref_slice %arg6[%dma_wait3A_469] : memref<6400xi32, #tpu.memory_space<vmem>> -> memref<80xi32, #tpu.memory_space<vmem>>
    %dma_wait3A_471 = arith.constant 0 : i32
    %dma_wait3A_472 = arith.constant 0 : i32
    %dma_wait3A_473 = tpu.memref_slice %arg3[%dma_wait3A_471, %dma_wait3A_472] : memref<1000000x64xf32, #tpu.memory_space<hbm>> -> memref<1000000x64xf32, #tpu.memory_space<hbm>>
    tpu.wait_indirect_dma semaphore(%arg11 : memref<!tpu.dma_semaphore, #tpu.memory_space<semaphore_mem>>) src(%dma_wait3A_473 : memref<1000000x64xf32, #tpu.memory_space<hbm>>) dst(%dma_wait3A_468 : memref<80x64xf32, #tpu.memory_space<vmem>>)
    %dma_wait3A_474 = arith.constant 240 : i32
    %dma_wait3A_475 = arith.constant 0 : i32
    %dma_wait3A_476 = tpu.memref_slice %arg9[%dma_wait3A_474, %dma_wait3A_475] : memref<800x64xf32, #tpu.memory_space<vmem>> -> memref<80x64xf32, #tpu.memory_space<vmem>>
    %dma_wait3A_477 = arith.constant 1040 : i32
    %dma_wait3A_478 = tpu.memref_slice %arg6[%dma_wait3A_477] : memref<6400xi32, #tpu.memory_space<vmem>> -> memref<80xi32, #tpu.memory_space<vmem>>
    %dma_wait3A_479 = arith.constant 0 : i32
    %dma_wait3A_480 = arith.constant 0 : i32
    %dma_wait3A_481 = tpu.memref_slice %arg3[%dma_wait3A_479, %dma_wait3A_480] : memref<1000000x64xf32, #tpu.memory_space<hbm>> -> memref<1000000x64xf32, #tpu.memory_space<hbm>>
    tpu.wait_indirect_dma semaphore(%arg11 : memref<!tpu.dma_semaphore, #tpu.memory_space<semaphore_mem>>) src(%dma_wait3A_481 : memref<1000000x64xf32, #tpu.memory_space<hbm>>) dst(%dma_wait3A_476 : memref<80x64xf32, #tpu.memory_space<vmem>>)
    %dma_wait3A_482 = arith.constant 320 : i32
    %dma_wait3A_483 = arith.constant 0 : i32
    %dma_wait3A_484 = tpu.memref_slice %arg9[%dma_wait3A_482, %dma_wait3A_483] : memref<800x64xf32, #tpu.memory_space<vmem>> -> memref<80x64xf32, #tpu.memory_space<vmem>>
    %dma_wait3A_485 = arith.constant 1120 : i32
    %dma_wait3A_486 = tpu.memref_slice %arg6[%dma_wait3A_485] : memref<6400xi32, #tpu.memory_space<vmem>> -> memref<80xi32, #tpu.memory_space<vmem>>
    %dma_wait3A_487 = arith.constant 0 : i32
    %dma_wait3A_488 = arith.constant 0 : i32
    %dma_wait3A_489 = tpu.memref_slice %arg3[%dma_wait3A_487, %dma_wait3A_488] : memref<1000000x64xf32, #tpu.memory_space<hbm>> -> memref<1000000x64xf32, #tpu.memory_space<hbm>>
    tpu.wait_indirect_dma semaphore(%arg11 : memref<!tpu.dma_semaphore, #tpu.memory_space<semaphore_mem>>) src(%dma_wait3A_489 : memref<1000000x64xf32, #tpu.memory_space<hbm>>) dst(%dma_wait3A_484 : memref<80x64xf32, #tpu.memory_space<vmem>>)
    %dma_wait3A_490 = arith.constant 400 : i32
    %dma_wait3A_491 = arith.constant 0 : i32
    %dma_wait3A_492 = tpu.memref_slice %arg9[%dma_wait3A_490, %dma_wait3A_491] : memref<800x64xf32, #tpu.memory_space<vmem>> -> memref<80x64xf32, #tpu.memory_space<vmem>>
    %dma_wait3A_493 = arith.constant 1200 : i32
    %dma_wait3A_494 = tpu.memref_slice %arg6[%dma_wait3A_493] : memref<6400xi32, #tpu.memory_space<vmem>> -> memref<80xi32, #tpu.memory_space<vmem>>
    %dma_wait3A_495 = arith.constant 0 : i32
    %dma_wait3A_496 = arith.constant 0 : i32
    %dma_wait3A_497 = tpu.memref_slice %arg3[%dma_wait3A_495, %dma_wait3A_496] : memref<1000000x64xf32, #tpu.memory_space<hbm>> -> memref<1000000x64xf32, #tpu.memory_space<hbm>>
    tpu.wait_indirect_dma semaphore(%arg11 : memref<!tpu.dma_semaphore, #tpu.memory_space<semaphore_mem>>) src(%dma_wait3A_497 : memref<1000000x64xf32, #tpu.memory_space<hbm>>) dst(%dma_wait3A_492 : memref<80x64xf32, #tpu.memory_space<vmem>>)
    %dma_wait3A_498 = arith.constant 480 : i32
    %dma_wait3A_499 = arith.constant 0 : i32
    %dma_wait3A_500 = tpu.memref_slice %arg9[%dma_wait3A_498, %dma_wait3A_499] : memref<800x64xf32, #tpu.memory_space<vmem>> -> memref<80x64xf32, #tpu.memory_space<vmem>>
    %dma_wait3A_501 = arith.constant 1280 : i32
    %dma_wait3A_502 = tpu.memref_slice %arg6[%dma_wait3A_501] : memref<6400xi32, #tpu.memory_space<vmem>> -> memref<80xi32, #tpu.memory_space<vmem>>
    %dma_wait3A_503 = arith.constant 0 : i32
    %dma_wait3A_504 = arith.constant 0 : i32
    %dma_wait3A_505 = tpu.memref_slice %arg3[%dma_wait3A_503, %dma_wait3A_504] : memref<1000000x64xf32, #tpu.memory_space<hbm>> -> memref<1000000x64xf32, #tpu.memory_space<hbm>>
    tpu.wait_indirect_dma semaphore(%arg11 : memref<!tpu.dma_semaphore, #tpu.memory_space<semaphore_mem>>) src(%dma_wait3A_505 : memref<1000000x64xf32, #tpu.memory_space<hbm>>) dst(%dma_wait3A_500 : memref<80x64xf32, #tpu.memory_space<vmem>>)
    %dma_wait3A_506 = arith.constant 560 : i32
    %dma_wait3A_507 = arith.constant 0 : i32
    %dma_wait3A_508 = tpu.memref_slice %arg9[%dma_wait3A_506, %dma_wait3A_507] : memref<800x64xf32, #tpu.memory_space<vmem>> -> memref<80x64xf32, #tpu.memory_space<vmem>>
    %dma_wait3A_509 = arith.constant 1360 : i32
    %dma_wait3A_510 = tpu.memref_slice %arg6[%dma_wait3A_509] : memref<6400xi32, #tpu.memory_space<vmem>> -> memref<80xi32, #tpu.memory_space<vmem>>
    %dma_wait3A_511 = arith.constant 0 : i32
    %dma_wait3A_512 = arith.constant 0 : i32
    %dma_wait3A_513 = tpu.memref_slice %arg3[%dma_wait3A_511, %dma_wait3A_512] : memref<1000000x64xf32, #tpu.memory_space<hbm>> -> memref<1000000x64xf32, #tpu.memory_space<hbm>>
    tpu.wait_indirect_dma semaphore(%arg11 : memref<!tpu.dma_semaphore, #tpu.memory_space<semaphore_mem>>) src(%dma_wait3A_513 : memref<1000000x64xf32, #tpu.memory_space<hbm>>) dst(%dma_wait3A_508 : memref<80x64xf32, #tpu.memory_space<vmem>>)
    %dma_wait3A_514 = arith.constant 640 : i32
    %dma_wait3A_515 = arith.constant 0 : i32
    %dma_wait3A_516 = tpu.memref_slice %arg9[%dma_wait3A_514, %dma_wait3A_515] : memref<800x64xf32, #tpu.memory_space<vmem>> -> memref<80x64xf32, #tpu.memory_space<vmem>>
    %dma_wait3A_517 = arith.constant 1440 : i32
    %dma_wait3A_518 = tpu.memref_slice %arg6[%dma_wait3A_517] : memref<6400xi32, #tpu.memory_space<vmem>> -> memref<80xi32, #tpu.memory_space<vmem>>
    %dma_wait3A_519 = arith.constant 0 : i32
    %dma_wait3A_520 = arith.constant 0 : i32
    %dma_wait3A_521 = tpu.memref_slice %arg3[%dma_wait3A_519, %dma_wait3A_520] : memref<1000000x64xf32, #tpu.memory_space<hbm>> -> memref<1000000x64xf32, #tpu.memory_space<hbm>>
    tpu.wait_indirect_dma semaphore(%arg11 : memref<!tpu.dma_semaphore, #tpu.memory_space<semaphore_mem>>) src(%dma_wait3A_521 : memref<1000000x64xf32, #tpu.memory_space<hbm>>) dst(%dma_wait3A_516 : memref<80x64xf32, #tpu.memory_space<vmem>>)
    %dma_wait3A_522 = arith.constant 720 : i32
    %dma_wait3A_523 = arith.constant 0 : i32
    %dma_wait3A_524 = tpu.memref_slice %arg9[%dma_wait3A_522, %dma_wait3A_523] : memref<800x64xf32, #tpu.memory_space<vmem>> -> memref<80x64xf32, #tpu.memory_space<vmem>>
    %dma_wait3A_525 = arith.constant 1520 : i32
    %dma_wait3A_526 = tpu.memref_slice %arg6[%dma_wait3A_525] : memref<6400xi32, #tpu.memory_space<vmem>> -> memref<80xi32, #tpu.memory_space<vmem>>
    %dma_wait3A_527 = arith.constant 0 : i32
    %dma_wait3A_528 = arith.constant 0 : i32
    %dma_wait3A_529 = tpu.memref_slice %arg3[%dma_wait3A_527, %dma_wait3A_528] : memref<1000000x64xf32, #tpu.memory_space<hbm>> -> memref<1000000x64xf32, #tpu.memory_space<hbm>>
    tpu.wait_indirect_dma semaphore(%arg11 : memref<!tpu.dma_semaphore, #tpu.memory_space<semaphore_mem>>) src(%dma_wait3A_529 : memref<1000000x64xf32, #tpu.memory_space<hbm>>) dst(%dma_wait3A_524 : memref<80x64xf32, #tpu.memory_space<vmem>>)
    %scan3A_530 = arith.constant 0 : i32
    %scan3A_531 = arith.constant 200 : i32
    %scan3A_532 = arith.addi %scan3A_530, %scan3A_531 : i32
    %scan3A_533 = arith.constant 1 : i32
    scf.for %scan3A_2299 = %scan3A_530 to %scan3A_532 step %scan3A_533  : i32 {
      %get3A = arith.index_cast %scan3A_2299 : i32 to index
      %get3A_2300 = arith.constant 0 : index
      %get3A_2301 = tpu.vector_load %arg7[%get3A, %get3A_2300] {strides = array<i32>} : memref<200x64xf32, #tpu.memory_space<vmem>>, vector<1x16xf32>,
      %get3A_2302 = vector.shape_cast %get3A_2301 : vector<1x16xf32> to vector<16xf32>
      %get3A_2303 = arith.index_cast %scan3A_2299 : i32 to index
      %get3A_2304 = arith.constant 16 : index
      %get3A_2305 = tpu.vector_load %arg7[%get3A_2303, %get3A_2304] {strides = array<i32>} : memref<200x64xf32, #tpu.memory_space<vmem>>, vector<1x16xf32>,
      %get3A_2306 = vector.shape_cast %get3A_2305 : vector<1x16xf32> to vector<16xf32>
      %get3A_2307 = arith.index_cast %scan3A_2299 : i32 to index
      %get3A_2308 = arith.constant 32 : index
      %get3A_2309 = tpu.vector_load %arg7[%get3A_2307, %get3A_2308] {strides = array<i32>} : memref<200x64xf32, #tpu.memory_space<vmem>>, vector<1x16xf32>,
      %get3A_2310 = vector.shape_cast %get3A_2309 : vector<1x16xf32> to vector<16xf32>
      %get3A_2311 = arith.index_cast %scan3A_2299 : i32 to index
      %get3A_2312 = arith.constant 48 : index
      %get3A_2313 = tpu.vector_load %arg7[%get3A_2311, %get3A_2312] {strides = array<i32>} : memref<200x64xf32, #tpu.memory_space<vmem>>, vector<1x16xf32>,
      %get3A_2314 = vector.shape_cast %get3A_2313 : vector<1x16xf32> to vector<16xf32>
      %add3A_2315 = arith.constant 0 : i32
      %add3A_2316 = arith.addi %add3A_2315, %scan3A_2299 : i32
      %swap3A = arith.index_cast %add3A_2316 : i32 to index
      %swap3A_2317 = arith.constant 0 : index
      %swap3A_2318 = tpu.vector_load %arg9[%swap3A, %swap3A_2317] {strides = array<i32>} : memref<800x64xf32, #tpu.memory_space<vmem>>, vector<1x16xf32>,
      %swap3A_2319 = vector.shape_cast %swap3A_2318 : vector<1x16xf32> to vector<16xf32>
      %swap3A_2320 = vector.shape_cast %get3A_2302 : vector<16xf32> to vector<1x16xf32>
      tpu.vector_store %arg9[%swap3A, %swap3A_2317], %swap3A_2320 {add = true, strides = array<i32>} : memref<800x64xf32, #tpu.memory_space<vmem>>, vector<1x16xf32>,
      %swap3A_2321 = arith.index_cast %add3A_2316 : i32 to index
      %swap3A_2322 = arith.constant 16 : index
      %swap3A_2323 = tpu.vector_load %arg9[%swap3A_2321, %swap3A_2322] {strides = array<i32>} : memref<800x64xf32, #tpu.memory_space<vmem>>, vector<1x16xf32>,
      %swap3A_2324 = vector.shape_cast %swap3A_2323 : vector<1x16xf32> to vector<16xf32>
      %swap3A_2325 = vector.shape_cast %get3A_2306 : vector<16xf32> to vector<1x16xf32>
      tpu.vector_store %arg9[%swap3A_2321, %swap3A_2322], %swap3A_2325 {add = true, strides = array<i32>} : memref<800x64xf32, #tpu.memory_space<vmem>>, vector<1x16xf32>,
      %swap3A_2326 = arith.index_cast %add3A_2316 : i32 to index
      %swap3A_2327 = arith.constant 32 : index
      %swap3A_2328 = tpu.vector_load %arg9[%swap3A_2326, %swap3A_2327] {strides = array<i32>} : memref<800x64xf32, #tpu.memory_space<vmem>>, vector<1x16xf32>,
      %swap3A_2329 = vector.shape_cast %swap3A_2328 : vector<1x16xf32> to vector<16xf32>
      %swap3A_2330 = vector.shape_cast %get3A_2310 : vector<16xf32> to vector<1x16xf32>
      tpu.vector_store %arg9[%swap3A_2326, %swap3A_2327], %swap3A_2330 {add = true, strides = array<i32>} : memref<800x64xf32, #tpu.memory_space<vmem>>, vector<1x16xf32>,
      %swap3A_2331 = arith.index_cast %add3A_2316 : i32 to index
      %swap3A_2332 = arith.constant 48 : index
      %swap3A_2333 = tpu.vector_load %arg9[%swap3A_2331, %swap3A_2332] {strides = array<i32>} : memref<800x64xf32, #tpu.memory_space<vmem>>, vector<1x16xf32>,
      %swap3A_2334 = vector.shape_cast %swap3A_2333 : vector<1x16xf32> to vector<16xf32>
      %swap3A_2335 = vector.shape_cast %get3A_2314 : vector<16xf32> to vector<1x16xf32>
      tpu.vector_store %arg9[%swap3A_2331, %swap3A_2332], %swap3A_2335 {add = true, strides = array<i32>} : memref<800x64xf32, #tpu.memory_space<vmem>>, vector<1x16xf32>,
      %add3A_2336 = arith.constant 200 : i32
      %add3A_2337 = arith.addi %add3A_2336, %scan3A_2299 : i32
      %swap3A_2338 = arith.index_cast %add3A_2337 : i32 to index
      %swap3A_2339 = arith.constant 0 : index
      %swap3A_2340 = tpu.vector_load %arg9[%swap3A_2338, %swap3A_2339] {strides = array<i32>} : memref<800x64xf32, #tpu.memory_space<vmem>>, vector<1x16xf32>,
      %swap3A_2341 = vector.shape_cast %swap3A_2340 : vector<1x16xf32> to vector<16xf32>
      %swap3A_2342 = vector.shape_cast %get3A_2302 : vector<16xf32> to vector<1x16xf32>
      tpu.vector_store %arg9[%swap3A_2338, %swap3A_2339], %swap3A_2342 {add = true, strides = array<i32>} : memref<800x64xf32, #tpu.memory_space<vmem>>, vector<1x16xf32>,
      %swap3A_2343 = arith.index_cast %add3A_2337 : i32 to index
      %swap3A_2344 = arith.constant 16 : index
      %swap3A_2345 = tpu.vector_load %arg9[%swap3A_2343, %swap3A_2344] {strides = array<i32>} : memref<800x64xf32, #tpu.memory_space<vmem>>, vector<1x16xf32>,
      %swap3A_2346 = vector.shape_cast %swap3A_2345 : vector<1x16xf32> to vector<16xf32>
      %swap3A_2347 = vector.shape_cast %get3A_2306 : vector<16xf32> to vector<1x16xf32>
      tpu.vector_store %arg9[%swap3A_2343, %swap3A_2344], %swap3A_2347 {add = true, strides = array<i32>} : memref<800x64xf32, #tpu.memory_space<vmem>>, vector<1x16xf32>,
      %swap3A_2348 = arith.index_cast %add3A_2337 : i32 to index
      %swap3A_2349 = arith.constant 32 : index
      %swap3A_2350 = tpu.vector_load %arg9[%swap3A_2348, %swap3A_2349] {strides = array<i32>} : memref<800x64xf32, #tpu.memory_space<vmem>>, vector<1x16xf32>,
      %swap3A_2351 = vector.shape_cast %swap3A_2350 : vector<1x16xf32> to vector<16xf32>
      %swap3A_2352 = vector.shape_cast %get3A_2310 : vector<16xf32> to vector<1x16xf32>
      tpu.vector_store %arg9[%swap3A_2348, %swap3A_2349], %swap3A_2352 {add = true, strides = array<i32>} : memref<800x64xf32, #tpu.memory_space<vmem>>, vector<1x16xf32>,
      %swap3A_2353 = arith.index_cast %add3A_2337 : i32 to index
      %swap3A_2354 = arith.constant 48 : index
      %swap3A_2355 = tpu.vector_load %arg9[%swap3A_2353, %swap3A_2354] {strides = array<i32>} : memref<800x64xf32, #tpu.memory_space<vmem>>, vector<1x16xf32>,
      %swap3A_2356 = vector.shape_cast %swap3A_2355 : vector<1x16xf32> to vector<16xf32>
      %swap3A_2357 = vector.shape_cast %get3A_2314 : vector<16xf32> to vector<1x16xf32>
      tpu.vector_store %arg9[%swap3A_2353, %swap3A_2354], %swap3A_2357 {add = true, strides = array<i32>} : memref<800x64xf32, #tpu.memory_space<vmem>>, vector<1x16xf32>,
      %add3A_2358 = arith.constant 400 : i32
      %add3A_2359 = arith.addi %add3A_2358, %scan3A_2299 : i32
      %swap3A_2360 = arith.index_cast %add3A_2359 : i32 to index
      %swap3A_2361 = arith.constant 0 : index
      %swap3A_2362 = tpu.vector_load %arg9[%swap3A_2360, %swap3A_2361] {strides = array<i32>} : memref<800x64xf32, #tpu.memory_space<vmem>>, vector<1x16xf32>,
      %swap3A_2363 = vector.shape_cast %swap3A_2362 : vector<1x16xf32> to vector<16xf32>
      %swap3A_2364 = vector.shape_cast %get3A_2302 : vector<16xf32> to vector<1x16xf32>
      tpu.vector_store %arg9[%swap3A_2360, %swap3A_2361], %swap3A_2364 {add = true, strides = array<i32>} : memref<800x64xf32, #tpu.memory_space<vmem>>, vector<1x16xf32>,
      %swap3A_2365 = arith.index_cast %add3A_2359 : i32 to index
      %swap3A_2366 = arith.constant 16 : index
      %swap3A_2367 = tpu.vector_load %arg9[%swap3A_2365, %swap3A_2366] {strides = array<i32>} : memref<800x64xf32, #tpu.memory_space<vmem>>, vector<1x16xf32>,
      %swap3A_2368 = vector.shape_cast %swap3A_2367 : vector<1x16xf32> to vector<16xf32>
      %swap3A_2369 = vector.shape_cast %get3A_2306 : vector<16xf32> to vector<1x16xf32>
      tpu.vector_store %arg9[%swap3A_2365, %swap3A_2366], %swap3A_2369 {add = true, strides = array<i32>} : memref<800x64xf32, #tpu.memory_space<vmem>>, vector<1x16xf32>,
      %swap3A_2370 = arith.index_cast %add3A_2359 : i32 to index
      %swap3A_2371 = arith.constant 32 : index
      %swap3A_2372 = tpu.vector_load %arg9[%swap3A_2370, %swap3A_2371] {strides = array<i32>} : memref<800x64xf32, #tpu.memory_space<vmem>>, vector<1x16xf32>,
      %swap3A_2373 = vector.shape_cast %swap3A_2372 : vector<1x16xf32> to vector<16xf32>
      %swap3A_2374 = vector.shape_cast %get3A_2310 : vector<16xf32> to vector<1x16xf32>
      tpu.vector_store %arg9[%swap3A_2370, %swap3A_2371], %swap3A_2374 {add = true, strides = array<i32>} : memref<800x64xf32, #tpu.memory_space<vmem>>, vector<1x16xf32>,
      %swap3A_2375 = arith.index_cast %add3A_2359 : i32 to index
      %swap3A_2376 = arith.constant 48 : index
      %swap3A_2377 = tpu.vector_load %arg9[%swap3A_2375, %swap3A_2376] {strides = array<i32>} : memref<800x64xf32, #tpu.memory_space<vmem>>, vector<1x16xf32>,
      %swap3A_2378 = vector.shape_cast %swap3A_2377 : vector<1x16xf32> to vector<16xf32>
      %swap3A_2379 = vector.shape_cast %get3A_2314 : vector<16xf32> to vector<1x16xf32>
      tpu.vector_store %arg9[%swap3A_2375, %swap3A_2376], %swap3A_2379 {add = true, strides = array<i32>} : memref<800x64xf32, #tpu.memory_space<vmem>>, vector<1x16xf32>,
      %add3A_2380 = arith.constant 600 : i32
      %add3A_2381 = arith.addi %add3A_2380, %scan3A_2299 : i32
      %swap3A_2382 = arith.index_cast %add3A_2381 : i32 to index
      %swap3A_2383 = arith.constant 0 : index
      %swap3A_2384 = tpu.vector_load %arg9[%swap3A_2382, %swap3A_2383] {strides = array<i32>} : memref<800x64xf32, #tpu.memory_space<vmem>>, vector<1x16xf32>,
      %swap3A_2385 = vector.shape_cast %swap3A_2384 : vector<1x16xf32> to vector<16xf32>
      %swap3A_2386 = vector.shape_cast %get3A_2302 : vector<16xf32> to vector<1x16xf32>
      tpu.vector_store %arg9[%swap3A_2382, %swap3A_2383], %swap3A_2386 {add = true, strides = array<i32>} : memref<800x64xf32, #tpu.memory_space<vmem>>, vector<1x16xf32>,
      %swap3A_2387 = arith.index_cast %add3A_2381 : i32 to index
      %swap3A_2388 = arith.constant 16 : index
      %swap3A_2389 = tpu.vector_load %arg9[%swap3A_2387, %swap3A_2388] {strides = array<i32>} : memref<800x64xf32, #tpu.memory_space<vmem>>, vector<1x16xf32>,
      %swap3A_2390 = vector.shape_cast %swap3A_2389 : vector<1x16xf32> to vector<16xf32>
      %swap3A_2391 = vector.shape_cast %get3A_2306 : vector<16xf32> to vector<1x16xf32>
      tpu.vector_store %arg9[%swap3A_2387, %swap3A_2388], %swap3A_2391 {add = true, strides = array<i32>} : memref<800x64xf32, #tpu.memory_space<vmem>>, vector<1x16xf32>,
      %swap3A_2392 = arith.index_cast %add3A_2381 : i32 to index
      %swap3A_2393 = arith.constant 32 : index
      %swap3A_2394 = tpu.vector_load %arg9[%swap3A_2392, %swap3A_2393] {strides = array<i32>} : memref<800x64xf32, #tpu.memory_space<vmem>>, vector<1x16xf32>,
      %swap3A_2395 = vector.shape_cast %swap3A_2394 : vector<1x16xf32> to vector<16xf32>
      %swap3A_2396 = vector.shape_cast %get3A_2310 : vector<16xf32> to vector<1x16xf32>
      tpu.vector_store %arg9[%swap3A_2392, %swap3A_2393], %swap3A_2396 {add = true, strides = array<i32>} : memref<800x64xf32, #tpu.memory_space<vmem>>, vector<1x16xf32>,
      %swap3A_2397 = arith.index_cast %add3A_2381 : i32 to index
      %swap3A_2398 = arith.constant 48 : index
      %swap3A_2399 = tpu.vector_load %arg9[%swap3A_2397, %swap3A_2398] {strides = array<i32>} : memref<800x64xf32, #tpu.memory_space<vmem>>, vector<1x16xf32>,
      %swap3A_2400 = vector.shape_cast %swap3A_2399 : vector<1x16xf32> to vector<16xf32>
      %swap3A_2401 = vector.shape_cast %get3A_2314 : vector<16xf32> to vector<1x16xf32>
      tpu.vector_store %arg9[%swap3A_2397, %swap3A_2398], %swap3A_2401 {add = true, strides = array<i32>} : memref<800x64xf32, #tpu.memory_space<vmem>>, vector<1x16xf32>,
    }
    %scan3A_534 = arith.constant 200 : i32
    %add3A_535 = arith.constant 4 : i32
    %add3A_536 = arith.addi %multiple_of3A_5, %add3A_535 : i32
    %add3A_537 = arith.constant 0 : i32
    %add3A_538 = arith.addi %add3A_536, %add3A_537 : i32
    %dma_start3A_539 = arith.constant 0 : i32
    %dma_start3A_540 = arith.constant 0 : i32
    %dma_start3A_541 = tpu.memref_slice %arg9[%dma_start3A_539, %dma_start3A_540] : memref<800x64xf32, #tpu.memory_space<vmem>> -> memref<200x64xf32, #tpu.memory_space<vmem>>
    %dma_start3A_542 = arith.constant 0 : i32
    %dma_start3A_543 = arith.constant 0 : i32
    %dma_start3A_544 = tpu.memref_slice %arg5[%add3A_538, %dma_start3A_542, %dma_start3A_543] : memref<1024x200x64xf32, #tpu.memory_space<hbm>> -> memref<1x200x64xf32, #tpu.memory_space<hbm>>
    %dma_start3A_545 = tpu.memref_squeeze %dma_start3A_544 : memref<1x200x64xf32, #tpu.memory_space<hbm>> -> memref<200x64xf32, #tpu.memory_space<hbm>>
    %dma_start3A_546 = arith.constant 0 : i32
    %dma_start3A_547 = arith.constant 0 : i32
    %dma_start3A_548 = tpu.memref_slice %arg5[%add3A_538, %dma_start3A_546, %dma_start3A_547] : memref<1024x200x64xf32, #tpu.memory_space<hbm>> -> memref<1x200x64xf32, #tpu.memory_space<hbm>>
    %dma_start3A_549 = tpu.memref_squeeze %dma_start3A_548 : memref<1x200x64xf32, #tpu.memory_space<hbm>> -> memref<200x64xf32, #tpu.memory_space<hbm>>
    %dma_start3A_550 = arith.constant 0 : i32
    %dma_start3A_551 = arith.constant 0 : i32
    %dma_start3A_552 = tpu.memref_slice %arg9[%dma_start3A_550, %dma_start3A_551] : memref<800x64xf32, #tpu.memory_space<vmem>> -> memref<200x64xf32, #tpu.memory_space<vmem>>
    tpu.enqueue_dma source(%dma_start3A_552 : memref<200x64xf32, #tpu.memory_space<vmem>>) target(%dma_start3A_549 : memref<200x64xf32, #tpu.memory_space<hbm>>) target_semaphore(%arg13 : memref<!tpu.dma_semaphore, #tpu.memory_space<semaphore_mem>>)
    %add3A_553 = arith.constant 1 : i32
    %add3A_554 = arith.addi %add3A_536, %add3A_553 : i32
    %dma_start3A_555 = arith.constant 200 : i32
    %dma_start3A_556 = arith.constant 0 : i32
    %dma_start3A_557 = tpu.memref_slice %arg9[%dma_start3A_555, %dma_start3A_556] : memref<800x64xf32, #tpu.memory_space<vmem>> -> memref<200x64xf32, #tpu.memory_space<vmem>>
    %dma_start3A_558 = arith.constant 0 : i32
    %dma_start3A_559 = arith.constant 0 : i32
    %dma_start3A_560 = tpu.memref_slice %arg5[%add3A_554, %dma_start3A_558, %dma_start3A_559] : memref<1024x200x64xf32, #tpu.memory_space<hbm>> -> memref<1x200x64xf32, #tpu.memory_space<hbm>>
    %dma_start3A_561 = tpu.memref_squeeze %dma_start3A_560 : memref<1x200x64xf32, #tpu.memory_space<hbm>> -> memref<200x64xf32, #tpu.memory_space<hbm>>
    %dma_start3A_562 = arith.constant 0 : i32
    %dma_start3A_563 = arith.constant 0 : i32
    %dma_start3A_564 = tpu.memref_slice %arg5[%add3A_554, %dma_start3A_562, %dma_start3A_563] : memref<1024x200x64xf32, #tpu.memory_space<hbm>> -> memref<1x200x64xf32, #tpu.memory_space<hbm>>
    %dma_start3A_565 = tpu.memref_squeeze %dma_start3A_564 : memref<1x200x64xf32, #tpu.memory_space<hbm>> -> memref<200x64xf32, #tpu.memory_space<hbm>>
    %dma_start3A_566 = arith.constant 200 : i32
    %dma_start3A_567 = arith.constant 0 : i32
    %dma_start3A_568 = tpu.memref_slice %arg9[%dma_start3A_566, %dma_start3A_567] : memref<800x64xf32, #tpu.memory_space<vmem>> -> memref<200x64xf32, #tpu.memory_space<vmem>>
    tpu.enqueue_dma source(%dma_start3A_568 : memref<200x64xf32, #tpu.memory_space<vmem>>) target(%dma_start3A_565 : memref<200x64xf32, #tpu.memory_space<hbm>>) target_semaphore(%arg13 : memref<!tpu.dma_semaphore, #tpu.memory_space<semaphore_mem>>)
    %add3A_569 = arith.constant 2 : i32
    %add3A_570 = arith.addi %add3A_536, %add3A_569 : i32
    %dma_start3A_571 = arith.constant 400 : i32
    %dma_start3A_572 = arith.constant 0 : i32
    %dma_start3A_573 = tpu.memref_slice %arg9[%dma_start3A_571, %dma_start3A_572] : memref<800x64xf32, #tpu.memory_space<vmem>> -> memref<200x64xf32, #tpu.memory_space<vmem>>
    %dma_start3A_574 = arith.constant 0 : i32
    %dma_start3A_575 = arith.constant 0 : i32
    %dma_start3A_576 = tpu.memref_slice %arg5[%add3A_570, %dma_start3A_574, %dma_start3A_575] : memref<1024x200x64xf32, #tpu.memory_space<hbm>> -> memref<1x200x64xf32, #tpu.memory_space<hbm>>
    %dma_start3A_577 = tpu.memref_squeeze %dma_start3A_576 : memref<1x200x64xf32, #tpu.memory_space<hbm>> -> memref<200x64xf32, #tpu.memory_space<hbm>>
    %dma_start3A_578 = arith.constant 0 : i32
    %dma_start3A_579 = arith.constant 0 : i32
    %dma_start3A_580 = tpu.memref_slice %arg5[%add3A_570, %dma_start3A_578, %dma_start3A_579] : memref<1024x200x64xf32, #tpu.memory_space<hbm>> -> memref<1x200x64xf32, #tpu.memory_space<hbm>>
    %dma_start3A_581 = tpu.memref_squeeze %dma_start3A_580 : memref<1x200x64xf32, #tpu.memory_space<hbm>> -> memref<200x64xf32, #tpu.memory_space<hbm>>
    %dma_start3A_582 = arith.constant 400 : i32
    %dma_start3A_583 = arith.constant 0 : i32
    %dma_start3A_584 = tpu.memref_slice %arg9[%dma_start3A_582, %dma_start3A_583] : memref<800x64xf32, #tpu.memory_space<vmem>> -> memref<200x64xf32, #tpu.memory_space<vmem>>
    tpu.enqueue_dma source(%dma_start3A_584 : memref<200x64xf32, #tpu.memory_space<vmem>>) target(%dma_start3A_581 : memref<200x64xf32, #tpu.memory_space<hbm>>) target_semaphore(%arg13 : memref<!tpu.dma_semaphore, #tpu.memory_space<semaphore_mem>>)
    %add3A_585 = arith.constant 3 : i32
    %add3A_586 = arith.addi %add3A_536, %add3A_585 : i32
    %dma_start3A_587 = arith.constant 600 : i32
    %dma_start3A_588 = arith.constant 0 : i32
    %dma_start3A_589 = tpu.memref_slice %arg9[%dma_start3A_587, %dma_start3A_588] : memref<800x64xf32, #tpu.memory_space<vmem>> -> memref<200x64xf32, #tpu.memory_space<vmem>>
    %dma_start3A_590 = arith.constant 0 : i32
    %dma_start3A_591 = arith.constant 0 : i32
    %dma_start3A_592 = tpu.memref_slice %arg5[%add3A_586, %dma_start3A_590, %dma_start3A_591] : memref<1024x200x64xf32, #tpu.memory_space<hbm>> -> memref<1x200x64xf32, #tpu.memory_space<hbm>>
    %dma_start3A_593 = tpu.memref_squeeze %dma_start3A_592 : memref<1x200x64xf32, #tpu.memory_space<hbm>> -> memref<200x64xf32, #tpu.memory_space<hbm>>
    %dma_start3A_594 = arith.constant 0 : i32
    %dma_start3A_595 = arith.constant 0 : i32
    %dma_start3A_596 = tpu.memref_slice %arg5[%add3A_586, %dma_start3A_594, %dma_start3A_595] : memref<1024x200x64xf32, #tpu.memory_space<hbm>> -> memref<1x200x64xf32, #tpu.memory_space<hbm>>
    %dma_start3A_597 = tpu.memref_squeeze %dma_start3A_596 : memref<1x200x64xf32, #tpu.memory_space<hbm>> -> memref<200x64xf32, #tpu.memory_space<hbm>>
    %dma_start3A_598 = arith.constant 600 : i32
    %dma_start3A_599 = arith.constant 0 : i32
    %dma_start3A_600 = tpu.memref_slice %arg9[%dma_start3A_598, %dma_start3A_599] : memref<800x64xf32, #tpu.memory_space<vmem>> -> memref<200x64xf32, #tpu.memory_space<vmem>>
    tpu.enqueue_dma source(%dma_start3A_600 : memref<200x64xf32, #tpu.memory_space<vmem>>) target(%dma_start3A_597 : memref<200x64xf32, #tpu.memory_space<hbm>>) target_semaphore(%arg13 : memref<!tpu.dma_semaphore, #tpu.memory_space<semaphore_mem>>)
    %dma_wait3A_601 = arith.constant 0 : i32
    %dma_wait3A_602 = arith.constant 0 : i32
    %dma_wait3A_603 = tpu.memref_slice %arg9[%dma_wait3A_601, %dma_wait3A_602] : memref<800x64xf32, #tpu.memory_space<vmem>> -> memref<200x64xf32, #tpu.memory_space<vmem>>
    %dma_wait3A_604 = arith.constant 0 : i32
    %dma_wait3A_605 = arith.constant 0 : i32
    %dma_wait3A_606 = tpu.memref_slice %arg5[%add3A_538, %dma_wait3A_604, %dma_wait3A_605] : memref<1024x200x64xf32, #tpu.memory_space<hbm>> -> memref<1x200x64xf32, #tpu.memory_space<hbm>>
    %dma_wait3A_607 = tpu.memref_squeeze %dma_wait3A_606 : memref<1x200x64xf32, #tpu.memory_space<hbm>> -> memref<200x64xf32, #tpu.memory_space<hbm>>
    %dma_wait3A_608 = arith.constant 0 : i32
    %dma_wait3A_609 = arith.constant 0 : i32
    %dma_wait3A_610 = tpu.memref_slice %arg5[%add3A_538, %dma_wait3A_608, %dma_wait3A_609] : memref<1024x200x64xf32, #tpu.memory_space<hbm>> -> memref<1x200x64xf32, #tpu.memory_space<hbm>>
    %dma_wait3A_611 = tpu.memref_squeeze %dma_wait3A_610 : memref<1x200x64xf32, #tpu.memory_space<hbm>> -> memref<200x64xf32, #tpu.memory_space<hbm>>
    %dma_wait3A_612 = arith.constant 0 : i32
    %dma_wait3A_613 = arith.constant 0 : i32
    %dma_wait3A_614 = tpu.memref_slice %arg9[%dma_wait3A_612, %dma_wait3A_613] : memref<800x64xf32, #tpu.memory_space<vmem>> -> memref<200x64xf32, #tpu.memory_space<vmem>>
    tpu.wait_dma2 semaphore(%arg13 : memref<!tpu.dma_semaphore, #tpu.memory_space<semaphore_mem>>) src(%dma_wait3A_614 : memref<200x64xf32, #tpu.memory_space<vmem>>) dst(%dma_wait3A_611 : memref<200x64xf32, #tpu.memory_space<hbm>>)
    %dma_wait3A_615 = arith.constant 200 : i32
    %dma_wait3A_616 = arith.constant 0 : i32
    %dma_wait3A_617 = tpu.memref_slice %arg9[%dma_wait3A_615, %dma_wait3A_616] : memref<800x64xf32, #tpu.memory_space<vmem>> -> memref<200x64xf32, #tpu.memory_space<vmem>>
    %dma_wait3A_618 = arith.constant 0 : i32
    %dma_wait3A_619 = arith.constant 0 : i32
    %dma_wait3A_620 = tpu.memref_slice %arg5[%add3A_554, %dma_wait3A_618, %dma_wait3A_619] : memref<1024x200x64xf32, #tpu.memory_space<hbm>> -> memref<1x200x64xf32, #tpu.memory_space<hbm>>
    %dma_wait3A_621 = tpu.memref_squeeze %dma_wait3A_620 : memref<1x200x64xf32, #tpu.memory_space<hbm>> -> memref<200x64xf32, #tpu.memory_space<hbm>>
    %dma_wait3A_622 = arith.constant 0 : i32
    %dma_wait3A_623 = arith.constant 0 : i32
    %dma_wait3A_624 = tpu.memref_slice %arg5[%add3A_554, %dma_wait3A_622, %dma_wait3A_623] : memref<1024x200x64xf32, #tpu.memory_space<hbm>> -> memref<1x200x64xf32, #tpu.memory_space<hbm>>
    %dma_wait3A_625 = tpu.memref_squeeze %dma_wait3A_624 : memref<1x200x64xf32, #tpu.memory_space<hbm>> -> memref<200x64xf32, #tpu.memory_space<hbm>>
    %dma_wait3A_626 = arith.constant 200 : i32
    %dma_wait3A_627 = arith.constant 0 : i32
    %dma_wait3A_628 = tpu.memref_slice %arg9[%dma_wait3A_626, %dma_wait3A_627] : memref<800x64xf32, #tpu.memory_space<vmem>> -> memref<200x64xf32, #tpu.memory_space<vmem>>
    tpu.wait_dma2 semaphore(%arg13 : memref<!tpu.dma_semaphore, #tpu.memory_space<semaphore_mem>>) src(%dma_wait3A_628 : memref<200x64xf32, #tpu.memory_space<vmem>>) dst(%dma_wait3A_625 : memref<200x64xf32, #tpu.memory_space<hbm>>)
    %dma_wait3A_629 = arith.constant 400 : i32
    %dma_wait3A_630 = arith.constant 0 : i32
    %dma_wait3A_631 = tpu.memref_slice %arg9[%dma_wait3A_629, %dma_wait3A_630] : memref<800x64xf32, #tpu.memory_space<vmem>> -> memref<200x64xf32, #tpu.memory_space<vmem>>
    %dma_wait3A_632 = arith.constant 0 : i32
    %dma_wait3A_633 = arith.constant 0 : i32
    %dma_wait3A_634 = tpu.memref_slice %arg5[%add3A_570, %dma_wait3A_632, %dma_wait3A_633] : memref<1024x200x64xf32, #tpu.memory_space<hbm>> -> memref<1x200x64xf32, #tpu.memory_space<hbm>>
    %dma_wait3A_635 = tpu.memref_squeeze %dma_wait3A_634 : memref<1x200x64xf32, #tpu.memory_space<hbm>> -> memref<200x64xf32, #tpu.memory_space<hbm>>
    %dma_wait3A_636 = arith.constant 0 : i32
    %dma_wait3A_637 = arith.constant 0 : i32
    %dma_wait3A_638 = tpu.memref_slice %arg5[%add3A_570, %dma_wait3A_636, %dma_wait3A_637] : memref<1024x200x64xf32, #tpu.memory_space<hbm>> -> memref<1x200x64xf32, #tpu.memory_space<hbm>>
    %dma_wait3A_639 = tpu.memref_squeeze %dma_wait3A_638 : memref<1x200x64xf32, #tpu.memory_space<hbm>> -> memref<200x64xf32, #tpu.memory_space<hbm>>
    %dma_wait3A_640 = arith.constant 400 : i32
    %dma_wait3A_641 = arith.constant 0 : i32
    %dma_wait3A_642 = tpu.memref_slice %arg9[%dma_wait3A_640, %dma_wait3A_641] : memref<800x64xf32, #tpu.memory_space<vmem>> -> memref<200x64xf32, #tpu.memory_space<vmem>>
    tpu.wait_dma2 semaphore(%arg13 : memref<!tpu.dma_semaphore, #tpu.memory_space<semaphore_mem>>) src(%dma_wait3A_642 : memref<200x64xf32, #tpu.memory_space<vmem>>) dst(%dma_wait3A_639 : memref<200x64xf32, #tpu.memory_space<hbm>>)
    %dma_wait3A_643 = arith.constant 600 : i32
    %dma_wait3A_644 = arith.constant 0 : i32
    %dma_wait3A_645 = tpu.memref_slice %arg9[%dma_wait3A_643, %dma_wait3A_644] : memref<800x64xf32, #tpu.memory_space<vmem>> -> memref<200x64xf32, #tpu.memory_space<vmem>>
    %dma_wait3A_646 = arith.constant 0 : i32
    %dma_wait3A_647 = arith.constant 0 : i32
    %dma_wait3A_648 = tpu.memref_slice %arg5[%add3A_586, %dma_wait3A_646, %dma_wait3A_647] : memref<1024x200x64xf32, #tpu.memory_space<hbm>> -> memref<1x200x64xf32, #tpu.memory_space<hbm>>
    %dma_wait3A_649 = tpu.memref_squeeze %dma_wait3A_648 : memref<1x200x64xf32, #tpu.memory_space<hbm>> -> memref<200x64xf32, #tpu.memory_space<hbm>>
    %dma_wait3A_650 = arith.constant 0 : i32
    %dma_wait3A_651 = arith.constant 0 : i32
    %dma_wait3A_652 = tpu.memref_slice %arg5[%add3A_586, %dma_wait3A_650, %dma_wait3A_651] : memref<1024x200x64xf32, #tpu.memory_space<hbm>> -> memref<1x200x64xf32, #tpu.memory_space<hbm>>
    %dma_wait3A_653 = tpu.memref_squeeze %dma_wait3A_652 : memref<1x200x64xf32, #tpu.memory_space<hbm>> -> memref<200x64xf32, #tpu.memory_space<hbm>>
    %dma_wait3A_654 = arith.constant 600 : i32
    %dma_wait3A_655 = arith.constant 0 : i32
    %dma_wait3A_656 = tpu.memref_slice %arg9[%dma_wait3A_654, %dma_wait3A_655] : memref<800x64xf32, #tpu.memory_space<vmem>> -> memref<200x64xf32, #tpu.memory_space<vmem>>
    tpu.wait_dma2 semaphore(%arg13 : memref<!tpu.dma_semaphore, #tpu.memory_space<semaphore_mem>>) src(%dma_wait3A_656 : memref<200x64xf32, #tpu.memory_space<vmem>>) dst(%dma_wait3A_653 : memref<200x64xf32, #tpu.memory_space<hbm>>)
    %dma_start3A_657 = arith.constant 0 : i32
    %dma_start3A_658 = arith.constant 0 : i32
    %dma_start3A_659 = tpu.memref_slice %arg9[%dma_start3A_657, %dma_start3A_658] : memref<800x64xf32, #tpu.memory_space<vmem>> -> memref<80x64xf32, #tpu.memory_space<vmem>>
    %dma_start3A_660 = arith.constant 2400 : i32
    %dma_start3A_661 = tpu.memref_slice %arg6[%dma_start3A_660] : memref<6400xi32, #tpu.memory_space<vmem>> -> memref<80xi32, #tpu.memory_space<vmem>>
    %dma_start3A_662 = arith.constant 0 : i32
    %dma_start3A_663 = arith.constant 0 : i32
    %dma_start3A_664 = tpu.memref_slice %arg3[%dma_start3A_662, %dma_start3A_663] : memref<1000000x64xf32, #tpu.memory_space<hbm>> -> memref<1000000x64xf32, #tpu.memory_space<hbm>>
    tpu.enqueue_indirect_dma source(%dma_start3A_664 : memref<1000000x64xf32, #tpu.memory_space<hbm>>) target(%dma_start3A_659 : memref<80x64xf32, #tpu.memory_space<vmem>>) offsets(%dma_start3A_661 : memref<80xi32, #tpu.memory_space<vmem>>) semaphore(%arg11 : memref<!tpu.dma_semaphore, #tpu.memory_space<semaphore_mem>>)
    %dma_start3A_665 = arith.constant 80 : i32
    %dma_start3A_666 = arith.constant 0 : i32
    %dma_start3A_667 = tpu.memref_slice %arg9[%dma_start3A_665, %dma_start3A_666] : memref<800x64xf32, #tpu.memory_space<vmem>> -> memref<80x64xf32, #tpu.memory_space<vmem>>
    %dma_start3A_668 = arith.constant 2480 : i32
    %dma_start3A_669 = tpu.memref_slice %arg6[%dma_start3A_668] : memref<6400xi32, #tpu.memory_space<vmem>> -> memref<80xi32, #tpu.memory_space<vmem>>
    %dma_start3A_670 = arith.constant 0 : i32
    %dma_start3A_671 = arith.constant 0 : i32
    %dma_start3A_672 = tpu.memref_slice %arg3[%dma_start3A_670, %dma_start3A_671] : memref<1000000x64xf32, #tpu.memory_space<hbm>> -> memref<1000000x64xf32, #tpu.memory_space<hbm>>
    tpu.enqueue_indirect_dma source(%dma_start3A_672 : memref<1000000x64xf32, #tpu.memory_space<hbm>>) target(%dma_start3A_667 : memref<80x64xf32, #tpu.memory_space<vmem>>) offsets(%dma_start3A_669 : memref<80xi32, #tpu.memory_space<vmem>>) semaphore(%arg11 : memref<!tpu.dma_semaphore, #tpu.memory_space<semaphore_mem>>)
    %dma_start3A_673 = arith.constant 160 : i32
    %dma_start3A_674 = arith.constant 0 : i32
    %dma_start3A_675 = tpu.memref_slice %arg9[%dma_start3A_673, %dma_start3A_674] : memref<800x64xf32, #tpu.memory_space<vmem>> -> memref<80x64xf32, #tpu.memory_space<vmem>>
    %dma_start3A_676 = arith.constant 2560 : i32
    %dma_start3A_677 = tpu.memref_slice %arg6[%dma_start3A_676] : memref<6400xi32, #tpu.memory_space<vmem>> -> memref<80xi32, #tpu.memory_space<vmem>>
    %dma_start3A_678 = arith.constant 0 : i32
    %dma_start3A_679 = arith.constant 0 : i32
    %dma_start3A_680 = tpu.memref_slice %arg3[%dma_start3A_678, %dma_start3A_679] : memref<1000000x64xf32, #tpu.memory_space<hbm>> -> memref<1000000x64xf32, #tpu.memory_space<hbm>>
    tpu.enqueue_indirect_dma source(%dma_start3A_680 : memref<1000000x64xf32, #tpu.memory_space<hbm>>) target(%dma_start3A_675 : memref<80x64xf32, #tpu.memory_space<vmem>>) offsets(%dma_start3A_677 : memref<80xi32, #tpu.memory_space<vmem>>) semaphore(%arg11 : memref<!tpu.dma_semaphore, #tpu.memory_space<semaphore_mem>>)
    %dma_start3A_681 = arith.constant 240 : i32
    %dma_start3A_682 = arith.constant 0 : i32
    %dma_start3A_683 = tpu.memref_slice %arg9[%dma_start3A_681, %dma_start3A_682] : memref<800x64xf32, #tpu.memory_space<vmem>> -> memref<80x64xf32, #tpu.memory_space<vmem>>
    %dma_start3A_684 = arith.constant 2640 : i32
    %dma_start3A_685 = tpu.memref_slice %arg6[%dma_start3A_684] : memref<6400xi32, #tpu.memory_space<vmem>> -> memref<80xi32, #tpu.memory_space<vmem>>
    %dma_start3A_686 = arith.constant 0 : i32
    %dma_start3A_687 = arith.constant 0 : i32
    %dma_start3A_688 = tpu.memref_slice %arg3[%dma_start3A_686, %dma_start3A_687] : memref<1000000x64xf32, #tpu.memory_space<hbm>> -> memref<1000000x64xf32, #tpu.memory_space<hbm>>
    tpu.enqueue_indirect_dma source(%dma_start3A_688 : memref<1000000x64xf32, #tpu.memory_space<hbm>>) target(%dma_start3A_683 : memref<80x64xf32, #tpu.memory_space<vmem>>) offsets(%dma_start3A_685 : memref<80xi32, #tpu.memory_space<vmem>>) semaphore(%arg11 : memref<!tpu.dma_semaphore, #tpu.memory_space<semaphore_mem>>)
    %dma_start3A_689 = arith.constant 320 : i32
    %dma_start3A_690 = arith.constant 0 : i32
    %dma_start3A_691 = tpu.memref_slice %arg9[%dma_start3A_689, %dma_start3A_690] : memref<800x64xf32, #tpu.memory_space<vmem>> -> memref<80x64xf32, #tpu.memory_space<vmem>>
    %dma_start3A_692 = arith.constant 2720 : i32
    %dma_start3A_693 = tpu.memref_slice %arg6[%dma_start3A_692] : memref<6400xi32, #tpu.memory_space<vmem>> -> memref<80xi32, #tpu.memory_space<vmem>>
    %dma_start3A_694 = arith.constant 0 : i32
    %dma_start3A_695 = arith.constant 0 : i32
    %dma_start3A_696 = tpu.memref_slice %arg3[%dma_start3A_694, %dma_start3A_695] : memref<1000000x64xf32, #tpu.memory_space<hbm>> -> memref<1000000x64xf32, #tpu.memory_space<hbm>>
    tpu.enqueue_indirect_dma source(%dma_start3A_696 : memref<1000000x64xf32, #tpu.memory_space<hbm>>) target(%dma_start3A_691 : memref<80x64xf32, #tpu.memory_space<vmem>>) offsets(%dma_start3A_693 : memref<80xi32, #tpu.memory_space<vmem>>) semaphore(%arg11 : memref<!tpu.dma_semaphore, #tpu.memory_space<semaphore_mem>>)
    %dma_start3A_697 = arith.constant 400 : i32
    %dma_start3A_698 = arith.constant 0 : i32
    %dma_start3A_699 = tpu.memref_slice %arg9[%dma_start3A_697, %dma_start3A_698] : memref<800x64xf32, #tpu.memory_space<vmem>> -> memref<80x64xf32, #tpu.memory_space<vmem>>
    %dma_start3A_700 = arith.constant 2800 : i32
    %dma_start3A_701 = tpu.memref_slice %arg6[%dma_start3A_700] : memref<6400xi32, #tpu.memory_space<vmem>> -> memref<80xi32, #tpu.memory_space<vmem>>
    %dma_start3A_702 = arith.constant 0 : i32
    %dma_start3A_703 = arith.constant 0 : i32
    %dma_start3A_704 = tpu.memref_slice %arg3[%dma_start3A_702, %dma_start3A_703] : memref<1000000x64xf32, #tpu.memory_space<hbm>> -> memref<1000000x64xf32, #tpu.memory_space<hbm>>
    tpu.enqueue_indirect_dma source(%dma_start3A_704 : memref<1000000x64xf32, #tpu.memory_space<hbm>>) target(%dma_start3A_699 : memref<80x64xf32, #tpu.memory_space<vmem>>) offsets(%dma_start3A_701 : memref<80xi32, #tpu.memory_space<vmem>>) semaphore(%arg11 : memref<!tpu.dma_semaphore, #tpu.memory_space<semaphore_mem>>)
    %dma_start3A_705 = arith.constant 480 : i32
    %dma_start3A_706 = arith.constant 0 : i32
    %dma_start3A_707 = tpu.memref_slice %arg9[%dma_start3A_705, %dma_start3A_706] : memref<800x64xf32, #tpu.memory_space<vmem>> -> memref<80x64xf32, #tpu.memory_space<vmem>>
    %dma_start3A_708 = arith.constant 2880 : i32
    %dma_start3A_709 = tpu.memref_slice %arg6[%dma_start3A_708] : memref<6400xi32, #tpu.memory_space<vmem>> -> memref<80xi32, #tpu.memory_space<vmem>>
    %dma_start3A_710 = arith.constant 0 : i32
    %dma_start3A_711 = arith.constant 0 : i32
    %dma_start3A_712 = tpu.memref_slice %arg3[%dma_start3A_710, %dma_start3A_711] : memref<1000000x64xf32, #tpu.memory_space<hbm>> -> memref<1000000x64xf32, #tpu.memory_space<hbm>>
    tpu.enqueue_indirect_dma source(%dma_start3A_712 : memref<1000000x64xf32, #tpu.memory_space<hbm>>) target(%dma_start3A_707 : memref<80x64xf32, #tpu.memory_space<vmem>>) offsets(%dma_start3A_709 : memref<80xi32, #tpu.memory_space<vmem>>) semaphore(%arg11 : memref<!tpu.dma_semaphore, #tpu.memory_space<semaphore_mem>>)
    %dma_start3A_713 = arith.constant 560 : i32
    %dma_start3A_714 = arith.constant 0 : i32
    %dma_start3A_715 = tpu.memref_slice %arg9[%dma_start3A_713, %dma_start3A_714] : memref<800x64xf32, #tpu.memory_space<vmem>> -> memref<80x64xf32, #tpu.memory_space<vmem>>
    %dma_start3A_716 = arith.constant 2960 : i32
    %dma_start3A_717 = tpu.memref_slice %arg6[%dma_start3A_716] : memref<6400xi32, #tpu.memory_space<vmem>> -> memref<80xi32, #tpu.memory_space<vmem>>
    %dma_start3A_718 = arith.constant 0 : i32
    %dma_start3A_719 = arith.constant 0 : i32
    %dma_start3A_720 = tpu.memref_slice %arg3[%dma_start3A_718, %dma_start3A_719] : memref<1000000x64xf32, #tpu.memory_space<hbm>> -> memref<1000000x64xf32, #tpu.memory_space<hbm>>
    tpu.enqueue_indirect_dma source(%dma_start3A_720 : memref<1000000x64xf32, #tpu.memory_space<hbm>>) target(%dma_start3A_715 : memref<80x64xf32, #tpu.memory_space<vmem>>) offsets(%dma_start3A_717 : memref<80xi32, #tpu.memory_space<vmem>>) semaphore(%arg11 : memref<!tpu.dma_semaphore, #tpu.memory_space<semaphore_mem>>)
    %dma_start3A_721 = arith.constant 640 : i32
    %dma_start3A_722 = arith.constant 0 : i32
    %dma_start3A_723 = tpu.memref_slice %arg9[%dma_start3A_721, %dma_start3A_722] : memref<800x64xf32, #tpu.memory_space<vmem>> -> memref<80x64xf32, #tpu.memory_space<vmem>>
    %dma_start3A_724 = arith.constant 3040 : i32
    %dma_start3A_725 = tpu.memref_slice %arg6[%dma_start3A_724] : memref<6400xi32, #tpu.memory_space<vmem>> -> memref<80xi32, #tpu.memory_space<vmem>>
    %dma_start3A_726 = arith.constant 0 : i32
    %dma_start3A_727 = arith.constant 0 : i32
    %dma_start3A_728 = tpu.memref_slice %arg3[%dma_start3A_726, %dma_start3A_727] : memref<1000000x64xf32, #tpu.memory_space<hbm>> -> memref<1000000x64xf32, #tpu.memory_space<hbm>>
    tpu.enqueue_indirect_dma source(%dma_start3A_728 : memref<1000000x64xf32, #tpu.memory_space<hbm>>) target(%dma_start3A_723 : memref<80x64xf32, #tpu.memory_space<vmem>>) offsets(%dma_start3A_725 : memref<80xi32, #tpu.memory_space<vmem>>) semaphore(%arg11 : memref<!tpu.dma_semaphore, #tpu.memory_space<semaphore_mem>>)
    %dma_start3A_729 = arith.constant 720 : i32
    %dma_start3A_730 = arith.constant 0 : i32
    %dma_start3A_731 = tpu.memref_slice %arg9[%dma_start3A_729, %dma_start3A_730] : memref<800x64xf32, #tpu.memory_space<vmem>> -> memref<80x64xf32, #tpu.memory_space<vmem>>
    %dma_start3A_732 = arith.constant 3120 : i32
    %dma_start3A_733 = tpu.memref_slice %arg6[%dma_start3A_732] : memref<6400xi32, #tpu.memory_space<vmem>> -> memref<80xi32, #tpu.memory_space<vmem>>
    %dma_start3A_734 = arith.constant 0 : i32
    %dma_start3A_735 = arith.constant 0 : i32
    %dma_start3A_736 = tpu.memref_slice %arg3[%dma_start3A_734, %dma_start3A_735] : memref<1000000x64xf32, #tpu.memory_space<hbm>> -> memref<1000000x64xf32, #tpu.memory_space<hbm>>
    tpu.enqueue_indirect_dma source(%dma_start3A_736 : memref<1000000x64xf32, #tpu.memory_space<hbm>>) target(%dma_start3A_731 : memref<80x64xf32, #tpu.memory_space<vmem>>) offsets(%dma_start3A_733 : memref<80xi32, #tpu.memory_space<vmem>>) semaphore(%arg11 : memref<!tpu.dma_semaphore, #tpu.memory_space<semaphore_mem>>)
    %dma_wait3A_737 = arith.constant 0 : i32
    %dma_wait3A_738 = arith.constant 0 : i32
    %dma_wait3A_739 = tpu.memref_slice %arg8[%dma_wait3A_737, %dma_wait3A_738] : memref<800x64xf32, #tpu.memory_space<vmem>> -> memref<80x64xf32, #tpu.memory_space<vmem>>
    %dma_wait3A_740 = arith.constant 1600 : i32
    %dma_wait3A_741 = tpu.memref_slice %arg6[%dma_wait3A_740] : memref<6400xi32, #tpu.memory_space<vmem>> -> memref<80xi32, #tpu.memory_space<vmem>>
    %dma_wait3A_742 = arith.constant 0 : i32
    %dma_wait3A_743 = arith.constant 0 : i32
    %dma_wait3A_744 = tpu.memref_slice %arg3[%dma_wait3A_742, %dma_wait3A_743] : memref<1000000x64xf32, #tpu.memory_space<hbm>> -> memref<1000000x64xf32, #tpu.memory_space<hbm>>
    tpu.wait_indirect_dma semaphore(%arg10 : memref<!tpu.dma_semaphore, #tpu.memory_space<semaphore_mem>>) src(%dma_wait3A_744 : memref<1000000x64xf32, #tpu.memory_space<hbm>>) dst(%dma_wait3A_739 : memref<80x64xf32, #tpu.memory_space<vmem>>)
    %dma_wait3A_745 = arith.constant 80 : i32
    %dma_wait3A_746 = arith.constant 0 : i32
    %dma_wait3A_747 = tpu.memref_slice %arg8[%dma_wait3A_745, %dma_wait3A_746] : memref<800x64xf32, #tpu.memory_space<vmem>> -> memref<80x64xf32, #tpu.memory_space<vmem>>
    %dma_wait3A_748 = arith.constant 1680 : i32
    %dma_wait3A_749 = tpu.memref_slice %arg6[%dma_wait3A_748] : memref<6400xi32, #tpu.memory_space<vmem>> -> memref<80xi32, #tpu.memory_space<vmem>>
    %dma_wait3A_750 = arith.constant 0 : i32
    %dma_wait3A_751 = arith.constant 0 : i32
    %dma_wait3A_752 = tpu.memref_slice %arg3[%dma_wait3A_750, %dma_wait3A_751] : memref<1000000x64xf32, #tpu.memory_space<hbm>> -> memref<1000000x64xf32, #tpu.memory_space<hbm>>
    tpu.wait_indirect_dma semaphore(%arg10 : memref<!tpu.dma_semaphore, #tpu.memory_space<semaphore_mem>>) src(%dma_wait3A_752 : memref<1000000x64xf32, #tpu.memory_space<hbm>>) dst(%dma_wait3A_747 : memref<80x64xf32, #tpu.memory_space<vmem>>)
    %dma_wait3A_753 = arith.constant 160 : i32
    %dma_wait3A_754 = arith.constant 0 : i32
    %dma_wait3A_755 = tpu.memref_slice %arg8[%dma_wait3A_753, %dma_wait3A_754] : memref<800x64xf32, #tpu.memory_space<vmem>> -> memref<80x64xf32, #tpu.memory_space<vmem>>
    %dma_wait3A_756 = arith.constant 1760 : i32
    %dma_wait3A_757 = tpu.memref_slice %arg6[%dma_wait3A_756] : memref<6400xi32, #tpu.memory_space<vmem>> -> memref<80xi32, #tpu.memory_space<vmem>>
    %dma_wait3A_758 = arith.constant 0 : i32
    %dma_wait3A_759 = arith.constant 0 : i32
    %dma_wait3A_760 = tpu.memref_slice %arg3[%dma_wait3A_758, %dma_wait3A_759] : memref<1000000x64xf32, #tpu.memory_space<hbm>> -> memref<1000000x64xf32, #tpu.memory_space<hbm>>
    tpu.wait_indirect_dma semaphore(%arg10 : memref<!tpu.dma_semaphore, #tpu.memory_space<semaphore_mem>>) src(%dma_wait3A_760 : memref<1000000x64xf32, #tpu.memory_space<hbm>>) dst(%dma_wait3A_755 : memref<80x64xf32, #tpu.memory_space<vmem>>)
    %dma_wait3A_761 = arith.constant 240 : i32
    %dma_wait3A_762 = arith.constant 0 : i32
    %dma_wait3A_763 = tpu.memref_slice %arg8[%dma_wait3A_761, %dma_wait3A_762] : memref<800x64xf32, #tpu.memory_space<vmem>> -> memref<80x64xf32, #tpu.memory_space<vmem>>
    %dma_wait3A_764 = arith.constant 1840 : i32
    %dma_wait3A_765 = tpu.memref_slice %arg6[%dma_wait3A_764] : memref<6400xi32, #tpu.memory_space<vmem>> -> memref<80xi32, #tpu.memory_space<vmem>>
    %dma_wait3A_766 = arith.constant 0 : i32
    %dma_wait3A_767 = arith.constant 0 : i32
    %dma_wait3A_768 = tpu.memref_slice %arg3[%dma_wait3A_766, %dma_wait3A_767] : memref<1000000x64xf32, #tpu.memory_space<hbm>> -> memref<1000000x64xf32, #tpu.memory_space<hbm>>
    tpu.wait_indirect_dma semaphore(%arg10 : memref<!tpu.dma_semaphore, #tpu.memory_space<semaphore_mem>>) src(%dma_wait3A_768 : memref<1000000x64xf32, #tpu.memory_space<hbm>>) dst(%dma_wait3A_763 : memref<80x64xf32, #tpu.memory_space<vmem>>)
    %dma_wait3A_769 = arith.constant 320 : i32
    %dma_wait3A_770 = arith.constant 0 : i32
    %dma_wait3A_771 = tpu.memref_slice %arg8[%dma_wait3A_769, %dma_wait3A_770] : memref<800x64xf32, #tpu.memory_space<vmem>> -> memref<80x64xf32, #tpu.memory_space<vmem>>
    %dma_wait3A_772 = arith.constant 1920 : i32
    %dma_wait3A_773 = tpu.memref_slice %arg6[%dma_wait3A_772] : memref<6400xi32, #tpu.memory_space<vmem>> -> memref<80xi32, #tpu.memory_space<vmem>>
    %dma_wait3A_774 = arith.constant 0 : i32
    %dma_wait3A_775 = arith.constant 0 : i32
    %dma_wait3A_776 = tpu.memref_slice %arg3[%dma_wait3A_774, %dma_wait3A_775] : memref<1000000x64xf32, #tpu.memory_space<hbm>> -> memref<1000000x64xf32, #tpu.memory_space<hbm>>
    tpu.wait_indirect_dma semaphore(%arg10 : memref<!tpu.dma_semaphore, #tpu.memory_space<semaphore_mem>>) src(%dma_wait3A_776 : memref<1000000x64xf32, #tpu.memory_space<hbm>>) dst(%dma_wait3A_771 : memref<80x64xf32, #tpu.memory_space<vmem>>)
    %dma_wait3A_777 = arith.constant 400 : i32
    %dma_wait3A_778 = arith.constant 0 : i32
    %dma_wait3A_779 = tpu.memref_slice %arg8[%dma_wait3A_777, %dma_wait3A_778] : memref<800x64xf32, #tpu.memory_space<vmem>> -> memref<80x64xf32, #tpu.memory_space<vmem>>
    %dma_wait3A_780 = arith.constant 2000 : i32
    %dma_wait3A_781 = tpu.memref_slice %arg6[%dma_wait3A_780] : memref<6400xi32, #tpu.memory_space<vmem>> -> memref<80xi32, #tpu.memory_space<vmem>>
    %dma_wait3A_782 = arith.constant 0 : i32
    %dma_wait3A_783 = arith.constant 0 : i32
    %dma_wait3A_784 = tpu.memref_slice %arg3[%dma_wait3A_782, %dma_wait3A_783] : memref<1000000x64xf32, #tpu.memory_space<hbm>> -> memref<1000000x64xf32, #tpu.memory_space<hbm>>
    tpu.wait_indirect_dma semaphore(%arg10 : memref<!tpu.dma_semaphore, #tpu.memory_space<semaphore_mem>>) src(%dma_wait3A_784 : memref<1000000x64xf32, #tpu.memory_space<hbm>>) dst(%dma_wait3A_779 : memref<80x64xf32, #tpu.memory_space<vmem>>)
    %dma_wait3A_785 = arith.constant 480 : i32
    %dma_wait3A_786 = arith.constant 0 : i32
    %dma_wait3A_787 = tpu.memref_slice %arg8[%dma_wait3A_785, %dma_wait3A_786] : memref<800x64xf32, #tpu.memory_space<vmem>> -> memref<80x64xf32, #tpu.memory_space<vmem>>
    %dma_wait3A_788 = arith.constant 2080 : i32
    %dma_wait3A_789 = tpu.memref_slice %arg6[%dma_wait3A_788] : memref<6400xi32, #tpu.memory_space<vmem>> -> memref<80xi32, #tpu.memory_space<vmem>>
    %dma_wait3A_790 = arith.constant 0 : i32
    %dma_wait3A_791 = arith.constant 0 : i32
    %dma_wait3A_792 = tpu.memref_slice %arg3[%dma_wait3A_790, %dma_wait3A_791] : memref<1000000x64xf32, #tpu.memory_space<hbm>> -> memref<1000000x64xf32, #tpu.memory_space<hbm>>
    tpu.wait_indirect_dma semaphore(%arg10 : memref<!tpu.dma_semaphore, #tpu.memory_space<semaphore_mem>>) src(%dma_wait3A_792 : memref<1000000x64xf32, #tpu.memory_space<hbm>>) dst(%dma_wait3A_787 : memref<80x64xf32, #tpu.memory_space<vmem>>)
    %dma_wait3A_793 = arith.constant 560 : i32
    %dma_wait3A_794 = arith.constant 0 : i32
    %dma_wait3A_795 = tpu.memref_slice %arg8[%dma_wait3A_793, %dma_wait3A_794] : memref<800x64xf32, #tpu.memory_space<vmem>> -> memref<80x64xf32, #tpu.memory_space<vmem>>
    %dma_wait3A_796 = arith.constant 2160 : i32
    %dma_wait3A_797 = tpu.memref_slice %arg6[%dma_wait3A_796] : memref<6400xi32, #tpu.memory_space<vmem>> -> memref<80xi32, #tpu.memory_space<vmem>>
    %dma_wait3A_798 = arith.constant 0 : i32
    %dma_wait3A_799 = arith.constant 0 : i32
    %dma_wait3A_800 = tpu.memref_slice %arg3[%dma_wait3A_798, %dma_wait3A_799] : memref<1000000x64xf32, #tpu.memory_space<hbm>> -> memref<1000000x64xf32, #tpu.memory_space<hbm>>
    tpu.wait_indirect_dma semaphore(%arg10 : memref<!tpu.dma_semaphore, #tpu.memory_space<semaphore_mem>>) src(%dma_wait3A_800 : memref<1000000x64xf32, #tpu.memory_space<hbm>>) dst(%dma_wait3A_795 : memref<80x64xf32, #tpu.memory_space<vmem>>)
    %dma_wait3A_801 = arith.constant 640 : i32
    %dma_wait3A_802 = arith.constant 0 : i32
    %dma_wait3A_803 = tpu.memref_slice %arg8[%dma_wait3A_801, %dma_wait3A_802] : memref<800x64xf32, #tpu.memory_space<vmem>> -> memref<80x64xf32, #tpu.memory_space<vmem>>
    %dma_wait3A_804 = arith.constant 2240 : i32
    %dma_wait3A_805 = tpu.memref_slice %arg6[%dma_wait3A_804] : memref<6400xi32, #tpu.memory_space<vmem>> -> memref<80xi32, #tpu.memory_space<vmem>>
    %dma_wait3A_806 = arith.constant 0 : i32
    %dma_wait3A_807 = arith.constant 0 : i32
    %dma_wait3A_808 = tpu.memref_slice %arg3[%dma_wait3A_806, %dma_wait3A_807] : memref<1000000x64xf32, #tpu.memory_space<hbm>> -> memref<1000000x64xf32, #tpu.memory_space<hbm>>
    tpu.wait_indirect_dma semaphore(%arg10 : memref<!tpu.dma_semaphore, #tpu.memory_space<semaphore_mem>>) src(%dma_wait3A_808 : memref<1000000x64xf32, #tpu.memory_space<hbm>>) dst(%dma_wait3A_803 : memref<80x64xf32, #tpu.memory_space<vmem>>)
    %dma_wait3A_809 = arith.constant 720 : i32
    %dma_wait3A_810 = arith.constant 0 : i32
    %dma_wait3A_811 = tpu.memref_slice %arg8[%dma_wait3A_809, %dma_wait3A_810] : memref<800x64xf32, #tpu.memory_space<vmem>> -> memref<80x64xf32, #tpu.memory_space<vmem>>
    %dma_wait3A_812 = arith.constant 2320 : i32
    %dma_wait3A_813 = tpu.memref_slice %arg6[%dma_wait3A_812] : memref<6400xi32, #tpu.memory_space<vmem>> -> memref<80xi32, #tpu.memory_space<vmem>>
    %dma_wait3A_814 = arith.constant 0 : i32
    %dma_wait3A_815 = arith.constant 0 : i32
    %dma_wait3A_816 = tpu.memref_slice %arg3[%dma_wait3A_814, %dma_wait3A_815] : memref<1000000x64xf32, #tpu.memory_space<hbm>> -> memref<1000000x64xf32, #tpu.memory_space<hbm>>
    tpu.wait_indirect_dma semaphore(%arg10 : memref<!tpu.dma_semaphore, #tpu.memory_space<semaphore_mem>>) src(%dma_wait3A_816 : memref<1000000x64xf32, #tpu.memory_space<hbm>>) dst(%dma_wait3A_811 : memref<80x64xf32, #tpu.memory_space<vmem>>)
    %scan3A_817 = arith.constant 0 : i32
    %scan3A_818 = arith.constant 200 : i32
    %scan3A_819 = arith.addi %scan3A_817, %scan3A_818 : i32
    %scan3A_820 = arith.constant 1 : i32
    scf.for %scan3A_2299 = %scan3A_817 to %scan3A_819 step %scan3A_820  : i32 {
      %get3A = arith.index_cast %scan3A_2299 : i32 to index
      %get3A_2300 = arith.constant 0 : index
      %get3A_2301 = tpu.vector_load %arg7[%get3A, %get3A_2300] {strides = array<i32>} : memref<200x64xf32, #tpu.memory_space<vmem>>, vector<1x16xf32>,
      %get3A_2302 = vector.shape_cast %get3A_2301 : vector<1x16xf32> to vector<16xf32>
      %get3A_2303 = arith.index_cast %scan3A_2299 : i32 to index
      %get3A_2304 = arith.constant 16 : index
      %get3A_2305 = tpu.vector_load %arg7[%get3A_2303, %get3A_2304] {strides = array<i32>} : memref<200x64xf32, #tpu.memory_space<vmem>>, vector<1x16xf32>,
      %get3A_2306 = vector.shape_cast %get3A_2305 : vector<1x16xf32> to vector<16xf32>
      %get3A_2307 = arith.index_cast %scan3A_2299 : i32 to index
      %get3A_2308 = arith.constant 32 : index
      %get3A_2309 = tpu.vector_load %arg7[%get3A_2307, %get3A_2308] {strides = array<i32>} : memref<200x64xf32, #tpu.memory_space<vmem>>, vector<1x16xf32>,
      %get3A_2310 = vector.shape_cast %get3A_2309 : vector<1x16xf32> to vector<16xf32>
      %get3A_2311 = arith.index_cast %scan3A_2299 : i32 to index
      %get3A_2312 = arith.constant 48 : index
      %get3A_2313 = tpu.vector_load %arg7[%get3A_2311, %get3A_2312] {strides = array<i32>} : memref<200x64xf32, #tpu.memory_space<vmem>>, vector<1x16xf32>,
      %get3A_2314 = vector.shape_cast %get3A_2313 : vector<1x16xf32> to vector<16xf32>
      %add3A_2315 = arith.constant 0 : i32
      %add3A_2316 = arith.addi %add3A_2315, %scan3A_2299 : i32
      %swap3A = arith.index_cast %add3A_2316 : i32 to index
      %swap3A_2317 = arith.constant 0 : index
      %swap3A_2318 = tpu.vector_load %arg8[%swap3A, %swap3A_2317] {strides = array<i32>} : memref<800x64xf32, #tpu.memory_space<vmem>>, vector<1x16xf32>,
      %swap3A_2319 = vector.shape_cast %swap3A_2318 : vector<1x16xf32> to vector<16xf32>
      %swap3A_2320 = vector.shape_cast %get3A_2302 : vector<16xf32> to vector<1x16xf32>
      tpu.vector_store %arg8[%swap3A, %swap3A_2317], %swap3A_2320 {add = true, strides = array<i32>} : memref<800x64xf32, #tpu.memory_space<vmem>>, vector<1x16xf32>,
      %swap3A_2321 = arith.index_cast %add3A_2316 : i32 to index
      %swap3A_2322 = arith.constant 16 : index
      %swap3A_2323 = tpu.vector_load %arg8[%swap3A_2321, %swap3A_2322] {strides = array<i32>} : memref<800x64xf32, #tpu.memory_space<vmem>>, vector<1x16xf32>,
      %swap3A_2324 = vector.shape_cast %swap3A_2323 : vector<1x16xf32> to vector<16xf32>
      %swap3A_2325 = vector.shape_cast %get3A_2306 : vector<16xf32> to vector<1x16xf32>
      tpu.vector_store %arg8[%swap3A_2321, %swap3A_2322], %swap3A_2325 {add = true, strides = array<i32>} : memref<800x64xf32, #tpu.memory_space<vmem>>, vector<1x16xf32>,
      %swap3A_2326 = arith.index_cast %add3A_2316 : i32 to index
      %swap3A_2327 = arith.constant 32 : index
      %swap3A_2328 = tpu.vector_load %arg8[%swap3A_2326, %swap3A_2327] {strides = array<i32>} : memref<800x64xf32, #tpu.memory_space<vmem>>, vector<1x16xf32>,
      %swap3A_2329 = vector.shape_cast %swap3A_2328 : vector<1x16xf32> to vector<16xf32>
      %swap3A_2330 = vector.shape_cast %get3A_2310 : vector<16xf32> to vector<1x16xf32>
      tpu.vector_store %arg8[%swap3A_2326, %swap3A_2327], %swap3A_2330 {add = true, strides = array<i32>} : memref<800x64xf32, #tpu.memory_space<vmem>>, vector<1x16xf32>,
      %swap3A_2331 = arith.index_cast %add3A_2316 : i32 to index
      %swap3A_2332 = arith.constant 48 : index
      %swap3A_2333 = tpu.vector_load %arg8[%swap3A_2331, %swap3A_2332] {strides = array<i32>} : memref<800x64xf32, #tpu.memory_space<vmem>>, vector<1x16xf32>,
      %swap3A_2334 = vector.shape_cast %swap3A_2333 : vector<1x16xf32> to vector<16xf32>
      %swap3A_2335 = vector.shape_cast %get3A_2314 : vector<16xf32> to vector<1x16xf32>
      tpu.vector_store %arg8[%swap3A_2331, %swap3A_2332], %swap3A_2335 {add = true, strides = array<i32>} : memref<800x64xf32, #tpu.memory_space<vmem>>, vector<1x16xf32>,
      %add3A_2336 = arith.constant 200 : i32
      %add3A_2337 = arith.addi %add3A_2336, %scan3A_2299 : i32
      %swap3A_2338 = arith.index_cast %add3A_2337 : i32 to index
      %swap3A_2339 = arith.constant 0 : index
      %swap3A_2340 = tpu.vector_load %arg8[%swap3A_2338, %swap3A_2339] {strides = array<i32>} : memref<800x64xf32, #tpu.memory_space<vmem>>, vector<1x16xf32>,
      %swap3A_2341 = vector.shape_cast %swap3A_2340 : vector<1x16xf32> to vector<16xf32>
      %swap3A_2342 = vector.shape_cast %get3A_2302 : vector<16xf32> to vector<1x16xf32>
      tpu.vector_store %arg8[%swap3A_2338, %swap3A_2339], %swap3A_2342 {add = true, strides = array<i32>} : memref<800x64xf32, #tpu.memory_space<vmem>>, vector<1x16xf32>,
      %swap3A_2343 = arith.index_cast %add3A_2337 : i32 to index
      %swap3A_2344 = arith.constant 16 : index
      %swap3A_2345 = tpu.vector_load %arg8[%swap3A_2343, %swap3A_2344] {strides = array<i32>} : memref<800x64xf32, #tpu.memory_space<vmem>>, vector<1x16xf32>,
      %swap3A_2346 = vector.shape_cast %swap3A_2345 : vector<1x16xf32> to vector<16xf32>
      %swap3A_2347 = vector.shape_cast %get3A_2306 : vector<16xf32> to vector<1x16xf32>
      tpu.vector_store %arg8[%swap3A_2343, %swap3A_2344], %swap3A_2347 {add = true, strides = array<i32>} : memref<800x64xf32, #tpu.memory_space<vmem>>, vector<1x16xf32>,
      %swap3A_2348 = arith.index_cast %add3A_2337 : i32 to index
      %swap3A_2349 = arith.constant 32 : index
      %swap3A_2350 = tpu.vector_load %arg8[%swap3A_2348, %swap3A_2349] {strides = array<i32>} : memref<800x64xf32, #tpu.memory_space<vmem>>, vector<1x16xf32>,
      %swap3A_2351 = vector.shape_cast %swap3A_2350 : vector<1x16xf32> to vector<16xf32>
      %swap3A_2352 = vector.shape_cast %get3A_2310 : vector<16xf32> to vector<1x16xf32>
      tpu.vector_store %arg8[%swap3A_2348, %swap3A_2349], %swap3A_2352 {add = true, strides = array<i32>} : memref<800x64xf32, #tpu.memory_space<vmem>>, vector<1x16xf32>,
      %swap3A_2353 = arith.index_cast %add3A_2337 : i32 to index
      %swap3A_2354 = arith.constant 48 : index
      %swap3A_2355 = tpu.vector_load %arg8[%swap3A_2353, %swap3A_2354] {strides = array<i32>} : memref<800x64xf32, #tpu.memory_space<vmem>>, vector<1x16xf32>,
      %swap3A_2356 = vector.shape_cast %swap3A_2355 : vector<1x16xf32> to vector<16xf32>
      %swap3A_2357 = vector.shape_cast %get3A_2314 : vector<16xf32> to vector<1x16xf32>
      tpu.vector_store %arg8[%swap3A_2353, %swap3A_2354], %swap3A_2357 {add = true, strides = array<i32>} : memref<800x64xf32, #tpu.memory_space<vmem>>, vector<1x16xf32>,
      %add3A_2358 = arith.constant 400 : i32
      %add3A_2359 = arith.addi %add3A_2358, %scan3A_2299 : i32
      %swap3A_2360 = arith.index_cast %add3A_2359 : i32 to index
      %swap3A_2361 = arith.constant 0 : index
      %swap3A_2362 = tpu.vector_load %arg8[%swap3A_2360, %swap3A_2361] {strides = array<i32>} : memref<800x64xf32, #tpu.memory_space<vmem>>, vector<1x16xf32>,
      %swap3A_2363 = vector.shape_cast %swap3A_2362 : vector<1x16xf32> to vector<16xf32>
      %swap3A_2364 = vector.shape_cast %get3A_2302 : vector<16xf32> to vector<1x16xf32>
      tpu.vector_store %arg8[%swap3A_2360, %swap3A_2361], %swap3A_2364 {add = true, strides = array<i32>} : memref<800x64xf32, #tpu.memory_space<vmem>>, vector<1x16xf32>,
      %swap3A_2365 = arith.index_cast %add3A_2359 : i32 to index
      %swap3A_2366 = arith.constant 16 : index
      %swap3A_2367 = tpu.vector_load %arg8[%swap3A_2365, %swap3A_2366] {strides = array<i32>} : memref<800x64xf32, #tpu.memory_space<vmem>>, vector<1x16xf32>,
      %swap3A_2368 = vector.shape_cast %swap3A_2367 : vector<1x16xf32> to vector<16xf32>
      %swap3A_2369 = vector.shape_cast %get3A_2306 : vector<16xf32> to vector<1x16xf32>
      tpu.vector_store %arg8[%swap3A_2365, %swap3A_2366], %swap3A_2369 {add = true, strides = array<i32>} : memref<800x64xf32, #tpu.memory_space<vmem>>, vector<1x16xf32>,
      %swap3A_2370 = arith.index_cast %add3A_2359 : i32 to index
      %swap3A_2371 = arith.constant 32 : index
      %swap3A_2372 = tpu.vector_load %arg8[%swap3A_2370, %swap3A_2371] {strides = array<i32>} : memref<800x64xf32, #tpu.memory_space<vmem>>, vector<1x16xf32>,
      %swap3A_2373 = vector.shape_cast %swap3A_2372 : vector<1x16xf32> to vector<16xf32>
      %swap3A_2374 = vector.shape_cast %get3A_2310 : vector<16xf32> to vector<1x16xf32>
      tpu.vector_store %arg8[%swap3A_2370, %swap3A_2371], %swap3A_2374 {add = true, strides = array<i32>} : memref<800x64xf32, #tpu.memory_space<vmem>>, vector<1x16xf32>,
      %swap3A_2375 = arith.index_cast %add3A_2359 : i32 to index
      %swap3A_2376 = arith.constant 48 : index
      %swap3A_2377 = tpu.vector_load %arg8[%swap3A_2375, %swap3A_2376] {strides = array<i32>} : memref<800x64xf32, #tpu.memory_space<vmem>>, vector<1x16xf32>,
      %swap3A_2378 = vector.shape_cast %swap3A_2377 : vector<1x16xf32> to vector<16xf32>
      %swap3A_2379 = vector.shape_cast %get3A_2314 : vector<16xf32> to vector<1x16xf32>
      tpu.vector_store %arg8[%swap3A_2375, %swap3A_2376], %swap3A_2379 {add = true, strides = array<i32>} : memref<800x64xf32, #tpu.memory_space<vmem>>, vector<1x16xf32>,
      %add3A_2380 = arith.constant 600 : i32
      %add3A_2381 = arith.addi %add3A_2380, %scan3A_2299 : i32
      %swap3A_2382 = arith.index_cast %add3A_2381 : i32 to index
      %swap3A_2383 = arith.constant 0 : index
      %swap3A_2384 = tpu.vector_load %arg8[%swap3A_2382, %swap3A_2383] {strides = array<i32>} : memref<800x64xf32, #tpu.memory_space<vmem>>, vector<1x16xf32>,
      %swap3A_2385 = vector.shape_cast %swap3A_2384 : vector<1x16xf32> to vector<16xf32>
      %swap3A_2386 = vector.shape_cast %get3A_2302 : vector<16xf32> to vector<1x16xf32>
      tpu.vector_store %arg8[%swap3A_2382, %swap3A_2383], %swap3A_2386 {add = true, strides = array<i32>} : memref<800x64xf32, #tpu.memory_space<vmem>>, vector<1x16xf32>,
      %swap3A_2387 = arith.index_cast %add3A_2381 : i32 to index
      %swap3A_2388 = arith.constant 16 : index
      %swap3A_2389 = tpu.vector_load %arg8[%swap3A_2387, %swap3A_2388] {strides = array<i32>} : memref<800x64xf32, #tpu.memory_space<vmem>>, vector<1x16xf32>,
      %swap3A_2390 = vector.shape_cast %swap3A_2389 : vector<1x16xf32> to vector<16xf32>
      %swap3A_2391 = vector.shape_cast %get3A_2306 : vector<16xf32> to vector<1x16xf32>
      tpu.vector_store %arg8[%swap3A_2387, %swap3A_2388], %swap3A_2391 {add = true, strides = array<i32>} : memref<800x64xf32, #tpu.memory_space<vmem>>, vector<1x16xf32>,
      %swap3A_2392 = arith.index_cast %add3A_2381 : i32 to index
      %swap3A_2393 = arith.constant 32 : index
      %swap3A_2394 = tpu.vector_load %arg8[%swap3A_2392, %swap3A_2393] {strides = array<i32>} : memref<800x64xf32, #tpu.memory_space<vmem>>, vector<1x16xf32>,
      %swap3A_2395 = vector.shape_cast %swap3A_2394 : vector<1x16xf32> to vector<16xf32>
      %swap3A_2396 = vector.shape_cast %get3A_2310 : vector<16xf32> to vector<1x16xf32>
      tpu.vector_store %arg8[%swap3A_2392, %swap3A_2393], %swap3A_2396 {add = true, strides = array<i32>} : memref<800x64xf32, #tpu.memory_space<vmem>>, vector<1x16xf32>,
      %swap3A_2397 = arith.index_cast %add3A_2381 : i32 to index
      %swap3A_2398 = arith.constant 48 : index
      %swap3A_2399 = tpu.vector_load %arg8[%swap3A_2397, %swap3A_2398] {strides = array<i32>} : memref<800x64xf32, #tpu.memory_space<vmem>>, vector<1x16xf32>,
      %swap3A_2400 = vector.shape_cast %swap3A_2399 : vector<1x16xf32> to vector<16xf32>
      %swap3A_2401 = vector.shape_cast %get3A_2314 : vector<16xf32> to vector<1x16xf32>
      tpu.vector_store %arg8[%swap3A_2397, %swap3A_2398], %swap3A_2401 {add = true, strides = array<i32>} : memref<800x64xf32, #tpu.memory_space<vmem>>, vector<1x16xf32>,
    }
    %scan3A_821 = arith.constant 200 : i32
    %add3A_822 = arith.constant 8 : i32
    %add3A_823 = arith.addi %multiple_of3A_5, %add3A_822 : i32
    %add3A_824 = arith.constant 0 : i32
    %add3A_825 = arith.addi %add3A_823, %add3A_824 : i32
    %dma_start3A_826 = arith.constant 0 : i32
    %dma_start3A_827 = arith.constant 0 : i32
    %dma_start3A_828 = tpu.memref_slice %arg8[%dma_start3A_826, %dma_start3A_827] : memref<800x64xf32, #tpu.memory_space<vmem>> -> memref<200x64xf32, #tpu.memory_space<vmem>>
    %dma_start3A_829 = arith.constant 0 : i32
    %dma_start3A_830 = arith.constant 0 : i32
    %dma_start3A_831 = tpu.memref_slice %arg5[%add3A_825, %dma_start3A_829, %dma_start3A_830] : memref<1024x200x64xf32, #tpu.memory_space<hbm>> -> memref<1x200x64xf32, #tpu.memory_space<hbm>>
    %dma_start3A_832 = tpu.memref_squeeze %dma_start3A_831 : memref<1x200x64xf32, #tpu.memory_space<hbm>> -> memref<200x64xf32, #tpu.memory_space<hbm>>
    %dma_start3A_833 = arith.constant 0 : i32
    %dma_start3A_834 = arith.constant 0 : i32
    %dma_start3A_835 = tpu.memref_slice %arg5[%add3A_825, %dma_start3A_833, %dma_start3A_834] : memref<1024x200x64xf32, #tpu.memory_space<hbm>> -> memref<1x200x64xf32, #tpu.memory_space<hbm>>
    %dma_start3A_836 = tpu.memref_squeeze %dma_start3A_835 : memref<1x200x64xf32, #tpu.memory_space<hbm>> -> memref<200x64xf32, #tpu.memory_space<hbm>>
    %dma_start3A_837 = arith.constant 0 : i32
    %dma_start3A_838 = arith.constant 0 : i32
    %dma_start3A_839 = tpu.memref_slice %arg8[%dma_start3A_837, %dma_start3A_838] : memref<800x64xf32, #tpu.memory_space<vmem>> -> memref<200x64xf32, #tpu.memory_space<vmem>>
    tpu.enqueue_dma source(%dma_start3A_839 : memref<200x64xf32, #tpu.memory_space<vmem>>) target(%dma_start3A_836 : memref<200x64xf32, #tpu.memory_space<hbm>>) target_semaphore(%arg12 : memref<!tpu.dma_semaphore, #tpu.memory_space<semaphore_mem>>)
    %add3A_840 = arith.constant 1 : i32
    %add3A_841 = arith.addi %add3A_823, %add3A_840 : i32
    %dma_start3A_842 = arith.constant 200 : i32
    %dma_start3A_843 = arith.constant 0 : i32
    %dma_start3A_844 = tpu.memref_slice %arg8[%dma_start3A_842, %dma_start3A_843] : memref<800x64xf32, #tpu.memory_space<vmem>> -> memref<200x64xf32, #tpu.memory_space<vmem>>
    %dma_start3A_845 = arith.constant 0 : i32
    %dma_start3A_846 = arith.constant 0 : i32
    %dma_start3A_847 = tpu.memref_slice %arg5[%add3A_841, %dma_start3A_845, %dma_start3A_846] : memref<1024x200x64xf32, #tpu.memory_space<hbm>> -> memref<1x200x64xf32, #tpu.memory_space<hbm>>
    %dma_start3A_848 = tpu.memref_squeeze %dma_start3A_847 : memref<1x200x64xf32, #tpu.memory_space<hbm>> -> memref<200x64xf32, #tpu.memory_space<hbm>>
    %dma_start3A_849 = arith.constant 0 : i32
    %dma_start3A_850 = arith.constant 0 : i32
    %dma_start3A_851 = tpu.memref_slice %arg5[%add3A_841, %dma_start3A_849, %dma_start3A_850] : memref<1024x200x64xf32, #tpu.memory_space<hbm>> -> memref<1x200x64xf32, #tpu.memory_space<hbm>>
    %dma_start3A_852 = tpu.memref_squeeze %dma_start3A_851 : memref<1x200x64xf32, #tpu.memory_space<hbm>> -> memref<200x64xf32, #tpu.memory_space<hbm>>
    %dma_start3A_853 = arith.constant 200 : i32
    %dma_start3A_854 = arith.constant 0 : i32
    %dma_start3A_855 = tpu.memref_slice %arg8[%dma_start3A_853, %dma_start3A_854] : memref<800x64xf32, #tpu.memory_space<vmem>> -> memref<200x64xf32, #tpu.memory_space<vmem>>
    tpu.enqueue_dma source(%dma_start3A_855 : memref<200x64xf32, #tpu.memory_space<vmem>>) target(%dma_start3A_852 : memref<200x64xf32, #tpu.memory_space<hbm>>) target_semaphore(%arg12 : memref<!tpu.dma_semaphore, #tpu.memory_space<semaphore_mem>>)
    %add3A_856 = arith.constant 2 : i32
    %add3A_857 = arith.addi %add3A_823, %add3A_856 : i32
    %dma_start3A_858 = arith.constant 400 : i32
    %dma_start3A_859 = arith.constant 0 : i32
    %dma_start3A_860 = tpu.memref_slice %arg8[%dma_start3A_858, %dma_start3A_859] : memref<800x64xf32, #tpu.memory_space<vmem>> -> memref<200x64xf32, #tpu.memory_space<vmem>>
    %dma_start3A_861 = arith.constant 0 : i32
    %dma_start3A_862 = arith.constant 0 : i32
    %dma_start3A_863 = tpu.memref_slice %arg5[%add3A_857, %dma_start3A_861, %dma_start3A_862] : memref<1024x200x64xf32, #tpu.memory_space<hbm>> -> memref<1x200x64xf32, #tpu.memory_space<hbm>>
    %dma_start3A_864 = tpu.memref_squeeze %dma_start3A_863 : memref<1x200x64xf32, #tpu.memory_space<hbm>> -> memref<200x64xf32, #tpu.memory_space<hbm>>
    %dma_start3A_865 = arith.constant 0 : i32
    %dma_start3A_866 = arith.constant 0 : i32
    %dma_start3A_867 = tpu.memref_slice %arg5[%add3A_857, %dma_start3A_865, %dma_start3A_866] : memref<1024x200x64xf32, #tpu.memory_space<hbm>> -> memref<1x200x64xf32, #tpu.memory_space<hbm>>
    %dma_start3A_868 = tpu.memref_squeeze %dma_start3A_867 : memref<1x200x64xf32, #tpu.memory_space<hbm>> -> memref<200x64xf32, #tpu.memory_space<hbm>>
    %dma_start3A_869 = arith.constant 400 : i32
    %dma_start3A_870 = arith.constant 0 : i32
    %dma_start3A_871 = tpu.memref_slice %arg8[%dma_start3A_869, %dma_start3A_870] : memref<800x64xf32, #tpu.memory_space<vmem>> -> memref<200x64xf32, #tpu.memory_space<vmem>>
    tpu.enqueue_dma source(%dma_start3A_871 : memref<200x64xf32, #tpu.memory_space<vmem>>) target(%dma_start3A_868 : memref<200x64xf32, #tpu.memory_space<hbm>>) target_semaphore(%arg12 : memref<!tpu.dma_semaphore, #tpu.memory_space<semaphore_mem>>)
    %add3A_872 = arith.constant 3 : i32
    %add3A_873 = arith.addi %add3A_823, %add3A_872 : i32
    %dma_start3A_874 = arith.constant 600 : i32
    %dma_start3A_875 = arith.constant 0 : i32
    %dma_start3A_876 = tpu.memref_slice %arg8[%dma_start3A_874, %dma_start3A_875] : memref<800x64xf32, #tpu.memory_space<vmem>> -> memref<200x64xf32, #tpu.memory_space<vmem>>
    %dma_start3A_877 = arith.constant 0 : i32
    %dma_start3A_878 = arith.constant 0 : i32
    %dma_start3A_879 = tpu.memref_slice %arg5[%add3A_873, %dma_start3A_877, %dma_start3A_878] : memref<1024x200x64xf32, #tpu.memory_space<hbm>> -> memref<1x200x64xf32, #tpu.memory_space<hbm>>
    %dma_start3A_880 = tpu.memref_squeeze %dma_start3A_879 : memref<1x200x64xf32, #tpu.memory_space<hbm>> -> memref<200x64xf32, #tpu.memory_space<hbm>>
    %dma_start3A_881 = arith.constant 0 : i32
    %dma_start3A_882 = arith.constant 0 : i32
    %dma_start3A_883 = tpu.memref_slice %arg5[%add3A_873, %dma_start3A_881, %dma_start3A_882] : memref<1024x200x64xf32, #tpu.memory_space<hbm>> -> memref<1x200x64xf32, #tpu.memory_space<hbm>>
    %dma_start3A_884 = tpu.memref_squeeze %dma_start3A_883 : memref<1x200x64xf32, #tpu.memory_space<hbm>> -> memref<200x64xf32, #tpu.memory_space<hbm>>
    %dma_start3A_885 = arith.constant 600 : i32
    %dma_start3A_886 = arith.constant 0 : i32
    %dma_start3A_887 = tpu.memref_slice %arg8[%dma_start3A_885, %dma_start3A_886] : memref<800x64xf32, #tpu.memory_space<vmem>> -> memref<200x64xf32, #tpu.memory_space<vmem>>
    tpu.enqueue_dma source(%dma_start3A_887 : memref<200x64xf32, #tpu.memory_space<vmem>>) target(%dma_start3A_884 : memref<200x64xf32, #tpu.memory_space<hbm>>) target_semaphore(%arg12 : memref<!tpu.dma_semaphore, #tpu.memory_space<semaphore_mem>>)
    %dma_wait3A_888 = arith.constant 0 : i32
    %dma_wait3A_889 = arith.constant 0 : i32
    %dma_wait3A_890 = tpu.memref_slice %arg8[%dma_wait3A_888, %dma_wait3A_889] : memref<800x64xf32, #tpu.memory_space<vmem>> -> memref<200x64xf32, #tpu.memory_space<vmem>>
    %dma_wait3A_891 = arith.constant 0 : i32
    %dma_wait3A_892 = arith.constant 0 : i32
    %dma_wait3A_893 = tpu.memref_slice %arg5[%add3A_825, %dma_wait3A_891, %dma_wait3A_892] : memref<1024x200x64xf32, #tpu.memory_space<hbm>> -> memref<1x200x64xf32, #tpu.memory_space<hbm>>
    %dma_wait3A_894 = tpu.memref_squeeze %dma_wait3A_893 : memref<1x200x64xf32, #tpu.memory_space<hbm>> -> memref<200x64xf32, #tpu.memory_space<hbm>>
    %dma_wait3A_895 = arith.constant 0 : i32
    %dma_wait3A_896 = arith.constant 0 : i32
    %dma_wait3A_897 = tpu.memref_slice %arg5[%add3A_825, %dma_wait3A_895, %dma_wait3A_896] : memref<1024x200x64xf32, #tpu.memory_space<hbm>> -> memref<1x200x64xf32, #tpu.memory_space<hbm>>
    %dma_wait3A_898 = tpu.memref_squeeze %dma_wait3A_897 : memref<1x200x64xf32, #tpu.memory_space<hbm>> -> memref<200x64xf32, #tpu.memory_space<hbm>>
    %dma_wait3A_899 = arith.constant 0 : i32
    %dma_wait3A_900 = arith.constant 0 : i32
    %dma_wait3A_901 = tpu.memref_slice %arg8[%dma_wait3A_899, %dma_wait3A_900] : memref<800x64xf32, #tpu.memory_space<vmem>> -> memref<200x64xf32, #tpu.memory_space<vmem>>
    tpu.wait_dma2 semaphore(%arg12 : memref<!tpu.dma_semaphore, #tpu.memory_space<semaphore_mem>>) src(%dma_wait3A_901 : memref<200x64xf32, #tpu.memory_space<vmem>>) dst(%dma_wait3A_898 : memref<200x64xf32, #tpu.memory_space<hbm>>)
    %dma_wait3A_902 = arith.constant 200 : i32
    %dma_wait3A_903 = arith.constant 0 : i32
    %dma_wait3A_904 = tpu.memref_slice %arg8[%dma_wait3A_902, %dma_wait3A_903] : memref<800x64xf32, #tpu.memory_space<vmem>> -> memref<200x64xf32, #tpu.memory_space<vmem>>
    %dma_wait3A_905 = arith.constant 0 : i32
    %dma_wait3A_906 = arith.constant 0 : i32
    %dma_wait3A_907 = tpu.memref_slice %arg5[%add3A_841, %dma_wait3A_905, %dma_wait3A_906] : memref<1024x200x64xf32, #tpu.memory_space<hbm>> -> memref<1x200x64xf32, #tpu.memory_space<hbm>>
    %dma_wait3A_908 = tpu.memref_squeeze %dma_wait3A_907 : memref<1x200x64xf32, #tpu.memory_space<hbm>> -> memref<200x64xf32, #tpu.memory_space<hbm>>
    %dma_wait3A_909 = arith.constant 0 : i32
    %dma_wait3A_910 = arith.constant 0 : i32
    %dma_wait3A_911 = tpu.memref_slice %arg5[%add3A_841, %dma_wait3A_909, %dma_wait3A_910] : memref<1024x200x64xf32, #tpu.memory_space<hbm>> -> memref<1x200x64xf32, #tpu.memory_space<hbm>>
    %dma_wait3A_912 = tpu.memref_squeeze %dma_wait3A_911 : memref<1x200x64xf32, #tpu.memory_space<hbm>> -> memref<200x64xf32, #tpu.memory_space<hbm>>
    %dma_wait3A_913 = arith.constant 200 : i32
    %dma_wait3A_914 = arith.constant 0 : i32
    %dma_wait3A_915 = tpu.memref_slice %arg8[%dma_wait3A_913, %dma_wait3A_914] : memref<800x64xf32, #tpu.memory_space<vmem>> -> memref<200x64xf32, #tpu.memory_space<vmem>>
    tpu.wait_dma2 semaphore(%arg12 : memref<!tpu.dma_semaphore, #tpu.memory_space<semaphore_mem>>) src(%dma_wait3A_915 : memref<200x64xf32, #tpu.memory_space<vmem>>) dst(%dma_wait3A_912 : memref<200x64xf32, #tpu.memory_space<hbm>>)
    %dma_wait3A_916 = arith.constant 400 : i32
    %dma_wait3A_917 = arith.constant 0 : i32
    %dma_wait3A_918 = tpu.memref_slice %arg8[%dma_wait3A_916, %dma_wait3A_917] : memref<800x64xf32, #tpu.memory_space<vmem>> -> memref<200x64xf32, #tpu.memory_space<vmem>>
    %dma_wait3A_919 = arith.constant 0 : i32
    %dma_wait3A_920 = arith.constant 0 : i32
    %dma_wait3A_921 = tpu.memref_slice %arg5[%add3A_857, %dma_wait3A_919, %dma_wait3A_920] : memref<1024x200x64xf32, #tpu.memory_space<hbm>> -> memref<1x200x64xf32, #tpu.memory_space<hbm>>
    %dma_wait3A_922 = tpu.memref_squeeze %dma_wait3A_921 : memref<1x200x64xf32, #tpu.memory_space<hbm>> -> memref<200x64xf32, #tpu.memory_space<hbm>>
    %dma_wait3A_923 = arith.constant 0 : i32
    %dma_wait3A_924 = arith.constant 0 : i32
    %dma_wait3A_925 = tpu.memref_slice %arg5[%add3A_857, %dma_wait3A_923, %dma_wait3A_924] : memref<1024x200x64xf32, #tpu.memory_space<hbm>> -> memref<1x200x64xf32, #tpu.memory_space<hbm>>
    %dma_wait3A_926 = tpu.memref_squeeze %dma_wait3A_925 : memref<1x200x64xf32, #tpu.memory_space<hbm>> -> memref<200x64xf32, #tpu.memory_space<hbm>>
    %dma_wait3A_927 = arith.constant 400 : i32
    %dma_wait3A_928 = arith.constant 0 : i32
    %dma_wait3A_929 = tpu.memref_slice %arg8[%dma_wait3A_927, %dma_wait3A_928] : memref<800x64xf32, #tpu.memory_space<vmem>> -> memref<200x64xf32, #tpu.memory_space<vmem>>
    tpu.wait_dma2 semaphore(%arg12 : memref<!tpu.dma_semaphore, #tpu.memory_space<semaphore_mem>>) src(%dma_wait3A_929 : memref<200x64xf32, #tpu.memory_space<vmem>>) dst(%dma_wait3A_926 : memref<200x64xf32, #tpu.memory_space<hbm>>)
    %dma_wait3A_930 = arith.constant 600 : i32
    %dma_wait3A_931 = arith.constant 0 : i32
    %dma_wait3A_932 = tpu.memref_slice %arg8[%dma_wait3A_930, %dma_wait3A_931] : memref<800x64xf32, #tpu.memory_space<vmem>> -> memref<200x64xf32, #tpu.memory_space<vmem>>
    %dma_wait3A_933 = arith.constant 0 : i32
    %dma_wait3A_934 = arith.constant 0 : i32
    %dma_wait3A_935 = tpu.memref_slice %arg5[%add3A_873, %dma_wait3A_933, %dma_wait3A_934] : memref<1024x200x64xf32, #tpu.memory_space<hbm>> -> memref<1x200x64xf32, #tpu.memory_space<hbm>>
    %dma_wait3A_936 = tpu.memref_squeeze %dma_wait3A_935 : memref<1x200x64xf32, #tpu.memory_space<hbm>> -> memref<200x64xf32, #tpu.memory_space<hbm>>
    %dma_wait3A_937 = arith.constant 0 : i32
    %dma_wait3A_938 = arith.constant 0 : i32
    %dma_wait3A_939 = tpu.memref_slice %arg5[%add3A_873, %dma_wait3A_937, %dma_wait3A_938] : memref<1024x200x64xf32, #tpu.memory_space<hbm>> -> memref<1x200x64xf32, #tpu.memory_space<hbm>>
    %dma_wait3A_940 = tpu.memref_squeeze %dma_wait3A_939 : memref<1x200x64xf32, #tpu.memory_space<hbm>> -> memref<200x64xf32, #tpu.memory_space<hbm>>
    %dma_wait3A_941 = arith.constant 600 : i32
    %dma_wait3A_942 = arith.constant 0 : i32
    %dma_wait3A_943 = tpu.memref_slice %arg8[%dma_wait3A_941, %dma_wait3A_942] : memref<800x64xf32, #tpu.memory_space<vmem>> -> memref<200x64xf32, #tpu.memory_space<vmem>>
    tpu.wait_dma2 semaphore(%arg12 : memref<!tpu.dma_semaphore, #tpu.memory_space<semaphore_mem>>) src(%dma_wait3A_943 : memref<200x64xf32, #tpu.memory_space<vmem>>) dst(%dma_wait3A_940 : memref<200x64xf32, #tpu.memory_space<hbm>>)
    %dma_start3A_944 = arith.constant 0 : i32
    %dma_start3A_945 = arith.constant 0 : i32
    %dma_start3A_946 = tpu.memref_slice %arg8[%dma_start3A_944, %dma_start3A_945] : memref<800x64xf32, #tpu.memory_space<vmem>> -> memref<80x64xf32, #tpu.memory_space<vmem>>
    %dma_start3A_947 = arith.constant 3200 : i32
    %dma_start3A_948 = tpu.memref_slice %arg6[%dma_start3A_947] : memref<6400xi32, #tpu.memory_space<vmem>> -> memref<80xi32, #tpu.memory_space<vmem>>
    %dma_start3A_949 = arith.constant 0 : i32
    %dma_start3A_950 = arith.constant 0 : i32
    %dma_start3A_951 = tpu.memref_slice %arg3[%dma_start3A_949, %dma_start3A_950] : memref<1000000x64xf32, #tpu.memory_space<hbm>> -> memref<1000000x64xf32, #tpu.memory_space<hbm>>
    tpu.enqueue_indirect_dma source(%dma_start3A_951 : memref<1000000x64xf32, #tpu.memory_space<hbm>>) target(%dma_start3A_946 : memref<80x64xf32, #tpu.memory_space<vmem>>) offsets(%dma_start3A_948 : memref<80xi32, #tpu.memory_space<vmem>>) semaphore(%arg10 : memref<!tpu.dma_semaphore, #tpu.memory_space<semaphore_mem>>)
    %dma_start3A_952 = arith.constant 80 : i32
    %dma_start3A_953 = arith.constant 0 : i32
    %dma_start3A_954 = tpu.memref_slice %arg8[%dma_start3A_952, %dma_start3A_953] : memref<800x64xf32, #tpu.memory_space<vmem>> -> memref<80x64xf32, #tpu.memory_space<vmem>>
    %dma_start3A_955 = arith.constant 3280 : i32
    %dma_start3A_956 = tpu.memref_slice %arg6[%dma_start3A_955] : memref<6400xi32, #tpu.memory_space<vmem>> -> memref<80xi32, #tpu.memory_space<vmem>>
    %dma_start3A_957 = arith.constant 0 : i32
    %dma_start3A_958 = arith.constant 0 : i32
    %dma_start3A_959 = tpu.memref_slice %arg3[%dma_start3A_957, %dma_start3A_958] : memref<1000000x64xf32, #tpu.memory_space<hbm>> -> memref<1000000x64xf32, #tpu.memory_space<hbm>>
    tpu.enqueue_indirect_dma source(%dma_start3A_959 : memref<1000000x64xf32, #tpu.memory_space<hbm>>) target(%dma_start3A_954 : memref<80x64xf32, #tpu.memory_space<vmem>>) offsets(%dma_start3A_956 : memref<80xi32, #tpu.memory_space<vmem>>) semaphore(%arg10 : memref<!tpu.dma_semaphore, #tpu.memory_space<semaphore_mem>>)
    %dma_start3A_960 = arith.constant 160 : i32
    %dma_start3A_961 = arith.constant 0 : i32
    %dma_start3A_962 = tpu.memref_slice %arg8[%dma_start3A_960, %dma_start3A_961] : memref<800x64xf32, #tpu.memory_space<vmem>> -> memref<80x64xf32, #tpu.memory_space<vmem>>
    %dma_start3A_963 = arith.constant 3360 : i32
    %dma_start3A_964 = tpu.memref_slice %arg6[%dma_start3A_963] : memref<6400xi32, #tpu.memory_space<vmem>> -> memref<80xi32, #tpu.memory_space<vmem>>
    %dma_start3A_965 = arith.constant 0 : i32
    %dma_start3A_966 = arith.constant 0 : i32
    %dma_start3A_967 = tpu.memref_slice %arg3[%dma_start3A_965, %dma_start3A_966] : memref<1000000x64xf32, #tpu.memory_space<hbm>> -> memref<1000000x64xf32, #tpu.memory_space<hbm>>
    tpu.enqueue_indirect_dma source(%dma_start3A_967 : memref<1000000x64xf32, #tpu.memory_space<hbm>>) target(%dma_start3A_962 : memref<80x64xf32, #tpu.memory_space<vmem>>) offsets(%dma_start3A_964 : memref<80xi32, #tpu.memory_space<vmem>>) semaphore(%arg10 : memref<!tpu.dma_semaphore, #tpu.memory_space<semaphore_mem>>)
    %dma_start3A_968 = arith.constant 240 : i32
    %dma_start3A_969 = arith.constant 0 : i32
    %dma_start3A_970 = tpu.memref_slice %arg8[%dma_start3A_968, %dma_start3A_969] : memref<800x64xf32, #tpu.memory_space<vmem>> -> memref<80x64xf32, #tpu.memory_space<vmem>>
    %dma_start3A_971 = arith.constant 3440 : i32
    %dma_start3A_972 = tpu.memref_slice %arg6[%dma_start3A_971] : memref<6400xi32, #tpu.memory_space<vmem>> -> memref<80xi32, #tpu.memory_space<vmem>>
    %dma_start3A_973 = arith.constant 0 : i32
    %dma_start3A_974 = arith.constant 0 : i32
    %dma_start3A_975 = tpu.memref_slice %arg3[%dma_start3A_973, %dma_start3A_974] : memref<1000000x64xf32, #tpu.memory_space<hbm>> -> memref<1000000x64xf32, #tpu.memory_space<hbm>>
    tpu.enqueue_indirect_dma source(%dma_start3A_975 : memref<1000000x64xf32, #tpu.memory_space<hbm>>) target(%dma_start3A_970 : memref<80x64xf32, #tpu.memory_space<vmem>>) offsets(%dma_start3A_972 : memref<80xi32, #tpu.memory_space<vmem>>) semaphore(%arg10 : memref<!tpu.dma_semaphore, #tpu.memory_space<semaphore_mem>>)
    %dma_start3A_976 = arith.constant 320 : i32
    %dma_start3A_977 = arith.constant 0 : i32
    %dma_start3A_978 = tpu.memref_slice %arg8[%dma_start3A_976, %dma_start3A_977] : memref<800x64xf32, #tpu.memory_space<vmem>> -> memref<80x64xf32, #tpu.memory_space<vmem>>
    %dma_start3A_979 = arith.constant 3520 : i32
    %dma_start3A_980 = tpu.memref_slice %arg6[%dma_start3A_979] : memref<6400xi32, #tpu.memory_space<vmem>> -> memref<80xi32, #tpu.memory_space<vmem>>
    %dma_start3A_981 = arith.constant 0 : i32
    %dma_start3A_982 = arith.constant 0 : i32
    %dma_start3A_983 = tpu.memref_slice %arg3[%dma_start3A_981, %dma_start3A_982] : memref<1000000x64xf32, #tpu.memory_space<hbm>> -> memref<1000000x64xf32, #tpu.memory_space<hbm>>
    tpu.enqueue_indirect_dma source(%dma_start3A_983 : memref<1000000x64xf32, #tpu.memory_space<hbm>>) target(%dma_start3A_978 : memref<80x64xf32, #tpu.memory_space<vmem>>) offsets(%dma_start3A_980 : memref<80xi32, #tpu.memory_space<vmem>>) semaphore(%arg10 : memref<!tpu.dma_semaphore, #tpu.memory_space<semaphore_mem>>)
    %dma_start3A_984 = arith.constant 400 : i32
    %dma_start3A_985 = arith.constant 0 : i32
    %dma_start3A_986 = tpu.memref_slice %arg8[%dma_start3A_984, %dma_start3A_985] : memref<800x64xf32, #tpu.memory_space<vmem>> -> memref<80x64xf32, #tpu.memory_space<vmem>>
    %dma_start3A_987 = arith.constant 3600 : i32
    %dma_start3A_988 = tpu.memref_slice %arg6[%dma_start3A_987] : memref<6400xi32, #tpu.memory_space<vmem>> -> memref<80xi32, #tpu.memory_space<vmem>>
    %dma_start3A_989 = arith.constant 0 : i32
    %dma_start3A_990 = arith.constant 0 : i32
    %dma_start3A_991 = tpu.memref_slice %arg3[%dma_start3A_989, %dma_start3A_990] : memref<1000000x64xf32, #tpu.memory_space<hbm>> -> memref<1000000x64xf32, #tpu.memory_space<hbm>>
    tpu.enqueue_indirect_dma source(%dma_start3A_991 : memref<1000000x64xf32, #tpu.memory_space<hbm>>) target(%dma_start3A_986 : memref<80x64xf32, #tpu.memory_space<vmem>>) offsets(%dma_start3A_988 : memref<80xi32, #tpu.memory_space<vmem>>) semaphore(%arg10 : memref<!tpu.dma_semaphore, #tpu.memory_space<semaphore_mem>>)
    %dma_start3A_992 = arith.constant 480 : i32
    %dma_start3A_993 = arith.constant 0 : i32
    %dma_start3A_994 = tpu.memref_slice %arg8[%dma_start3A_992, %dma_start3A_993] : memref<800x64xf32, #tpu.memory_space<vmem>> -> memref<80x64xf32, #tpu.memory_space<vmem>>
    %dma_start3A_995 = arith.constant 3680 : i32
    %dma_start3A_996 = tpu.memref_slice %arg6[%dma_start3A_995] : memref<6400xi32, #tpu.memory_space<vmem>> -> memref<80xi32, #tpu.memory_space<vmem>>
    %dma_start3A_997 = arith.constant 0 : i32
    %dma_start3A_998 = arith.constant 0 : i32
    %dma_start3A_999 = tpu.memref_slice %arg3[%dma_start3A_997, %dma_start3A_998] : memref<1000000x64xf32, #tpu.memory_space<hbm>> -> memref<1000000x64xf32, #tpu.memory_space<hbm>>
    tpu.enqueue_indirect_dma source(%dma_start3A_999 : memref<1000000x64xf32, #tpu.memory_space<hbm>>) target(%dma_start3A_994 : memref<80x64xf32, #tpu.memory_space<vmem>>) offsets(%dma_start3A_996 : memref<80xi32, #tpu.memory_space<vmem>>) semaphore(%arg10 : memref<!tpu.dma_semaphore, #tpu.memory_space<semaphore_mem>>)
    %dma_start3A_1000 = arith.constant 560 : i32
    %dma_start3A_1001 = arith.constant 0 : i32
    %dma_start3A_1002 = tpu.memref_slice %arg8[%dma_start3A_1000, %dma_start3A_1001] : memref<800x64xf32, #tpu.memory_space<vmem>> -> memref<80x64xf32, #tpu.memory_space<vmem>>
    %dma_start3A_1003 = arith.constant 3760 : i32
    %dma_start3A_1004 = tpu.memref_slice %arg6[%dma_start3A_1003] : memref<6400xi32, #tpu.memory_space<vmem>> -> memref<80xi32, #tpu.memory_space<vmem>>
    %dma_start3A_1005 = arith.constant 0 : i32
    %dma_start3A_1006 = arith.constant 0 : i32
    %dma_start3A_1007 = tpu.memref_slice %arg3[%dma_start3A_1005, %dma_start3A_1006] : memref<1000000x64xf32, #tpu.memory_space<hbm>> -> memref<1000000x64xf32, #tpu.memory_space<hbm>>
    tpu.enqueue_indirect_dma source(%dma_start3A_1007 : memref<1000000x64xf32, #tpu.memory_space<hbm>>) target(%dma_start3A_1002 : memref<80x64xf32, #tpu.memory_space<vmem>>) offsets(%dma_start3A_1004 : memref<80xi32, #tpu.memory_space<vmem>>) semaphore(%arg10 : memref<!tpu.dma_semaphore, #tpu.memory_space<semaphore_mem>>)
    %dma_start3A_1008 = arith.constant 640 : i32
    %dma_start3A_1009 = arith.constant 0 : i32
    %dma_start3A_1010 = tpu.memref_slice %arg8[%dma_start3A_1008, %dma_start3A_1009] : memref<800x64xf32, #tpu.memory_space<vmem>> -> memref<80x64xf32, #tpu.memory_space<vmem>>
    %dma_start3A_1011 = arith.constant 3840 : i32
    %dma_start3A_1012 = tpu.memref_slice %arg6[%dma_start3A_1011] : memref<6400xi32, #tpu.memory_space<vmem>> -> memref<80xi32, #tpu.memory_space<vmem>>
    %dma_start3A_1013 = arith.constant 0 : i32
    %dma_start3A_1014 = arith.constant 0 : i32
    %dma_start3A_1015 = tpu.memref_slice %arg3[%dma_start3A_1013, %dma_start3A_1014] : memref<1000000x64xf32, #tpu.memory_space<hbm>> -> memref<1000000x64xf32, #tpu.memory_space<hbm>>
    tpu.enqueue_indirect_dma source(%dma_start3A_1015 : memref<1000000x64xf32, #tpu.memory_space<hbm>>) target(%dma_start3A_1010 : memref<80x64xf32, #tpu.memory_space<vmem>>) offsets(%dma_start3A_1012 : memref<80xi32, #tpu.memory_space<vmem>>) semaphore(%arg10 : memref<!tpu.dma_semaphore, #tpu.memory_space<semaphore_mem>>)
    %dma_start3A_1016 = arith.constant 720 : i32
    %dma_start3A_1017 = arith.constant 0 : i32
    %dma_start3A_1018 = tpu.memref_slice %arg8[%dma_start3A_1016, %dma_start3A_1017] : memref<800x64xf32, #tpu.memory_space<vmem>> -> memref<80x64xf32, #tpu.memory_space<vmem>>
    %dma_start3A_1019 = arith.constant 3920 : i32
    %dma_start3A_1020 = tpu.memref_slice %arg6[%dma_start3A_1019] : memref<6400xi32, #tpu.memory_space<vmem>> -> memref<80xi32, #tpu.memory_space<vmem>>
    %dma_start3A_1021 = arith.constant 0 : i32
    %dma_start3A_1022 = arith.constant 0 : i32
    %dma_start3A_1023 = tpu.memref_slice %arg3[%dma_start3A_1021, %dma_start3A_1022] : memref<1000000x64xf32, #tpu.memory_space<hbm>> -> memref<1000000x64xf32, #tpu.memory_space<hbm>>
    tpu.enqueue_indirect_dma source(%dma_start3A_1023 : memref<1000000x64xf32, #tpu.memory_space<hbm>>) target(%dma_start3A_1018 : memref<80x64xf32, #tpu.memory_space<vmem>>) offsets(%dma_start3A_1020 : memref<80xi32, #tpu.memory_space<vmem>>) semaphore(%arg10 : memref<!tpu.dma_semaphore, #tpu.memory_space<semaphore_mem>>)
    %dma_wait3A_1024 = arith.constant 0 : i32
    %dma_wait3A_1025 = arith.constant 0 : i32
    %dma_wait3A_1026 = tpu.memref_slice %arg9[%dma_wait3A_1024, %dma_wait3A_1025] : memref<800x64xf32, #tpu.memory_space<vmem>> -> memref<80x64xf32, #tpu.memory_space<vmem>>
    %dma_wait3A_1027 = arith.constant 2400 : i32
    %dma_wait3A_1028 = tpu.memref_slice %arg6[%dma_wait3A_1027] : memref<6400xi32, #tpu.memory_space<vmem>> -> memref<80xi32, #tpu.memory_space<vmem>>
    %dma_wait3A_1029 = arith.constant 0 : i32
    %dma_wait3A_1030 = arith.constant 0 : i32
    %dma_wait3A_1031 = tpu.memref_slice %arg3[%dma_wait3A_1029, %dma_wait3A_1030] : memref<1000000x64xf32, #tpu.memory_space<hbm>> -> memref<1000000x64xf32, #tpu.memory_space<hbm>>
    tpu.wait_indirect_dma semaphore(%arg11 : memref<!tpu.dma_semaphore, #tpu.memory_space<semaphore_mem>>) src(%dma_wait3A_1031 : memref<1000000x64xf32, #tpu.memory_space<hbm>>) dst(%dma_wait3A_1026 : memref<80x64xf32, #tpu.memory_space<vmem>>)
    %dma_wait3A_1032 = arith.constant 80 : i32
    %dma_wait3A_1033 = arith.constant 0 : i32
    %dma_wait3A_1034 = tpu.memref_slice %arg9[%dma_wait3A_1032, %dma_wait3A_1033] : memref<800x64xf32, #tpu.memory_space<vmem>> -> memref<80x64xf32, #tpu.memory_space<vmem>>
    %dma_wait3A_1035 = arith.constant 2480 : i32
    %dma_wait3A_1036 = tpu.memref_slice %arg6[%dma_wait3A_1035] : memref<6400xi32, #tpu.memory_space<vmem>> -> memref<80xi32, #tpu.memory_space<vmem>>
    %dma_wait3A_1037 = arith.constant 0 : i32
    %dma_wait3A_1038 = arith.constant 0 : i32
    %dma_wait3A_1039 = tpu.memref_slice %arg3[%dma_wait3A_1037, %dma_wait3A_1038] : memref<1000000x64xf32, #tpu.memory_space<hbm>> -> memref<1000000x64xf32, #tpu.memory_space<hbm>>
    tpu.wait_indirect_dma semaphore(%arg11 : memref<!tpu.dma_semaphore, #tpu.memory_space<semaphore_mem>>) src(%dma_wait3A_1039 : memref<1000000x64xf32, #tpu.memory_space<hbm>>) dst(%dma_wait3A_1034 : memref<80x64xf32, #tpu.memory_space<vmem>>)
    %dma_wait3A_1040 = arith.constant 160 : i32
    %dma_wait3A_1041 = arith.constant 0 : i32
    %dma_wait3A_1042 = tpu.memref_slice %arg9[%dma_wait3A_1040, %dma_wait3A_1041] : memref<800x64xf32, #tpu.memory_space<vmem>> -> memref<80x64xf32, #tpu.memory_space<vmem>>
    %dma_wait3A_1043 = arith.constant 2560 : i32
    %dma_wait3A_1044 = tpu.memref_slice %arg6[%dma_wait3A_1043] : memref<6400xi32, #tpu.memory_space<vmem>> -> memref<80xi32, #tpu.memory_space<vmem>>
    %dma_wait3A_1045 = arith.constant 0 : i32
    %dma_wait3A_1046 = arith.constant 0 : i32
    %dma_wait3A_1047 = tpu.memref_slice %arg3[%dma_wait3A_1045, %dma_wait3A_1046] : memref<1000000x64xf32, #tpu.memory_space<hbm>> -> memref<1000000x64xf32, #tpu.memory_space<hbm>>
    tpu.wait_indirect_dma semaphore(%arg11 : memref<!tpu.dma_semaphore, #tpu.memory_space<semaphore_mem>>) src(%dma_wait3A_1047 : memref<1000000x64xf32, #tpu.memory_space<hbm>>) dst(%dma_wait3A_1042 : memref<80x64xf32, #tpu.memory_space<vmem>>)
    %dma_wait3A_1048 = arith.constant 240 : i32
    %dma_wait3A_1049 = arith.constant 0 : i32
    %dma_wait3A_1050 = tpu.memref_slice %arg9[%dma_wait3A_1048, %dma_wait3A_1049] : memref<800x64xf32, #tpu.memory_space<vmem>> -> memref<80x64xf32, #tpu.memory_space<vmem>>
    %dma_wait3A_1051 = arith.constant 2640 : i32
    %dma_wait3A_1052 = tpu.memref_slice %arg6[%dma_wait3A_1051] : memref<6400xi32, #tpu.memory_space<vmem>> -> memref<80xi32, #tpu.memory_space<vmem>>
    %dma_wait3A_1053 = arith.constant 0 : i32
    %dma_wait3A_1054 = arith.constant 0 : i32
    %dma_wait3A_1055 = tpu.memref_slice %arg3[%dma_wait3A_1053, %dma_wait3A_1054] : memref<1000000x64xf32, #tpu.memory_space<hbm>> -> memref<1000000x64xf32, #tpu.memory_space<hbm>>
    tpu.wait_indirect_dma semaphore(%arg11 : memref<!tpu.dma_semaphore, #tpu.memory_space<semaphore_mem>>) src(%dma_wait3A_1055 : memref<1000000x64xf32, #tpu.memory_space<hbm>>) dst(%dma_wait3A_1050 : memref<80x64xf32, #tpu.memory_space<vmem>>)
    %dma_wait3A_1056 = arith.constant 320 : i32
    %dma_wait3A_1057 = arith.constant 0 : i32
    %dma_wait3A_1058 = tpu.memref_slice %arg9[%dma_wait3A_1056, %dma_wait3A_1057] : memref<800x64xf32, #tpu.memory_space<vmem>> -> memref<80x64xf32, #tpu.memory_space<vmem>>
    %dma_wait3A_1059 = arith.constant 2720 : i32
    %dma_wait3A_1060 = tpu.memref_slice %arg6[%dma_wait3A_1059] : memref<6400xi32, #tpu.memory_space<vmem>> -> memref<80xi32, #tpu.memory_space<vmem>>
    %dma_wait3A_1061 = arith.constant 0 : i32
    %dma_wait3A_1062 = arith.constant 0 : i32
    %dma_wait3A_1063 = tpu.memref_slice %arg3[%dma_wait3A_1061, %dma_wait3A_1062] : memref<1000000x64xf32, #tpu.memory_space<hbm>> -> memref<1000000x64xf32, #tpu.memory_space<hbm>>
    tpu.wait_indirect_dma semaphore(%arg11 : memref<!tpu.dma_semaphore, #tpu.memory_space<semaphore_mem>>) src(%dma_wait3A_1063 : memref<1000000x64xf32, #tpu.memory_space<hbm>>) dst(%dma_wait3A_1058 : memref<80x64xf32, #tpu.memory_space<vmem>>)
    %dma_wait3A_1064 = arith.constant 400 : i32
    %dma_wait3A_1065 = arith.constant 0 : i32
    %dma_wait3A_1066 = tpu.memref_slice %arg9[%dma_wait3A_1064, %dma_wait3A_1065] : memref<800x64xf32, #tpu.memory_space<vmem>> -> memref<80x64xf32, #tpu.memory_space<vmem>>
    %dma_wait3A_1067 = arith.constant 2800 : i32
    %dma_wait3A_1068 = tpu.memref_slice %arg6[%dma_wait3A_1067] : memref<6400xi32, #tpu.memory_space<vmem>> -> memref<80xi32, #tpu.memory_space<vmem>>
    %dma_wait3A_1069 = arith.constant 0 : i32
    %dma_wait3A_1070 = arith.constant 0 : i32
    %dma_wait3A_1071 = tpu.memref_slice %arg3[%dma_wait3A_1069, %dma_wait3A_1070] : memref<1000000x64xf32, #tpu.memory_space<hbm>> -> memref<1000000x64xf32, #tpu.memory_space<hbm>>
    tpu.wait_indirect_dma semaphore(%arg11 : memref<!tpu.dma_semaphore, #tpu.memory_space<semaphore_mem>>) src(%dma_wait3A_1071 : memref<1000000x64xf32, #tpu.memory_space<hbm>>) dst(%dma_wait3A_1066 : memref<80x64xf32, #tpu.memory_space<vmem>>)
    %dma_wait3A_1072 = arith.constant 480 : i32
    %dma_wait3A_1073 = arith.constant 0 : i32
    %dma_wait3A_1074 = tpu.memref_slice %arg9[%dma_wait3A_1072, %dma_wait3A_1073] : memref<800x64xf32, #tpu.memory_space<vmem>> -> memref<80x64xf32, #tpu.memory_space<vmem>>
    %dma_wait3A_1075 = arith.constant 2880 : i32
    %dma_wait3A_1076 = tpu.memref_slice %arg6[%dma_wait3A_1075] : memref<6400xi32, #tpu.memory_space<vmem>> -> memref<80xi32, #tpu.memory_space<vmem>>
    %dma_wait3A_1077 = arith.constant 0 : i32
    %dma_wait3A_1078 = arith.constant 0 : i32
    %dma_wait3A_1079 = tpu.memref_slice %arg3[%dma_wait3A_1077, %dma_wait3A_1078] : memref<1000000x64xf32, #tpu.memory_space<hbm>> -> memref<1000000x64xf32, #tpu.memory_space<hbm>>
    tpu.wait_indirect_dma semaphore(%arg11 : memref<!tpu.dma_semaphore, #tpu.memory_space<semaphore_mem>>) src(%dma_wait3A_1079 : memref<1000000x64xf32, #tpu.memory_space<hbm>>) dst(%dma_wait3A_1074 : memref<80x64xf32, #tpu.memory_space<vmem>>)
    %dma_wait3A_1080 = arith.constant 560 : i32
    %dma_wait3A_1081 = arith.constant 0 : i32
    %dma_wait3A_1082 = tpu.memref_slice %arg9[%dma_wait3A_1080, %dma_wait3A_1081] : memref<800x64xf32, #tpu.memory_space<vmem>> -> memref<80x64xf32, #tpu.memory_space<vmem>>
    %dma_wait3A_1083 = arith.constant 2960 : i32
    %dma_wait3A_1084 = tpu.memref_slice %arg6[%dma_wait3A_1083] : memref<6400xi32, #tpu.memory_space<vmem>> -> memref<80xi32, #tpu.memory_space<vmem>>
    %dma_wait3A_1085 = arith.constant 0 : i32
    %dma_wait3A_1086 = arith.constant 0 : i32
    %dma_wait3A_1087 = tpu.memref_slice %arg3[%dma_wait3A_1085, %dma_wait3A_1086] : memref<1000000x64xf32, #tpu.memory_space<hbm>> -> memref<1000000x64xf32, #tpu.memory_space<hbm>>
    tpu.wait_indirect_dma semaphore(%arg11 : memref<!tpu.dma_semaphore, #tpu.memory_space<semaphore_mem>>) src(%dma_wait3A_1087 : memref<1000000x64xf32, #tpu.memory_space<hbm>>) dst(%dma_wait3A_1082 : memref<80x64xf32, #tpu.memory_space<vmem>>)
    %dma_wait3A_1088 = arith.constant 640 : i32
    %dma_wait3A_1089 = arith.constant 0 : i32
    %dma_wait3A_1090 = tpu.memref_slice %arg9[%dma_wait3A_1088, %dma_wait3A_1089] : memref<800x64xf32, #tpu.memory_space<vmem>> -> memref<80x64xf32, #tpu.memory_space<vmem>>
    %dma_wait3A_1091 = arith.constant 3040 : i32
    %dma_wait3A_1092 = tpu.memref_slice %arg6[%dma_wait3A_1091] : memref<6400xi32, #tpu.memory_space<vmem>> -> memref<80xi32, #tpu.memory_space<vmem>>
    %dma_wait3A_1093 = arith.constant 0 : i32
    %dma_wait3A_1094 = arith.constant 0 : i32
    %dma_wait3A_1095 = tpu.memref_slice %arg3[%dma_wait3A_1093, %dma_wait3A_1094] : memref<1000000x64xf32, #tpu.memory_space<hbm>> -> memref<1000000x64xf32, #tpu.memory_space<hbm>>
    tpu.wait_indirect_dma semaphore(%arg11 : memref<!tpu.dma_semaphore, #tpu.memory_space<semaphore_mem>>) src(%dma_wait3A_1095 : memref<1000000x64xf32, #tpu.memory_space<hbm>>) dst(%dma_wait3A_1090 : memref<80x64xf32, #tpu.memory_space<vmem>>)
    %dma_wait3A_1096 = arith.constant 720 : i32
    %dma_wait3A_1097 = arith.constant 0 : i32
    %dma_wait3A_1098 = tpu.memref_slice %arg9[%dma_wait3A_1096, %dma_wait3A_1097] : memref<800x64xf32, #tpu.memory_space<vmem>> -> memref<80x64xf32, #tpu.memory_space<vmem>>
    %dma_wait3A_1099 = arith.constant 3120 : i32
    %dma_wait3A_1100 = tpu.memref_slice %arg6[%dma_wait3A_1099] : memref<6400xi32, #tpu.memory_space<vmem>> -> memref<80xi32, #tpu.memory_space<vmem>>
    %dma_wait3A_1101 = arith.constant 0 : i32
    %dma_wait3A_1102 = arith.constant 0 : i32
    %dma_wait3A_1103 = tpu.memref_slice %arg3[%dma_wait3A_1101, %dma_wait3A_1102] : memref<1000000x64xf32, #tpu.memory_space<hbm>> -> memref<1000000x64xf32, #tpu.memory_space<hbm>>
    tpu.wait_indirect_dma semaphore(%arg11 : memref<!tpu.dma_semaphore, #tpu.memory_space<semaphore_mem>>) src(%dma_wait3A_1103 : memref<1000000x64xf32, #tpu.memory_space<hbm>>) dst(%dma_wait3A_1098 : memref<80x64xf32, #tpu.memory_space<vmem>>)
    %scan3A_1104 = arith.constant 0 : i32
    %scan3A_1105 = arith.constant 200 : i32
    %scan3A_1106 = arith.addi %scan3A_1104, %scan3A_1105 : i32
    %scan3A_1107 = arith.constant 1 : i32
    scf.for %scan3A_2299 = %scan3A_1104 to %scan3A_1106 step %scan3A_1107  : i32 {
      %get3A = arith.index_cast %scan3A_2299 : i32 to index
      %get3A_2300 = arith.constant 0 : index
      %get3A_2301 = tpu.vector_load %arg7[%get3A, %get3A_2300] {strides = array<i32>} : memref<200x64xf32, #tpu.memory_space<vmem>>, vector<1x16xf32>,
      %get3A_2302 = vector.shape_cast %get3A_2301 : vector<1x16xf32> to vector<16xf32>
      %get3A_2303 = arith.index_cast %scan3A_2299 : i32 to index
      %get3A_2304 = arith.constant 16 : index
      %get3A_2305 = tpu.vector_load %arg7[%get3A_2303, %get3A_2304] {strides = array<i32>} : memref<200x64xf32, #tpu.memory_space<vmem>>, vector<1x16xf32>,
      %get3A_2306 = vector.shape_cast %get3A_2305 : vector<1x16xf32> to vector<16xf32>
      %get3A_2307 = arith.index_cast %scan3A_2299 : i32 to index
      %get3A_2308 = arith.constant 32 : index
      %get3A_2309 = tpu.vector_load %arg7[%get3A_2307, %get3A_2308] {strides = array<i32>} : memref<200x64xf32, #tpu.memory_space<vmem>>, vector<1x16xf32>,
      %get3A_2310 = vector.shape_cast %get3A_2309 : vector<1x16xf32> to vector<16xf32>
      %get3A_2311 = arith.index_cast %scan3A_2299 : i32 to index
      %get3A_2312 = arith.constant 48 : index
      %get3A_2313 = tpu.vector_load %arg7[%get3A_2311, %get3A_2312] {strides = array<i32>} : memref<200x64xf32, #tpu.memory_space<vmem>>, vector<1x16xf32>,
      %get3A_2314 = vector.shape_cast %get3A_2313 : vector<1x16xf32> to vector<16xf32>
      %add3A_2315 = arith.constant 0 : i32
      %add3A_2316 = arith.addi %add3A_2315, %scan3A_2299 : i32
      %swap3A = arith.index_cast %add3A_2316 : i32 to index
      %swap3A_2317 = arith.constant 0 : index
      %swap3A_2318 = tpu.vector_load %arg9[%swap3A, %swap3A_2317] {strides = array<i32>} : memref<800x64xf32, #tpu.memory_space<vmem>>, vector<1x16xf32>,
      %swap3A_2319 = vector.shape_cast %swap3A_2318 : vector<1x16xf32> to vector<16xf32>
      %swap3A_2320 = vector.shape_cast %get3A_2302 : vector<16xf32> to vector<1x16xf32>
      tpu.vector_store %arg9[%swap3A, %swap3A_2317], %swap3A_2320 {add = true, strides = array<i32>} : memref<800x64xf32, #tpu.memory_space<vmem>>, vector<1x16xf32>,
      %swap3A_2321 = arith.index_cast %add3A_2316 : i32 to index
      %swap3A_2322 = arith.constant 16 : index
      %swap3A_2323 = tpu.vector_load %arg9[%swap3A_2321, %swap3A_2322] {strides = array<i32>} : memref<800x64xf32, #tpu.memory_space<vmem>>, vector<1x16xf32>,
      %swap3A_2324 = vector.shape_cast %swap3A_2323 : vector<1x16xf32> to vector<16xf32>
      %swap3A_2325 = vector.shape_cast %get3A_2306 : vector<16xf32> to vector<1x16xf32>
      tpu.vector_store %arg9[%swap3A_2321, %swap3A_2322], %swap3A_2325 {add = true, strides = array<i32>} : memref<800x64xf32, #tpu.memory_space<vmem>>, vector<1x16xf32>,
      %swap3A_2326 = arith.index_cast %add3A_2316 : i32 to index
      %swap3A_2327 = arith.constant 32 : index
      %swap3A_2328 = tpu.vector_load %arg9[%swap3A_2326, %swap3A_2327] {strides = array<i32>} : memref<800x64xf32, #tpu.memory_space<vmem>>, vector<1x16xf32>,
      %swap3A_2329 = vector.shape_cast %swap3A_2328 : vector<1x16xf32> to vector<16xf32>
      %swap3A_2330 = vector.shape_cast %get3A_2310 : vector<16xf32> to vector<1x16xf32>
      tpu.vector_store %arg9[%swap3A_2326, %swap3A_2327], %swap3A_2330 {add = true, strides = array<i32>} : memref<800x64xf32, #tpu.memory_space<vmem>>, vector<1x16xf32>,
      %swap3A_2331 = arith.index_cast %add3A_2316 : i32 to index
      %swap3A_2332 = arith.constant 48 : index
      %swap3A_2333 = tpu.vector_load %arg9[%swap3A_2331, %swap3A_2332] {strides = array<i32>} : memref<800x64xf32, #tpu.memory_space<vmem>>, vector<1x16xf32>,
      %swap3A_2334 = vector.shape_cast %swap3A_2333 : vector<1x16xf32> to vector<16xf32>
      %swap3A_2335 = vector.shape_cast %get3A_2314 : vector<16xf32> to vector<1x16xf32>
      tpu.vector_store %arg9[%swap3A_2331, %swap3A_2332], %swap3A_2335 {add = true, strides = array<i32>} : memref<800x64xf32, #tpu.memory_space<vmem>>, vector<1x16xf32>,
      %add3A_2336 = arith.constant 200 : i32
      %add3A_2337 = arith.addi %add3A_2336, %scan3A_2299 : i32
      %swap3A_2338 = arith.index_cast %add3A_2337 : i32 to index
      %swap3A_2339 = arith.constant 0 : index
      %swap3A_2340 = tpu.vector_load %arg9[%swap3A_2338, %swap3A_2339] {strides = array<i32>} : memref<800x64xf32, #tpu.memory_space<vmem>>, vector<1x16xf32>,
      %swap3A_2341 = vector.shape_cast %swap3A_2340 : vector<1x16xf32> to vector<16xf32>
      %swap3A_2342 = vector.shape_cast %get3A_2302 : vector<16xf32> to vector<1x16xf32>
      tpu.vector_store %arg9[%swap3A_2338, %swap3A_2339], %swap3A_2342 {add = true, strides = array<i32>} : memref<800x64xf32, #tpu.memory_space<vmem>>, vector<1x16xf32>,
      %swap3A_2343 = arith.index_cast %add3A_2337 : i32 to index
      %swap3A_2344 = arith.constant 16 : index
      %swap3A_2345 = tpu.vector_load %arg9[%swap3A_2343, %swap3A_2344] {strides = array<i32>} : memref<800x64xf32, #tpu.memory_space<vmem>>, vector<1x16xf32>,
      %swap3A_2346 = vector.shape_cast %swap3A_2345 : vector<1x16xf32> to vector<16xf32>
      %swap3A_2347 = vector.shape_cast %get3A_2306 : vector<16xf32> to vector<1x16xf32>
      tpu.vector_store %arg9[%swap3A_2343, %swap3A_2344], %swap3A_2347 {add = true, strides = array<i32>} : memref<800x64xf32, #tpu.memory_space<vmem>>, vector<1x16xf32>,
      %swap3A_2348 = arith.index_cast %add3A_2337 : i32 to index
      %swap3A_2349 = arith.constant 32 : index
      %swap3A_2350 = tpu.vector_load %arg9[%swap3A_2348, %swap3A_2349] {strides = array<i32>} : memref<800x64xf32, #tpu.memory_space<vmem>>, vector<1x16xf32>,
      %swap3A_2351 = vector.shape_cast %swap3A_2350 : vector<1x16xf32> to vector<16xf32>
      %swap3A_2352 = vector.shape_cast %get3A_2310 : vector<16xf32> to vector<1x16xf32>
      tpu.vector_store %arg9[%swap3A_2348, %swap3A_2349], %swap3A_2352 {add = true, strides = array<i32>} : memref<800x64xf32, #tpu.memory_space<vmem>>, vector<1x16xf32>,
      %swap3A_2353 = arith.index_cast %add3A_2337 : i32 to index
      %swap3A_2354 = arith.constant 48 : index
      %swap3A_2355 = tpu.vector_load %arg9[%swap3A_2353, %swap3A_2354] {strides = array<i32>} : memref<800x64xf32, #tpu.memory_space<vmem>>, vector<1x16xf32>,
      %swap3A_2356 = vector.shape_cast %swap3A_2355 : vector<1x16xf32> to vector<16xf32>
      %swap3A_2357 = vector.shape_cast %get3A_2314 : vector<16xf32> to vector<1x16xf32>
      tpu.vector_store %arg9[%swap3A_2353, %swap3A_2354], %swap3A_2357 {add = true, strides = array<i32>} : memref<800x64xf32, #tpu.memory_space<vmem>>, vector<1x16xf32>,
      %add3A_2358 = arith.constant 400 : i32
      %add3A_2359 = arith.addi %add3A_2358, %scan3A_2299 : i32
      %swap3A_2360 = arith.index_cast %add3A_2359 : i32 to index
      %swap3A_2361 = arith.constant 0 : index
      %swap3A_2362 = tpu.vector_load %arg9[%swap3A_2360, %swap3A_2361] {strides = array<i32>} : memref<800x64xf32, #tpu.memory_space<vmem>>, vector<1x16xf32>,
      %swap3A_2363 = vector.shape_cast %swap3A_2362 : vector<1x16xf32> to vector<16xf32>
      %swap3A_2364 = vector.shape_cast %get3A_2302 : vector<16xf32> to vector<1x16xf32>
      tpu.vector_store %arg9[%swap3A_2360, %swap3A_2361], %swap3A_2364 {add = true, strides = array<i32>} : memref<800x64xf32, #tpu.memory_space<vmem>>, vector<1x16xf32>,
      %swap3A_2365 = arith.index_cast %add3A_2359 : i32 to index
      %swap3A_2366 = arith.constant 16 : index
      %swap3A_2367 = tpu.vector_load %arg9[%swap3A_2365, %swap3A_2366] {strides = array<i32>} : memref<800x64xf32, #tpu.memory_space<vmem>>, vector<1x16xf32>,
      %swap3A_2368 = vector.shape_cast %swap3A_2367 : vector<1x16xf32> to vector<16xf32>
      %swap3A_2369 = vector.shape_cast %get3A_2306 : vector<16xf32> to vector<1x16xf32>
      tpu.vector_store %arg9[%swap3A_2365, %swap3A_2366], %swap3A_2369 {add = true, strides = array<i32>} : memref<800x64xf32, #tpu.memory_space<vmem>>, vector<1x16xf32>,
      %swap3A_2370 = arith.index_cast %add3A_2359 : i32 to index
      %swap3A_2371 = arith.constant 32 : index
      %swap3A_2372 = tpu.vector_load %arg9[%swap3A_2370, %swap3A_2371] {strides = array<i32>} : memref<800x64xf32, #tpu.memory_space<vmem>>, vector<1x16xf32>,
      %swap3A_2373 = vector.shape_cast %swap3A_2372 : vector<1x16xf32> to vector<16xf32>
      %swap3A_2374 = vector.shape_cast %get3A_2310 : vector<16xf32> to vector<1x16xf32>
      tpu.vector_store %arg9[%swap3A_2370, %swap3A_2371], %swap3A_2374 {add = true, strides = array<i32>} : memref<800x64xf32, #tpu.memory_space<vmem>>, vector<1x16xf32>,
      %swap3A_2375 = arith.index_cast %add3A_2359 : i32 to index
      %swap3A_2376 = arith.constant 48 : index
      %swap3A_2377 = tpu.vector_load %arg9[%swap3A_2375, %swap3A_2376] {strides = array<i32>} : memref<800x64xf32, #tpu.memory_space<vmem>>, vector<1x16xf32>,
      %swap3A_2378 = vector.shape_cast %swap3A_2377 : vector<1x16xf32> to vector<16xf32>
      %swap3A_2379 = vector.shape_cast %get3A_2314 : vector<16xf32> to vector<1x16xf32>
      tpu.vector_store %arg9[%swap3A_2375, %swap3A_2376], %swap3A_2379 {add = true, strides = array<i32>} : memref<800x64xf32, #tpu.memory_space<vmem>>, vector<1x16xf32>,
      %add3A_2380 = arith.constant 600 : i32
      %add3A_2381 = arith.addi %add3A_2380, %scan3A_2299 : i32
      %swap3A_2382 = arith.index_cast %add3A_2381 : i32 to index
      %swap3A_2383 = arith.constant 0 : index
      %swap3A_2384 = tpu.vector_load %arg9[%swap3A_2382, %swap3A_2383] {strides = array<i32>} : memref<800x64xf32, #tpu.memory_space<vmem>>, vector<1x16xf32>,
      %swap3A_2385 = vector.shape_cast %swap3A_2384 : vector<1x16xf32> to vector<16xf32>
      %swap3A_2386 = vector.shape_cast %get3A_2302 : vector<16xf32> to vector<1x16xf32>
      tpu.vector_store %arg9[%swap3A_2382, %swap3A_2383], %swap3A_2386 {add = true, strides = array<i32>} : memref<800x64xf32, #tpu.memory_space<vmem>>, vector<1x16xf32>,
      %swap3A_2387 = arith.index_cast %add3A_2381 : i32 to index
      %swap3A_2388 = arith.constant 16 : index
      %swap3A_2389 = tpu.vector_load %arg9[%swap3A_2387, %swap3A_2388] {strides = array<i32>} : memref<800x64xf32, #tpu.memory_space<vmem>>, vector<1x16xf32>,
      %swap3A_2390 = vector.shape_cast %swap3A_2389 : vector<1x16xf32> to vector<16xf32>
      %swap3A_2391 = vector.shape_cast %get3A_2306 : vector<16xf32> to vector<1x16xf32>
      tpu.vector_store %arg9[%swap3A_2387, %swap3A_2388], %swap3A_2391 {add = true, strides = array<i32>} : memref<800x64xf32, #tpu.memory_space<vmem>>, vector<1x16xf32>,
      %swap3A_2392 = arith.index_cast %add3A_2381 : i32 to index
      %swap3A_2393 = arith.constant 32 : index
      %swap3A_2394 = tpu.vector_load %arg9[%swap3A_2392, %swap3A_2393] {strides = array<i32>} : memref<800x64xf32, #tpu.memory_space<vmem>>, vector<1x16xf32>,
      %swap3A_2395 = vector.shape_cast %swap3A_2394 : vector<1x16xf32> to vector<16xf32>
      %swap3A_2396 = vector.shape_cast %get3A_2310 : vector<16xf32> to vector<1x16xf32>
      tpu.vector_store %arg9[%swap3A_2392, %swap3A_2393], %swap3A_2396 {add = true, strides = array<i32>} : memref<800x64xf32, #tpu.memory_space<vmem>>, vector<1x16xf32>,
      %swap3A_2397 = arith.index_cast %add3A_2381 : i32 to index
      %swap3A_2398 = arith.constant 48 : index
      %swap3A_2399 = tpu.vector_load %arg9[%swap3A_2397, %swap3A_2398] {strides = array<i32>} : memref<800x64xf32, #tpu.memory_space<vmem>>, vector<1x16xf32>,
      %swap3A_2400 = vector.shape_cast %swap3A_2399 : vector<1x16xf32> to vector<16xf32>
      %swap3A_2401 = vector.shape_cast %get3A_2314 : vector<16xf32> to vector<1x16xf32>
      tpu.vector_store %arg9[%swap3A_2397, %swap3A_2398], %swap3A_2401 {add = true, strides = array<i32>} : memref<800x64xf32, #tpu.memory_space<vmem>>, vector<1x16xf32>,
    }
    %scan3A_1108 = arith.constant 200 : i32
    %add3A_1109 = arith.constant 12 : i32
    %add3A_1110 = arith.addi %multiple_of3A_5, %add3A_1109 : i32
    %add3A_1111 = arith.constant 0 : i32
    %add3A_1112 = arith.addi %add3A_1110, %add3A_1111 : i32
    %dma_start3A_1113 = arith.constant 0 : i32
    %dma_start3A_1114 = arith.constant 0 : i32
    %dma_start3A_1115 = tpu.memref_slice %arg9[%dma_start3A_1113, %dma_start3A_1114] : memref<800x64xf32, #tpu.memory_space<vmem>> -> memref<200x64xf32, #tpu.memory_space<vmem>>
    %dma_start3A_1116 = arith.constant 0 : i32
    %dma_start3A_1117 = arith.constant 0 : i32
    %dma_start3A_1118 = tpu.memref_slice %arg5[%add3A_1112, %dma_start3A_1116, %dma_start3A_1117] : memref<1024x200x64xf32, #tpu.memory_space<hbm>> -> memref<1x200x64xf32, #tpu.memory_space<hbm>>
    %dma_start3A_1119 = tpu.memref_squeeze %dma_start3A_1118 : memref<1x200x64xf32, #tpu.memory_space<hbm>> -> memref<200x64xf32, #tpu.memory_space<hbm>>
    %dma_start3A_1120 = arith.constant 0 : i32
    %dma_start3A_1121 = arith.constant 0 : i32
    %dma_start3A_1122 = tpu.memref_slice %arg5[%add3A_1112, %dma_start3A_1120, %dma_start3A_1121] : memref<1024x200x64xf32, #tpu.memory_space<hbm>> -> memref<1x200x64xf32, #tpu.memory_space<hbm>>
    %dma_start3A_1123 = tpu.memref_squeeze %dma_start3A_1122 : memref<1x200x64xf32, #tpu.memory_space<hbm>> -> memref<200x64xf32, #tpu.memory_space<hbm>>
    %dma_start3A_1124 = arith.constant 0 : i32
    %dma_start3A_1125 = arith.constant 0 : i32
    %dma_start3A_1126 = tpu.memref_slice %arg9[%dma_start3A_1124, %dma_start3A_1125] : memref<800x64xf32, #tpu.memory_space<vmem>> -> memref<200x64xf32, #tpu.memory_space<vmem>>
    tpu.enqueue_dma source(%dma_start3A_1126 : memref<200x64xf32, #tpu.memory_space<vmem>>) target(%dma_start3A_1123 : memref<200x64xf32, #tpu.memory_space<hbm>>) target_semaphore(%arg13 : memref<!tpu.dma_semaphore, #tpu.memory_space<semaphore_mem>>)
    %add3A_1127 = arith.constant 1 : i32
    %add3A_1128 = arith.addi %add3A_1110, %add3A_1127 : i32
    %dma_start3A_1129 = arith.constant 200 : i32
    %dma_start3A_1130 = arith.constant 0 : i32
    %dma_start3A_1131 = tpu.memref_slice %arg9[%dma_start3A_1129, %dma_start3A_1130] : memref<800x64xf32, #tpu.memory_space<vmem>> -> memref<200x64xf32, #tpu.memory_space<vmem>>
    %dma_start3A_1132 = arith.constant 0 : i32
    %dma_start3A_1133 = arith.constant 0 : i32
    %dma_start3A_1134 = tpu.memref_slice %arg5[%add3A_1128, %dma_start3A_1132, %dma_start3A_1133] : memref<1024x200x64xf32, #tpu.memory_space<hbm>> -> memref<1x200x64xf32, #tpu.memory_space<hbm>>
    %dma_start3A_1135 = tpu.memref_squeeze %dma_start3A_1134 : memref<1x200x64xf32, #tpu.memory_space<hbm>> -> memref<200x64xf32, #tpu.memory_space<hbm>>
    %dma_start3A_1136 = arith.constant 0 : i32
    %dma_start3A_1137 = arith.constant 0 : i32
    %dma_start3A_1138 = tpu.memref_slice %arg5[%add3A_1128, %dma_start3A_1136, %dma_start3A_1137] : memref<1024x200x64xf32, #tpu.memory_space<hbm>> -> memref<1x200x64xf32, #tpu.memory_space<hbm>>
    %dma_start3A_1139 = tpu.memref_squeeze %dma_start3A_1138 : memref<1x200x64xf32, #tpu.memory_space<hbm>> -> memref<200x64xf32, #tpu.memory_space<hbm>>
    %dma_start3A_1140 = arith.constant 200 : i32
    %dma_start3A_1141 = arith.constant 0 : i32
    %dma_start3A_1142 = tpu.memref_slice %arg9[%dma_start3A_1140, %dma_start3A_1141] : memref<800x64xf32, #tpu.memory_space<vmem>> -> memref<200x64xf32, #tpu.memory_space<vmem>>
    tpu.enqueue_dma source(%dma_start3A_1142 : memref<200x64xf32, #tpu.memory_space<vmem>>) target(%dma_start3A_1139 : memref<200x64xf32, #tpu.memory_space<hbm>>) target_semaphore(%arg13 : memref<!tpu.dma_semaphore, #tpu.memory_space<semaphore_mem>>)
    %add3A_1143 = arith.constant 2 : i32
    %add3A_1144 = arith.addi %add3A_1110, %add3A_1143 : i32
    %dma_start3A_1145 = arith.constant 400 : i32
    %dma_start3A_1146 = arith.constant 0 : i32
    %dma_start3A_1147 = tpu.memref_slice %arg9[%dma_start3A_1145, %dma_start3A_1146] : memref<800x64xf32, #tpu.memory_space<vmem>> -> memref<200x64xf32, #tpu.memory_space<vmem>>
    %dma_start3A_1148 = arith.constant 0 : i32
    %dma_start3A_1149 = arith.constant 0 : i32
    %dma_start3A_1150 = tpu.memref_slice %arg5[%add3A_1144, %dma_start3A_1148, %dma_start3A_1149] : memref<1024x200x64xf32, #tpu.memory_space<hbm>> -> memref<1x200x64xf32, #tpu.memory_space<hbm>>
    %dma_start3A_1151 = tpu.memref_squeeze %dma_start3A_1150 : memref<1x200x64xf32, #tpu.memory_space<hbm>> -> memref<200x64xf32, #tpu.memory_space<hbm>>
    %dma_start3A_1152 = arith.constant 0 : i32
    %dma_start3A_1153 = arith.constant 0 : i32
    %dma_start3A_1154 = tpu.memref_slice %arg5[%add3A_1144, %dma_start3A_1152, %dma_start3A_1153] : memref<1024x200x64xf32, #tpu.memory_space<hbm>> -> memref<1x200x64xf32, #tpu.memory_space<hbm>>
    %dma_start3A_1155 = tpu.memref_squeeze %dma_start3A_1154 : memref<1x200x64xf32, #tpu.memory_space<hbm>> -> memref<200x64xf32, #tpu.memory_space<hbm>>
    %dma_start3A_1156 = arith.constant 400 : i32
    %dma_start3A_1157 = arith.constant 0 : i32
    %dma_start3A_1158 = tpu.memref_slice %arg9[%dma_start3A_1156, %dma_start3A_1157] : memref<800x64xf32, #tpu.memory_space<vmem>> -> memref<200x64xf32, #tpu.memory_space<vmem>>
    tpu.enqueue_dma source(%dma_start3A_1158 : memref<200x64xf32, #tpu.memory_space<vmem>>) target(%dma_start3A_1155 : memref<200x64xf32, #tpu.memory_space<hbm>>) target_semaphore(%arg13 : memref<!tpu.dma_semaphore, #tpu.memory_space<semaphore_mem>>)
    %add3A_1159 = arith.constant 3 : i32
    %add3A_1160 = arith.addi %add3A_1110, %add3A_1159 : i32
    %dma_start3A_1161 = arith.constant 600 : i32
    %dma_start3A_1162 = arith.constant 0 : i32
    %dma_start3A_1163 = tpu.memref_slice %arg9[%dma_start3A_1161, %dma_start3A_1162] : memref<800x64xf32, #tpu.memory_space<vmem>> -> memref<200x64xf32, #tpu.memory_space<vmem>>
    %dma_start3A_1164 = arith.constant 0 : i32
    %dma_start3A_1165 = arith.constant 0 : i32
    %dma_start3A_1166 = tpu.memref_slice %arg5[%add3A_1160, %dma_start3A_1164, %dma_start3A_1165] : memref<1024x200x64xf32, #tpu.memory_space<hbm>> -> memref<1x200x64xf32, #tpu.memory_space<hbm>>
    %dma_start3A_1167 = tpu.memref_squeeze %dma_start3A_1166 : memref<1x200x64xf32, #tpu.memory_space<hbm>> -> memref<200x64xf32, #tpu.memory_space<hbm>>
    %dma_start3A_1168 = arith.constant 0 : i32
    %dma_start3A_1169 = arith.constant 0 : i32
    %dma_start3A_1170 = tpu.memref_slice %arg5[%add3A_1160, %dma_start3A_1168, %dma_start3A_1169] : memref<1024x200x64xf32, #tpu.memory_space<hbm>> -> memref<1x200x64xf32, #tpu.memory_space<hbm>>
    %dma_start3A_1171 = tpu.memref_squeeze %dma_start3A_1170 : memref<1x200x64xf32, #tpu.memory_space<hbm>> -> memref<200x64xf32, #tpu.memory_space<hbm>>
    %dma_start3A_1172 = arith.constant 600 : i32
    %dma_start3A_1173 = arith.constant 0 : i32
    %dma_start3A_1174 = tpu.memref_slice %arg9[%dma_start3A_1172, %dma_start3A_1173] : memref<800x64xf32, #tpu.memory_space<vmem>> -> memref<200x64xf32, #tpu.memory_space<vmem>>
    tpu.enqueue_dma source(%dma_start3A_1174 : memref<200x64xf32, #tpu.memory_space<vmem>>) target(%dma_start3A_1171 : memref<200x64xf32, #tpu.memory_space<hbm>>) target_semaphore(%arg13 : memref<!tpu.dma_semaphore, #tpu.memory_space<semaphore_mem>>)
    %dma_wait3A_1175 = arith.constant 0 : i32
    %dma_wait3A_1176 = arith.constant 0 : i32
    %dma_wait3A_1177 = tpu.memref_slice %arg9[%dma_wait3A_1175, %dma_wait3A_1176] : memref<800x64xf32, #tpu.memory_space<vmem>> -> memref<200x64xf32, #tpu.memory_space<vmem>>
    %dma_wait3A_1178 = arith.constant 0 : i32
    %dma_wait3A_1179 = arith.constant 0 : i32
    %dma_wait3A_1180 = tpu.memref_slice %arg5[%add3A_1112, %dma_wait3A_1178, %dma_wait3A_1179] : memref<1024x200x64xf32, #tpu.memory_space<hbm>> -> memref<1x200x64xf32, #tpu.memory_space<hbm>>
    %dma_wait3A_1181 = tpu.memref_squeeze %dma_wait3A_1180 : memref<1x200x64xf32, #tpu.memory_space<hbm>> -> memref<200x64xf32, #tpu.memory_space<hbm>>
    %dma_wait3A_1182 = arith.constant 0 : i32
    %dma_wait3A_1183 = arith.constant 0 : i32
    %dma_wait3A_1184 = tpu.memref_slice %arg5[%add3A_1112, %dma_wait3A_1182, %dma_wait3A_1183] : memref<1024x200x64xf32, #tpu.memory_space<hbm>> -> memref<1x200x64xf32, #tpu.memory_space<hbm>>
    %dma_wait3A_1185 = tpu.memref_squeeze %dma_wait3A_1184 : memref<1x200x64xf32, #tpu.memory_space<hbm>> -> memref<200x64xf32, #tpu.memory_space<hbm>>
    %dma_wait3A_1186 = arith.constant 0 : i32
    %dma_wait3A_1187 = arith.constant 0 : i32
    %dma_wait3A_1188 = tpu.memref_slice %arg9[%dma_wait3A_1186, %dma_wait3A_1187] : memref<800x64xf32, #tpu.memory_space<vmem>> -> memref<200x64xf32, #tpu.memory_space<vmem>>
    tpu.wait_dma2 semaphore(%arg13 : memref<!tpu.dma_semaphore, #tpu.memory_space<semaphore_mem>>) src(%dma_wait3A_1188 : memref<200x64xf32, #tpu.memory_space<vmem>>) dst(%dma_wait3A_1185 : memref<200x64xf32, #tpu.memory_space<hbm>>)
    %dma_wait3A_1189 = arith.constant 200 : i32
    %dma_wait3A_1190 = arith.constant 0 : i32
    %dma_wait3A_1191 = tpu.memref_slice %arg9[%dma_wait3A_1189, %dma_wait3A_1190] : memref<800x64xf32, #tpu.memory_space<vmem>> -> memref<200x64xf32, #tpu.memory_space<vmem>>
    %dma_wait3A_1192 = arith.constant 0 : i32
    %dma_wait3A_1193 = arith.constant 0 : i32
    %dma_wait3A_1194 = tpu.memref_slice %arg5[%add3A_1128, %dma_wait3A_1192, %dma_wait3A_1193] : memref<1024x200x64xf32, #tpu.memory_space<hbm>> -> memref<1x200x64xf32, #tpu.memory_space<hbm>>
    %dma_wait3A_1195 = tpu.memref_squeeze %dma_wait3A_1194 : memref<1x200x64xf32, #tpu.memory_space<hbm>> -> memref<200x64xf32, #tpu.memory_space<hbm>>
    %dma_wait3A_1196 = arith.constant 0 : i32
    %dma_wait3A_1197 = arith.constant 0 : i32
    %dma_wait3A_1198 = tpu.memref_slice %arg5[%add3A_1128, %dma_wait3A_1196, %dma_wait3A_1197] : memref<1024x200x64xf32, #tpu.memory_space<hbm>> -> memref<1x200x64xf32, #tpu.memory_space<hbm>>
    %dma_wait3A_1199 = tpu.memref_squeeze %dma_wait3A_1198 : memref<1x200x64xf32, #tpu.memory_space<hbm>> -> memref<200x64xf32, #tpu.memory_space<hbm>>
    %dma_wait3A_1200 = arith.constant 200 : i32
    %dma_wait3A_1201 = arith.constant 0 : i32
    %dma_wait3A_1202 = tpu.memref_slice %arg9[%dma_wait3A_1200, %dma_wait3A_1201] : memref<800x64xf32, #tpu.memory_space<vmem>> -> memref<200x64xf32, #tpu.memory_space<vmem>>
    tpu.wait_dma2 semaphore(%arg13 : memref<!tpu.dma_semaphore, #tpu.memory_space<semaphore_mem>>) src(%dma_wait3A_1202 : memref<200x64xf32, #tpu.memory_space<vmem>>) dst(%dma_wait3A_1199 : memref<200x64xf32, #tpu.memory_space<hbm>>)
    %dma_wait3A_1203 = arith.constant 400 : i32
    %dma_wait3A_1204 = arith.constant 0 : i32
    %dma_wait3A_1205 = tpu.memref_slice %arg9[%dma_wait3A_1203, %dma_wait3A_1204] : memref<800x64xf32, #tpu.memory_space<vmem>> -> memref<200x64xf32, #tpu.memory_space<vmem>>
    %dma_wait3A_1206 = arith.constant 0 : i32
    %dma_wait3A_1207 = arith.constant 0 : i32
    %dma_wait3A_1208 = tpu.memref_slice %arg5[%add3A_1144, %dma_wait3A_1206, %dma_wait3A_1207] : memref<1024x200x64xf32, #tpu.memory_space<hbm>> -> memref<1x200x64xf32, #tpu.memory_space<hbm>>
    %dma_wait3A_1209 = tpu.memref_squeeze %dma_wait3A_1208 : memref<1x200x64xf32, #tpu.memory_space<hbm>> -> memref<200x64xf32, #tpu.memory_space<hbm>>
    %dma_wait3A_1210 = arith.constant 0 : i32
    %dma_wait3A_1211 = arith.constant 0 : i32
    %dma_wait3A_1212 = tpu.memref_slice %arg5[%add3A_1144, %dma_wait3A_1210, %dma_wait3A_1211] : memref<1024x200x64xf32, #tpu.memory_space<hbm>> -> memref<1x200x64xf32, #tpu.memory_space<hbm>>
    %dma_wait3A_1213 = tpu.memref_squeeze %dma_wait3A_1212 : memref<1x200x64xf32, #tpu.memory_space<hbm>> -> memref<200x64xf32, #tpu.memory_space<hbm>>
    %dma_wait3A_1214 = arith.constant 400 : i32
    %dma_wait3A_1215 = arith.constant 0 : i32
    %dma_wait3A_1216 = tpu.memref_slice %arg9[%dma_wait3A_1214, %dma_wait3A_1215] : memref<800x64xf32, #tpu.memory_space<vmem>> -> memref<200x64xf32, #tpu.memory_space<vmem>>
    tpu.wait_dma2 semaphore(%arg13 : memref<!tpu.dma_semaphore, #tpu.memory_space<semaphore_mem>>) src(%dma_wait3A_1216 : memref<200x64xf32, #tpu.memory_space<vmem>>) dst(%dma_wait3A_1213 : memref<200x64xf32, #tpu.memory_space<hbm>>)
    %dma_wait3A_1217 = arith.constant 600 : i32
    %dma_wait3A_1218 = arith.constant 0 : i32
    %dma_wait3A_1219 = tpu.memref_slice %arg9[%dma_wait3A_1217, %dma_wait3A_1218] : memref<800x64xf32, #tpu.memory_space<vmem>> -> memref<200x64xf32, #tpu.memory_space<vmem>>
    %dma_wait3A_1220 = arith.constant 0 : i32
    %dma_wait3A_1221 = arith.constant 0 : i32
    %dma_wait3A_1222 = tpu.memref_slice %arg5[%add3A_1160, %dma_wait3A_1220, %dma_wait3A_1221] : memref<1024x200x64xf32, #tpu.memory_space<hbm>> -> memref<1x200x64xf32, #tpu.memory_space<hbm>>
    %dma_wait3A_1223 = tpu.memref_squeeze %dma_wait3A_1222 : memref<1x200x64xf32, #tpu.memory_space<hbm>> -> memref<200x64xf32, #tpu.memory_space<hbm>>
    %dma_wait3A_1224 = arith.constant 0 : i32
    %dma_wait3A_1225 = arith.constant 0 : i32
    %dma_wait3A_1226 = tpu.memref_slice %arg5[%add3A_1160, %dma_wait3A_1224, %dma_wait3A_1225] : memref<1024x200x64xf32, #tpu.memory_space<hbm>> -> memref<1x200x64xf32, #tpu.memory_space<hbm>>
    %dma_wait3A_1227 = tpu.memref_squeeze %dma_wait3A_1226 : memref<1x200x64xf32, #tpu.memory_space<hbm>> -> memref<200x64xf32, #tpu.memory_space<hbm>>
    %dma_wait3A_1228 = arith.constant 600 : i32
    %dma_wait3A_1229 = arith.constant 0 : i32
    %dma_wait3A_1230 = tpu.memref_slice %arg9[%dma_wait3A_1228, %dma_wait3A_1229] : memref<800x64xf32, #tpu.memory_space<vmem>> -> memref<200x64xf32, #tpu.memory_space<vmem>>
    tpu.wait_dma2 semaphore(%arg13 : memref<!tpu.dma_semaphore, #tpu.memory_space<semaphore_mem>>) src(%dma_wait3A_1230 : memref<200x64xf32, #tpu.memory_space<vmem>>) dst(%dma_wait3A_1227 : memref<200x64xf32, #tpu.memory_space<hbm>>)
    %dma_start3A_1231 = arith.constant 0 : i32
    %dma_start3A_1232 = arith.constant 0 : i32
    %dma_start3A_1233 = tpu.memref_slice %arg9[%dma_start3A_1231, %dma_start3A_1232] : memref<800x64xf32, #tpu.memory_space<vmem>> -> memref<80x64xf32, #tpu.memory_space<vmem>>
    %dma_start3A_1234 = arith.constant 4000 : i32
    %dma_start3A_1235 = tpu.memref_slice %arg6[%dma_start3A_1234] : memref<6400xi32, #tpu.memory_space<vmem>> -> memref<80xi32, #tpu.memory_space<vmem>>
    %dma_start3A_1236 = arith.constant 0 : i32
    %dma_start3A_1237 = arith.constant 0 : i32
    %dma_start3A_1238 = tpu.memref_slice %arg3[%dma_start3A_1236, %dma_start3A_1237] : memref<1000000x64xf32, #tpu.memory_space<hbm>> -> memref<1000000x64xf32, #tpu.memory_space<hbm>>
    tpu.enqueue_indirect_dma source(%dma_start3A_1238 : memref<1000000x64xf32, #tpu.memory_space<hbm>>) target(%dma_start3A_1233 : memref<80x64xf32, #tpu.memory_space<vmem>>) offsets(%dma_start3A_1235 : memref<80xi32, #tpu.memory_space<vmem>>) semaphore(%arg11 : memref<!tpu.dma_semaphore, #tpu.memory_space<semaphore_mem>>)
    %dma_start3A_1239 = arith.constant 80 : i32
    %dma_start3A_1240 = arith.constant 0 : i32
    %dma_start3A_1241 = tpu.memref_slice %arg9[%dma_start3A_1239, %dma_start3A_1240] : memref<800x64xf32, #tpu.memory_space<vmem>> -> memref<80x64xf32, #tpu.memory_space<vmem>>
    %dma_start3A_1242 = arith.constant 4080 : i32
    %dma_start3A_1243 = tpu.memref_slice %arg6[%dma_start3A_1242] : memref<6400xi32, #tpu.memory_space<vmem>> -> memref<80xi32, #tpu.memory_space<vmem>>
    %dma_start3A_1244 = arith.constant 0 : i32
    %dma_start3A_1245 = arith.constant 0 : i32
    %dma_start3A_1246 = tpu.memref_slice %arg3[%dma_start3A_1244, %dma_start3A_1245] : memref<1000000x64xf32, #tpu.memory_space<hbm>> -> memref<1000000x64xf32, #tpu.memory_space<hbm>>
    tpu.enqueue_indirect_dma source(%dma_start3A_1246 : memref<1000000x64xf32, #tpu.memory_space<hbm>>) target(%dma_start3A_1241 : memref<80x64xf32, #tpu.memory_space<vmem>>) offsets(%dma_start3A_1243 : memref<80xi32, #tpu.memory_space<vmem>>) semaphore(%arg11 : memref<!tpu.dma_semaphore, #tpu.memory_space<semaphore_mem>>)
    %dma_start3A_1247 = arith.constant 160 : i32
    %dma_start3A_1248 = arith.constant 0 : i32
    %dma_start3A_1249 = tpu.memref_slice %arg9[%dma_start3A_1247, %dma_start3A_1248] : memref<800x64xf32, #tpu.memory_space<vmem>> -> memref<80x64xf32, #tpu.memory_space<vmem>>
    %dma_start3A_1250 = arith.constant 4160 : i32
    %dma_start3A_1251 = tpu.memref_slice %arg6[%dma_start3A_1250] : memref<6400xi32, #tpu.memory_space<vmem>> -> memref<80xi32, #tpu.memory_space<vmem>>
    %dma_start3A_1252 = arith.constant 0 : i32
    %dma_start3A_1253 = arith.constant 0 : i32
    %dma_start3A_1254 = tpu.memref_slice %arg3[%dma_start3A_1252, %dma_start3A_1253] : memref<1000000x64xf32, #tpu.memory_space<hbm>> -> memref<1000000x64xf32, #tpu.memory_space<hbm>>
    tpu.enqueue_indirect_dma source(%dma_start3A_1254 : memref<1000000x64xf32, #tpu.memory_space<hbm>>) target(%dma_start3A_1249 : memref<80x64xf32, #tpu.memory_space<vmem>>) offsets(%dma_start3A_1251 : memref<80xi32, #tpu.memory_space<vmem>>) semaphore(%arg11 : memref<!tpu.dma_semaphore, #tpu.memory_space<semaphore_mem>>)
    %dma_start3A_1255 = arith.constant 240 : i32
    %dma_start3A_1256 = arith.constant 0 : i32
    %dma_start3A_1257 = tpu.memref_slice %arg9[%dma_start3A_1255, %dma_start3A_1256] : memref<800x64xf32, #tpu.memory_space<vmem>> -> memref<80x64xf32, #tpu.memory_space<vmem>>
    %dma_start3A_1258 = arith.constant 4240 : i32
    %dma_start3A_1259 = tpu.memref_slice %arg6[%dma_start3A_1258] : memref<6400xi32, #tpu.memory_space<vmem>> -> memref<80xi32, #tpu.memory_space<vmem>>
    %dma_start3A_1260 = arith.constant 0 : i32
    %dma_start3A_1261 = arith.constant 0 : i32
    %dma_start3A_1262 = tpu.memref_slice %arg3[%dma_start3A_1260, %dma_start3A_1261] : memref<1000000x64xf32, #tpu.memory_space<hbm>> -> memref<1000000x64xf32, #tpu.memory_space<hbm>>
    tpu.enqueue_indirect_dma source(%dma_start3A_1262 : memref<1000000x64xf32, #tpu.memory_space<hbm>>) target(%dma_start3A_1257 : memref<80x64xf32, #tpu.memory_space<vmem>>) offsets(%dma_start3A_1259 : memref<80xi32, #tpu.memory_space<vmem>>) semaphore(%arg11 : memref<!tpu.dma_semaphore, #tpu.memory_space<semaphore_mem>>)
    %dma_start3A_1263 = arith.constant 320 : i32
    %dma_start3A_1264 = arith.constant 0 : i32
    %dma_start3A_1265 = tpu.memref_slice %arg9[%dma_start3A_1263, %dma_start3A_1264] : memref<800x64xf32, #tpu.memory_space<vmem>> -> memref<80x64xf32, #tpu.memory_space<vmem>>
    %dma_start3A_1266 = arith.constant 4320 : i32
    %dma_start3A_1267 = tpu.memref_slice %arg6[%dma_start3A_1266] : memref<6400xi32, #tpu.memory_space<vmem>> -> memref<80xi32, #tpu.memory_space<vmem>>
    %dma_start3A_1268 = arith.constant 0 : i32
    %dma_start3A_1269 = arith.constant 0 : i32
    %dma_start3A_1270 = tpu.memref_slice %arg3[%dma_start3A_1268, %dma_start3A_1269] : memref<1000000x64xf32, #tpu.memory_space<hbm>> -> memref<1000000x64xf32, #tpu.memory_space<hbm>>
    tpu.enqueue_indirect_dma source(%dma_start3A_1270 : memref<1000000x64xf32, #tpu.memory_space<hbm>>) target(%dma_start3A_1265 : memref<80x64xf32, #tpu.memory_space<vmem>>) offsets(%dma_start3A_1267 : memref<80xi32, #tpu.memory_space<vmem>>) semaphore(%arg11 : memref<!tpu.dma_semaphore, #tpu.memory_space<semaphore_mem>>)
    %dma_start3A_1271 = arith.constant 400 : i32
    %dma_start3A_1272 = arith.constant 0 : i32
    %dma_start3A_1273 = tpu.memref_slice %arg9[%dma_start3A_1271, %dma_start3A_1272] : memref<800x64xf32, #tpu.memory_space<vmem>> -> memref<80x64xf32, #tpu.memory_space<vmem>>
    %dma_start3A_1274 = arith.constant 4400 : i32
    %dma_start3A_1275 = tpu.memref_slice %arg6[%dma_start3A_1274] : memref<6400xi32, #tpu.memory_space<vmem>> -> memref<80xi32, #tpu.memory_space<vmem>>
    %dma_start3A_1276 = arith.constant 0 : i32
    %dma_start3A_1277 = arith.constant 0 : i32
    %dma_start3A_1278 = tpu.memref_slice %arg3[%dma_start3A_1276, %dma_start3A_1277] : memref<1000000x64xf32, #tpu.memory_space<hbm>> -> memref<1000000x64xf32, #tpu.memory_space<hbm>>
    tpu.enqueue_indirect_dma source(%dma_start3A_1278 : memref<1000000x64xf32, #tpu.memory_space<hbm>>) target(%dma_start3A_1273 : memref<80x64xf32, #tpu.memory_space<vmem>>) offsets(%dma_start3A_1275 : memref<80xi32, #tpu.memory_space<vmem>>) semaphore(%arg11 : memref<!tpu.dma_semaphore, #tpu.memory_space<semaphore_mem>>)
    %dma_start3A_1279 = arith.constant 480 : i32
    %dma_start3A_1280 = arith.constant 0 : i32
    %dma_start3A_1281 = tpu.memref_slice %arg9[%dma_start3A_1279, %dma_start3A_1280] : memref<800x64xf32, #tpu.memory_space<vmem>> -> memref<80x64xf32, #tpu.memory_space<vmem>>
    %dma_start3A_1282 = arith.constant 4480 : i32
    %dma_start3A_1283 = tpu.memref_slice %arg6[%dma_start3A_1282] : memref<6400xi32, #tpu.memory_space<vmem>> -> memref<80xi32, #tpu.memory_space<vmem>>
    %dma_start3A_1284 = arith.constant 0 : i32
    %dma_start3A_1285 = arith.constant 0 : i32
    %dma_start3A_1286 = tpu.memref_slice %arg3[%dma_start3A_1284, %dma_start3A_1285] : memref<1000000x64xf32, #tpu.memory_space<hbm>> -> memref<1000000x64xf32, #tpu.memory_space<hbm>>
    tpu.enqueue_indirect_dma source(%dma_start3A_1286 : memref<1000000x64xf32, #tpu.memory_space<hbm>>) target(%dma_start3A_1281 : memref<80x64xf32, #tpu.memory_space<vmem>>) offsets(%dma_start3A_1283 : memref<80xi32, #tpu.memory_space<vmem>>) semaphore(%arg11 : memref<!tpu.dma_semaphore, #tpu.memory_space<semaphore_mem>>)
    %dma_start3A_1287 = arith.constant 560 : i32
    %dma_start3A_1288 = arith.constant 0 : i32
    %dma_start3A_1289 = tpu.memref_slice %arg9[%dma_start3A_1287, %dma_start3A_1288] : memref<800x64xf32, #tpu.memory_space<vmem>> -> memref<80x64xf32, #tpu.memory_space<vmem>>
    %dma_start3A_1290 = arith.constant 4560 : i32
    %dma_start3A_1291 = tpu.memref_slice %arg6[%dma_start3A_1290] : memref<6400xi32, #tpu.memory_space<vmem>> -> memref<80xi32, #tpu.memory_space<vmem>>
    %dma_start3A_1292 = arith.constant 0 : i32
    %dma_start3A_1293 = arith.constant 0 : i32
    %dma_start3A_1294 = tpu.memref_slice %arg3[%dma_start3A_1292, %dma_start3A_1293] : memref<1000000x64xf32, #tpu.memory_space<hbm>> -> memref<1000000x64xf32, #tpu.memory_space<hbm>>
    tpu.enqueue_indirect_dma source(%dma_start3A_1294 : memref<1000000x64xf32, #tpu.memory_space<hbm>>) target(%dma_start3A_1289 : memref<80x64xf32, #tpu.memory_space<vmem>>) offsets(%dma_start3A_1291 : memref<80xi32, #tpu.memory_space<vmem>>) semaphore(%arg11 : memref<!tpu.dma_semaphore, #tpu.memory_space<semaphore_mem>>)
    %dma_start3A_1295 = arith.constant 640 : i32
    %dma_start3A_1296 = arith.constant 0 : i32
    %dma_start3A_1297 = tpu.memref_slice %arg9[%dma_start3A_1295, %dma_start3A_1296] : memref<800x64xf32, #tpu.memory_space<vmem>> -> memref<80x64xf32, #tpu.memory_space<vmem>>
    %dma_start3A_1298 = arith.constant 4640 : i32
    %dma_start3A_1299 = tpu.memref_slice %arg6[%dma_start3A_1298] : memref<6400xi32, #tpu.memory_space<vmem>> -> memref<80xi32, #tpu.memory_space<vmem>>
    %dma_start3A_1300 = arith.constant 0 : i32
    %dma_start3A_1301 = arith.constant 0 : i32
    %dma_start3A_1302 = tpu.memref_slice %arg3[%dma_start3A_1300, %dma_start3A_1301] : memref<1000000x64xf32, #tpu.memory_space<hbm>> -> memref<1000000x64xf32, #tpu.memory_space<hbm>>
    tpu.enqueue_indirect_dma source(%dma_start3A_1302 : memref<1000000x64xf32, #tpu.memory_space<hbm>>) target(%dma_start3A_1297 : memref<80x64xf32, #tpu.memory_space<vmem>>) offsets(%dma_start3A_1299 : memref<80xi32, #tpu.memory_space<vmem>>) semaphore(%arg11 : memref<!tpu.dma_semaphore, #tpu.memory_space<semaphore_mem>>)
    %dma_start3A_1303 = arith.constant 720 : i32
    %dma_start3A_1304 = arith.constant 0 : i32
    %dma_start3A_1305 = tpu.memref_slice %arg9[%dma_start3A_1303, %dma_start3A_1304] : memref<800x64xf32, #tpu.memory_space<vmem>> -> memref<80x64xf32, #tpu.memory_space<vmem>>
    %dma_start3A_1306 = arith.constant 4720 : i32
    %dma_start3A_1307 = tpu.memref_slice %arg6[%dma_start3A_1306] : memref<6400xi32, #tpu.memory_space<vmem>> -> memref<80xi32, #tpu.memory_space<vmem>>
    %dma_start3A_1308 = arith.constant 0 : i32
    %dma_start3A_1309 = arith.constant 0 : i32
    %dma_start3A_1310 = tpu.memref_slice %arg3[%dma_start3A_1308, %dma_start3A_1309] : memref<1000000x64xf32, #tpu.memory_space<hbm>> -> memref<1000000x64xf32, #tpu.memory_space<hbm>>
    tpu.enqueue_indirect_dma source(%dma_start3A_1310 : memref<1000000x64xf32, #tpu.memory_space<hbm>>) target(%dma_start3A_1305 : memref<80x64xf32, #tpu.memory_space<vmem>>) offsets(%dma_start3A_1307 : memref<80xi32, #tpu.memory_space<vmem>>) semaphore(%arg11 : memref<!tpu.dma_semaphore, #tpu.memory_space<semaphore_mem>>)
    %dma_wait3A_1311 = arith.constant 0 : i32
    %dma_wait3A_1312 = arith.constant 0 : i32
    %dma_wait3A_1313 = tpu.memref_slice %arg8[%dma_wait3A_1311, %dma_wait3A_1312] : memref<800x64xf32, #tpu.memory_space<vmem>> -> memref<80x64xf32, #tpu.memory_space<vmem>>
    %dma_wait3A_1314 = arith.constant 3200 : i32
    %dma_wait3A_1315 = tpu.memref_slice %arg6[%dma_wait3A_1314] : memref<6400xi32, #tpu.memory_space<vmem>> -> memref<80xi32, #tpu.memory_space<vmem>>
    %dma_wait3A_1316 = arith.constant 0 : i32
    %dma_wait3A_1317 = arith.constant 0 : i32
    %dma_wait3A_1318 = tpu.memref_slice %arg3[%dma_wait3A_1316, %dma_wait3A_1317] : memref<1000000x64xf32, #tpu.memory_space<hbm>> -> memref<1000000x64xf32, #tpu.memory_space<hbm>>
    tpu.wait_indirect_dma semaphore(%arg10 : memref<!tpu.dma_semaphore, #tpu.memory_space<semaphore_mem>>) src(%dma_wait3A_1318 : memref<1000000x64xf32, #tpu.memory_space<hbm>>) dst(%dma_wait3A_1313 : memref<80x64xf32, #tpu.memory_space<vmem>>)
    %dma_wait3A_1319 = arith.constant 80 : i32
    %dma_wait3A_1320 = arith.constant 0 : i32
    %dma_wait3A_1321 = tpu.memref_slice %arg8[%dma_wait3A_1319, %dma_wait3A_1320] : memref<800x64xf32, #tpu.memory_space<vmem>> -> memref<80x64xf32, #tpu.memory_space<vmem>>
    %dma_wait3A_1322 = arith.constant 3280 : i32
    %dma_wait3A_1323 = tpu.memref_slice %arg6[%dma_wait3A_1322] : memref<6400xi32, #tpu.memory_space<vmem>> -> memref<80xi32, #tpu.memory_space<vmem>>
    %dma_wait3A_1324 = arith.constant 0 : i32
    %dma_wait3A_1325 = arith.constant 0 : i32
    %dma_wait3A_1326 = tpu.memref_slice %arg3[%dma_wait3A_1324, %dma_wait3A_1325] : memref<1000000x64xf32, #tpu.memory_space<hbm>> -> memref<1000000x64xf32, #tpu.memory_space<hbm>>
    tpu.wait_indirect_dma semaphore(%arg10 : memref<!tpu.dma_semaphore, #tpu.memory_space<semaphore_mem>>) src(%dma_wait3A_1326 : memref<1000000x64xf32, #tpu.memory_space<hbm>>) dst(%dma_wait3A_1321 : memref<80x64xf32, #tpu.memory_space<vmem>>)
    %dma_wait3A_1327 = arith.constant 160 : i32
    %dma_wait3A_1328 = arith.constant 0 : i32
    %dma_wait3A_1329 = tpu.memref_slice %arg8[%dma_wait3A_1327, %dma_wait3A_1328] : memref<800x64xf32, #tpu.memory_space<vmem>> -> memref<80x64xf32, #tpu.memory_space<vmem>>
    %dma_wait3A_1330 = arith.constant 3360 : i32
    %dma_wait3A_1331 = tpu.memref_slice %arg6[%dma_wait3A_1330] : memref<6400xi32, #tpu.memory_space<vmem>> -> memref<80xi32, #tpu.memory_space<vmem>>
    %dma_wait3A_1332 = arith.constant 0 : i32
    %dma_wait3A_1333 = arith.constant 0 : i32
    %dma_wait3A_1334 = tpu.memref_slice %arg3[%dma_wait3A_1332, %dma_wait3A_1333] : memref<1000000x64xf32, #tpu.memory_space<hbm>> -> memref<1000000x64xf32, #tpu.memory_space<hbm>>
    tpu.wait_indirect_dma semaphore(%arg10 : memref<!tpu.dma_semaphore, #tpu.memory_space<semaphore_mem>>) src(%dma_wait3A_1334 : memref<1000000x64xf32, #tpu.memory_space<hbm>>) dst(%dma_wait3A_1329 : memref<80x64xf32, #tpu.memory_space<vmem>>)
    %dma_wait3A_1335 = arith.constant 240 : i32
    %dma_wait3A_1336 = arith.constant 0 : i32
    %dma_wait3A_1337 = tpu.memref_slice %arg8[%dma_wait3A_1335, %dma_wait3A_1336] : memref<800x64xf32, #tpu.memory_space<vmem>> -> memref<80x64xf32, #tpu.memory_space<vmem>>
    %dma_wait3A_1338 = arith.constant 3440 : i32
    %dma_wait3A_1339 = tpu.memref_slice %arg6[%dma_wait3A_1338] : memref<6400xi32, #tpu.memory_space<vmem>> -> memref<80xi32, #tpu.memory_space<vmem>>
    %dma_wait3A_1340 = arith.constant 0 : i32
    %dma_wait3A_1341 = arith.constant 0 : i32
    %dma_wait3A_1342 = tpu.memref_slice %arg3[%dma_wait3A_1340, %dma_wait3A_1341] : memref<1000000x64xf32, #tpu.memory_space<hbm>> -> memref<1000000x64xf32, #tpu.memory_space<hbm>>
    tpu.wait_indirect_dma semaphore(%arg10 : memref<!tpu.dma_semaphore, #tpu.memory_space<semaphore_mem>>) src(%dma_wait3A_1342 : memref<1000000x64xf32, #tpu.memory_space<hbm>>) dst(%dma_wait3A_1337 : memref<80x64xf32, #tpu.memory_space<vmem>>)
    %dma_wait3A_1343 = arith.constant 320 : i32
    %dma_wait3A_1344 = arith.constant 0 : i32
    %dma_wait3A_1345 = tpu.memref_slice %arg8[%dma_wait3A_1343, %dma_wait3A_1344] : memref<800x64xf32, #tpu.memory_space<vmem>> -> memref<80x64xf32, #tpu.memory_space<vmem>>
    %dma_wait3A_1346 = arith.constant 3520 : i32
    %dma_wait3A_1347 = tpu.memref_slice %arg6[%dma_wait3A_1346] : memref<6400xi32, #tpu.memory_space<vmem>> -> memref<80xi32, #tpu.memory_space<vmem>>
    %dma_wait3A_1348 = arith.constant 0 : i32
    %dma_wait3A_1349 = arith.constant 0 : i32
    %dma_wait3A_1350 = tpu.memref_slice %arg3[%dma_wait3A_1348, %dma_wait3A_1349] : memref<1000000x64xf32, #tpu.memory_space<hbm>> -> memref<1000000x64xf32, #tpu.memory_space<hbm>>
    tpu.wait_indirect_dma semaphore(%arg10 : memref<!tpu.dma_semaphore, #tpu.memory_space<semaphore_mem>>) src(%dma_wait3A_1350 : memref<1000000x64xf32, #tpu.memory_space<hbm>>) dst(%dma_wait3A_1345 : memref<80x64xf32, #tpu.memory_space<vmem>>)
    %dma_wait3A_1351 = arith.constant 400 : i32
    %dma_wait3A_1352 = arith.constant 0 : i32
    %dma_wait3A_1353 = tpu.memref_slice %arg8[%dma_wait3A_1351, %dma_wait3A_1352] : memref<800x64xf32, #tpu.memory_space<vmem>> -> memref<80x64xf32, #tpu.memory_space<vmem>>
    %dma_wait3A_1354 = arith.constant 3600 : i32
    %dma_wait3A_1355 = tpu.memref_slice %arg6[%dma_wait3A_1354] : memref<6400xi32, #tpu.memory_space<vmem>> -> memref<80xi32, #tpu.memory_space<vmem>>
    %dma_wait3A_1356 = arith.constant 0 : i32
    %dma_wait3A_1357 = arith.constant 0 : i32
    %dma_wait3A_1358 = tpu.memref_slice %arg3[%dma_wait3A_1356, %dma_wait3A_1357] : memref<1000000x64xf32, #tpu.memory_space<hbm>> -> memref<1000000x64xf32, #tpu.memory_space<hbm>>
    tpu.wait_indirect_dma semaphore(%arg10 : memref<!tpu.dma_semaphore, #tpu.memory_space<semaphore_mem>>) src(%dma_wait3A_1358 : memref<1000000x64xf32, #tpu.memory_space<hbm>>) dst(%dma_wait3A_1353 : memref<80x64xf32, #tpu.memory_space<vmem>>)
    %dma_wait3A_1359 = arith.constant 480 : i32
    %dma_wait3A_1360 = arith.constant 0 : i32
    %dma_wait3A_1361 = tpu.memref_slice %arg8[%dma_wait3A_1359, %dma_wait3A_1360] : memref<800x64xf32, #tpu.memory_space<vmem>> -> memref<80x64xf32, #tpu.memory_space<vmem>>
    %dma_wait3A_1362 = arith.constant 3680 : i32
    %dma_wait3A_1363 = tpu.memref_slice %arg6[%dma_wait3A_1362] : memref<6400xi32, #tpu.memory_space<vmem>> -> memref<80xi32, #tpu.memory_space<vmem>>
    %dma_wait3A_1364 = arith.constant 0 : i32
    %dma_wait3A_1365 = arith.constant 0 : i32
    %dma_wait3A_1366 = tpu.memref_slice %arg3[%dma_wait3A_1364, %dma_wait3A_1365] : memref<1000000x64xf32, #tpu.memory_space<hbm>> -> memref<1000000x64xf32, #tpu.memory_space<hbm>>
    tpu.wait_indirect_dma semaphore(%arg10 : memref<!tpu.dma_semaphore, #tpu.memory_space<semaphore_mem>>) src(%dma_wait3A_1366 : memref<1000000x64xf32, #tpu.memory_space<hbm>>) dst(%dma_wait3A_1361 : memref<80x64xf32, #tpu.memory_space<vmem>>)
    %dma_wait3A_1367 = arith.constant 560 : i32
    %dma_wait3A_1368 = arith.constant 0 : i32
    %dma_wait3A_1369 = tpu.memref_slice %arg8[%dma_wait3A_1367, %dma_wait3A_1368] : memref<800x64xf32, #tpu.memory_space<vmem>> -> memref<80x64xf32, #tpu.memory_space<vmem>>
    %dma_wait3A_1370 = arith.constant 3760 : i32
    %dma_wait3A_1371 = tpu.memref_slice %arg6[%dma_wait3A_1370] : memref<6400xi32, #tpu.memory_space<vmem>> -> memref<80xi32, #tpu.memory_space<vmem>>
    %dma_wait3A_1372 = arith.constant 0 : i32
    %dma_wait3A_1373 = arith.constant 0 : i32
    %dma_wait3A_1374 = tpu.memref_slice %arg3[%dma_wait3A_1372, %dma_wait3A_1373] : memref<1000000x64xf32, #tpu.memory_space<hbm>> -> memref<1000000x64xf32, #tpu.memory_space<hbm>>
    tpu.wait_indirect_dma semaphore(%arg10 : memref<!tpu.dma_semaphore, #tpu.memory_space<semaphore_mem>>) src(%dma_wait3A_1374 : memref<1000000x64xf32, #tpu.memory_space<hbm>>) dst(%dma_wait3A_1369 : memref<80x64xf32, #tpu.memory_space<vmem>>)
    %dma_wait3A_1375 = arith.constant 640 : i32
    %dma_wait3A_1376 = arith.constant 0 : i32
    %dma_wait3A_1377 = tpu.memref_slice %arg8[%dma_wait3A_1375, %dma_wait3A_1376] : memref<800x64xf32, #tpu.memory_space<vmem>> -> memref<80x64xf32, #tpu.memory_space<vmem>>
    %dma_wait3A_1378 = arith.constant 3840 : i32
    %dma_wait3A_1379 = tpu.memref_slice %arg6[%dma_wait3A_1378] : memref<6400xi32, #tpu.memory_space<vmem>> -> memref<80xi32, #tpu.memory_space<vmem>>
    %dma_wait3A_1380 = arith.constant 0 : i32
    %dma_wait3A_1381 = arith.constant 0 : i32
    %dma_wait3A_1382 = tpu.memref_slice %arg3[%dma_wait3A_1380, %dma_wait3A_1381] : memref<1000000x64xf32, #tpu.memory_space<hbm>> -> memref<1000000x64xf32, #tpu.memory_space<hbm>>
    tpu.wait_indirect_dma semaphore(%arg10 : memref<!tpu.dma_semaphore, #tpu.memory_space<semaphore_mem>>) src(%dma_wait3A_1382 : memref<1000000x64xf32, #tpu.memory_space<hbm>>) dst(%dma_wait3A_1377 : memref<80x64xf32, #tpu.memory_space<vmem>>)
    %dma_wait3A_1383 = arith.constant 720 : i32
    %dma_wait3A_1384 = arith.constant 0 : i32
    %dma_wait3A_1385 = tpu.memref_slice %arg8[%dma_wait3A_1383, %dma_wait3A_1384] : memref<800x64xf32, #tpu.memory_space<vmem>> -> memref<80x64xf32, #tpu.memory_space<vmem>>
    %dma_wait3A_1386 = arith.constant 3920 : i32
    %dma_wait3A_1387 = tpu.memref_slice %arg6[%dma_wait3A_1386] : memref<6400xi32, #tpu.memory_space<vmem>> -> memref<80xi32, #tpu.memory_space<vmem>>
    %dma_wait3A_1388 = arith.constant 0 : i32
    %dma_wait3A_1389 = arith.constant 0 : i32
    %dma_wait3A_1390 = tpu.memref_slice %arg3[%dma_wait3A_1388, %dma_wait3A_1389] : memref<1000000x64xf32, #tpu.memory_space<hbm>> -> memref<1000000x64xf32, #tpu.memory_space<hbm>>
    tpu.wait_indirect_dma semaphore(%arg10 : memref<!tpu.dma_semaphore, #tpu.memory_space<semaphore_mem>>) src(%dma_wait3A_1390 : memref<1000000x64xf32, #tpu.memory_space<hbm>>) dst(%dma_wait3A_1385 : memref<80x64xf32, #tpu.memory_space<vmem>>)
    %scan3A_1391 = arith.constant 0 : i32
    %scan3A_1392 = arith.constant 200 : i32
    %scan3A_1393 = arith.addi %scan3A_1391, %scan3A_1392 : i32
    %scan3A_1394 = arith.constant 1 : i32
    scf.for %scan3A_2299 = %scan3A_1391 to %scan3A_1393 step %scan3A_1394  : i32 {
      %get3A = arith.index_cast %scan3A_2299 : i32 to index
      %get3A_2300 = arith.constant 0 : index
      %get3A_2301 = tpu.vector_load %arg7[%get3A, %get3A_2300] {strides = array<i32>} : memref<200x64xf32, #tpu.memory_space<vmem>>, vector<1x16xf32>,
      %get3A_2302 = vector.shape_cast %get3A_2301 : vector<1x16xf32> to vector<16xf32>
      %get3A_2303 = arith.index_cast %scan3A_2299 : i32 to index
      %get3A_2304 = arith.constant 16 : index
      %get3A_2305 = tpu.vector_load %arg7[%get3A_2303, %get3A_2304] {strides = array<i32>} : memref<200x64xf32, #tpu.memory_space<vmem>>, vector<1x16xf32>,
      %get3A_2306 = vector.shape_cast %get3A_2305 : vector<1x16xf32> to vector<16xf32>
      %get3A_2307 = arith.index_cast %scan3A_2299 : i32 to index
      %get3A_2308 = arith.constant 32 : index
      %get3A_2309 = tpu.vector_load %arg7[%get3A_2307, %get3A_2308] {strides = array<i32>} : memref<200x64xf32, #tpu.memory_space<vmem>>, vector<1x16xf32>,
      %get3A_2310 = vector.shape_cast %get3A_2309 : vector<1x16xf32> to vector<16xf32>
      %get3A_2311 = arith.index_cast %scan3A_2299 : i32 to index
      %get3A_2312 = arith.constant 48 : index
      %get3A_2313 = tpu.vector_load %arg7[%get3A_2311, %get3A_2312] {strides = array<i32>} : memref<200x64xf32, #tpu.memory_space<vmem>>, vector<1x16xf32>,
      %get3A_2314 = vector.shape_cast %get3A_2313 : vector<1x16xf32> to vector<16xf32>
      %add3A_2315 = arith.constant 0 : i32
      %add3A_2316 = arith.addi %add3A_2315, %scan3A_2299 : i32
      %swap3A = arith.index_cast %add3A_2316 : i32 to index
      %swap3A_2317 = arith.constant 0 : index
      %swap3A_2318 = tpu.vector_load %arg8[%swap3A, %swap3A_2317] {strides = array<i32>} : memref<800x64xf32, #tpu.memory_space<vmem>>, vector<1x16xf32>,
      %swap3A_2319 = vector.shape_cast %swap3A_2318 : vector<1x16xf32> to vector<16xf32>
      %swap3A_2320 = vector.shape_cast %get3A_2302 : vector<16xf32> to vector<1x16xf32>
      tpu.vector_store %arg8[%swap3A, %swap3A_2317], %swap3A_2320 {add = true, strides = array<i32>} : memref<800x64xf32, #tpu.memory_space<vmem>>, vector<1x16xf32>,
      %swap3A_2321 = arith.index_cast %add3A_2316 : i32 to index
      %swap3A_2322 = arith.constant 16 : index
      %swap3A_2323 = tpu.vector_load %arg8[%swap3A_2321, %swap3A_2322] {strides = array<i32>} : memref<800x64xf32, #tpu.memory_space<vmem>>, vector<1x16xf32>,
      %swap3A_2324 = vector.shape_cast %swap3A_2323 : vector<1x16xf32> to vector<16xf32>
      %swap3A_2325 = vector.shape_cast %get3A_2306 : vector<16xf32> to vector<1x16xf32>
      tpu.vector_store %arg8[%swap3A_2321, %swap3A_2322], %swap3A_2325 {add = true, strides = array<i32>} : memref<800x64xf32, #tpu.memory_space<vmem>>, vector<1x16xf32>,
      %swap3A_2326 = arith.index_cast %add3A_2316 : i32 to index
      %swap3A_2327 = arith.constant 32 : index
      %swap3A_2328 = tpu.vector_load %arg8[%swap3A_2326, %swap3A_2327] {strides = array<i32>} : memref<800x64xf32, #tpu.memory_space<vmem>>, vector<1x16xf32>,
      %swap3A_2329 = vector.shape_cast %swap3A_2328 : vector<1x16xf32> to vector<16xf32>
      %swap3A_2330 = vector.shape_cast %get3A_2310 : vector<16xf32> to vector<1x16xf32>
      tpu.vector_store %arg8[%swap3A_2326, %swap3A_2327], %swap3A_2330 {add = true, strides = array<i32>} : memref<800x64xf32, #tpu.memory_space<vmem>>, vector<1x16xf32>,
      %swap3A_2331 = arith.index_cast %add3A_2316 : i32 to index
      %swap3A_2332 = arith.constant 48 : index
      %swap3A_2333 = tpu.vector_load %arg8[%swap3A_2331, %swap3A_2332] {strides = array<i32>} : memref<800x64xf32, #tpu.memory_space<vmem>>, vector<1x16xf32>,
      %swap3A_2334 = vector.shape_cast %swap3A_2333 : vector<1x16xf32> to vector<16xf32>
      %swap3A_2335 = vector.shape_cast %get3A_2314 : vector<16xf32> to vector<1x16xf32>
      tpu.vector_store %arg8[%swap3A_2331, %swap3A_2332], %swap3A_2335 {add = true, strides = array<i32>} : memref<800x64xf32, #tpu.memory_space<vmem>>, vector<1x16xf32>,
      %add3A_2336 = arith.constant 200 : i32
      %add3A_2337 = arith.addi %add3A_2336, %scan3A_2299 : i32
      %swap3A_2338 = arith.index_cast %add3A_2337 : i32 to index
      %swap3A_2339 = arith.constant 0 : index
      %swap3A_2340 = tpu.vector_load %arg8[%swap3A_2338, %swap3A_2339] {strides = array<i32>} : memref<800x64xf32, #tpu.memory_space<vmem>>, vector<1x16xf32>,
      %swap3A_2341 = vector.shape_cast %swap3A_2340 : vector<1x16xf32> to vector<16xf32>
      %swap3A_2342 = vector.shape_cast %get3A_2302 : vector<16xf32> to vector<1x16xf32>
      tpu.vector_store %arg8[%swap3A_2338, %swap3A_2339], %swap3A_2342 {add = true, strides = array<i32>} : memref<800x64xf32, #tpu.memory_space<vmem>>, vector<1x16xf32>,
      %swap3A_2343 = arith.index_cast %add3A_2337 : i32 to index
      %swap3A_2344 = arith.constant 16 : index
      %swap3A_2345 = tpu.vector_load %arg8[%swap3A_2343, %swap3A_2344] {strides = array<i32>} : memref<800x64xf32, #tpu.memory_space<vmem>>, vector<1x16xf32>,
      %swap3A_2346 = vector.shape_cast %swap3A_2345 : vector<1x16xf32> to vector<16xf32>
      %swap3A_2347 = vector.shape_cast %get3A_2306 : vector<16xf32> to vector<1x16xf32>
      tpu.vector_store %arg8[%swap3A_2343, %swap3A_2344], %swap3A_2347 {add = true, strides = array<i32>} : memref<800x64xf32, #tpu.memory_space<vmem>>, vector<1x16xf32>,
      %swap3A_2348 = arith.index_cast %add3A_2337 : i32 to index
      %swap3A_2349 = arith.constant 32 : index
      %swap3A_2350 = tpu.vector_load %arg8[%swap3A_2348, %swap3A_2349] {strides = array<i32>} : memref<800x64xf32, #tpu.memory_space<vmem>>, vector<1x16xf32>,
      %swap3A_2351 = vector.shape_cast %swap3A_2350 : vector<1x16xf32> to vector<16xf32>
      %swap3A_2352 = vector.shape_cast %get3A_2310 : vector<16xf32> to vector<1x16xf32>
      tpu.vector_store %arg8[%swap3A_2348, %swap3A_2349], %swap3A_2352 {add = true, strides = array<i32>} : memref<800x64xf32, #tpu.memory_space<vmem>>, vector<1x16xf32>,
      %swap3A_2353 = arith.index_cast %add3A_2337 : i32 to index
      %swap3A_2354 = arith.constant 48 : index
      %swap3A_2355 = tpu.vector_load %arg8[%swap3A_2353, %swap3A_2354] {strides = array<i32>} : memref<800x64xf32, #tpu.memory_space<vmem>>, vector<1x16xf32>,
      %swap3A_2356 = vector.shape_cast %swap3A_2355 : vector<1x16xf32> to vector<16xf32>
      %swap3A_2357 = vector.shape_cast %get3A_2314 : vector<16xf32> to vector<1x16xf32>
      tpu.vector_store %arg8[%swap3A_2353, %swap3A_2354], %swap3A_2357 {add = true, strides = array<i32>} : memref<800x64xf32, #tpu.memory_space<vmem>>, vector<1x16xf32>,
      %add3A_2358 = arith.constant 400 : i32
      %add3A_2359 = arith.addi %add3A_2358, %scan3A_2299 : i32
      %swap3A_2360 = arith.index_cast %add3A_2359 : i32 to index
      %swap3A_2361 = arith.constant 0 : index
      %swap3A_2362 = tpu.vector_load %arg8[%swap3A_2360, %swap3A_2361] {strides = array<i32>} : memref<800x64xf32, #tpu.memory_space<vmem>>, vector<1x16xf32>,
      %swap3A_2363 = vector.shape_cast %swap3A_2362 : vector<1x16xf32> to vector<16xf32>
      %swap3A_2364 = vector.shape_cast %get3A_2302 : vector<16xf32> to vector<1x16xf32>
      tpu.vector_store %arg8[%swap3A_2360, %swap3A_2361], %swap3A_2364 {add = true, strides = array<i32>} : memref<800x64xf32, #tpu.memory_space<vmem>>, vector<1x16xf32>,
      %swap3A_2365 = arith.index_cast %add3A_2359 : i32 to index
      %swap3A_2366 = arith.constant 16 : index
      %swap3A_2367 = tpu.vector_load %arg8[%swap3A_2365, %swap3A_2366] {strides = array<i32>} : memref<800x64xf32, #tpu.memory_space<vmem>>, vector<1x16xf32>,
      %swap3A_2368 = vector.shape_cast %swap3A_2367 : vector<1x16xf32> to vector<16xf32>
      %swap3A_2369 = vector.shape_cast %get3A_2306 : vector<16xf32> to vector<1x16xf32>
      tpu.vector_store %arg8[%swap3A_2365, %swap3A_2366], %swap3A_2369 {add = true, strides = array<i32>} : memref<800x64xf32, #tpu.memory_space<vmem>>, vector<1x16xf32>,
      %swap3A_2370 = arith.index_cast %add3A_2359 : i32 to index
      %swap3A_2371 = arith.constant 32 : index
      %swap3A_2372 = tpu.vector_load %arg8[%swap3A_2370, %swap3A_2371] {strides = array<i32>} : memref<800x64xf32, #tpu.memory_space<vmem>>, vector<1x16xf32>,
      %swap3A_2373 = vector.shape_cast %swap3A_2372 : vector<1x16xf32> to vector<16xf32>
      %swap3A_2374 = vector.shape_cast %get3A_2310 : vector<16xf32> to vector<1x16xf32>
      tpu.vector_store %arg8[%swap3A_2370, %swap3A_2371], %swap3A_2374 {add = true, strides = array<i32>} : memref<800x64xf32, #tpu.memory_space<vmem>>, vector<1x16xf32>,
      %swap3A_2375 = arith.index_cast %add3A_2359 : i32 to index
      %swap3A_2376 = arith.constant 48 : index
      %swap3A_2377 = tpu.vector_load %arg8[%swap3A_2375, %swap3A_2376] {strides = array<i32>} : memref<800x64xf32, #tpu.memory_space<vmem>>, vector<1x16xf32>,
      %swap3A_2378 = vector.shape_cast %swap3A_2377 : vector<1x16xf32> to vector<16xf32>
      %swap3A_2379 = vector.shape_cast %get3A_2314 : vector<16xf32> to vector<1x16xf32>
      tpu.vector_store %arg8[%swap3A_2375, %swap3A_2376], %swap3A_2379 {add = true, strides = array<i32>} : memref<800x64xf32, #tpu.memory_space<vmem>>, vector<1x16xf32>,
      %add3A_2380 = arith.constant 600 : i32
      %add3A_2381 = arith.addi %add3A_2380, %scan3A_2299 : i32
      %swap3A_2382 = arith.index_cast %add3A_2381 : i32 to index
      %swap3A_2383 = arith.constant 0 : index
      %swap3A_2384 = tpu.vector_load %arg8[%swap3A_2382, %swap3A_2383] {strides = array<i32>} : memref<800x64xf32, #tpu.memory_space<vmem>>, vector<1x16xf32>,
      %swap3A_2385 = vector.shape_cast %swap3A_2384 : vector<1x16xf32> to vector<16xf32>
      %swap3A_2386 = vector.shape_cast %get3A_2302 : vector<16xf32> to vector<1x16xf32>
      tpu.vector_store %arg8[%swap3A_2382, %swap3A_2383], %swap3A_2386 {add = true, strides = array<i32>} : memref<800x64xf32, #tpu.memory_space<vmem>>, vector<1x16xf32>,
      %swap3A_2387 = arith.index_cast %add3A_2381 : i32 to index
      %swap3A_2388 = arith.constant 16 : index
      %swap3A_2389 = tpu.vector_load %arg8[%swap3A_2387, %swap3A_2388] {strides = array<i32>} : memref<800x64xf32, #tpu.memory_space<vmem>>, vector<1x16xf32>,
      %swap3A_2390 = vector.shape_cast %swap3A_2389 : vector<1x16xf32> to vector<16xf32>
      %swap3A_2391 = vector.shape_cast %get3A_2306 : vector<16xf32> to vector<1x16xf32>
      tpu.vector_store %arg8[%swap3A_2387, %swap3A_2388], %swap3A_2391 {add = true, strides = array<i32>} : memref<800x64xf32, #tpu.memory_space<vmem>>, vector<1x16xf32>,
      %swap3A_2392 = arith.index_cast %add3A_2381 : i32 to index
      %swap3A_2393 = arith.constant 32 : index
      %swap3A_2394 = tpu.vector_load %arg8[%swap3A_2392, %swap3A_2393] {strides = array<i32>} : memref<800x64xf32, #tpu.memory_space<vmem>>, vector<1x16xf32>,
      %swap3A_2395 = vector.shape_cast %swap3A_2394 : vector<1x16xf32> to vector<16xf32>
      %swap3A_2396 = vector.shape_cast %get3A_2310 : vector<16xf32> to vector<1x16xf32>
      tpu.vector_store %arg8[%swap3A_2392, %swap3A_2393], %swap3A_2396 {add = true, strides = array<i32>} : memref<800x64xf32, #tpu.memory_space<vmem>>, vector<1x16xf32>,
      %swap3A_2397 = arith.index_cast %add3A_2381 : i32 to index
      %swap3A_2398 = arith.constant 48 : index
      %swap3A_2399 = tpu.vector_load %arg8[%swap3A_2397, %swap3A_2398] {strides = array<i32>} : memref<800x64xf32, #tpu.memory_space<vmem>>, vector<1x16xf32>,
      %swap3A_2400 = vector.shape_cast %swap3A_2399 : vector<1x16xf32> to vector<16xf32>
      %swap3A_2401 = vector.shape_cast %get3A_2314 : vector<16xf32> to vector<1x16xf32>
      tpu.vector_store %arg8[%swap3A_2397, %swap3A_2398], %swap3A_2401 {add = true, strides = array<i32>} : memref<800x64xf32, #tpu.memory_space<vmem>>, vector<1x16xf32>,
    }
    %scan3A_1395 = arith.constant 200 : i32
    %add3A_1396 = arith.constant 16 : i32
    %add3A_1397 = arith.addi %multiple_of3A_5, %add3A_1396 : i32
    %add3A_1398 = arith.constant 0 : i32
    %add3A_1399 = arith.addi %add3A_1397, %add3A_1398 : i32
    %dma_start3A_1400 = arith.constant 0 : i32
    %dma_start3A_1401 = arith.constant 0 : i32
    %dma_start3A_1402 = tpu.memref_slice %arg8[%dma_start3A_1400, %dma_start3A_1401] : memref<800x64xf32, #tpu.memory_space<vmem>> -> memref<200x64xf32, #tpu.memory_space<vmem>>
    %dma_start3A_1403 = arith.constant 0 : i32
    %dma_start3A_1404 = arith.constant 0 : i32
    %dma_start3A_1405 = tpu.memref_slice %arg5[%add3A_1399, %dma_start3A_1403, %dma_start3A_1404] : memref<1024x200x64xf32, #tpu.memory_space<hbm>> -> memref<1x200x64xf32, #tpu.memory_space<hbm>>
    %dma_start3A_1406 = tpu.memref_squeeze %dma_start3A_1405 : memref<1x200x64xf32, #tpu.memory_space<hbm>> -> memref<200x64xf32, #tpu.memory_space<hbm>>
    %dma_start3A_1407 = arith.constant 0 : i32
    %dma_start3A_1408 = arith.constant 0 : i32
    %dma_start3A_1409 = tpu.memref_slice %arg5[%add3A_1399, %dma_start3A_1407, %dma_start3A_1408] : memref<1024x200x64xf32, #tpu.memory_space<hbm>> -> memref<1x200x64xf32, #tpu.memory_space<hbm>>
    %dma_start3A_1410 = tpu.memref_squeeze %dma_start3A_1409 : memref<1x200x64xf32, #tpu.memory_space<hbm>> -> memref<200x64xf32, #tpu.memory_space<hbm>>
    %dma_start3A_1411 = arith.constant 0 : i32
    %dma_start3A_1412 = arith.constant 0 : i32
    %dma_start3A_1413 = tpu.memref_slice %arg8[%dma_start3A_1411, %dma_start3A_1412] : memref<800x64xf32, #tpu.memory_space<vmem>> -> memref<200x64xf32, #tpu.memory_space<vmem>>
    tpu.enqueue_dma source(%dma_start3A_1413 : memref<200x64xf32, #tpu.memory_space<vmem>>) target(%dma_start3A_1410 : memref<200x64xf32, #tpu.memory_space<hbm>>) target_semaphore(%arg12 : memref<!tpu.dma_semaphore, #tpu.memory_space<semaphore_mem>>)
    %add3A_1414 = arith.constant 1 : i32
    %add3A_1415 = arith.addi %add3A_1397, %add3A_1414 : i32
    %dma_start3A_1416 = arith.constant 200 : i32
    %dma_start3A_1417 = arith.constant 0 : i32
    %dma_start3A_1418 = tpu.memref_slice %arg8[%dma_start3A_1416, %dma_start3A_1417] : memref<800x64xf32, #tpu.memory_space<vmem>> -> memref<200x64xf32, #tpu.memory_space<vmem>>
    %dma_start3A_1419 = arith.constant 0 : i32
    %dma_start3A_1420 = arith.constant 0 : i32
    %dma_start3A_1421 = tpu.memref_slice %arg5[%add3A_1415, %dma_start3A_1419, %dma_start3A_1420] : memref<1024x200x64xf32, #tpu.memory_space<hbm>> -> memref<1x200x64xf32, #tpu.memory_space<hbm>>
    %dma_start3A_1422 = tpu.memref_squeeze %dma_start3A_1421 : memref<1x200x64xf32, #tpu.memory_space<hbm>> -> memref<200x64xf32, #tpu.memory_space<hbm>>
    %dma_start3A_1423 = arith.constant 0 : i32
    %dma_start3A_1424 = arith.constant 0 : i32
    %dma_start3A_1425 = tpu.memref_slice %arg5[%add3A_1415, %dma_start3A_1423, %dma_start3A_1424] : memref<1024x200x64xf32, #tpu.memory_space<hbm>> -> memref<1x200x64xf32, #tpu.memory_space<hbm>>
    %dma_start3A_1426 = tpu.memref_squeeze %dma_start3A_1425 : memref<1x200x64xf32, #tpu.memory_space<hbm>> -> memref<200x64xf32, #tpu.memory_space<hbm>>
    %dma_start3A_1427 = arith.constant 200 : i32
    %dma_start3A_1428 = arith.constant 0 : i32
    %dma_start3A_1429 = tpu.memref_slice %arg8[%dma_start3A_1427, %dma_start3A_1428] : memref<800x64xf32, #tpu.memory_space<vmem>> -> memref<200x64xf32, #tpu.memory_space<vmem>>
    tpu.enqueue_dma source(%dma_start3A_1429 : memref<200x64xf32, #tpu.memory_space<vmem>>) target(%dma_start3A_1426 : memref<200x64xf32, #tpu.memory_space<hbm>>) target_semaphore(%arg12 : memref<!tpu.dma_semaphore, #tpu.memory_space<semaphore_mem>>)
    %add3A_1430 = arith.constant 2 : i32
    %add3A_1431 = arith.addi %add3A_1397, %add3A_1430 : i32
    %dma_start3A_1432 = arith.constant 400 : i32
    %dma_start3A_1433 = arith.constant 0 : i32
    %dma_start3A_1434 = tpu.memref_slice %arg8[%dma_start3A_1432, %dma_start3A_1433] : memref<800x64xf32, #tpu.memory_space<vmem>> -> memref<200x64xf32, #tpu.memory_space<vmem>>
    %dma_start3A_1435 = arith.constant 0 : i32
    %dma_start3A_1436 = arith.constant 0 : i32
    %dma_start3A_1437 = tpu.memref_slice %arg5[%add3A_1431, %dma_start3A_1435, %dma_start3A_1436] : memref<1024x200x64xf32, #tpu.memory_space<hbm>> -> memref<1x200x64xf32, #tpu.memory_space<hbm>>
    %dma_start3A_1438 = tpu.memref_squeeze %dma_start3A_1437 : memref<1x200x64xf32, #tpu.memory_space<hbm>> -> memref<200x64xf32, #tpu.memory_space<hbm>>
    %dma_start3A_1439 = arith.constant 0 : i32
    %dma_start3A_1440 = arith.constant 0 : i32
    %dma_start3A_1441 = tpu.memref_slice %arg5[%add3A_1431, %dma_start3A_1439, %dma_start3A_1440] : memref<1024x200x64xf32, #tpu.memory_space<hbm>> -> memref<1x200x64xf32, #tpu.memory_space<hbm>>
    %dma_start3A_1442 = tpu.memref_squeeze %dma_start3A_1441 : memref<1x200x64xf32, #tpu.memory_space<hbm>> -> memref<200x64xf32, #tpu.memory_space<hbm>>
    %dma_start3A_1443 = arith.constant 400 : i32
    %dma_start3A_1444 = arith.constant 0 : i32
    %dma_start3A_1445 = tpu.memref_slice %arg8[%dma_start3A_1443, %dma_start3A_1444] : memref<800x64xf32, #tpu.memory_space<vmem>> -> memref<200x64xf32, #tpu.memory_space<vmem>>
    tpu.enqueue_dma source(%dma_start3A_1445 : memref<200x64xf32, #tpu.memory_space<vmem>>) target(%dma_start3A_1442 : memref<200x64xf32, #tpu.memory_space<hbm>>) target_semaphore(%arg12 : memref<!tpu.dma_semaphore, #tpu.memory_space<semaphore_mem>>)
    %add3A_1446 = arith.constant 3 : i32
    %add3A_1447 = arith.addi %add3A_1397, %add3A_1446 : i32
    %dma_start3A_1448 = arith.constant 600 : i32
    %dma_start3A_1449 = arith.constant 0 : i32
    %dma_start3A_1450 = tpu.memref_slice %arg8[%dma_start3A_1448, %dma_start3A_1449] : memref<800x64xf32, #tpu.memory_space<vmem>> -> memref<200x64xf32, #tpu.memory_space<vmem>>
    %dma_start3A_1451 = arith.constant 0 : i32
    %dma_start3A_1452 = arith.constant 0 : i32
    %dma_start3A_1453 = tpu.memref_slice %arg5[%add3A_1447, %dma_start3A_1451, %dma_start3A_1452] : memref<1024x200x64xf32, #tpu.memory_space<hbm>> -> memref<1x200x64xf32, #tpu.memory_space<hbm>>
    %dma_start3A_1454 = tpu.memref_squeeze %dma_start3A_1453 : memref<1x200x64xf32, #tpu.memory_space<hbm>> -> memref<200x64xf32, #tpu.memory_space<hbm>>
    %dma_start3A_1455 = arith.constant 0 : i32
    %dma_start3A_1456 = arith.constant 0 : i32
    %dma_start3A_1457 = tpu.memref_slice %arg5[%add3A_1447, %dma_start3A_1455, %dma_start3A_1456] : memref<1024x200x64xf32, #tpu.memory_space<hbm>> -> memref<1x200x64xf32, #tpu.memory_space<hbm>>
    %dma_start3A_1458 = tpu.memref_squeeze %dma_start3A_1457 : memref<1x200x64xf32, #tpu.memory_space<hbm>> -> memref<200x64xf32, #tpu.memory_space<hbm>>
    %dma_start3A_1459 = arith.constant 600 : i32
    %dma_start3A_1460 = arith.constant 0 : i32
    %dma_start3A_1461 = tpu.memref_slice %arg8[%dma_start3A_1459, %dma_start3A_1460] : memref<800x64xf32, #tpu.memory_space<vmem>> -> memref<200x64xf32, #tpu.memory_space<vmem>>
    tpu.enqueue_dma source(%dma_start3A_1461 : memref<200x64xf32, #tpu.memory_space<vmem>>) target(%dma_start3A_1458 : memref<200x64xf32, #tpu.memory_space<hbm>>) target_semaphore(%arg12 : memref<!tpu.dma_semaphore, #tpu.memory_space<semaphore_mem>>)
    %dma_wait3A_1462 = arith.constant 0 : i32
    %dma_wait3A_1463 = arith.constant 0 : i32
    %dma_wait3A_1464 = tpu.memref_slice %arg8[%dma_wait3A_1462, %dma_wait3A_1463] : memref<800x64xf32, #tpu.memory_space<vmem>> -> memref<200x64xf32, #tpu.memory_space<vmem>>
    %dma_wait3A_1465 = arith.constant 0 : i32
    %dma_wait3A_1466 = arith.constant 0 : i32
    %dma_wait3A_1467 = tpu.memref_slice %arg5[%add3A_1399, %dma_wait3A_1465, %dma_wait3A_1466] : memref<1024x200x64xf32, #tpu.memory_space<hbm>> -> memref<1x200x64xf32, #tpu.memory_space<hbm>>
    %dma_wait3A_1468 = tpu.memref_squeeze %dma_wait3A_1467 : memref<1x200x64xf32, #tpu.memory_space<hbm>> -> memref<200x64xf32, #tpu.memory_space<hbm>>
    %dma_wait3A_1469 = arith.constant 0 : i32
    %dma_wait3A_1470 = arith.constant 0 : i32
    %dma_wait3A_1471 = tpu.memref_slice %arg5[%add3A_1399, %dma_wait3A_1469, %dma_wait3A_1470] : memref<1024x200x64xf32, #tpu.memory_space<hbm>> -> memref<1x200x64xf32, #tpu.memory_space<hbm>>
    %dma_wait3A_1472 = tpu.memref_squeeze %dma_wait3A_1471 : memref<1x200x64xf32, #tpu.memory_space<hbm>> -> memref<200x64xf32, #tpu.memory_space<hbm>>
    %dma_wait3A_1473 = arith.constant 0 : i32
    %dma_wait3A_1474 = arith.constant 0 : i32
    %dma_wait3A_1475 = tpu.memref_slice %arg8[%dma_wait3A_1473, %dma_wait3A_1474] : memref<800x64xf32, #tpu.memory_space<vmem>> -> memref<200x64xf32, #tpu.memory_space<vmem>>
    tpu.wait_dma2 semaphore(%arg12 : memref<!tpu.dma_semaphore, #tpu.memory_space<semaphore_mem>>) src(%dma_wait3A_1475 : memref<200x64xf32, #tpu.memory_space<vmem>>) dst(%dma_wait3A_1472 : memref<200x64xf32, #tpu.memory_space<hbm>>)
    %dma_wait3A_1476 = arith.constant 200 : i32
    %dma_wait3A_1477 = arith.constant 0 : i32
    %dma_wait3A_1478 = tpu.memref_slice %arg8[%dma_wait3A_1476, %dma_wait3A_1477] : memref<800x64xf32, #tpu.memory_space<vmem>> -> memref<200x64xf32, #tpu.memory_space<vmem>>
    %dma_wait3A_1479 = arith.constant 0 : i32
    %dma_wait3A_1480 = arith.constant 0 : i32
    %dma_wait3A_1481 = tpu.memref_slice %arg5[%add3A_1415, %dma_wait3A_1479, %dma_wait3A_1480] : memref<1024x200x64xf32, #tpu.memory_space<hbm>> -> memref<1x200x64xf32, #tpu.memory_space<hbm>>
    %dma_wait3A_1482 = tpu.memref_squeeze %dma_wait3A_1481 : memref<1x200x64xf32, #tpu.memory_space<hbm>> -> memref<200x64xf32, #tpu.memory_space<hbm>>
    %dma_wait3A_1483 = arith.constant 0 : i32
    %dma_wait3A_1484 = arith.constant 0 : i32
    %dma_wait3A_1485 = tpu.memref_slice %arg5[%add3A_1415, %dma_wait3A_1483, %dma_wait3A_1484] : memref<1024x200x64xf32, #tpu.memory_space<hbm>> -> memref<1x200x64xf32, #tpu.memory_space<hbm>>
    %dma_wait3A_1486 = tpu.memref_squeeze %dma_wait3A_1485 : memref<1x200x64xf32, #tpu.memory_space<hbm>> -> memref<200x64xf32, #tpu.memory_space<hbm>>
    %dma_wait3A_1487 = arith.constant 200 : i32
    %dma_wait3A_1488 = arith.constant 0 : i32
    %dma_wait3A_1489 = tpu.memref_slice %arg8[%dma_wait3A_1487, %dma_wait3A_1488] : memref<800x64xf32, #tpu.memory_space<vmem>> -> memref<200x64xf32, #tpu.memory_space<vmem>>
    tpu.wait_dma2 semaphore(%arg12 : memref<!tpu.dma_semaphore, #tpu.memory_space<semaphore_mem>>) src(%dma_wait3A_1489 : memref<200x64xf32, #tpu.memory_space<vmem>>) dst(%dma_wait3A_1486 : memref<200x64xf32, #tpu.memory_space<hbm>>)
    %dma_wait3A_1490 = arith.constant 400 : i32
    %dma_wait3A_1491 = arith.constant 0 : i32
    %dma_wait3A_1492 = tpu.memref_slice %arg8[%dma_wait3A_1490, %dma_wait3A_1491] : memref<800x64xf32, #tpu.memory_space<vmem>> -> memref<200x64xf32, #tpu.memory_space<vmem>>
    %dma_wait3A_1493 = arith.constant 0 : i32
    %dma_wait3A_1494 = arith.constant 0 : i32
    %dma_wait3A_1495 = tpu.memref_slice %arg5[%add3A_1431, %dma_wait3A_1493, %dma_wait3A_1494] : memref<1024x200x64xf32, #tpu.memory_space<hbm>> -> memref<1x200x64xf32, #tpu.memory_space<hbm>>
    %dma_wait3A_1496 = tpu.memref_squeeze %dma_wait3A_1495 : memref<1x200x64xf32, #tpu.memory_space<hbm>> -> memref<200x64xf32, #tpu.memory_space<hbm>>
    %dma_wait3A_1497 = arith.constant 0 : i32
    %dma_wait3A_1498 = arith.constant 0 : i32
    %dma_wait3A_1499 = tpu.memref_slice %arg5[%add3A_1431, %dma_wait3A_1497, %dma_wait3A_1498] : memref<1024x200x64xf32, #tpu.memory_space<hbm>> -> memref<1x200x64xf32, #tpu.memory_space<hbm>>
    %dma_wait3A_1500 = tpu.memref_squeeze %dma_wait3A_1499 : memref<1x200x64xf32, #tpu.memory_space<hbm>> -> memref<200x64xf32, #tpu.memory_space<hbm>>
    %dma_wait3A_1501 = arith.constant 400 : i32
    %dma_wait3A_1502 = arith.constant 0 : i32
    %dma_wait3A_1503 = tpu.memref_slice %arg8[%dma_wait3A_1501, %dma_wait3A_1502] : memref<800x64xf32, #tpu.memory_space<vmem>> -> memref<200x64xf32, #tpu.memory_space<vmem>>
    tpu.wait_dma2 semaphore(%arg12 : memref<!tpu.dma_semaphore, #tpu.memory_space<semaphore_mem>>) src(%dma_wait3A_1503 : memref<200x64xf32, #tpu.memory_space<vmem>>) dst(%dma_wait3A_1500 : memref<200x64xf32, #tpu.memory_space<hbm>>)
    %dma_wait3A_1504 = arith.constant 600 : i32
    %dma_wait3A_1505 = arith.constant 0 : i32
    %dma_wait3A_1506 = tpu.memref_slice %arg8[%dma_wait3A_1504, %dma_wait3A_1505] : memref<800x64xf32, #tpu.memory_space<vmem>> -> memref<200x64xf32, #tpu.memory_space<vmem>>
    %dma_wait3A_1507 = arith.constant 0 : i32
    %dma_wait3A_1508 = arith.constant 0 : i32
    %dma_wait3A_1509 = tpu.memref_slice %arg5[%add3A_1447, %dma_wait3A_1507, %dma_wait3A_1508] : memref<1024x200x64xf32, #tpu.memory_space<hbm>> -> memref<1x200x64xf32, #tpu.memory_space<hbm>>
    %dma_wait3A_1510 = tpu.memref_squeeze %dma_wait3A_1509 : memref<1x200x64xf32, #tpu.memory_space<hbm>> -> memref<200x64xf32, #tpu.memory_space<hbm>>
    %dma_wait3A_1511 = arith.constant 0 : i32
    %dma_wait3A_1512 = arith.constant 0 : i32
    %dma_wait3A_1513 = tpu.memref_slice %arg5[%add3A_1447, %dma_wait3A_1511, %dma_wait3A_1512] : memref<1024x200x64xf32, #tpu.memory_space<hbm>> -> memref<1x200x64xf32, #tpu.memory_space<hbm>>
    %dma_wait3A_1514 = tpu.memref_squeeze %dma_wait3A_1513 : memref<1x200x64xf32, #tpu.memory_space<hbm>> -> memref<200x64xf32, #tpu.memory_space<hbm>>
    %dma_wait3A_1515 = arith.constant 600 : i32
    %dma_wait3A_1516 = arith.constant 0 : i32
    %dma_wait3A_1517 = tpu.memref_slice %arg8[%dma_wait3A_1515, %dma_wait3A_1516] : memref<800x64xf32, #tpu.memory_space<vmem>> -> memref<200x64xf32, #tpu.memory_space<vmem>>
    tpu.wait_dma2 semaphore(%arg12 : memref<!tpu.dma_semaphore, #tpu.memory_space<semaphore_mem>>) src(%dma_wait3A_1517 : memref<200x64xf32, #tpu.memory_space<vmem>>) dst(%dma_wait3A_1514 : memref<200x64xf32, #tpu.memory_space<hbm>>)
    %dma_start3A_1518 = arith.constant 0 : i32
    %dma_start3A_1519 = arith.constant 0 : i32
    %dma_start3A_1520 = tpu.memref_slice %arg8[%dma_start3A_1518, %dma_start3A_1519] : memref<800x64xf32, #tpu.memory_space<vmem>> -> memref<80x64xf32, #tpu.memory_space<vmem>>
    %dma_start3A_1521 = arith.constant 4800 : i32
    %dma_start3A_1522 = tpu.memref_slice %arg6[%dma_start3A_1521] : memref<6400xi32, #tpu.memory_space<vmem>> -> memref<80xi32, #tpu.memory_space<vmem>>
    %dma_start3A_1523 = arith.constant 0 : i32
    %dma_start3A_1524 = arith.constant 0 : i32
    %dma_start3A_1525 = tpu.memref_slice %arg3[%dma_start3A_1523, %dma_start3A_1524] : memref<1000000x64xf32, #tpu.memory_space<hbm>> -> memref<1000000x64xf32, #tpu.memory_space<hbm>>
    tpu.enqueue_indirect_dma source(%dma_start3A_1525 : memref<1000000x64xf32, #tpu.memory_space<hbm>>) target(%dma_start3A_1520 : memref<80x64xf32, #tpu.memory_space<vmem>>) offsets(%dma_start3A_1522 : memref<80xi32, #tpu.memory_space<vmem>>) semaphore(%arg10 : memref<!tpu.dma_semaphore, #tpu.memory_space<semaphore_mem>>)
    %dma_start3A_1526 = arith.constant 80 : i32
    %dma_start3A_1527 = arith.constant 0 : i32
    %dma_start3A_1528 = tpu.memref_slice %arg8[%dma_start3A_1526, %dma_start3A_1527] : memref<800x64xf32, #tpu.memory_space<vmem>> -> memref<80x64xf32, #tpu.memory_space<vmem>>
    %dma_start3A_1529 = arith.constant 4880 : i32
    %dma_start3A_1530 = tpu.memref_slice %arg6[%dma_start3A_1529] : memref<6400xi32, #tpu.memory_space<vmem>> -> memref<80xi32, #tpu.memory_space<vmem>>
    %dma_start3A_1531 = arith.constant 0 : i32
    %dma_start3A_1532 = arith.constant 0 : i32
    %dma_start3A_1533 = tpu.memref_slice %arg3[%dma_start3A_1531, %dma_start3A_1532] : memref<1000000x64xf32, #tpu.memory_space<hbm>> -> memref<1000000x64xf32, #tpu.memory_space<hbm>>
    tpu.enqueue_indirect_dma source(%dma_start3A_1533 : memref<1000000x64xf32, #tpu.memory_space<hbm>>) target(%dma_start3A_1528 : memref<80x64xf32, #tpu.memory_space<vmem>>) offsets(%dma_start3A_1530 : memref<80xi32, #tpu.memory_space<vmem>>) semaphore(%arg10 : memref<!tpu.dma_semaphore, #tpu.memory_space<semaphore_mem>>)
    %dma_start3A_1534 = arith.constant 160 : i32
    %dma_start3A_1535 = arith.constant 0 : i32
    %dma_start3A_1536 = tpu.memref_slice %arg8[%dma_start3A_1534, %dma_start3A_1535] : memref<800x64xf32, #tpu.memory_space<vmem>> -> memref<80x64xf32, #tpu.memory_space<vmem>>
    %dma_start3A_1537 = arith.constant 4960 : i32
    %dma_start3A_1538 = tpu.memref_slice %arg6[%dma_start3A_1537] : memref<6400xi32, #tpu.memory_space<vmem>> -> memref<80xi32, #tpu.memory_space<vmem>>
    %dma_start3A_1539 = arith.constant 0 : i32
    %dma_start3A_1540 = arith.constant 0 : i32
    %dma_start3A_1541 = tpu.memref_slice %arg3[%dma_start3A_1539, %dma_start3A_1540] : memref<1000000x64xf32, #tpu.memory_space<hbm>> -> memref<1000000x64xf32, #tpu.memory_space<hbm>>
    tpu.enqueue_indirect_dma source(%dma_start3A_1541 : memref<1000000x64xf32, #tpu.memory_space<hbm>>) target(%dma_start3A_1536 : memref<80x64xf32, #tpu.memory_space<vmem>>) offsets(%dma_start3A_1538 : memref<80xi32, #tpu.memory_space<vmem>>) semaphore(%arg10 : memref<!tpu.dma_semaphore, #tpu.memory_space<semaphore_mem>>)
    %dma_start3A_1542 = arith.constant 240 : i32
    %dma_start3A_1543 = arith.constant 0 : i32
    %dma_start3A_1544 = tpu.memref_slice %arg8[%dma_start3A_1542, %dma_start3A_1543] : memref<800x64xf32, #tpu.memory_space<vmem>> -> memref<80x64xf32, #tpu.memory_space<vmem>>
    %dma_start3A_1545 = arith.constant 5040 : i32
    %dma_start3A_1546 = tpu.memref_slice %arg6[%dma_start3A_1545] : memref<6400xi32, #tpu.memory_space<vmem>> -> memref<80xi32, #tpu.memory_space<vmem>>
    %dma_start3A_1547 = arith.constant 0 : i32
    %dma_start3A_1548 = arith.constant 0 : i32
    %dma_start3A_1549 = tpu.memref_slice %arg3[%dma_start3A_1547, %dma_start3A_1548] : memref<1000000x64xf32, #tpu.memory_space<hbm>> -> memref<1000000x64xf32, #tpu.memory_space<hbm>>
    tpu.enqueue_indirect_dma source(%dma_start3A_1549 : memref<1000000x64xf32, #tpu.memory_space<hbm>>) target(%dma_start3A_1544 : memref<80x64xf32, #tpu.memory_space<vmem>>) offsets(%dma_start3A_1546 : memref<80xi32, #tpu.memory_space<vmem>>) semaphore(%arg10 : memref<!tpu.dma_semaphore, #tpu.memory_space<semaphore_mem>>)
    %dma_start3A_1550 = arith.constant 320 : i32
    %dma_start3A_1551 = arith.constant 0 : i32
    %dma_start3A_1552 = tpu.memref_slice %arg8[%dma_start3A_1550, %dma_start3A_1551] : memref<800x64xf32, #tpu.memory_space<vmem>> -> memref<80x64xf32, #tpu.memory_space<vmem>>
    %dma_start3A_1553 = arith.constant 5120 : i32
    %dma_start3A_1554 = tpu.memref_slice %arg6[%dma_start3A_1553] : memref<6400xi32, #tpu.memory_space<vmem>> -> memref<80xi32, #tpu.memory_space<vmem>>
    %dma_start3A_1555 = arith.constant 0 : i32
    %dma_start3A_1556 = arith.constant 0 : i32
    %dma_start3A_1557 = tpu.memref_slice %arg3[%dma_start3A_1555, %dma_start3A_1556] : memref<1000000x64xf32, #tpu.memory_space<hbm>> -> memref<1000000x64xf32, #tpu.memory_space<hbm>>
    tpu.enqueue_indirect_dma source(%dma_start3A_1557 : memref<1000000x64xf32, #tpu.memory_space<hbm>>) target(%dma_start3A_1552 : memref<80x64xf32, #tpu.memory_space<vmem>>) offsets(%dma_start3A_1554 : memref<80xi32, #tpu.memory_space<vmem>>) semaphore(%arg10 : memref<!tpu.dma_semaphore, #tpu.memory_space<semaphore_mem>>)
    %dma_start3A_1558 = arith.constant 400 : i32
    %dma_start3A_1559 = arith.constant 0 : i32
    %dma_start3A_1560 = tpu.memref_slice %arg8[%dma_start3A_1558, %dma_start3A_1559] : memref<800x64xf32, #tpu.memory_space<vmem>> -> memref<80x64xf32, #tpu.memory_space<vmem>>
    %dma_start3A_1561 = arith.constant 5200 : i32
    %dma_start3A_1562 = tpu.memref_slice %arg6[%dma_start3A_1561] : memref<6400xi32, #tpu.memory_space<vmem>> -> memref<80xi32, #tpu.memory_space<vmem>>
    %dma_start3A_1563 = arith.constant 0 : i32
    %dma_start3A_1564 = arith.constant 0 : i32
    %dma_start3A_1565 = tpu.memref_slice %arg3[%dma_start3A_1563, %dma_start3A_1564] : memref<1000000x64xf32, #tpu.memory_space<hbm>> -> memref<1000000x64xf32, #tpu.memory_space<hbm>>
    tpu.enqueue_indirect_dma source(%dma_start3A_1565 : memref<1000000x64xf32, #tpu.memory_space<hbm>>) target(%dma_start3A_1560 : memref<80x64xf32, #tpu.memory_space<vmem>>) offsets(%dma_start3A_1562 : memref<80xi32, #tpu.memory_space<vmem>>) semaphore(%arg10 : memref<!tpu.dma_semaphore, #tpu.memory_space<semaphore_mem>>)
    %dma_start3A_1566 = arith.constant 480 : i32
    %dma_start3A_1567 = arith.constant 0 : i32
    %dma_start3A_1568 = tpu.memref_slice %arg8[%dma_start3A_1566, %dma_start3A_1567] : memref<800x64xf32, #tpu.memory_space<vmem>> -> memref<80x64xf32, #tpu.memory_space<vmem>>
    %dma_start3A_1569 = arith.constant 5280 : i32
    %dma_start3A_1570 = tpu.memref_slice %arg6[%dma_start3A_1569] : memref<6400xi32, #tpu.memory_space<vmem>> -> memref<80xi32, #tpu.memory_space<vmem>>
    %dma_start3A_1571 = arith.constant 0 : i32
    %dma_start3A_1572 = arith.constant 0 : i32
    %dma_start3A_1573 = tpu.memref_slice %arg3[%dma_start3A_1571, %dma_start3A_1572] : memref<1000000x64xf32, #tpu.memory_space<hbm>> -> memref<1000000x64xf32, #tpu.memory_space<hbm>>
    tpu.enqueue_indirect_dma source(%dma_start3A_1573 : memref<1000000x64xf32, #tpu.memory_space<hbm>>) target(%dma_start3A_1568 : memref<80x64xf32, #tpu.memory_space<vmem>>) offsets(%dma_start3A_1570 : memref<80xi32, #tpu.memory_space<vmem>>) semaphore(%arg10 : memref<!tpu.dma_semaphore, #tpu.memory_space<semaphore_mem>>)
    %dma_start3A_1574 = arith.constant 560 : i32
    %dma_start3A_1575 = arith.constant 0 : i32
    %dma_start3A_1576 = tpu.memref_slice %arg8[%dma_start3A_1574, %dma_start3A_1575] : memref<800x64xf32, #tpu.memory_space<vmem>> -> memref<80x64xf32, #tpu.memory_space<vmem>>
    %dma_start3A_1577 = arith.constant 5360 : i32
    %dma_start3A_1578 = tpu.memref_slice %arg6[%dma_start3A_1577] : memref<6400xi32, #tpu.memory_space<vmem>> -> memref<80xi32, #tpu.memory_space<vmem>>
    %dma_start3A_1579 = arith.constant 0 : i32
    %dma_start3A_1580 = arith.constant 0 : i32
    %dma_start3A_1581 = tpu.memref_slice %arg3[%dma_start3A_1579, %dma_start3A_1580] : memref<1000000x64xf32, #tpu.memory_space<hbm>> -> memref<1000000x64xf32, #tpu.memory_space<hbm>>
    tpu.enqueue_indirect_dma source(%dma_start3A_1581 : memref<1000000x64xf32, #tpu.memory_space<hbm>>) target(%dma_start3A_1576 : memref<80x64xf32, #tpu.memory_space<vmem>>) offsets(%dma_start3A_1578 : memref<80xi32, #tpu.memory_space<vmem>>) semaphore(%arg10 : memref<!tpu.dma_semaphore, #tpu.memory_space<semaphore_mem>>)
    %dma_start3A_1582 = arith.constant 640 : i32
    %dma_start3A_1583 = arith.constant 0 : i32
    %dma_start3A_1584 = tpu.memref_slice %arg8[%dma_start3A_1582, %dma_start3A_1583] : memref<800x64xf32, #tpu.memory_space<vmem>> -> memref<80x64xf32, #tpu.memory_space<vmem>>
    %dma_start3A_1585 = arith.constant 5440 : i32
    %dma_start3A_1586 = tpu.memref_slice %arg6[%dma_start3A_1585] : memref<6400xi32, #tpu.memory_space<vmem>> -> memref<80xi32, #tpu.memory_space<vmem>>
    %dma_start3A_1587 = arith.constant 0 : i32
    %dma_start3A_1588 = arith.constant 0 : i32
    %dma_start3A_1589 = tpu.memref_slice %arg3[%dma_start3A_1587, %dma_start3A_1588] : memref<1000000x64xf32, #tpu.memory_space<hbm>> -> memref<1000000x64xf32, #tpu.memory_space<hbm>>
    tpu.enqueue_indirect_dma source(%dma_start3A_1589 : memref<1000000x64xf32, #tpu.memory_space<hbm>>) target(%dma_start3A_1584 : memref<80x64xf32, #tpu.memory_space<vmem>>) offsets(%dma_start3A_1586 : memref<80xi32, #tpu.memory_space<vmem>>) semaphore(%arg10 : memref<!tpu.dma_semaphore, #tpu.memory_space<semaphore_mem>>)
    %dma_start3A_1590 = arith.constant 720 : i32
    %dma_start3A_1591 = arith.constant 0 : i32
    %dma_start3A_1592 = tpu.memref_slice %arg8[%dma_start3A_1590, %dma_start3A_1591] : memref<800x64xf32, #tpu.memory_space<vmem>> -> memref<80x64xf32, #tpu.memory_space<vmem>>
    %dma_start3A_1593 = arith.constant 5520 : i32
    %dma_start3A_1594 = tpu.memref_slice %arg6[%dma_start3A_1593] : memref<6400xi32, #tpu.memory_space<vmem>> -> memref<80xi32, #tpu.memory_space<vmem>>
    %dma_start3A_1595 = arith.constant 0 : i32
    %dma_start3A_1596 = arith.constant 0 : i32
    %dma_start3A_1597 = tpu.memref_slice %arg3[%dma_start3A_1595, %dma_start3A_1596] : memref<1000000x64xf32, #tpu.memory_space<hbm>> -> memref<1000000x64xf32, #tpu.memory_space<hbm>>
    tpu.enqueue_indirect_dma source(%dma_start3A_1597 : memref<1000000x64xf32, #tpu.memory_space<hbm>>) target(%dma_start3A_1592 : memref<80x64xf32, #tpu.memory_space<vmem>>) offsets(%dma_start3A_1594 : memref<80xi32, #tpu.memory_space<vmem>>) semaphore(%arg10 : memref<!tpu.dma_semaphore, #tpu.memory_space<semaphore_mem>>)
    %dma_wait3A_1598 = arith.constant 0 : i32
    %dma_wait3A_1599 = arith.constant 0 : i32
    %dma_wait3A_1600 = tpu.memref_slice %arg9[%dma_wait3A_1598, %dma_wait3A_1599] : memref<800x64xf32, #tpu.memory_space<vmem>> -> memref<80x64xf32, #tpu.memory_space<vmem>>
    %dma_wait3A_1601 = arith.constant 4000 : i32
    %dma_wait3A_1602 = tpu.memref_slice %arg6[%dma_wait3A_1601] : memref<6400xi32, #tpu.memory_space<vmem>> -> memref<80xi32, #tpu.memory_space<vmem>>
    %dma_wait3A_1603 = arith.constant 0 : i32
    %dma_wait3A_1604 = arith.constant 0 : i32
    %dma_wait3A_1605 = tpu.memref_slice %arg3[%dma_wait3A_1603, %dma_wait3A_1604] : memref<1000000x64xf32, #tpu.memory_space<hbm>> -> memref<1000000x64xf32, #tpu.memory_space<hbm>>
    tpu.wait_indirect_dma semaphore(%arg11 : memref<!tpu.dma_semaphore, #tpu.memory_space<semaphore_mem>>) src(%dma_wait3A_1605 : memref<1000000x64xf32, #tpu.memory_space<hbm>>) dst(%dma_wait3A_1600 : memref<80x64xf32, #tpu.memory_space<vmem>>)
    %dma_wait3A_1606 = arith.constant 80 : i32
    %dma_wait3A_1607 = arith.constant 0 : i32
    %dma_wait3A_1608 = tpu.memref_slice %arg9[%dma_wait3A_1606, %dma_wait3A_1607] : memref<800x64xf32, #tpu.memory_space<vmem>> -> memref<80x64xf32, #tpu.memory_space<vmem>>
    %dma_wait3A_1609 = arith.constant 4080 : i32
    %dma_wait3A_1610 = tpu.memref_slice %arg6[%dma_wait3A_1609] : memref<6400xi32, #tpu.memory_space<vmem>> -> memref<80xi32, #tpu.memory_space<vmem>>
    %dma_wait3A_1611 = arith.constant 0 : i32
    %dma_wait3A_1612 = arith.constant 0 : i32
    %dma_wait3A_1613 = tpu.memref_slice %arg3[%dma_wait3A_1611, %dma_wait3A_1612] : memref<1000000x64xf32, #tpu.memory_space<hbm>> -> memref<1000000x64xf32, #tpu.memory_space<hbm>>
    tpu.wait_indirect_dma semaphore(%arg11 : memref<!tpu.dma_semaphore, #tpu.memory_space<semaphore_mem>>) src(%dma_wait3A_1613 : memref<1000000x64xf32, #tpu.memory_space<hbm>>) dst(%dma_wait3A_1608 : memref<80x64xf32, #tpu.memory_space<vmem>>)
    %dma_wait3A_1614 = arith.constant 160 : i32
    %dma_wait3A_1615 = arith.constant 0 : i32
    %dma_wait3A_1616 = tpu.memref_slice %arg9[%dma_wait3A_1614, %dma_wait3A_1615] : memref<800x64xf32, #tpu.memory_space<vmem>> -> memref<80x64xf32, #tpu.memory_space<vmem>>
    %dma_wait3A_1617 = arith.constant 4160 : i32
    %dma_wait3A_1618 = tpu.memref_slice %arg6[%dma_wait3A_1617] : memref<6400xi32, #tpu.memory_space<vmem>> -> memref<80xi32, #tpu.memory_space<vmem>>
    %dma_wait3A_1619 = arith.constant 0 : i32
    %dma_wait3A_1620 = arith.constant 0 : i32
    %dma_wait3A_1621 = tpu.memref_slice %arg3[%dma_wait3A_1619, %dma_wait3A_1620] : memref<1000000x64xf32, #tpu.memory_space<hbm>> -> memref<1000000x64xf32, #tpu.memory_space<hbm>>
    tpu.wait_indirect_dma semaphore(%arg11 : memref<!tpu.dma_semaphore, #tpu.memory_space<semaphore_mem>>) src(%dma_wait3A_1621 : memref<1000000x64xf32, #tpu.memory_space<hbm>>) dst(%dma_wait3A_1616 : memref<80x64xf32, #tpu.memory_space<vmem>>)
    %dma_wait3A_1622 = arith.constant 240 : i32
    %dma_wait3A_1623 = arith.constant 0 : i32
    %dma_wait3A_1624 = tpu.memref_slice %arg9[%dma_wait3A_1622, %dma_wait3A_1623] : memref<800x64xf32, #tpu.memory_space<vmem>> -> memref<80x64xf32, #tpu.memory_space<vmem>>
    %dma_wait3A_1625 = arith.constant 4240 : i32
    %dma_wait3A_1626 = tpu.memref_slice %arg6[%dma_wait3A_1625] : memref<6400xi32, #tpu.memory_space<vmem>> -> memref<80xi32, #tpu.memory_space<vmem>>
    %dma_wait3A_1627 = arith.constant 0 : i32
    %dma_wait3A_1628 = arith.constant 0 : i32
    %dma_wait3A_1629 = tpu.memref_slice %arg3[%dma_wait3A_1627, %dma_wait3A_1628] : memref<1000000x64xf32, #tpu.memory_space<hbm>> -> memref<1000000x64xf32, #tpu.memory_space<hbm>>
    tpu.wait_indirect_dma semaphore(%arg11 : memref<!tpu.dma_semaphore, #tpu.memory_space<semaphore_mem>>) src(%dma_wait3A_1629 : memref<1000000x64xf32, #tpu.memory_space<hbm>>) dst(%dma_wait3A_1624 : memref<80x64xf32, #tpu.memory_space<vmem>>)
    %dma_wait3A_1630 = arith.constant 320 : i32
    %dma_wait3A_1631 = arith.constant 0 : i32
    %dma_wait3A_1632 = tpu.memref_slice %arg9[%dma_wait3A_1630, %dma_wait3A_1631] : memref<800x64xf32, #tpu.memory_space<vmem>> -> memref<80x64xf32, #tpu.memory_space<vmem>>
    %dma_wait3A_1633 = arith.constant 4320 : i32
    %dma_wait3A_1634 = tpu.memref_slice %arg6[%dma_wait3A_1633] : memref<6400xi32, #tpu.memory_space<vmem>> -> memref<80xi32, #tpu.memory_space<vmem>>
    %dma_wait3A_1635 = arith.constant 0 : i32
    %dma_wait3A_1636 = arith.constant 0 : i32
    %dma_wait3A_1637 = tpu.memref_slice %arg3[%dma_wait3A_1635, %dma_wait3A_1636] : memref<1000000x64xf32, #tpu.memory_space<hbm>> -> memref<1000000x64xf32, #tpu.memory_space<hbm>>
    tpu.wait_indirect_dma semaphore(%arg11 : memref<!tpu.dma_semaphore, #tpu.memory_space<semaphore_mem>>) src(%dma_wait3A_1637 : memref<1000000x64xf32, #tpu.memory_space<hbm>>) dst(%dma_wait3A_1632 : memref<80x64xf32, #tpu.memory_space<vmem>>)
    %dma_wait3A_1638 = arith.constant 400 : i32
    %dma_wait3A_1639 = arith.constant 0 : i32
    %dma_wait3A_1640 = tpu.memref_slice %arg9[%dma_wait3A_1638, %dma_wait3A_1639] : memref<800x64xf32, #tpu.memory_space<vmem>> -> memref<80x64xf32, #tpu.memory_space<vmem>>
    %dma_wait3A_1641 = arith.constant 4400 : i32
    %dma_wait3A_1642 = tpu.memref_slice %arg6[%dma_wait3A_1641] : memref<6400xi32, #tpu.memory_space<vmem>> -> memref<80xi32, #tpu.memory_space<vmem>>
    %dma_wait3A_1643 = arith.constant 0 : i32
    %dma_wait3A_1644 = arith.constant 0 : i32
    %dma_wait3A_1645 = tpu.memref_slice %arg3[%dma_wait3A_1643, %dma_wait3A_1644] : memref<1000000x64xf32, #tpu.memory_space<hbm>> -> memref<1000000x64xf32, #tpu.memory_space<hbm>>
    tpu.wait_indirect_dma semaphore(%arg11 : memref<!tpu.dma_semaphore, #tpu.memory_space<semaphore_mem>>) src(%dma_wait3A_1645 : memref<1000000x64xf32, #tpu.memory_space<hbm>>) dst(%dma_wait3A_1640 : memref<80x64xf32, #tpu.memory_space<vmem>>)
    %dma_wait3A_1646 = arith.constant 480 : i32
    %dma_wait3A_1647 = arith.constant 0 : i32
    %dma_wait3A_1648 = tpu.memref_slice %arg9[%dma_wait3A_1646, %dma_wait3A_1647] : memref<800x64xf32, #tpu.memory_space<vmem>> -> memref<80x64xf32, #tpu.memory_space<vmem>>
    %dma_wait3A_1649 = arith.constant 4480 : i32
    %dma_wait3A_1650 = tpu.memref_slice %arg6[%dma_wait3A_1649] : memref<6400xi32, #tpu.memory_space<vmem>> -> memref<80xi32, #tpu.memory_space<vmem>>
    %dma_wait3A_1651 = arith.constant 0 : i32
    %dma_wait3A_1652 = arith.constant 0 : i32
    %dma_wait3A_1653 = tpu.memref_slice %arg3[%dma_wait3A_1651, %dma_wait3A_1652] : memref<1000000x64xf32, #tpu.memory_space<hbm>> -> memref<1000000x64xf32, #tpu.memory_space<hbm>>
    tpu.wait_indirect_dma semaphore(%arg11 : memref<!tpu.dma_semaphore, #tpu.memory_space<semaphore_mem>>) src(%dma_wait3A_1653 : memref<1000000x64xf32, #tpu.memory_space<hbm>>) dst(%dma_wait3A_1648 : memref<80x64xf32, #tpu.memory_space<vmem>>)
    %dma_wait3A_1654 = arith.constant 560 : i32
    %dma_wait3A_1655 = arith.constant 0 : i32
    %dma_wait3A_1656 = tpu.memref_slice %arg9[%dma_wait3A_1654, %dma_wait3A_1655] : memref<800x64xf32, #tpu.memory_space<vmem>> -> memref<80x64xf32, #tpu.memory_space<vmem>>
    %dma_wait3A_1657 = arith.constant 4560 : i32
    %dma_wait3A_1658 = tpu.memref_slice %arg6[%dma_wait3A_1657] : memref<6400xi32, #tpu.memory_space<vmem>> -> memref<80xi32, #tpu.memory_space<vmem>>
    %dma_wait3A_1659 = arith.constant 0 : i32
    %dma_wait3A_1660 = arith.constant 0 : i32
    %dma_wait3A_1661 = tpu.memref_slice %arg3[%dma_wait3A_1659, %dma_wait3A_1660] : memref<1000000x64xf32, #tpu.memory_space<hbm>> -> memref<1000000x64xf32, #tpu.memory_space<hbm>>
    tpu.wait_indirect_dma semaphore(%arg11 : memref<!tpu.dma_semaphore, #tpu.memory_space<semaphore_mem>>) src(%dma_wait3A_1661 : memref<1000000x64xf32, #tpu.memory_space<hbm>>) dst(%dma_wait3A_1656 : memref<80x64xf32, #tpu.memory_space<vmem>>)
    %dma_wait3A_1662 = arith.constant 640 : i32
    %dma_wait3A_1663 = arith.constant 0 : i32
    %dma_wait3A_1664 = tpu.memref_slice %arg9[%dma_wait3A_1662, %dma_wait3A_1663] : memref<800x64xf32, #tpu.memory_space<vmem>> -> memref<80x64xf32, #tpu.memory_space<vmem>>
    %dma_wait3A_1665 = arith.constant 4640 : i32
    %dma_wait3A_1666 = tpu.memref_slice %arg6[%dma_wait3A_1665] : memref<6400xi32, #tpu.memory_space<vmem>> -> memref<80xi32, #tpu.memory_space<vmem>>
    %dma_wait3A_1667 = arith.constant 0 : i32
    %dma_wait3A_1668 = arith.constant 0 : i32
    %dma_wait3A_1669 = tpu.memref_slice %arg3[%dma_wait3A_1667, %dma_wait3A_1668] : memref<1000000x64xf32, #tpu.memory_space<hbm>> -> memref<1000000x64xf32, #tpu.memory_space<hbm>>
    tpu.wait_indirect_dma semaphore(%arg11 : memref<!tpu.dma_semaphore, #tpu.memory_space<semaphore_mem>>) src(%dma_wait3A_1669 : memref<1000000x64xf32, #tpu.memory_space<hbm>>) dst(%dma_wait3A_1664 : memref<80x64xf32, #tpu.memory_space<vmem>>)
    %dma_wait3A_1670 = arith.constant 720 : i32
    %dma_wait3A_1671 = arith.constant 0 : i32
    %dma_wait3A_1672 = tpu.memref_slice %arg9[%dma_wait3A_1670, %dma_wait3A_1671] : memref<800x64xf32, #tpu.memory_space<vmem>> -> memref<80x64xf32, #tpu.memory_space<vmem>>
    %dma_wait3A_1673 = arith.constant 4720 : i32
    %dma_wait3A_1674 = tpu.memref_slice %arg6[%dma_wait3A_1673] : memref<6400xi32, #tpu.memory_space<vmem>> -> memref<80xi32, #tpu.memory_space<vmem>>
    %dma_wait3A_1675 = arith.constant 0 : i32
    %dma_wait3A_1676 = arith.constant 0 : i32
    %dma_wait3A_1677 = tpu.memref_slice %arg3[%dma_wait3A_1675, %dma_wait3A_1676] : memref<1000000x64xf32, #tpu.memory_space<hbm>> -> memref<1000000x64xf32, #tpu.memory_space<hbm>>
    tpu.wait_indirect_dma semaphore(%arg11 : memref<!tpu.dma_semaphore, #tpu.memory_space<semaphore_mem>>) src(%dma_wait3A_1677 : memref<1000000x64xf32, #tpu.memory_space<hbm>>) dst(%dma_wait3A_1672 : memref<80x64xf32, #tpu.memory_space<vmem>>)
    %scan3A_1678 = arith.constant 0 : i32
    %scan3A_1679 = arith.constant 200 : i32
    %scan3A_1680 = arith.addi %scan3A_1678, %scan3A_1679 : i32
    %scan3A_1681 = arith.constant 1 : i32
    scf.for %scan3A_2299 = %scan3A_1678 to %scan3A_1680 step %scan3A_1681  : i32 {
      %get3A = arith.index_cast %scan3A_2299 : i32 to index
      %get3A_2300 = arith.constant 0 : index
      %get3A_2301 = tpu.vector_load %arg7[%get3A, %get3A_2300] {strides = array<i32>} : memref<200x64xf32, #tpu.memory_space<vmem>>, vector<1x16xf32>,
      %get3A_2302 = vector.shape_cast %get3A_2301 : vector<1x16xf32> to vector<16xf32>
      %get3A_2303 = arith.index_cast %scan3A_2299 : i32 to index
      %get3A_2304 = arith.constant 16 : index
      %get3A_2305 = tpu.vector_load %arg7[%get3A_2303, %get3A_2304] {strides = array<i32>} : memref<200x64xf32, #tpu.memory_space<vmem>>, vector<1x16xf32>,
      %get3A_2306 = vector.shape_cast %get3A_2305 : vector<1x16xf32> to vector<16xf32>
      %get3A_2307 = arith.index_cast %scan3A_2299 : i32 to index
      %get3A_2308 = arith.constant 32 : index
      %get3A_2309 = tpu.vector_load %arg7[%get3A_2307, %get3A_2308] {strides = array<i32>} : memref<200x64xf32, #tpu.memory_space<vmem>>, vector<1x16xf32>,
      %get3A_2310 = vector.shape_cast %get3A_2309 : vector<1x16xf32> to vector<16xf32>
      %get3A_2311 = arith.index_cast %scan3A_2299 : i32 to index
      %get3A_2312 = arith.constant 48 : index
      %get3A_2313 = tpu.vector_load %arg7[%get3A_2311, %get3A_2312] {strides = array<i32>} : memref<200x64xf32, #tpu.memory_space<vmem>>, vector<1x16xf32>,
      %get3A_2314 = vector.shape_cast %get3A_2313 : vector<1x16xf32> to vector<16xf32>
      %add3A_2315 = arith.constant 0 : i32
      %add3A_2316 = arith.addi %add3A_2315, %scan3A_2299 : i32
      %swap3A = arith.index_cast %add3A_2316 : i32 to index
      %swap3A_2317 = arith.constant 0 : index
      %swap3A_2318 = tpu.vector_load %arg9[%swap3A, %swap3A_2317] {strides = array<i32>} : memref<800x64xf32, #tpu.memory_space<vmem>>, vector<1x16xf32>,
      %swap3A_2319 = vector.shape_cast %swap3A_2318 : vector<1x16xf32> to vector<16xf32>
      %swap3A_2320 = vector.shape_cast %get3A_2302 : vector<16xf32> to vector<1x16xf32>
      tpu.vector_store %arg9[%swap3A, %swap3A_2317], %swap3A_2320 {add = true, strides = array<i32>} : memref<800x64xf32, #tpu.memory_space<vmem>>, vector<1x16xf32>,
      %swap3A_2321 = arith.index_cast %add3A_2316 : i32 to index
      %swap3A_2322 = arith.constant 16 : index
      %swap3A_2323 = tpu.vector_load %arg9[%swap3A_2321, %swap3A_2322] {strides = array<i32>} : memref<800x64xf32, #tpu.memory_space<vmem>>, vector<1x16xf32>,
      %swap3A_2324 = vector.shape_cast %swap3A_2323 : vector<1x16xf32> to vector<16xf32>
      %swap3A_2325 = vector.shape_cast %get3A_2306 : vector<16xf32> to vector<1x16xf32>
      tpu.vector_store %arg9[%swap3A_2321, %swap3A_2322], %swap3A_2325 {add = true, strides = array<i32>} : memref<800x64xf32, #tpu.memory_space<vmem>>, vector<1x16xf32>,
      %swap3A_2326 = arith.index_cast %add3A_2316 : i32 to index
      %swap3A_2327 = arith.constant 32 : index
      %swap3A_2328 = tpu.vector_load %arg9[%swap3A_2326, %swap3A_2327] {strides = array<i32>} : memref<800x64xf32, #tpu.memory_space<vmem>>, vector<1x16xf32>,
      %swap3A_2329 = vector.shape_cast %swap3A_2328 : vector<1x16xf32> to vector<16xf32>
      %swap3A_2330 = vector.shape_cast %get3A_2310 : vector<16xf32> to vector<1x16xf32>
      tpu.vector_store %arg9[%swap3A_2326, %swap3A_2327], %swap3A_2330 {add = true, strides = array<i32>} : memref<800x64xf32, #tpu.memory_space<vmem>>, vector<1x16xf32>,
      %swap3A_2331 = arith.index_cast %add3A_2316 : i32 to index
      %swap3A_2332 = arith.constant 48 : index
      %swap3A_2333 = tpu.vector_load %arg9[%swap3A_2331, %swap3A_2332] {strides = array<i32>} : memref<800x64xf32, #tpu.memory_space<vmem>>, vector<1x16xf32>,
      %swap3A_2334 = vector.shape_cast %swap3A_2333 : vector<1x16xf32> to vector<16xf32>
      %swap3A_2335 = vector.shape_cast %get3A_2314 : vector<16xf32> to vector<1x16xf32>
      tpu.vector_store %arg9[%swap3A_2331, %swap3A_2332], %swap3A_2335 {add = true, strides = array<i32>} : memref<800x64xf32, #tpu.memory_space<vmem>>, vector<1x16xf32>,
      %add3A_2336 = arith.constant 200 : i32
      %add3A_2337 = arith.addi %add3A_2336, %scan3A_2299 : i32
      %swap3A_2338 = arith.index_cast %add3A_2337 : i32 to index
      %swap3A_2339 = arith.constant 0 : index
      %swap3A_2340 = tpu.vector_load %arg9[%swap3A_2338, %swap3A_2339] {strides = array<i32>} : memref<800x64xf32, #tpu.memory_space<vmem>>, vector<1x16xf32>,
      %swap3A_2341 = vector.shape_cast %swap3A_2340 : vector<1x16xf32> to vector<16xf32>
      %swap3A_2342 = vector.shape_cast %get3A_2302 : vector<16xf32> to vector<1x16xf32>
      tpu.vector_store %arg9[%swap3A_2338, %swap3A_2339], %swap3A_2342 {add = true, strides = array<i32>} : memref<800x64xf32, #tpu.memory_space<vmem>>, vector<1x16xf32>,
      %swap3A_2343 = arith.index_cast %add3A_2337 : i32 to index
      %swap3A_2344 = arith.constant 16 : index
      %swap3A_2345 = tpu.vector_load %arg9[%swap3A_2343, %swap3A_2344] {strides = array<i32>} : memref<800x64xf32, #tpu.memory_space<vmem>>, vector<1x16xf32>,
      %swap3A_2346 = vector.shape_cast %swap3A_2345 : vector<1x16xf32> to vector<16xf32>
      %swap3A_2347 = vector.shape_cast %get3A_2306 : vector<16xf32> to vector<1x16xf32>
      tpu.vector_store %arg9[%swap3A_2343, %swap3A_2344], %swap3A_2347 {add = true, strides = array<i32>} : memref<800x64xf32, #tpu.memory_space<vmem>>, vector<1x16xf32>,
      %swap3A_2348 = arith.index_cast %add3A_2337 : i32 to index
      %swap3A_2349 = arith.constant 32 : index
      %swap3A_2350 = tpu.vector_load %arg9[%swap3A_2348, %swap3A_2349] {strides = array<i32>} : memref<800x64xf32, #tpu.memory_space<vmem>>, vector<1x16xf32>,
      %swap3A_2351 = vector.shape_cast %swap3A_2350 : vector<1x16xf32> to vector<16xf32>
      %swap3A_2352 = vector.shape_cast %get3A_2310 : vector<16xf32> to vector<1x16xf32>
      tpu.vector_store %arg9[%swap3A_2348, %swap3A_2349], %swap3A_2352 {add = true, strides = array<i32>} : memref<800x64xf32, #tpu.memory_space<vmem>>, vector<1x16xf32>,
      %swap3A_2353 = arith.index_cast %add3A_2337 : i32 to index
      %swap3A_2354 = arith.constant 48 : index
      %swap3A_2355 = tpu.vector_load %arg9[%swap3A_2353, %swap3A_2354] {strides = array<i32>} : memref<800x64xf32, #tpu.memory_space<vmem>>, vector<1x16xf32>,
      %swap3A_2356 = vector.shape_cast %swap3A_2355 : vector<1x16xf32> to vector<16xf32>
      %swap3A_2357 = vector.shape_cast %get3A_2314 : vector<16xf32> to vector<1x16xf32>
      tpu.vector_store %arg9[%swap3A_2353, %swap3A_2354], %swap3A_2357 {add = true, strides = array<i32>} : memref<800x64xf32, #tpu.memory_space<vmem>>, vector<1x16xf32>,
      %add3A_2358 = arith.constant 400 : i32
      %add3A_2359 = arith.addi %add3A_2358, %scan3A_2299 : i32
      %swap3A_2360 = arith.index_cast %add3A_2359 : i32 to index
      %swap3A_2361 = arith.constant 0 : index
      %swap3A_2362 = tpu.vector_load %arg9[%swap3A_2360, %swap3A_2361] {strides = array<i32>} : memref<800x64xf32, #tpu.memory_space<vmem>>, vector<1x16xf32>,
      %swap3A_2363 = vector.shape_cast %swap3A_2362 : vector<1x16xf32> to vector<16xf32>
      %swap3A_2364 = vector.shape_cast %get3A_2302 : vector<16xf32> to vector<1x16xf32>
      tpu.vector_store %arg9[%swap3A_2360, %swap3A_2361], %swap3A_2364 {add = true, strides = array<i32>} : memref<800x64xf32, #tpu.memory_space<vmem>>, vector<1x16xf32>,
      %swap3A_2365 = arith.index_cast %add3A_2359 : i32 to index
      %swap3A_2366 = arith.constant 16 : index
      %swap3A_2367 = tpu.vector_load %arg9[%swap3A_2365, %swap3A_2366] {strides = array<i32>} : memref<800x64xf32, #tpu.memory_space<vmem>>, vector<1x16xf32>,
      %swap3A_2368 = vector.shape_cast %swap3A_2367 : vector<1x16xf32> to vector<16xf32>
      %swap3A_2369 = vector.shape_cast %get3A_2306 : vector<16xf32> to vector<1x16xf32>
      tpu.vector_store %arg9[%swap3A_2365, %swap3A_2366], %swap3A_2369 {add = true, strides = array<i32>} : memref<800x64xf32, #tpu.memory_space<vmem>>, vector<1x16xf32>,
      %swap3A_2370 = arith.index_cast %add3A_2359 : i32 to index
      %swap3A_2371 = arith.constant 32 : index
      %swap3A_2372 = tpu.vector_load %arg9[%swap3A_2370, %swap3A_2371] {strides = array<i32>} : memref<800x64xf32, #tpu.memory_space<vmem>>, vector<1x16xf32>,
      %swap3A_2373 = vector.shape_cast %swap3A_2372 : vector<1x16xf32> to vector<16xf32>
      %swap3A_2374 = vector.shape_cast %get3A_2310 : vector<16xf32> to vector<1x16xf32>
      tpu.vector_store %arg9[%swap3A_2370, %swap3A_2371], %swap3A_2374 {add = true, strides = array<i32>} : memref<800x64xf32, #tpu.memory_space<vmem>>, vector<1x16xf32>,
      %swap3A_2375 = arith.index_cast %add3A_2359 : i32 to index
      %swap3A_2376 = arith.constant 48 : index
      %swap3A_2377 = tpu.vector_load %arg9[%swap3A_2375, %swap3A_2376] {strides = array<i32>} : memref<800x64xf32, #tpu.memory_space<vmem>>, vector<1x16xf32>,
      %swap3A_2378 = vector.shape_cast %swap3A_2377 : vector<1x16xf32> to vector<16xf32>
      %swap3A_2379 = vector.shape_cast %get3A_2314 : vector<16xf32> to vector<1x16xf32>
      tpu.vector_store %arg9[%swap3A_2375, %swap3A_2376], %swap3A_2379 {add = true, strides = array<i32>} : memref<800x64xf32, #tpu.memory_space<vmem>>, vector<1x16xf32>,
      %add3A_2380 = arith.constant 600 : i32
      %add3A_2381 = arith.addi %add3A_2380, %scan3A_2299 : i32
      %swap3A_2382 = arith.index_cast %add3A_2381 : i32 to index
      %swap3A_2383 = arith.constant 0 : index
      %swap3A_2384 = tpu.vector_load %arg9[%swap3A_2382, %swap3A_2383] {strides = array<i32>} : memref<800x64xf32, #tpu.memory_space<vmem>>, vector<1x16xf32>,
      %swap3A_2385 = vector.shape_cast %swap3A_2384 : vector<1x16xf32> to vector<16xf32>
      %swap3A_2386 = vector.shape_cast %get3A_2302 : vector<16xf32> to vector<1x16xf32>
      tpu.vector_store %arg9[%swap3A_2382, %swap3A_2383], %swap3A_2386 {add = true, strides = array<i32>} : memref<800x64xf32, #tpu.memory_space<vmem>>, vector<1x16xf32>,
      %swap3A_2387 = arith.index_cast %add3A_2381 : i32 to index
      %swap3A_2388 = arith.constant 16 : index
      %swap3A_2389 = tpu.vector_load %arg9[%swap3A_2387, %swap3A_2388] {strides = array<i32>} : memref<800x64xf32, #tpu.memory_space<vmem>>, vector<1x16xf32>,
      %swap3A_2390 = vector.shape_cast %swap3A_2389 : vector<1x16xf32> to vector<16xf32>
      %swap3A_2391 = vector.shape_cast %get3A_2306 : vector<16xf32> to vector<1x16xf32>
      tpu.vector_store %arg9[%swap3A_2387, %swap3A_2388], %swap3A_2391 {add = true, strides = array<i32>} : memref<800x64xf32, #tpu.memory_space<vmem>>, vector<1x16xf32>,
      %swap3A_2392 = arith.index_cast %add3A_2381 : i32 to index
      %swap3A_2393 = arith.constant 32 : index
      %swap3A_2394 = tpu.vector_load %arg9[%swap3A_2392, %swap3A_2393] {strides = array<i32>} : memref<800x64xf32, #tpu.memory_space<vmem>>, vector<1x16xf32>,
      %swap3A_2395 = vector.shape_cast %swap3A_2394 : vector<1x16xf32> to vector<16xf32>
      %swap3A_2396 = vector.shape_cast %get3A_2310 : vector<16xf32> to vector<1x16xf32>
      tpu.vector_store %arg9[%swap3A_2392, %swap3A_2393], %swap3A_2396 {add = true, strides = array<i32>} : memref<800x64xf32, #tpu.memory_space<vmem>>, vector<1x16xf32>,
      %swap3A_2397 = arith.index_cast %add3A_2381 : i32 to index
      %swap3A_2398 = arith.constant 48 : index
      %swap3A_2399 = tpu.vector_load %arg9[%swap3A_2397, %swap3A_2398] {strides = array<i32>} : memref<800x64xf32, #tpu.memory_space<vmem>>, vector<1x16xf32>,
      %swap3A_2400 = vector.shape_cast %swap3A_2399 : vector<1x16xf32> to vector<16xf32>
      %swap3A_2401 = vector.shape_cast %get3A_2314 : vector<16xf32> to vector<1x16xf32>
      tpu.vector_store %arg9[%swap3A_2397, %swap3A_2398], %swap3A_2401 {add = true, strides = array<i32>} : memref<800x64xf32, #tpu.memory_space<vmem>>, vector<1x16xf32>,
    }
    %scan3A_1682 = arith.constant 200 : i32
    %add3A_1683 = arith.constant 20 : i32
    %add3A_1684 = arith.addi %multiple_of3A_5, %add3A_1683 : i32
    %add3A_1685 = arith.constant 0 : i32
    %add3A_1686 = arith.addi %add3A_1684, %add3A_1685 : i32
    %dma_start3A_1687 = arith.constant 0 : i32
    %dma_start3A_1688 = arith.constant 0 : i32
    %dma_start3A_1689 = tpu.memref_slice %arg9[%dma_start3A_1687, %dma_start3A_1688] : memref<800x64xf32, #tpu.memory_space<vmem>> -> memref<200x64xf32, #tpu.memory_space<vmem>>
    %dma_start3A_1690 = arith.constant 0 : i32
    %dma_start3A_1691 = arith.constant 0 : i32
    %dma_start3A_1692 = tpu.memref_slice %arg5[%add3A_1686, %dma_start3A_1690, %dma_start3A_1691] : memref<1024x200x64xf32, #tpu.memory_space<hbm>> -> memref<1x200x64xf32, #tpu.memory_space<hbm>>
    %dma_start3A_1693 = tpu.memref_squeeze %dma_start3A_1692 : memref<1x200x64xf32, #tpu.memory_space<hbm>> -> memref<200x64xf32, #tpu.memory_space<hbm>>
    %dma_start3A_1694 = arith.constant 0 : i32
    %dma_start3A_1695 = arith.constant 0 : i32
    %dma_start3A_1696 = tpu.memref_slice %arg5[%add3A_1686, %dma_start3A_1694, %dma_start3A_1695] : memref<1024x200x64xf32, #tpu.memory_space<hbm>> -> memref<1x200x64xf32, #tpu.memory_space<hbm>>
    %dma_start3A_1697 = tpu.memref_squeeze %dma_start3A_1696 : memref<1x200x64xf32, #tpu.memory_space<hbm>> -> memref<200x64xf32, #tpu.memory_space<hbm>>
    %dma_start3A_1698 = arith.constant 0 : i32
    %dma_start3A_1699 = arith.constant 0 : i32
    %dma_start3A_1700 = tpu.memref_slice %arg9[%dma_start3A_1698, %dma_start3A_1699] : memref<800x64xf32, #tpu.memory_space<vmem>> -> memref<200x64xf32, #tpu.memory_space<vmem>>
    tpu.enqueue_dma source(%dma_start3A_1700 : memref<200x64xf32, #tpu.memory_space<vmem>>) target(%dma_start3A_1697 : memref<200x64xf32, #tpu.memory_space<hbm>>) target_semaphore(%arg13 : memref<!tpu.dma_semaphore, #tpu.memory_space<semaphore_mem>>)
    %add3A_1701 = arith.constant 1 : i32
    %add3A_1702 = arith.addi %add3A_1684, %add3A_1701 : i32
    %dma_start3A_1703 = arith.constant 200 : i32
    %dma_start3A_1704 = arith.constant 0 : i32
    %dma_start3A_1705 = tpu.memref_slice %arg9[%dma_start3A_1703, %dma_start3A_1704] : memref<800x64xf32, #tpu.memory_space<vmem>> -> memref<200x64xf32, #tpu.memory_space<vmem>>
    %dma_start3A_1706 = arith.constant 0 : i32
    %dma_start3A_1707 = arith.constant 0 : i32
    %dma_start3A_1708 = tpu.memref_slice %arg5[%add3A_1702, %dma_start3A_1706, %dma_start3A_1707] : memref<1024x200x64xf32, #tpu.memory_space<hbm>> -> memref<1x200x64xf32, #tpu.memory_space<hbm>>
    %dma_start3A_1709 = tpu.memref_squeeze %dma_start3A_1708 : memref<1x200x64xf32, #tpu.memory_space<hbm>> -> memref<200x64xf32, #tpu.memory_space<hbm>>
    %dma_start3A_1710 = arith.constant 0 : i32
    %dma_start3A_1711 = arith.constant 0 : i32
    %dma_start3A_1712 = tpu.memref_slice %arg5[%add3A_1702, %dma_start3A_1710, %dma_start3A_1711] : memref<1024x200x64xf32, #tpu.memory_space<hbm>> -> memref<1x200x64xf32, #tpu.memory_space<hbm>>
    %dma_start3A_1713 = tpu.memref_squeeze %dma_start3A_1712 : memref<1x200x64xf32, #tpu.memory_space<hbm>> -> memref<200x64xf32, #tpu.memory_space<hbm>>
    %dma_start3A_1714 = arith.constant 200 : i32
    %dma_start3A_1715 = arith.constant 0 : i32
    %dma_start3A_1716 = tpu.memref_slice %arg9[%dma_start3A_1714, %dma_start3A_1715] : memref<800x64xf32, #tpu.memory_space<vmem>> -> memref<200x64xf32, #tpu.memory_space<vmem>>
    tpu.enqueue_dma source(%dma_start3A_1716 : memref<200x64xf32, #tpu.memory_space<vmem>>) target(%dma_start3A_1713 : memref<200x64xf32, #tpu.memory_space<hbm>>) target_semaphore(%arg13 : memref<!tpu.dma_semaphore, #tpu.memory_space<semaphore_mem>>)
    %add3A_1717 = arith.constant 2 : i32
    %add3A_1718 = arith.addi %add3A_1684, %add3A_1717 : i32
    %dma_start3A_1719 = arith.constant 400 : i32
    %dma_start3A_1720 = arith.constant 0 : i32
    %dma_start3A_1721 = tpu.memref_slice %arg9[%dma_start3A_1719, %dma_start3A_1720] : memref<800x64xf32, #tpu.memory_space<vmem>> -> memref<200x64xf32, #tpu.memory_space<vmem>>
    %dma_start3A_1722 = arith.constant 0 : i32
    %dma_start3A_1723 = arith.constant 0 : i32
    %dma_start3A_1724 = tpu.memref_slice %arg5[%add3A_1718, %dma_start3A_1722, %dma_start3A_1723] : memref<1024x200x64xf32, #tpu.memory_space<hbm>> -> memref<1x200x64xf32, #tpu.memory_space<hbm>>
    %dma_start3A_1725 = tpu.memref_squeeze %dma_start3A_1724 : memref<1x200x64xf32, #tpu.memory_space<hbm>> -> memref<200x64xf32, #tpu.memory_space<hbm>>
    %dma_start3A_1726 = arith.constant 0 : i32
    %dma_start3A_1727 = arith.constant 0 : i32
    %dma_start3A_1728 = tpu.memref_slice %arg5[%add3A_1718, %dma_start3A_1726, %dma_start3A_1727] : memref<1024x200x64xf32, #tpu.memory_space<hbm>> -> memref<1x200x64xf32, #tpu.memory_space<hbm>>
    %dma_start3A_1729 = tpu.memref_squeeze %dma_start3A_1728 : memref<1x200x64xf32, #tpu.memory_space<hbm>> -> memref<200x64xf32, #tpu.memory_space<hbm>>
    %dma_start3A_1730 = arith.constant 400 : i32
    %dma_start3A_1731 = arith.constant 0 : i32
    %dma_start3A_1732 = tpu.memref_slice %arg9[%dma_start3A_1730, %dma_start3A_1731] : memref<800x64xf32, #tpu.memory_space<vmem>> -> memref<200x64xf32, #tpu.memory_space<vmem>>
    tpu.enqueue_dma source(%dma_start3A_1732 : memref<200x64xf32, #tpu.memory_space<vmem>>) target(%dma_start3A_1729 : memref<200x64xf32, #tpu.memory_space<hbm>>) target_semaphore(%arg13 : memref<!tpu.dma_semaphore, #tpu.memory_space<semaphore_mem>>)
    %add3A_1733 = arith.constant 3 : i32
    %add3A_1734 = arith.addi %add3A_1684, %add3A_1733 : i32
    %dma_start3A_1735 = arith.constant 600 : i32
    %dma_start3A_1736 = arith.constant 0 : i32
    %dma_start3A_1737 = tpu.memref_slice %arg9[%dma_start3A_1735, %dma_start3A_1736] : memref<800x64xf32, #tpu.memory_space<vmem>> -> memref<200x64xf32, #tpu.memory_space<vmem>>
    %dma_start3A_1738 = arith.constant 0 : i32
    %dma_start3A_1739 = arith.constant 0 : i32
    %dma_start3A_1740 = tpu.memref_slice %arg5[%add3A_1734, %dma_start3A_1738, %dma_start3A_1739] : memref<1024x200x64xf32, #tpu.memory_space<hbm>> -> memref<1x200x64xf32, #tpu.memory_space<hbm>>
    %dma_start3A_1741 = tpu.memref_squeeze %dma_start3A_1740 : memref<1x200x64xf32, #tpu.memory_space<hbm>> -> memref<200x64xf32, #tpu.memory_space<hbm>>
    %dma_start3A_1742 = arith.constant 0 : i32
    %dma_start3A_1743 = arith.constant 0 : i32
    %dma_start3A_1744 = tpu.memref_slice %arg5[%add3A_1734, %dma_start3A_1742, %dma_start3A_1743] : memref<1024x200x64xf32, #tpu.memory_space<hbm>> -> memref<1x200x64xf32, #tpu.memory_space<hbm>>
    %dma_start3A_1745 = tpu.memref_squeeze %dma_start3A_1744 : memref<1x200x64xf32, #tpu.memory_space<hbm>> -> memref<200x64xf32, #tpu.memory_space<hbm>>
    %dma_start3A_1746 = arith.constant 600 : i32
    %dma_start3A_1747 = arith.constant 0 : i32
    %dma_start3A_1748 = tpu.memref_slice %arg9[%dma_start3A_1746, %dma_start3A_1747] : memref<800x64xf32, #tpu.memory_space<vmem>> -> memref<200x64xf32, #tpu.memory_space<vmem>>
    tpu.enqueue_dma source(%dma_start3A_1748 : memref<200x64xf32, #tpu.memory_space<vmem>>) target(%dma_start3A_1745 : memref<200x64xf32, #tpu.memory_space<hbm>>) target_semaphore(%arg13 : memref<!tpu.dma_semaphore, #tpu.memory_space<semaphore_mem>>)
    %dma_wait3A_1749 = arith.constant 0 : i32
    %dma_wait3A_1750 = arith.constant 0 : i32
    %dma_wait3A_1751 = tpu.memref_slice %arg9[%dma_wait3A_1749, %dma_wait3A_1750] : memref<800x64xf32, #tpu.memory_space<vmem>> -> memref<200x64xf32, #tpu.memory_space<vmem>>
    %dma_wait3A_1752 = arith.constant 0 : i32
    %dma_wait3A_1753 = arith.constant 0 : i32
    %dma_wait3A_1754 = tpu.memref_slice %arg5[%add3A_1686, %dma_wait3A_1752, %dma_wait3A_1753] : memref<1024x200x64xf32, #tpu.memory_space<hbm>> -> memref<1x200x64xf32, #tpu.memory_space<hbm>>
    %dma_wait3A_1755 = tpu.memref_squeeze %dma_wait3A_1754 : memref<1x200x64xf32, #tpu.memory_space<hbm>> -> memref<200x64xf32, #tpu.memory_space<hbm>>
    %dma_wait3A_1756 = arith.constant 0 : i32
    %dma_wait3A_1757 = arith.constant 0 : i32
    %dma_wait3A_1758 = tpu.memref_slice %arg5[%add3A_1686, %dma_wait3A_1756, %dma_wait3A_1757] : memref<1024x200x64xf32, #tpu.memory_space<hbm>> -> memref<1x200x64xf32, #tpu.memory_space<hbm>>
    %dma_wait3A_1759 = tpu.memref_squeeze %dma_wait3A_1758 : memref<1x200x64xf32, #tpu.memory_space<hbm>> -> memref<200x64xf32, #tpu.memory_space<hbm>>
    %dma_wait3A_1760 = arith.constant 0 : i32
    %dma_wait3A_1761 = arith.constant 0 : i32
    %dma_wait3A_1762 = tpu.memref_slice %arg9[%dma_wait3A_1760, %dma_wait3A_1761] : memref<800x64xf32, #tpu.memory_space<vmem>> -> memref<200x64xf32, #tpu.memory_space<vmem>>
    tpu.wait_dma2 semaphore(%arg13 : memref<!tpu.dma_semaphore, #tpu.memory_space<semaphore_mem>>) src(%dma_wait3A_1762 : memref<200x64xf32, #tpu.memory_space<vmem>>) dst(%dma_wait3A_1759 : memref<200x64xf32, #tpu.memory_space<hbm>>)
    %dma_wait3A_1763 = arith.constant 200 : i32
    %dma_wait3A_1764 = arith.constant 0 : i32
    %dma_wait3A_1765 = tpu.memref_slice %arg9[%dma_wait3A_1763, %dma_wait3A_1764] : memref<800x64xf32, #tpu.memory_space<vmem>> -> memref<200x64xf32, #tpu.memory_space<vmem>>
    %dma_wait3A_1766 = arith.constant 0 : i32
    %dma_wait3A_1767 = arith.constant 0 : i32
    %dma_wait3A_1768 = tpu.memref_slice %arg5[%add3A_1702, %dma_wait3A_1766, %dma_wait3A_1767] : memref<1024x200x64xf32, #tpu.memory_space<hbm>> -> memref<1x200x64xf32, #tpu.memory_space<hbm>>
    %dma_wait3A_1769 = tpu.memref_squeeze %dma_wait3A_1768 : memref<1x200x64xf32, #tpu.memory_space<hbm>> -> memref<200x64xf32, #tpu.memory_space<hbm>>
    %dma_wait3A_1770 = arith.constant 0 : i32
    %dma_wait3A_1771 = arith.constant 0 : i32
    %dma_wait3A_1772 = tpu.memref_slice %arg5[%add3A_1702, %dma_wait3A_1770, %dma_wait3A_1771] : memref<1024x200x64xf32, #tpu.memory_space<hbm>> -> memref<1x200x64xf32, #tpu.memory_space<hbm>>
    %dma_wait3A_1773 = tpu.memref_squeeze %dma_wait3A_1772 : memref<1x200x64xf32, #tpu.memory_space<hbm>> -> memref<200x64xf32, #tpu.memory_space<hbm>>
    %dma_wait3A_1774 = arith.constant 200 : i32
    %dma_wait3A_1775 = arith.constant 0 : i32
    %dma_wait3A_1776 = tpu.memref_slice %arg9[%dma_wait3A_1774, %dma_wait3A_1775] : memref<800x64xf32, #tpu.memory_space<vmem>> -> memref<200x64xf32, #tpu.memory_space<vmem>>
    tpu.wait_dma2 semaphore(%arg13 : memref<!tpu.dma_semaphore, #tpu.memory_space<semaphore_mem>>) src(%dma_wait3A_1776 : memref<200x64xf32, #tpu.memory_space<vmem>>) dst(%dma_wait3A_1773 : memref<200x64xf32, #tpu.memory_space<hbm>>)
    %dma_wait3A_1777 = arith.constant 400 : i32
    %dma_wait3A_1778 = arith.constant 0 : i32
    %dma_wait3A_1779 = tpu.memref_slice %arg9[%dma_wait3A_1777, %dma_wait3A_1778] : memref<800x64xf32, #tpu.memory_space<vmem>> -> memref<200x64xf32, #tpu.memory_space<vmem>>
    %dma_wait3A_1780 = arith.constant 0 : i32
    %dma_wait3A_1781 = arith.constant 0 : i32
    %dma_wait3A_1782 = tpu.memref_slice %arg5[%add3A_1718, %dma_wait3A_1780, %dma_wait3A_1781] : memref<1024x200x64xf32, #tpu.memory_space<hbm>> -> memref<1x200x64xf32, #tpu.memory_space<hbm>>
    %dma_wait3A_1783 = tpu.memref_squeeze %dma_wait3A_1782 : memref<1x200x64xf32, #tpu.memory_space<hbm>> -> memref<200x64xf32, #tpu.memory_space<hbm>>
    %dma_wait3A_1784 = arith.constant 0 : i32
    %dma_wait3A_1785 = arith.constant 0 : i32
    %dma_wait3A_1786 = tpu.memref_slice %arg5[%add3A_1718, %dma_wait3A_1784, %dma_wait3A_1785] : memref<1024x200x64xf32, #tpu.memory_space<hbm>> -> memref<1x200x64xf32, #tpu.memory_space<hbm>>
    %dma_wait3A_1787 = tpu.memref_squeeze %dma_wait3A_1786 : memref<1x200x64xf32, #tpu.memory_space<hbm>> -> memref<200x64xf32, #tpu.memory_space<hbm>>
    %dma_wait3A_1788 = arith.constant 400 : i32
    %dma_wait3A_1789 = arith.constant 0 : i32
    %dma_wait3A_1790 = tpu.memref_slice %arg9[%dma_wait3A_1788, %dma_wait3A_1789] : memref<800x64xf32, #tpu.memory_space<vmem>> -> memref<200x64xf32, #tpu.memory_space<vmem>>
    tpu.wait_dma2 semaphore(%arg13 : memref<!tpu.dma_semaphore, #tpu.memory_space<semaphore_mem>>) src(%dma_wait3A_1790 : memref<200x64xf32, #tpu.memory_space<vmem>>) dst(%dma_wait3A_1787 : memref<200x64xf32, #tpu.memory_space<hbm>>)
    %dma_wait3A_1791 = arith.constant 600 : i32
    %dma_wait3A_1792 = arith.constant 0 : i32
    %dma_wait3A_1793 = tpu.memref_slice %arg9[%dma_wait3A_1791, %dma_wait3A_1792] : memref<800x64xf32, #tpu.memory_space<vmem>> -> memref<200x64xf32, #tpu.memory_space<vmem>>
    %dma_wait3A_1794 = arith.constant 0 : i32
    %dma_wait3A_1795 = arith.constant 0 : i32
    %dma_wait3A_1796 = tpu.memref_slice %arg5[%add3A_1734, %dma_wait3A_1794, %dma_wait3A_1795] : memref<1024x200x64xf32, #tpu.memory_space<hbm>> -> memref<1x200x64xf32, #tpu.memory_space<hbm>>
    %dma_wait3A_1797 = tpu.memref_squeeze %dma_wait3A_1796 : memref<1x200x64xf32, #tpu.memory_space<hbm>> -> memref<200x64xf32, #tpu.memory_space<hbm>>
    %dma_wait3A_1798 = arith.constant 0 : i32
    %dma_wait3A_1799 = arith.constant 0 : i32
    %dma_wait3A_1800 = tpu.memref_slice %arg5[%add3A_1734, %dma_wait3A_1798, %dma_wait3A_1799] : memref<1024x200x64xf32, #tpu.memory_space<hbm>> -> memref<1x200x64xf32, #tpu.memory_space<hbm>>
    %dma_wait3A_1801 = tpu.memref_squeeze %dma_wait3A_1800 : memref<1x200x64xf32, #tpu.memory_space<hbm>> -> memref<200x64xf32, #tpu.memory_space<hbm>>
    %dma_wait3A_1802 = arith.constant 600 : i32
    %dma_wait3A_1803 = arith.constant 0 : i32
    %dma_wait3A_1804 = tpu.memref_slice %arg9[%dma_wait3A_1802, %dma_wait3A_1803] : memref<800x64xf32, #tpu.memory_space<vmem>> -> memref<200x64xf32, #tpu.memory_space<vmem>>
    tpu.wait_dma2 semaphore(%arg13 : memref<!tpu.dma_semaphore, #tpu.memory_space<semaphore_mem>>) src(%dma_wait3A_1804 : memref<200x64xf32, #tpu.memory_space<vmem>>) dst(%dma_wait3A_1801 : memref<200x64xf32, #tpu.memory_space<hbm>>)
    %dma_start3A_1805 = arith.constant 0 : i32
    %dma_start3A_1806 = arith.constant 0 : i32
    %dma_start3A_1807 = tpu.memref_slice %arg9[%dma_start3A_1805, %dma_start3A_1806] : memref<800x64xf32, #tpu.memory_space<vmem>> -> memref<80x64xf32, #tpu.memory_space<vmem>>
    %dma_start3A_1808 = arith.constant 5600 : i32
    %dma_start3A_1809 = tpu.memref_slice %arg6[%dma_start3A_1808] : memref<6400xi32, #tpu.memory_space<vmem>> -> memref<80xi32, #tpu.memory_space<vmem>>
    %dma_start3A_1810 = arith.constant 0 : i32
    %dma_start3A_1811 = arith.constant 0 : i32
    %dma_start3A_1812 = tpu.memref_slice %arg3[%dma_start3A_1810, %dma_start3A_1811] : memref<1000000x64xf32, #tpu.memory_space<hbm>> -> memref<1000000x64xf32, #tpu.memory_space<hbm>>
    tpu.enqueue_indirect_dma source(%dma_start3A_1812 : memref<1000000x64xf32, #tpu.memory_space<hbm>>) target(%dma_start3A_1807 : memref<80x64xf32, #tpu.memory_space<vmem>>) offsets(%dma_start3A_1809 : memref<80xi32, #tpu.memory_space<vmem>>) semaphore(%arg11 : memref<!tpu.dma_semaphore, #tpu.memory_space<semaphore_mem>>)
    %dma_start3A_1813 = arith.constant 80 : i32
    %dma_start3A_1814 = arith.constant 0 : i32
    %dma_start3A_1815 = tpu.memref_slice %arg9[%dma_start3A_1813, %dma_start3A_1814] : memref<800x64xf32, #tpu.memory_space<vmem>> -> memref<80x64xf32, #tpu.memory_space<vmem>>
    %dma_start3A_1816 = arith.constant 5680 : i32
    %dma_start3A_1817 = tpu.memref_slice %arg6[%dma_start3A_1816] : memref<6400xi32, #tpu.memory_space<vmem>> -> memref<80xi32, #tpu.memory_space<vmem>>
    %dma_start3A_1818 = arith.constant 0 : i32
    %dma_start3A_1819 = arith.constant 0 : i32
    %dma_start3A_1820 = tpu.memref_slice %arg3[%dma_start3A_1818, %dma_start3A_1819] : memref<1000000x64xf32, #tpu.memory_space<hbm>> -> memref<1000000x64xf32, #tpu.memory_space<hbm>>
    tpu.enqueue_indirect_dma source(%dma_start3A_1820 : memref<1000000x64xf32, #tpu.memory_space<hbm>>) target(%dma_start3A_1815 : memref<80x64xf32, #tpu.memory_space<vmem>>) offsets(%dma_start3A_1817 : memref<80xi32, #tpu.memory_space<vmem>>) semaphore(%arg11 : memref<!tpu.dma_semaphore, #tpu.memory_space<semaphore_mem>>)
    %dma_start3A_1821 = arith.constant 160 : i32
    %dma_start3A_1822 = arith.constant 0 : i32
    %dma_start3A_1823 = tpu.memref_slice %arg9[%dma_start3A_1821, %dma_start3A_1822] : memref<800x64xf32, #tpu.memory_space<vmem>> -> memref<80x64xf32, #tpu.memory_space<vmem>>
    %dma_start3A_1824 = arith.constant 5760 : i32
    %dma_start3A_1825 = tpu.memref_slice %arg6[%dma_start3A_1824] : memref<6400xi32, #tpu.memory_space<vmem>> -> memref<80xi32, #tpu.memory_space<vmem>>
    %dma_start3A_1826 = arith.constant 0 : i32
    %dma_start3A_1827 = arith.constant 0 : i32
    %dma_start3A_1828 = tpu.memref_slice %arg3[%dma_start3A_1826, %dma_start3A_1827] : memref<1000000x64xf32, #tpu.memory_space<hbm>> -> memref<1000000x64xf32, #tpu.memory_space<hbm>>
    tpu.enqueue_indirect_dma source(%dma_start3A_1828 : memref<1000000x64xf32, #tpu.memory_space<hbm>>) target(%dma_start3A_1823 : memref<80x64xf32, #tpu.memory_space<vmem>>) offsets(%dma_start3A_1825 : memref<80xi32, #tpu.memory_space<vmem>>) semaphore(%arg11 : memref<!tpu.dma_semaphore, #tpu.memory_space<semaphore_mem>>)
    %dma_start3A_1829 = arith.constant 240 : i32
    %dma_start3A_1830 = arith.constant 0 : i32
    %dma_start3A_1831 = tpu.memref_slice %arg9[%dma_start3A_1829, %dma_start3A_1830] : memref<800x64xf32, #tpu.memory_space<vmem>> -> memref<80x64xf32, #tpu.memory_space<vmem>>
    %dma_start3A_1832 = arith.constant 5840 : i32
    %dma_start3A_1833 = tpu.memref_slice %arg6[%dma_start3A_1832] : memref<6400xi32, #tpu.memory_space<vmem>> -> memref<80xi32, #tpu.memory_space<vmem>>
    %dma_start3A_1834 = arith.constant 0 : i32
    %dma_start3A_1835 = arith.constant 0 : i32
    %dma_start3A_1836 = tpu.memref_slice %arg3[%dma_start3A_1834, %dma_start3A_1835] : memref<1000000x64xf32, #tpu.memory_space<hbm>> -> memref<1000000x64xf32, #tpu.memory_space<hbm>>
    tpu.enqueue_indirect_dma source(%dma_start3A_1836 : memref<1000000x64xf32, #tpu.memory_space<hbm>>) target(%dma_start3A_1831 : memref<80x64xf32, #tpu.memory_space<vmem>>) offsets(%dma_start3A_1833 : memref<80xi32, #tpu.memory_space<vmem>>) semaphore(%arg11 : memref<!tpu.dma_semaphore, #tpu.memory_space<semaphore_mem>>)
    %dma_start3A_1837 = arith.constant 320 : i32
    %dma_start3A_1838 = arith.constant 0 : i32
    %dma_start3A_1839 = tpu.memref_slice %arg9[%dma_start3A_1837, %dma_start3A_1838] : memref<800x64xf32, #tpu.memory_space<vmem>> -> memref<80x64xf32, #tpu.memory_space<vmem>>
    %dma_start3A_1840 = arith.constant 5920 : i32
    %dma_start3A_1841 = tpu.memref_slice %arg6[%dma_start3A_1840] : memref<6400xi32, #tpu.memory_space<vmem>> -> memref<80xi32, #tpu.memory_space<vmem>>
    %dma_start3A_1842 = arith.constant 0 : i32
    %dma_start3A_1843 = arith.constant 0 : i32
    %dma_start3A_1844 = tpu.memref_slice %arg3[%dma_start3A_1842, %dma_start3A_1843] : memref<1000000x64xf32, #tpu.memory_space<hbm>> -> memref<1000000x64xf32, #tpu.memory_space<hbm>>
    tpu.enqueue_indirect_dma source(%dma_start3A_1844 : memref<1000000x64xf32, #tpu.memory_space<hbm>>) target(%dma_start3A_1839 : memref<80x64xf32, #tpu.memory_space<vmem>>) offsets(%dma_start3A_1841 : memref<80xi32, #tpu.memory_space<vmem>>) semaphore(%arg11 : memref<!tpu.dma_semaphore, #tpu.memory_space<semaphore_mem>>)
    %dma_start3A_1845 = arith.constant 400 : i32
    %dma_start3A_1846 = arith.constant 0 : i32
    %dma_start3A_1847 = tpu.memref_slice %arg9[%dma_start3A_1845, %dma_start3A_1846] : memref<800x64xf32, #tpu.memory_space<vmem>> -> memref<80x64xf32, #tpu.memory_space<vmem>>
    %dma_start3A_1848 = arith.constant 6000 : i32
    %dma_start3A_1849 = tpu.memref_slice %arg6[%dma_start3A_1848] : memref<6400xi32, #tpu.memory_space<vmem>> -> memref<80xi32, #tpu.memory_space<vmem>>
    %dma_start3A_1850 = arith.constant 0 : i32
    %dma_start3A_1851 = arith.constant 0 : i32
    %dma_start3A_1852 = tpu.memref_slice %arg3[%dma_start3A_1850, %dma_start3A_1851] : memref<1000000x64xf32, #tpu.memory_space<hbm>> -> memref<1000000x64xf32, #tpu.memory_space<hbm>>
    tpu.enqueue_indirect_dma source(%dma_start3A_1852 : memref<1000000x64xf32, #tpu.memory_space<hbm>>) target(%dma_start3A_1847 : memref<80x64xf32, #tpu.memory_space<vmem>>) offsets(%dma_start3A_1849 : memref<80xi32, #tpu.memory_space<vmem>>) semaphore(%arg11 : memref<!tpu.dma_semaphore, #tpu.memory_space<semaphore_mem>>)
    %dma_start3A_1853 = arith.constant 480 : i32
    %dma_start3A_1854 = arith.constant 0 : i32
    %dma_start3A_1855 = tpu.memref_slice %arg9[%dma_start3A_1853, %dma_start3A_1854] : memref<800x64xf32, #tpu.memory_space<vmem>> -> memref<80x64xf32, #tpu.memory_space<vmem>>
    %dma_start3A_1856 = arith.constant 6080 : i32
    %dma_start3A_1857 = tpu.memref_slice %arg6[%dma_start3A_1856] : memref<6400xi32, #tpu.memory_space<vmem>> -> memref<80xi32, #tpu.memory_space<vmem>>
    %dma_start3A_1858 = arith.constant 0 : i32
    %dma_start3A_1859 = arith.constant 0 : i32
    %dma_start3A_1860 = tpu.memref_slice %arg3[%dma_start3A_1858, %dma_start3A_1859] : memref<1000000x64xf32, #tpu.memory_space<hbm>> -> memref<1000000x64xf32, #tpu.memory_space<hbm>>
    tpu.enqueue_indirect_dma source(%dma_start3A_1860 : memref<1000000x64xf32, #tpu.memory_space<hbm>>) target(%dma_start3A_1855 : memref<80x64xf32, #tpu.memory_space<vmem>>) offsets(%dma_start3A_1857 : memref<80xi32, #tpu.memory_space<vmem>>) semaphore(%arg11 : memref<!tpu.dma_semaphore, #tpu.memory_space<semaphore_mem>>)
    %dma_start3A_1861 = arith.constant 560 : i32
    %dma_start3A_1862 = arith.constant 0 : i32
    %dma_start3A_1863 = tpu.memref_slice %arg9[%dma_start3A_1861, %dma_start3A_1862] : memref<800x64xf32, #tpu.memory_space<vmem>> -> memref<80x64xf32, #tpu.memory_space<vmem>>
    %dma_start3A_1864 = arith.constant 6160 : i32
    %dma_start3A_1865 = tpu.memref_slice %arg6[%dma_start3A_1864] : memref<6400xi32, #tpu.memory_space<vmem>> -> memref<80xi32, #tpu.memory_space<vmem>>
    %dma_start3A_1866 = arith.constant 0 : i32
    %dma_start3A_1867 = arith.constant 0 : i32
    %dma_start3A_1868 = tpu.memref_slice %arg3[%dma_start3A_1866, %dma_start3A_1867] : memref<1000000x64xf32, #tpu.memory_space<hbm>> -> memref<1000000x64xf32, #tpu.memory_space<hbm>>
    tpu.enqueue_indirect_dma source(%dma_start3A_1868 : memref<1000000x64xf32, #tpu.memory_space<hbm>>) target(%dma_start3A_1863 : memref<80x64xf32, #tpu.memory_space<vmem>>) offsets(%dma_start3A_1865 : memref<80xi32, #tpu.memory_space<vmem>>) semaphore(%arg11 : memref<!tpu.dma_semaphore, #tpu.memory_space<semaphore_mem>>)
    %dma_start3A_1869 = arith.constant 640 : i32
    %dma_start3A_1870 = arith.constant 0 : i32
    %dma_start3A_1871 = tpu.memref_slice %arg9[%dma_start3A_1869, %dma_start3A_1870] : memref<800x64xf32, #tpu.memory_space<vmem>> -> memref<80x64xf32, #tpu.memory_space<vmem>>
    %dma_start3A_1872 = arith.constant 6240 : i32
    %dma_start3A_1873 = tpu.memref_slice %arg6[%dma_start3A_1872] : memref<6400xi32, #tpu.memory_space<vmem>> -> memref<80xi32, #tpu.memory_space<vmem>>
    %dma_start3A_1874 = arith.constant 0 : i32
    %dma_start3A_1875 = arith.constant 0 : i32
    %dma_start3A_1876 = tpu.memref_slice %arg3[%dma_start3A_1874, %dma_start3A_1875] : memref<1000000x64xf32, #tpu.memory_space<hbm>> -> memref<1000000x64xf32, #tpu.memory_space<hbm>>
    tpu.enqueue_indirect_dma source(%dma_start3A_1876 : memref<1000000x64xf32, #tpu.memory_space<hbm>>) target(%dma_start3A_1871 : memref<80x64xf32, #tpu.memory_space<vmem>>) offsets(%dma_start3A_1873 : memref<80xi32, #tpu.memory_space<vmem>>) semaphore(%arg11 : memref<!tpu.dma_semaphore, #tpu.memory_space<semaphore_mem>>)
    %dma_start3A_1877 = arith.constant 720 : i32
    %dma_start3A_1878 = arith.constant 0 : i32
    %dma_start3A_1879 = tpu.memref_slice %arg9[%dma_start3A_1877, %dma_start3A_1878] : memref<800x64xf32, #tpu.memory_space<vmem>> -> memref<80x64xf32, #tpu.memory_space<vmem>>
    %dma_start3A_1880 = arith.constant 6320 : i32
    %dma_start3A_1881 = tpu.memref_slice %arg6[%dma_start3A_1880] : memref<6400xi32, #tpu.memory_space<vmem>> -> memref<80xi32, #tpu.memory_space<vmem>>
    %dma_start3A_1882 = arith.constant 0 : i32
    %dma_start3A_1883 = arith.constant 0 : i32
    %dma_start3A_1884 = tpu.memref_slice %arg3[%dma_start3A_1882, %dma_start3A_1883] : memref<1000000x64xf32, #tpu.memory_space<hbm>> -> memref<1000000x64xf32, #tpu.memory_space<hbm>>
    tpu.enqueue_indirect_dma source(%dma_start3A_1884 : memref<1000000x64xf32, #tpu.memory_space<hbm>>) target(%dma_start3A_1879 : memref<80x64xf32, #tpu.memory_space<vmem>>) offsets(%dma_start3A_1881 : memref<80xi32, #tpu.memory_space<vmem>>) semaphore(%arg11 : memref<!tpu.dma_semaphore, #tpu.memory_space<semaphore_mem>>)
    %dma_wait3A_1885 = arith.constant 0 : i32
    %dma_wait3A_1886 = arith.constant 0 : i32
    %dma_wait3A_1887 = tpu.memref_slice %arg8[%dma_wait3A_1885, %dma_wait3A_1886] : memref<800x64xf32, #tpu.memory_space<vmem>> -> memref<80x64xf32, #tpu.memory_space<vmem>>
    %dma_wait3A_1888 = arith.constant 4800 : i32
    %dma_wait3A_1889 = tpu.memref_slice %arg6[%dma_wait3A_1888] : memref<6400xi32, #tpu.memory_space<vmem>> -> memref<80xi32, #tpu.memory_space<vmem>>
    %dma_wait3A_1890 = arith.constant 0 : i32
    %dma_wait3A_1891 = arith.constant 0 : i32
    %dma_wait3A_1892 = tpu.memref_slice %arg3[%dma_wait3A_1890, %dma_wait3A_1891] : memref<1000000x64xf32, #tpu.memory_space<hbm>> -> memref<1000000x64xf32, #tpu.memory_space<hbm>>
    tpu.wait_indirect_dma semaphore(%arg10 : memref<!tpu.dma_semaphore, #tpu.memory_space<semaphore_mem>>) src(%dma_wait3A_1892 : memref<1000000x64xf32, #tpu.memory_space<hbm>>) dst(%dma_wait3A_1887 : memref<80x64xf32, #tpu.memory_space<vmem>>)
    %dma_wait3A_1893 = arith.constant 80 : i32
    %dma_wait3A_1894 = arith.constant 0 : i32
    %dma_wait3A_1895 = tpu.memref_slice %arg8[%dma_wait3A_1893, %dma_wait3A_1894] : memref<800x64xf32, #tpu.memory_space<vmem>> -> memref<80x64xf32, #tpu.memory_space<vmem>>
    %dma_wait3A_1896 = arith.constant 4880 : i32
    %dma_wait3A_1897 = tpu.memref_slice %arg6[%dma_wait3A_1896] : memref<6400xi32, #tpu.memory_space<vmem>> -> memref<80xi32, #tpu.memory_space<vmem>>
    %dma_wait3A_1898 = arith.constant 0 : i32
    %dma_wait3A_1899 = arith.constant 0 : i32
    %dma_wait3A_1900 = tpu.memref_slice %arg3[%dma_wait3A_1898, %dma_wait3A_1899] : memref<1000000x64xf32, #tpu.memory_space<hbm>> -> memref<1000000x64xf32, #tpu.memory_space<hbm>>
    tpu.wait_indirect_dma semaphore(%arg10 : memref<!tpu.dma_semaphore, #tpu.memory_space<semaphore_mem>>) src(%dma_wait3A_1900 : memref<1000000x64xf32, #tpu.memory_space<hbm>>) dst(%dma_wait3A_1895 : memref<80x64xf32, #tpu.memory_space<vmem>>)
    %dma_wait3A_1901 = arith.constant 160 : i32
    %dma_wait3A_1902 = arith.constant 0 : i32
    %dma_wait3A_1903 = tpu.memref_slice %arg8[%dma_wait3A_1901, %dma_wait3A_1902] : memref<800x64xf32, #tpu.memory_space<vmem>> -> memref<80x64xf32, #tpu.memory_space<vmem>>
    %dma_wait3A_1904 = arith.constant 4960 : i32
    %dma_wait3A_1905 = tpu.memref_slice %arg6[%dma_wait3A_1904] : memref<6400xi32, #tpu.memory_space<vmem>> -> memref<80xi32, #tpu.memory_space<vmem>>
    %dma_wait3A_1906 = arith.constant 0 : i32
    %dma_wait3A_1907 = arith.constant 0 : i32
    %dma_wait3A_1908 = tpu.memref_slice %arg3[%dma_wait3A_1906, %dma_wait3A_1907] : memref<1000000x64xf32, #tpu.memory_space<hbm>> -> memref<1000000x64xf32, #tpu.memory_space<hbm>>
    tpu.wait_indirect_dma semaphore(%arg10 : memref<!tpu.dma_semaphore, #tpu.memory_space<semaphore_mem>>) src(%dma_wait3A_1908 : memref<1000000x64xf32, #tpu.memory_space<hbm>>) dst(%dma_wait3A_1903 : memref<80x64xf32, #tpu.memory_space<vmem>>)
    %dma_wait3A_1909 = arith.constant 240 : i32
    %dma_wait3A_1910 = arith.constant 0 : i32
    %dma_wait3A_1911 = tpu.memref_slice %arg8[%dma_wait3A_1909, %dma_wait3A_1910] : memref<800x64xf32, #tpu.memory_space<vmem>> -> memref<80x64xf32, #tpu.memory_space<vmem>>
    %dma_wait3A_1912 = arith.constant 5040 : i32
    %dma_wait3A_1913 = tpu.memref_slice %arg6[%dma_wait3A_1912] : memref<6400xi32, #tpu.memory_space<vmem>> -> memref<80xi32, #tpu.memory_space<vmem>>
    %dma_wait3A_1914 = arith.constant 0 : i32
    %dma_wait3A_1915 = arith.constant 0 : i32
    %dma_wait3A_1916 = tpu.memref_slice %arg3[%dma_wait3A_1914, %dma_wait3A_1915] : memref<1000000x64xf32, #tpu.memory_space<hbm>> -> memref<1000000x64xf32, #tpu.memory_space<hbm>>
    tpu.wait_indirect_dma semaphore(%arg10 : memref<!tpu.dma_semaphore, #tpu.memory_space<semaphore_mem>>) src(%dma_wait3A_1916 : memref<1000000x64xf32, #tpu.memory_space<hbm>>) dst(%dma_wait3A_1911 : memref<80x64xf32, #tpu.memory_space<vmem>>)
    %dma_wait3A_1917 = arith.constant 320 : i32
    %dma_wait3A_1918 = arith.constant 0 : i32
    %dma_wait3A_1919 = tpu.memref_slice %arg8[%dma_wait3A_1917, %dma_wait3A_1918] : memref<800x64xf32, #tpu.memory_space<vmem>> -> memref<80x64xf32, #tpu.memory_space<vmem>>
    %dma_wait3A_1920 = arith.constant 5120 : i32
    %dma_wait3A_1921 = tpu.memref_slice %arg6[%dma_wait3A_1920] : memref<6400xi32, #tpu.memory_space<vmem>> -> memref<80xi32, #tpu.memory_space<vmem>>
    %dma_wait3A_1922 = arith.constant 0 : i32
    %dma_wait3A_1923 = arith.constant 0 : i32
    %dma_wait3A_1924 = tpu.memref_slice %arg3[%dma_wait3A_1922, %dma_wait3A_1923] : memref<1000000x64xf32, #tpu.memory_space<hbm>> -> memref<1000000x64xf32, #tpu.memory_space<hbm>>
    tpu.wait_indirect_dma semaphore(%arg10 : memref<!tpu.dma_semaphore, #tpu.memory_space<semaphore_mem>>) src(%dma_wait3A_1924 : memref<1000000x64xf32, #tpu.memory_space<hbm>>) dst(%dma_wait3A_1919 : memref<80x64xf32, #tpu.memory_space<vmem>>)
    %dma_wait3A_1925 = arith.constant 400 : i32
    %dma_wait3A_1926 = arith.constant 0 : i32
    %dma_wait3A_1927 = tpu.memref_slice %arg8[%dma_wait3A_1925, %dma_wait3A_1926] : memref<800x64xf32, #tpu.memory_space<vmem>> -> memref<80x64xf32, #tpu.memory_space<vmem>>
    %dma_wait3A_1928 = arith.constant 5200 : i32
    %dma_wait3A_1929 = tpu.memref_slice %arg6[%dma_wait3A_1928] : memref<6400xi32, #tpu.memory_space<vmem>> -> memref<80xi32, #tpu.memory_space<vmem>>
    %dma_wait3A_1930 = arith.constant 0 : i32
    %dma_wait3A_1931 = arith.constant 0 : i32
    %dma_wait3A_1932 = tpu.memref_slice %arg3[%dma_wait3A_1930, %dma_wait3A_1931] : memref<1000000x64xf32, #tpu.memory_space<hbm>> -> memref<1000000x64xf32, #tpu.memory_space<hbm>>
    tpu.wait_indirect_dma semaphore(%arg10 : memref<!tpu.dma_semaphore, #tpu.memory_space<semaphore_mem>>) src(%dma_wait3A_1932 : memref<1000000x64xf32, #tpu.memory_space<hbm>>) dst(%dma_wait3A_1927 : memref<80x64xf32, #tpu.memory_space<vmem>>)
    %dma_wait3A_1933 = arith.constant 480 : i32
    %dma_wait3A_1934 = arith.constant 0 : i32
    %dma_wait3A_1935 = tpu.memref_slice %arg8[%dma_wait3A_1933, %dma_wait3A_1934] : memref<800x64xf32, #tpu.memory_space<vmem>> -> memref<80x64xf32, #tpu.memory_space<vmem>>
    %dma_wait3A_1936 = arith.constant 5280 : i32
    %dma_wait3A_1937 = tpu.memref_slice %arg6[%dma_wait3A_1936] : memref<6400xi32, #tpu.memory_space<vmem>> -> memref<80xi32, #tpu.memory_space<vmem>>
    %dma_wait3A_1938 = arith.constant 0 : i32
    %dma_wait3A_1939 = arith.constant 0 : i32
    %dma_wait3A_1940 = tpu.memref_slice %arg3[%dma_wait3A_1938, %dma_wait3A_1939] : memref<1000000x64xf32, #tpu.memory_space<hbm>> -> memref<1000000x64xf32, #tpu.memory_space<hbm>>
    tpu.wait_indirect_dma semaphore(%arg10 : memref<!tpu.dma_semaphore, #tpu.memory_space<semaphore_mem>>) src(%dma_wait3A_1940 : memref<1000000x64xf32, #tpu.memory_space<hbm>>) dst(%dma_wait3A_1935 : memref<80x64xf32, #tpu.memory_space<vmem>>)
    %dma_wait3A_1941 = arith.constant 560 : i32
    %dma_wait3A_1942 = arith.constant 0 : i32
    %dma_wait3A_1943 = tpu.memref_slice %arg8[%dma_wait3A_1941, %dma_wait3A_1942] : memref<800x64xf32, #tpu.memory_space<vmem>> -> memref<80x64xf32, #tpu.memory_space<vmem>>
    %dma_wait3A_1944 = arith.constant 5360 : i32
    %dma_wait3A_1945 = tpu.memref_slice %arg6[%dma_wait3A_1944] : memref<6400xi32, #tpu.memory_space<vmem>> -> memref<80xi32, #tpu.memory_space<vmem>>
    %dma_wait3A_1946 = arith.constant 0 : i32
    %dma_wait3A_1947 = arith.constant 0 : i32
    %dma_wait3A_1948 = tpu.memref_slice %arg3[%dma_wait3A_1946, %dma_wait3A_1947] : memref<1000000x64xf32, #tpu.memory_space<hbm>> -> memref<1000000x64xf32, #tpu.memory_space<hbm>>
    tpu.wait_indirect_dma semaphore(%arg10 : memref<!tpu.dma_semaphore, #tpu.memory_space<semaphore_mem>>) src(%dma_wait3A_1948 : memref<1000000x64xf32, #tpu.memory_space<hbm>>) dst(%dma_wait3A_1943 : memref<80x64xf32, #tpu.memory_space<vmem>>)
    %dma_wait3A_1949 = arith.constant 640 : i32
    %dma_wait3A_1950 = arith.constant 0 : i32
    %dma_wait3A_1951 = tpu.memref_slice %arg8[%dma_wait3A_1949, %dma_wait3A_1950] : memref<800x64xf32, #tpu.memory_space<vmem>> -> memref<80x64xf32, #tpu.memory_space<vmem>>
    %dma_wait3A_1952 = arith.constant 5440 : i32
    %dma_wait3A_1953 = tpu.memref_slice %arg6[%dma_wait3A_1952] : memref<6400xi32, #tpu.memory_space<vmem>> -> memref<80xi32, #tpu.memory_space<vmem>>
    %dma_wait3A_1954 = arith.constant 0 : i32
    %dma_wait3A_1955 = arith.constant 0 : i32
    %dma_wait3A_1956 = tpu.memref_slice %arg3[%dma_wait3A_1954, %dma_wait3A_1955] : memref<1000000x64xf32, #tpu.memory_space<hbm>> -> memref<1000000x64xf32, #tpu.memory_space<hbm>>
    tpu.wait_indirect_dma semaphore(%arg10 : memref<!tpu.dma_semaphore, #tpu.memory_space<semaphore_mem>>) src(%dma_wait3A_1956 : memref<1000000x64xf32, #tpu.memory_space<hbm>>) dst(%dma_wait3A_1951 : memref<80x64xf32, #tpu.memory_space<vmem>>)
    %dma_wait3A_1957 = arith.constant 720 : i32
    %dma_wait3A_1958 = arith.constant 0 : i32
    %dma_wait3A_1959 = tpu.memref_slice %arg8[%dma_wait3A_1957, %dma_wait3A_1958] : memref<800x64xf32, #tpu.memory_space<vmem>> -> memref<80x64xf32, #tpu.memory_space<vmem>>
    %dma_wait3A_1960 = arith.constant 5520 : i32
    %dma_wait3A_1961 = tpu.memref_slice %arg6[%dma_wait3A_1960] : memref<6400xi32, #tpu.memory_space<vmem>> -> memref<80xi32, #tpu.memory_space<vmem>>
    %dma_wait3A_1962 = arith.constant 0 : i32
    %dma_wait3A_1963 = arith.constant 0 : i32
    %dma_wait3A_1964 = tpu.memref_slice %arg3[%dma_wait3A_1962, %dma_wait3A_1963] : memref<1000000x64xf32, #tpu.memory_space<hbm>> -> memref<1000000x64xf32, #tpu.memory_space<hbm>>
    tpu.wait_indirect_dma semaphore(%arg10 : memref<!tpu.dma_semaphore, #tpu.memory_space<semaphore_mem>>) src(%dma_wait3A_1964 : memref<1000000x64xf32, #tpu.memory_space<hbm>>) dst(%dma_wait3A_1959 : memref<80x64xf32, #tpu.memory_space<vmem>>)
    %scan3A_1965 = arith.constant 0 : i32
    %scan3A_1966 = arith.constant 200 : i32
    %scan3A_1967 = arith.addi %scan3A_1965, %scan3A_1966 : i32
    %scan3A_1968 = arith.constant 1 : i32
    scf.for %scan3A_2299 = %scan3A_1965 to %scan3A_1967 step %scan3A_1968  : i32 {
      %get3A = arith.index_cast %scan3A_2299 : i32 to index
      %get3A_2300 = arith.constant 0 : index
      %get3A_2301 = tpu.vector_load %arg7[%get3A, %get3A_2300] {strides = array<i32>} : memref<200x64xf32, #tpu.memory_space<vmem>>, vector<1x16xf32>,
      %get3A_2302 = vector.shape_cast %get3A_2301 : vector<1x16xf32> to vector<16xf32>
      %get3A_2303 = arith.index_cast %scan3A_2299 : i32 to index
      %get3A_2304 = arith.constant 16 : index
      %get3A_2305 = tpu.vector_load %arg7[%get3A_2303, %get3A_2304] {strides = array<i32>} : memref<200x64xf32, #tpu.memory_space<vmem>>, vector<1x16xf32>,
      %get3A_2306 = vector.shape_cast %get3A_2305 : vector<1x16xf32> to vector<16xf32>
      %get3A_2307 = arith.index_cast %scan3A_2299 : i32 to index
      %get3A_2308 = arith.constant 32 : index
      %get3A_2309 = tpu.vector_load %arg7[%get3A_2307, %get3A_2308] {strides = array<i32>} : memref<200x64xf32, #tpu.memory_space<vmem>>, vector<1x16xf32>,
      %get3A_2310 = vector.shape_cast %get3A_2309 : vector<1x16xf32> to vector<16xf32>
      %get3A_2311 = arith.index_cast %scan3A_2299 : i32 to index
      %get3A_2312 = arith.constant 48 : index
      %get3A_2313 = tpu.vector_load %arg7[%get3A_2311, %get3A_2312] {strides = array<i32>} : memref<200x64xf32, #tpu.memory_space<vmem>>, vector<1x16xf32>,
      %get3A_2314 = vector.shape_cast %get3A_2313 : vector<1x16xf32> to vector<16xf32>
      %add3A_2315 = arith.constant 0 : i32
      %add3A_2316 = arith.addi %add3A_2315, %scan3A_2299 : i32
      %swap3A = arith.index_cast %add3A_2316 : i32 to index
      %swap3A_2317 = arith.constant 0 : index
      %swap3A_2318 = tpu.vector_load %arg8[%swap3A, %swap3A_2317] {strides = array<i32>} : memref<800x64xf32, #tpu.memory_space<vmem>>, vector<1x16xf32>,
      %swap3A_2319 = vector.shape_cast %swap3A_2318 : vector<1x16xf32> to vector<16xf32>
      %swap3A_2320 = vector.shape_cast %get3A_2302 : vector<16xf32> to vector<1x16xf32>
      tpu.vector_store %arg8[%swap3A, %swap3A_2317], %swap3A_2320 {add = true, strides = array<i32>} : memref<800x64xf32, #tpu.memory_space<vmem>>, vector<1x16xf32>,
      %swap3A_2321 = arith.index_cast %add3A_2316 : i32 to index
      %swap3A_2322 = arith.constant 16 : index
      %swap3A_2323 = tpu.vector_load %arg8[%swap3A_2321, %swap3A_2322] {strides = array<i32>} : memref<800x64xf32, #tpu.memory_space<vmem>>, vector<1x16xf32>,
      %swap3A_2324 = vector.shape_cast %swap3A_2323 : vector<1x16xf32> to vector<16xf32>
      %swap3A_2325 = vector.shape_cast %get3A_2306 : vector<16xf32> to vector<1x16xf32>
      tpu.vector_store %arg8[%swap3A_2321, %swap3A_2322], %swap3A_2325 {add = true, strides = array<i32>} : memref<800x64xf32, #tpu.memory_space<vmem>>, vector<1x16xf32>,
      %swap3A_2326 = arith.index_cast %add3A_2316 : i32 to index
      %swap3A_2327 = arith.constant 32 : index
      %swap3A_2328 = tpu.vector_load %arg8[%swap3A_2326, %swap3A_2327] {strides = array<i32>} : memref<800x64xf32, #tpu.memory_space<vmem>>, vector<1x16xf32>,
      %swap3A_2329 = vector.shape_cast %swap3A_2328 : vector<1x16xf32> to vector<16xf32>
      %swap3A_2330 = vector.shape_cast %get3A_2310 : vector<16xf32> to vector<1x16xf32>
      tpu.vector_store %arg8[%swap3A_2326, %swap3A_2327], %swap3A_2330 {add = true, strides = array<i32>} : memref<800x64xf32, #tpu.memory_space<vmem>>, vector<1x16xf32>,
      %swap3A_2331 = arith.index_cast %add3A_2316 : i32 to index
      %swap3A_2332 = arith.constant 48 : index
      %swap3A_2333 = tpu.vector_load %arg8[%swap3A_2331, %swap3A_2332] {strides = array<i32>} : memref<800x64xf32, #tpu.memory_space<vmem>>, vector<1x16xf32>,
      %swap3A_2334 = vector.shape_cast %swap3A_2333 : vector<1x16xf32> to vector<16xf32>
      %swap3A_2335 = vector.shape_cast %get3A_2314 : vector<16xf32> to vector<1x16xf32>
      tpu.vector_store %arg8[%swap3A_2331, %swap3A_2332], %swap3A_2335 {add = true, strides = array<i32>} : memref<800x64xf32, #tpu.memory_space<vmem>>, vector<1x16xf32>,
      %add3A_2336 = arith.constant 200 : i32
      %add3A_2337 = arith.addi %add3A_2336, %scan3A_2299 : i32
      %swap3A_2338 = arith.index_cast %add3A_2337 : i32 to index
      %swap3A_2339 = arith.constant 0 : index
      %swap3A_2340 = tpu.vector_load %arg8[%swap3A_2338, %swap3A_2339] {strides = array<i32>} : memref<800x64xf32, #tpu.memory_space<vmem>>, vector<1x16xf32>,
      %swap3A_2341 = vector.shape_cast %swap3A_2340 : vector<1x16xf32> to vector<16xf32>
      %swap3A_2342 = vector.shape_cast %get3A_2302 : vector<16xf32> to vector<1x16xf32>
      tpu.vector_store %arg8[%swap3A_2338, %swap3A_2339], %swap3A_2342 {add = true, strides = array<i32>} : memref<800x64xf32, #tpu.memory_space<vmem>>, vector<1x16xf32>,
      %swap3A_2343 = arith.index_cast %add3A_2337 : i32 to index
      %swap3A_2344 = arith.constant 16 : index
      %swap3A_2345 = tpu.vector_load %arg8[%swap3A_2343, %swap3A_2344] {strides = array<i32>} : memref<800x64xf32, #tpu.memory_space<vmem>>, vector<1x16xf32>,
      %swap3A_2346 = vector.shape_cast %swap3A_2345 : vector<1x16xf32> to vector<16xf32>
      %swap3A_2347 = vector.shape_cast %get3A_2306 : vector<16xf32> to vector<1x16xf32>
      tpu.vector_store %arg8[%swap3A_2343, %swap3A_2344], %swap3A_2347 {add = true, strides = array<i32>} : memref<800x64xf32, #tpu.memory_space<vmem>>, vector<1x16xf32>,
      %swap3A_2348 = arith.index_cast %add3A_2337 : i32 to index
      %swap3A_2349 = arith.constant 32 : index
      %swap3A_2350 = tpu.vector_load %arg8[%swap3A_2348, %swap3A_2349] {strides = array<i32>} : memref<800x64xf32, #tpu.memory_space<vmem>>, vector<1x16xf32>,
      %swap3A_2351 = vector.shape_cast %swap3A_2350 : vector<1x16xf32> to vector<16xf32>
      %swap3A_2352 = vector.shape_cast %get3A_2310 : vector<16xf32> to vector<1x16xf32>
      tpu.vector_store %arg8[%swap3A_2348, %swap3A_2349], %swap3A_2352 {add = true, strides = array<i32>} : memref<800x64xf32, #tpu.memory_space<vmem>>, vector<1x16xf32>,
      %swap3A_2353 = arith.index_cast %add3A_2337 : i32 to index
      %swap3A_2354 = arith.constant 48 : index
      %swap3A_2355 = tpu.vector_load %arg8[%swap3A_2353, %swap3A_2354] {strides = array<i32>} : memref<800x64xf32, #tpu.memory_space<vmem>>, vector<1x16xf32>,
      %swap3A_2356 = vector.shape_cast %swap3A_2355 : vector<1x16xf32> to vector<16xf32>
      %swap3A_2357 = vector.shape_cast %get3A_2314 : vector<16xf32> to vector<1x16xf32>
      tpu.vector_store %arg8[%swap3A_2353, %swap3A_2354], %swap3A_2357 {add = true, strides = array<i32>} : memref<800x64xf32, #tpu.memory_space<vmem>>, vector<1x16xf32>,
      %add3A_2358 = arith.constant 400 : i32
      %add3A_2359 = arith.addi %add3A_2358, %scan3A_2299 : i32
      %swap3A_2360 = arith.index_cast %add3A_2359 : i32 to index
      %swap3A_2361 = arith.constant 0 : index
      %swap3A_2362 = tpu.vector_load %arg8[%swap3A_2360, %swap3A_2361] {strides = array<i32>} : memref<800x64xf32, #tpu.memory_space<vmem>>, vector<1x16xf32>,
      %swap3A_2363 = vector.shape_cast %swap3A_2362 : vector<1x16xf32> to vector<16xf32>
      %swap3A_2364 = vector.shape_cast %get3A_2302 : vector<16xf32> to vector<1x16xf32>
      tpu.vector_store %arg8[%swap3A_2360, %swap3A_2361], %swap3A_2364 {add = true, strides = array<i32>} : memref<800x64xf32, #tpu.memory_space<vmem>>, vector<1x16xf32>,
      %swap3A_2365 = arith.index_cast %add3A_2359 : i32 to index
      %swap3A_2366 = arith.constant 16 : index
      %swap3A_2367 = tpu.vector_load %arg8[%swap3A_2365, %swap3A_2366] {strides = array<i32>} : memref<800x64xf32, #tpu.memory_space<vmem>>, vector<1x16xf32>,
      %swap3A_2368 = vector.shape_cast %swap3A_2367 : vector<1x16xf32> to vector<16xf32>
      %swap3A_2369 = vector.shape_cast %get3A_2306 : vector<16xf32> to vector<1x16xf32>
      tpu.vector_store %arg8[%swap3A_2365, %swap3A_2366], %swap3A_2369 {add = true, strides = array<i32>} : memref<800x64xf32, #tpu.memory_space<vmem>>, vector<1x16xf32>,
      %swap3A_2370 = arith.index_cast %add3A_2359 : i32 to index
      %swap3A_2371 = arith.constant 32 : index
      %swap3A_2372 = tpu.vector_load %arg8[%swap3A_2370, %swap3A_2371] {strides = array<i32>} : memref<800x64xf32, #tpu.memory_space<vmem>>, vector<1x16xf32>,
      %swap3A_2373 = vector.shape_cast %swap3A_2372 : vector<1x16xf32> to vector<16xf32>
      %swap3A_2374 = vector.shape_cast %get3A_2310 : vector<16xf32> to vector<1x16xf32>
      tpu.vector_store %arg8[%swap3A_2370, %swap3A_2371], %swap3A_2374 {add = true, strides = array<i32>} : memref<800x64xf32, #tpu.memory_space<vmem>>, vector<1x16xf32>,
      %swap3A_2375 = arith.index_cast %add3A_2359 : i32 to index
      %swap3A_2376 = arith.constant 48 : index
      %swap3A_2377 = tpu.vector_load %arg8[%swap3A_2375, %swap3A_2376] {strides = array<i32>} : memref<800x64xf32, #tpu.memory_space<vmem>>, vector<1x16xf32>,
      %swap3A_2378 = vector.shape_cast %swap3A_2377 : vector<1x16xf32> to vector<16xf32>
      %swap3A_2379 = vector.shape_cast %get3A_2314 : vector<16xf32> to vector<1x16xf32>
      tpu.vector_store %arg8[%swap3A_2375, %swap3A_2376], %swap3A_2379 {add = true, strides = array<i32>} : memref<800x64xf32, #tpu.memory_space<vmem>>, vector<1x16xf32>,
      %add3A_2380 = arith.constant 600 : i32
      %add3A_2381 = arith.addi %add3A_2380, %scan3A_2299 : i32
      %swap3A_2382 = arith.index_cast %add3A_2381 : i32 to index
      %swap3A_2383 = arith.constant 0 : index
      %swap3A_2384 = tpu.vector_load %arg8[%swap3A_2382, %swap3A_2383] {strides = array<i32>} : memref<800x64xf32, #tpu.memory_space<vmem>>, vector<1x16xf32>,
      %swap3A_2385 = vector.shape_cast %swap3A_2384 : vector<1x16xf32> to vector<16xf32>
      %swap3A_2386 = vector.shape_cast %get3A_2302 : vector<16xf32> to vector<1x16xf32>
      tpu.vector_store %arg8[%swap3A_2382, %swap3A_2383], %swap3A_2386 {add = true, strides = array<i32>} : memref<800x64xf32, #tpu.memory_space<vmem>>, vector<1x16xf32>,
      %swap3A_2387 = arith.index_cast %add3A_2381 : i32 to index
      %swap3A_2388 = arith.constant 16 : index
      %swap3A_2389 = tpu.vector_load %arg8[%swap3A_2387, %swap3A_2388] {strides = array<i32>} : memref<800x64xf32, #tpu.memory_space<vmem>>, vector<1x16xf32>,
      %swap3A_2390 = vector.shape_cast %swap3A_2389 : vector<1x16xf32> to vector<16xf32>
      %swap3A_2391 = vector.shape_cast %get3A_2306 : vector<16xf32> to vector<1x16xf32>
      tpu.vector_store %arg8[%swap3A_2387, %swap3A_2388], %swap3A_2391 {add = true, strides = array<i32>} : memref<800x64xf32, #tpu.memory_space<vmem>>, vector<1x16xf32>,
      %swap3A_2392 = arith.index_cast %add3A_2381 : i32 to index
      %swap3A_2393 = arith.constant 32 : index
      %swap3A_2394 = tpu.vector_load %arg8[%swap3A_2392, %swap3A_2393] {strides = array<i32>} : memref<800x64xf32, #tpu.memory_space<vmem>>, vector<1x16xf32>,
      %swap3A_2395 = vector.shape_cast %swap3A_2394 : vector<1x16xf32> to vector<16xf32>
      %swap3A_2396 = vector.shape_cast %get3A_2310 : vector<16xf32> to vector<1x16xf32>
      tpu.vector_store %arg8[%swap3A_2392, %swap3A_2393], %swap3A_2396 {add = true, strides = array<i32>} : memref<800x64xf32, #tpu.memory_space<vmem>>, vector<1x16xf32>,
      %swap3A_2397 = arith.index_cast %add3A_2381 : i32 to index
      %swap3A_2398 = arith.constant 48 : index
      %swap3A_2399 = tpu.vector_load %arg8[%swap3A_2397, %swap3A_2398] {strides = array<i32>} : memref<800x64xf32, #tpu.memory_space<vmem>>, vector<1x16xf32>,
      %swap3A_2400 = vector.shape_cast %swap3A_2399 : vector<1x16xf32> to vector<16xf32>
      %swap3A_2401 = vector.shape_cast %get3A_2314 : vector<16xf32> to vector<1x16xf32>
      tpu.vector_store %arg8[%swap3A_2397, %swap3A_2398], %swap3A_2401 {add = true, strides = array<i32>} : memref<800x64xf32, #tpu.memory_space<vmem>>, vector<1x16xf32>,
    }
    %scan3A_1969 = arith.constant 200 : i32
    %add3A_1970 = arith.constant 24 : i32
    %add3A_1971 = arith.addi %multiple_of3A_5, %add3A_1970 : i32
    %add3A_1972 = arith.constant 0 : i32
    %add3A_1973 = arith.addi %add3A_1971, %add3A_1972 : i32
    %dma_start3A_1974 = arith.constant 0 : i32
    %dma_start3A_1975 = arith.constant 0 : i32
    %dma_start3A_1976 = tpu.memref_slice %arg8[%dma_start3A_1974, %dma_start3A_1975] : memref<800x64xf32, #tpu.memory_space<vmem>> -> memref<200x64xf32, #tpu.memory_space<vmem>>
    %dma_start3A_1977 = arith.constant 0 : i32
    %dma_start3A_1978 = arith.constant 0 : i32
    %dma_start3A_1979 = tpu.memref_slice %arg5[%add3A_1973, %dma_start3A_1977, %dma_start3A_1978] : memref<1024x200x64xf32, #tpu.memory_space<hbm>> -> memref<1x200x64xf32, #tpu.memory_space<hbm>>
    %dma_start3A_1980 = tpu.memref_squeeze %dma_start3A_1979 : memref<1x200x64xf32, #tpu.memory_space<hbm>> -> memref<200x64xf32, #tpu.memory_space<hbm>>
    %dma_start3A_1981 = arith.constant 0 : i32
    %dma_start3A_1982 = arith.constant 0 : i32
    %dma_start3A_1983 = tpu.memref_slice %arg5[%add3A_1973, %dma_start3A_1981, %dma_start3A_1982] : memref<1024x200x64xf32, #tpu.memory_space<hbm>> -> memref<1x200x64xf32, #tpu.memory_space<hbm>>
    %dma_start3A_1984 = tpu.memref_squeeze %dma_start3A_1983 : memref<1x200x64xf32, #tpu.memory_space<hbm>> -> memref<200x64xf32, #tpu.memory_space<hbm>>
    %dma_start3A_1985 = arith.constant 0 : i32
    %dma_start3A_1986 = arith.constant 0 : i32
    %dma_start3A_1987 = tpu.memref_slice %arg8[%dma_start3A_1985, %dma_start3A_1986] : memref<800x64xf32, #tpu.memory_space<vmem>> -> memref<200x64xf32, #tpu.memory_space<vmem>>
    tpu.enqueue_dma source(%dma_start3A_1987 : memref<200x64xf32, #tpu.memory_space<vmem>>) target(%dma_start3A_1984 : memref<200x64xf32, #tpu.memory_space<hbm>>) target_semaphore(%arg12 : memref<!tpu.dma_semaphore, #tpu.memory_space<semaphore_mem>>)
    %add3A_1988 = arith.constant 1 : i32
    %add3A_1989 = arith.addi %add3A_1971, %add3A_1988 : i32
    %dma_start3A_1990 = arith.constant 200 : i32
    %dma_start3A_1991 = arith.constant 0 : i32
    %dma_start3A_1992 = tpu.memref_slice %arg8[%dma_start3A_1990, %dma_start3A_1991] : memref<800x64xf32, #tpu.memory_space<vmem>> -> memref<200x64xf32, #tpu.memory_space<vmem>>
    %dma_start3A_1993 = arith.constant 0 : i32
    %dma_start3A_1994 = arith.constant 0 : i32
    %dma_start3A_1995 = tpu.memref_slice %arg5[%add3A_1989, %dma_start3A_1993, %dma_start3A_1994] : memref<1024x200x64xf32, #tpu.memory_space<hbm>> -> memref<1x200x64xf32, #tpu.memory_space<hbm>>
    %dma_start3A_1996 = tpu.memref_squeeze %dma_start3A_1995 : memref<1x200x64xf32, #tpu.memory_space<hbm>> -> memref<200x64xf32, #tpu.memory_space<hbm>>
    %dma_start3A_1997 = arith.constant 0 : i32
    %dma_start3A_1998 = arith.constant 0 : i32
    %dma_start3A_1999 = tpu.memref_slice %arg5[%add3A_1989, %dma_start3A_1997, %dma_start3A_1998] : memref<1024x200x64xf32, #tpu.memory_space<hbm>> -> memref<1x200x64xf32, #tpu.memory_space<hbm>>
    %dma_start3A_2000 = tpu.memref_squeeze %dma_start3A_1999 : memref<1x200x64xf32, #tpu.memory_space<hbm>> -> memref<200x64xf32, #tpu.memory_space<hbm>>
    %dma_start3A_2001 = arith.constant 200 : i32
    %dma_start3A_2002 = arith.constant 0 : i32
    %dma_start3A_2003 = tpu.memref_slice %arg8[%dma_start3A_2001, %dma_start3A_2002] : memref<800x64xf32, #tpu.memory_space<vmem>> -> memref<200x64xf32, #tpu.memory_space<vmem>>
    tpu.enqueue_dma source(%dma_start3A_2003 : memref<200x64xf32, #tpu.memory_space<vmem>>) target(%dma_start3A_2000 : memref<200x64xf32, #tpu.memory_space<hbm>>) target_semaphore(%arg12 : memref<!tpu.dma_semaphore, #tpu.memory_space<semaphore_mem>>)
    %add3A_2004 = arith.constant 2 : i32
    %add3A_2005 = arith.addi %add3A_1971, %add3A_2004 : i32
    %dma_start3A_2006 = arith.constant 400 : i32
    %dma_start3A_2007 = arith.constant 0 : i32
    %dma_start3A_2008 = tpu.memref_slice %arg8[%dma_start3A_2006, %dma_start3A_2007] : memref<800x64xf32, #tpu.memory_space<vmem>> -> memref<200x64xf32, #tpu.memory_space<vmem>>
    %dma_start3A_2009 = arith.constant 0 : i32
    %dma_start3A_2010 = arith.constant 0 : i32
    %dma_start3A_2011 = tpu.memref_slice %arg5[%add3A_2005, %dma_start3A_2009, %dma_start3A_2010] : memref<1024x200x64xf32, #tpu.memory_space<hbm>> -> memref<1x200x64xf32, #tpu.memory_space<hbm>>
    %dma_start3A_2012 = tpu.memref_squeeze %dma_start3A_2011 : memref<1x200x64xf32, #tpu.memory_space<hbm>> -> memref<200x64xf32, #tpu.memory_space<hbm>>
    %dma_start3A_2013 = arith.constant 0 : i32
    %dma_start3A_2014 = arith.constant 0 : i32
    %dma_start3A_2015 = tpu.memref_slice %arg5[%add3A_2005, %dma_start3A_2013, %dma_start3A_2014] : memref<1024x200x64xf32, #tpu.memory_space<hbm>> -> memref<1x200x64xf32, #tpu.memory_space<hbm>>
    %dma_start3A_2016 = tpu.memref_squeeze %dma_start3A_2015 : memref<1x200x64xf32, #tpu.memory_space<hbm>> -> memref<200x64xf32, #tpu.memory_space<hbm>>
    %dma_start3A_2017 = arith.constant 400 : i32
    %dma_start3A_2018 = arith.constant 0 : i32
    %dma_start3A_2019 = tpu.memref_slice %arg8[%dma_start3A_2017, %dma_start3A_2018] : memref<800x64xf32, #tpu.memory_space<vmem>> -> memref<200x64xf32, #tpu.memory_space<vmem>>
    tpu.enqueue_dma source(%dma_start3A_2019 : memref<200x64xf32, #tpu.memory_space<vmem>>) target(%dma_start3A_2016 : memref<200x64xf32, #tpu.memory_space<hbm>>) target_semaphore(%arg12 : memref<!tpu.dma_semaphore, #tpu.memory_space<semaphore_mem>>)
    %add3A_2020 = arith.constant 3 : i32
    %add3A_2021 = arith.addi %add3A_1971, %add3A_2020 : i32
    %dma_start3A_2022 = arith.constant 600 : i32
    %dma_start3A_2023 = arith.constant 0 : i32
    %dma_start3A_2024 = tpu.memref_slice %arg8[%dma_start3A_2022, %dma_start3A_2023] : memref<800x64xf32, #tpu.memory_space<vmem>> -> memref<200x64xf32, #tpu.memory_space<vmem>>
    %dma_start3A_2025 = arith.constant 0 : i32
    %dma_start3A_2026 = arith.constant 0 : i32
    %dma_start3A_2027 = tpu.memref_slice %arg5[%add3A_2021, %dma_start3A_2025, %dma_start3A_2026] : memref<1024x200x64xf32, #tpu.memory_space<hbm>> -> memref<1x200x64xf32, #tpu.memory_space<hbm>>
    %dma_start3A_2028 = tpu.memref_squeeze %dma_start3A_2027 : memref<1x200x64xf32, #tpu.memory_space<hbm>> -> memref<200x64xf32, #tpu.memory_space<hbm>>
    %dma_start3A_2029 = arith.constant 0 : i32
    %dma_start3A_2030 = arith.constant 0 : i32
    %dma_start3A_2031 = tpu.memref_slice %arg5[%add3A_2021, %dma_start3A_2029, %dma_start3A_2030] : memref<1024x200x64xf32, #tpu.memory_space<hbm>> -> memref<1x200x64xf32, #tpu.memory_space<hbm>>
    %dma_start3A_2032 = tpu.memref_squeeze %dma_start3A_2031 : memref<1x200x64xf32, #tpu.memory_space<hbm>> -> memref<200x64xf32, #tpu.memory_space<hbm>>
    %dma_start3A_2033 = arith.constant 600 : i32
    %dma_start3A_2034 = arith.constant 0 : i32
    %dma_start3A_2035 = tpu.memref_slice %arg8[%dma_start3A_2033, %dma_start3A_2034] : memref<800x64xf32, #tpu.memory_space<vmem>> -> memref<200x64xf32, #tpu.memory_space<vmem>>
    tpu.enqueue_dma source(%dma_start3A_2035 : memref<200x64xf32, #tpu.memory_space<vmem>>) target(%dma_start3A_2032 : memref<200x64xf32, #tpu.memory_space<hbm>>) target_semaphore(%arg12 : memref<!tpu.dma_semaphore, #tpu.memory_space<semaphore_mem>>)
    %dma_wait3A_2036 = arith.constant 0 : i32
    %dma_wait3A_2037 = arith.constant 0 : i32
    %dma_wait3A_2038 = tpu.memref_slice %arg9[%dma_wait3A_2036, %dma_wait3A_2037] : memref<800x64xf32, #tpu.memory_space<vmem>> -> memref<80x64xf32, #tpu.memory_space<vmem>>
    %dma_wait3A_2039 = arith.constant 5600 : i32
    %dma_wait3A_2040 = tpu.memref_slice %arg6[%dma_wait3A_2039] : memref<6400xi32, #tpu.memory_space<vmem>> -> memref<80xi32, #tpu.memory_space<vmem>>
    %dma_wait3A_2041 = arith.constant 0 : i32
    %dma_wait3A_2042 = arith.constant 0 : i32
    %dma_wait3A_2043 = tpu.memref_slice %arg3[%dma_wait3A_2041, %dma_wait3A_2042] : memref<1000000x64xf32, #tpu.memory_space<hbm>> -> memref<1000000x64xf32, #tpu.memory_space<hbm>>
    tpu.wait_indirect_dma semaphore(%arg11 : memref<!tpu.dma_semaphore, #tpu.memory_space<semaphore_mem>>) src(%dma_wait3A_2043 : memref<1000000x64xf32, #tpu.memory_space<hbm>>) dst(%dma_wait3A_2038 : memref<80x64xf32, #tpu.memory_space<vmem>>)
    %dma_wait3A_2044 = arith.constant 80 : i32
    %dma_wait3A_2045 = arith.constant 0 : i32
    %dma_wait3A_2046 = tpu.memref_slice %arg9[%dma_wait3A_2044, %dma_wait3A_2045] : memref<800x64xf32, #tpu.memory_space<vmem>> -> memref<80x64xf32, #tpu.memory_space<vmem>>
    %dma_wait3A_2047 = arith.constant 5680 : i32
    %dma_wait3A_2048 = tpu.memref_slice %arg6[%dma_wait3A_2047] : memref<6400xi32, #tpu.memory_space<vmem>> -> memref<80xi32, #tpu.memory_space<vmem>>
    %dma_wait3A_2049 = arith.constant 0 : i32
    %dma_wait3A_2050 = arith.constant 0 : i32
    %dma_wait3A_2051 = tpu.memref_slice %arg3[%dma_wait3A_2049, %dma_wait3A_2050] : memref<1000000x64xf32, #tpu.memory_space<hbm>> -> memref<1000000x64xf32, #tpu.memory_space<hbm>>
    tpu.wait_indirect_dma semaphore(%arg11 : memref<!tpu.dma_semaphore, #tpu.memory_space<semaphore_mem>>) src(%dma_wait3A_2051 : memref<1000000x64xf32, #tpu.memory_space<hbm>>) dst(%dma_wait3A_2046 : memref<80x64xf32, #tpu.memory_space<vmem>>)
    %dma_wait3A_2052 = arith.constant 160 : i32
    %dma_wait3A_2053 = arith.constant 0 : i32
    %dma_wait3A_2054 = tpu.memref_slice %arg9[%dma_wait3A_2052, %dma_wait3A_2053] : memref<800x64xf32, #tpu.memory_space<vmem>> -> memref<80x64xf32, #tpu.memory_space<vmem>>
    %dma_wait3A_2055 = arith.constant 5760 : i32
    %dma_wait3A_2056 = tpu.memref_slice %arg6[%dma_wait3A_2055] : memref<6400xi32, #tpu.memory_space<vmem>> -> memref<80xi32, #tpu.memory_space<vmem>>
    %dma_wait3A_2057 = arith.constant 0 : i32
    %dma_wait3A_2058 = arith.constant 0 : i32
    %dma_wait3A_2059 = tpu.memref_slice %arg3[%dma_wait3A_2057, %dma_wait3A_2058] : memref<1000000x64xf32, #tpu.memory_space<hbm>> -> memref<1000000x64xf32, #tpu.memory_space<hbm>>
    tpu.wait_indirect_dma semaphore(%arg11 : memref<!tpu.dma_semaphore, #tpu.memory_space<semaphore_mem>>) src(%dma_wait3A_2059 : memref<1000000x64xf32, #tpu.memory_space<hbm>>) dst(%dma_wait3A_2054 : memref<80x64xf32, #tpu.memory_space<vmem>>)
    %dma_wait3A_2060 = arith.constant 240 : i32
    %dma_wait3A_2061 = arith.constant 0 : i32
    %dma_wait3A_2062 = tpu.memref_slice %arg9[%dma_wait3A_2060, %dma_wait3A_2061] : memref<800x64xf32, #tpu.memory_space<vmem>> -> memref<80x64xf32, #tpu.memory_space<vmem>>
    %dma_wait3A_2063 = arith.constant 5840 : i32
    %dma_wait3A_2064 = tpu.memref_slice %arg6[%dma_wait3A_2063] : memref<6400xi32, #tpu.memory_space<vmem>> -> memref<80xi32, #tpu.memory_space<vmem>>
    %dma_wait3A_2065 = arith.constant 0 : i32
    %dma_wait3A_2066 = arith.constant 0 : i32
    %dma_wait3A_2067 = tpu.memref_slice %arg3[%dma_wait3A_2065, %dma_wait3A_2066] : memref<1000000x64xf32, #tpu.memory_space<hbm>> -> memref<1000000x64xf32, #tpu.memory_space<hbm>>
    tpu.wait_indirect_dma semaphore(%arg11 : memref<!tpu.dma_semaphore, #tpu.memory_space<semaphore_mem>>) src(%dma_wait3A_2067 : memref<1000000x64xf32, #tpu.memory_space<hbm>>) dst(%dma_wait3A_2062 : memref<80x64xf32, #tpu.memory_space<vmem>>)
    %dma_wait3A_2068 = arith.constant 320 : i32
    %dma_wait3A_2069 = arith.constant 0 : i32
    %dma_wait3A_2070 = tpu.memref_slice %arg9[%dma_wait3A_2068, %dma_wait3A_2069] : memref<800x64xf32, #tpu.memory_space<vmem>> -> memref<80x64xf32, #tpu.memory_space<vmem>>
    %dma_wait3A_2071 = arith.constant 5920 : i32
    %dma_wait3A_2072 = tpu.memref_slice %arg6[%dma_wait3A_2071] : memref<6400xi32, #tpu.memory_space<vmem>> -> memref<80xi32, #tpu.memory_space<vmem>>
    %dma_wait3A_2073 = arith.constant 0 : i32
    %dma_wait3A_2074 = arith.constant 0 : i32
    %dma_wait3A_2075 = tpu.memref_slice %arg3[%dma_wait3A_2073, %dma_wait3A_2074] : memref<1000000x64xf32, #tpu.memory_space<hbm>> -> memref<1000000x64xf32, #tpu.memory_space<hbm>>
    tpu.wait_indirect_dma semaphore(%arg11 : memref<!tpu.dma_semaphore, #tpu.memory_space<semaphore_mem>>) src(%dma_wait3A_2075 : memref<1000000x64xf32, #tpu.memory_space<hbm>>) dst(%dma_wait3A_2070 : memref<80x64xf32, #tpu.memory_space<vmem>>)
    %dma_wait3A_2076 = arith.constant 400 : i32
    %dma_wait3A_2077 = arith.constant 0 : i32
    %dma_wait3A_2078 = tpu.memref_slice %arg9[%dma_wait3A_2076, %dma_wait3A_2077] : memref<800x64xf32, #tpu.memory_space<vmem>> -> memref<80x64xf32, #tpu.memory_space<vmem>>
    %dma_wait3A_2079 = arith.constant 6000 : i32
    %dma_wait3A_2080 = tpu.memref_slice %arg6[%dma_wait3A_2079] : memref<6400xi32, #tpu.memory_space<vmem>> -> memref<80xi32, #tpu.memory_space<vmem>>
    %dma_wait3A_2081 = arith.constant 0 : i32
    %dma_wait3A_2082 = arith.constant 0 : i32
    %dma_wait3A_2083 = tpu.memref_slice %arg3[%dma_wait3A_2081, %dma_wait3A_2082] : memref<1000000x64xf32, #tpu.memory_space<hbm>> -> memref<1000000x64xf32, #tpu.memory_space<hbm>>
    tpu.wait_indirect_dma semaphore(%arg11 : memref<!tpu.dma_semaphore, #tpu.memory_space<semaphore_mem>>) src(%dma_wait3A_2083 : memref<1000000x64xf32, #tpu.memory_space<hbm>>) dst(%dma_wait3A_2078 : memref<80x64xf32, #tpu.memory_space<vmem>>)
    %dma_wait3A_2084 = arith.constant 480 : i32
    %dma_wait3A_2085 = arith.constant 0 : i32
    %dma_wait3A_2086 = tpu.memref_slice %arg9[%dma_wait3A_2084, %dma_wait3A_2085] : memref<800x64xf32, #tpu.memory_space<vmem>> -> memref<80x64xf32, #tpu.memory_space<vmem>>
    %dma_wait3A_2087 = arith.constant 6080 : i32
    %dma_wait3A_2088 = tpu.memref_slice %arg6[%dma_wait3A_2087] : memref<6400xi32, #tpu.memory_space<vmem>> -> memref<80xi32, #tpu.memory_space<vmem>>
    %dma_wait3A_2089 = arith.constant 0 : i32
    %dma_wait3A_2090 = arith.constant 0 : i32
    %dma_wait3A_2091 = tpu.memref_slice %arg3[%dma_wait3A_2089, %dma_wait3A_2090] : memref<1000000x64xf32, #tpu.memory_space<hbm>> -> memref<1000000x64xf32, #tpu.memory_space<hbm>>
    tpu.wait_indirect_dma semaphore(%arg11 : memref<!tpu.dma_semaphore, #tpu.memory_space<semaphore_mem>>) src(%dma_wait3A_2091 : memref<1000000x64xf32, #tpu.memory_space<hbm>>) dst(%dma_wait3A_2086 : memref<80x64xf32, #tpu.memory_space<vmem>>)
    %dma_wait3A_2092 = arith.constant 560 : i32
    %dma_wait3A_2093 = arith.constant 0 : i32
    %dma_wait3A_2094 = tpu.memref_slice %arg9[%dma_wait3A_2092, %dma_wait3A_2093] : memref<800x64xf32, #tpu.memory_space<vmem>> -> memref<80x64xf32, #tpu.memory_space<vmem>>
    %dma_wait3A_2095 = arith.constant 6160 : i32
    %dma_wait3A_2096 = tpu.memref_slice %arg6[%dma_wait3A_2095] : memref<6400xi32, #tpu.memory_space<vmem>> -> memref<80xi32, #tpu.memory_space<vmem>>
    %dma_wait3A_2097 = arith.constant 0 : i32
    %dma_wait3A_2098 = arith.constant 0 : i32
    %dma_wait3A_2099 = tpu.memref_slice %arg3[%dma_wait3A_2097, %dma_wait3A_2098] : memref<1000000x64xf32, #tpu.memory_space<hbm>> -> memref<1000000x64xf32, #tpu.memory_space<hbm>>
    tpu.wait_indirect_dma semaphore(%arg11 : memref<!tpu.dma_semaphore, #tpu.memory_space<semaphore_mem>>) src(%dma_wait3A_2099 : memref<1000000x64xf32, #tpu.memory_space<hbm>>) dst(%dma_wait3A_2094 : memref<80x64xf32, #tpu.memory_space<vmem>>)
    %dma_wait3A_2100 = arith.constant 640 : i32
    %dma_wait3A_2101 = arith.constant 0 : i32
    %dma_wait3A_2102 = tpu.memref_slice %arg9[%dma_wait3A_2100, %dma_wait3A_2101] : memref<800x64xf32, #tpu.memory_space<vmem>> -> memref<80x64xf32, #tpu.memory_space<vmem>>
    %dma_wait3A_2103 = arith.constant 6240 : i32
    %dma_wait3A_2104 = tpu.memref_slice %arg6[%dma_wait3A_2103] : memref<6400xi32, #tpu.memory_space<vmem>> -> memref<80xi32, #tpu.memory_space<vmem>>
    %dma_wait3A_2105 = arith.constant 0 : i32
    %dma_wait3A_2106 = arith.constant 0 : i32
    %dma_wait3A_2107 = tpu.memref_slice %arg3[%dma_wait3A_2105, %dma_wait3A_2106] : memref<1000000x64xf32, #tpu.memory_space<hbm>> -> memref<1000000x64xf32, #tpu.memory_space<hbm>>
    tpu.wait_indirect_dma semaphore(%arg11 : memref<!tpu.dma_semaphore, #tpu.memory_space<semaphore_mem>>) src(%dma_wait3A_2107 : memref<1000000x64xf32, #tpu.memory_space<hbm>>) dst(%dma_wait3A_2102 : memref<80x64xf32, #tpu.memory_space<vmem>>)
    %dma_wait3A_2108 = arith.constant 720 : i32
    %dma_wait3A_2109 = arith.constant 0 : i32
    %dma_wait3A_2110 = tpu.memref_slice %arg9[%dma_wait3A_2108, %dma_wait3A_2109] : memref<800x64xf32, #tpu.memory_space<vmem>> -> memref<80x64xf32, #tpu.memory_space<vmem>>
    %dma_wait3A_2111 = arith.constant 6320 : i32
    %dma_wait3A_2112 = tpu.memref_slice %arg6[%dma_wait3A_2111] : memref<6400xi32, #tpu.memory_space<vmem>> -> memref<80xi32, #tpu.memory_space<vmem>>
    %dma_wait3A_2113 = arith.constant 0 : i32
    %dma_wait3A_2114 = arith.constant 0 : i32
    %dma_wait3A_2115 = tpu.memref_slice %arg3[%dma_wait3A_2113, %dma_wait3A_2114] : memref<1000000x64xf32, #tpu.memory_space<hbm>> -> memref<1000000x64xf32, #tpu.memory_space<hbm>>
    tpu.wait_indirect_dma semaphore(%arg11 : memref<!tpu.dma_semaphore, #tpu.memory_space<semaphore_mem>>) src(%dma_wait3A_2115 : memref<1000000x64xf32, #tpu.memory_space<hbm>>) dst(%dma_wait3A_2110 : memref<80x64xf32, #tpu.memory_space<vmem>>)
    %scan3A_2116 = arith.constant 0 : i32
    %scan3A_2117 = arith.constant 200 : i32
    %scan3A_2118 = arith.addi %scan3A_2116, %scan3A_2117 : i32
    %scan3A_2119 = arith.constant 1 : i32
    scf.for %scan3A_2299 = %scan3A_2116 to %scan3A_2118 step %scan3A_2119  : i32 {
      %get3A = arith.index_cast %scan3A_2299 : i32 to index
      %get3A_2300 = arith.constant 0 : index
      %get3A_2301 = tpu.vector_load %arg7[%get3A, %get3A_2300] {strides = array<i32>} : memref<200x64xf32, #tpu.memory_space<vmem>>, vector<1x16xf32>,
      %get3A_2302 = vector.shape_cast %get3A_2301 : vector<1x16xf32> to vector<16xf32>
      %get3A_2303 = arith.index_cast %scan3A_2299 : i32 to index
      %get3A_2304 = arith.constant 16 : index
      %get3A_2305 = tpu.vector_load %arg7[%get3A_2303, %get3A_2304] {strides = array<i32>} : memref<200x64xf32, #tpu.memory_space<vmem>>, vector<1x16xf32>,
      %get3A_2306 = vector.shape_cast %get3A_2305 : vector<1x16xf32> to vector<16xf32>
      %get3A_2307 = arith.index_cast %scan3A_2299 : i32 to index
      %get3A_2308 = arith.constant 32 : index
      %get3A_2309 = tpu.vector_load %arg7[%get3A_2307, %get3A_2308] {strides = array<i32>} : memref<200x64xf32, #tpu.memory_space<vmem>>, vector<1x16xf32>,
      %get3A_2310 = vector.shape_cast %get3A_2309 : vector<1x16xf32> to vector<16xf32>
      %get3A_2311 = arith.index_cast %scan3A_2299 : i32 to index
      %get3A_2312 = arith.constant 48 : index
      %get3A_2313 = tpu.vector_load %arg7[%get3A_2311, %get3A_2312] {strides = array<i32>} : memref<200x64xf32, #tpu.memory_space<vmem>>, vector<1x16xf32>,
      %get3A_2314 = vector.shape_cast %get3A_2313 : vector<1x16xf32> to vector<16xf32>
      %add3A_2315 = arith.constant 0 : i32
      %add3A_2316 = arith.addi %add3A_2315, %scan3A_2299 : i32
      %swap3A = arith.index_cast %add3A_2316 : i32 to index
      %swap3A_2317 = arith.constant 0 : index
      %swap3A_2318 = tpu.vector_load %arg9[%swap3A, %swap3A_2317] {strides = array<i32>} : memref<800x64xf32, #tpu.memory_space<vmem>>, vector<1x16xf32>,
      %swap3A_2319 = vector.shape_cast %swap3A_2318 : vector<1x16xf32> to vector<16xf32>
      %swap3A_2320 = vector.shape_cast %get3A_2302 : vector<16xf32> to vector<1x16xf32>
      tpu.vector_store %arg9[%swap3A, %swap3A_2317], %swap3A_2320 {add = true, strides = array<i32>} : memref<800x64xf32, #tpu.memory_space<vmem>>, vector<1x16xf32>,
      %swap3A_2321 = arith.index_cast %add3A_2316 : i32 to index
      %swap3A_2322 = arith.constant 16 : index
      %swap3A_2323 = tpu.vector_load %arg9[%swap3A_2321, %swap3A_2322] {strides = array<i32>} : memref<800x64xf32, #tpu.memory_space<vmem>>, vector<1x16xf32>,
      %swap3A_2324 = vector.shape_cast %swap3A_2323 : vector<1x16xf32> to vector<16xf32>
      %swap3A_2325 = vector.shape_cast %get3A_2306 : vector<16xf32> to vector<1x16xf32>
      tpu.vector_store %arg9[%swap3A_2321, %swap3A_2322], %swap3A_2325 {add = true, strides = array<i32>} : memref<800x64xf32, #tpu.memory_space<vmem>>, vector<1x16xf32>,
      %swap3A_2326 = arith.index_cast %add3A_2316 : i32 to index
      %swap3A_2327 = arith.constant 32 : index
      %swap3A_2328 = tpu.vector_load %arg9[%swap3A_2326, %swap3A_2327] {strides = array<i32>} : memref<800x64xf32, #tpu.memory_space<vmem>>, vector<1x16xf32>,
      %swap3A_2329 = vector.shape_cast %swap3A_2328 : vector<1x16xf32> to vector<16xf32>
      %swap3A_2330 = vector.shape_cast %get3A_2310 : vector<16xf32> to vector<1x16xf32>
      tpu.vector_store %arg9[%swap3A_2326, %swap3A_2327], %swap3A_2330 {add = true, strides = array<i32>} : memref<800x64xf32, #tpu.memory_space<vmem>>, vector<1x16xf32>,
      %swap3A_2331 = arith.index_cast %add3A_2316 : i32 to index
      %swap3A_2332 = arith.constant 48 : index
      %swap3A_2333 = tpu.vector_load %arg9[%swap3A_2331, %swap3A_2332] {strides = array<i32>} : memref<800x64xf32, #tpu.memory_space<vmem>>, vector<1x16xf32>,
      %swap3A_2334 = vector.shape_cast %swap3A_2333 : vector<1x16xf32> to vector<16xf32>
      %swap3A_2335 = vector.shape_cast %get3A_2314 : vector<16xf32> to vector<1x16xf32>
      tpu.vector_store %arg9[%swap3A_2331, %swap3A_2332], %swap3A_2335 {add = true, strides = array<i32>} : memref<800x64xf32, #tpu.memory_space<vmem>>, vector<1x16xf32>,
      %add3A_2336 = arith.constant 200 : i32
      %add3A_2337 = arith.addi %add3A_2336, %scan3A_2299 : i32
      %swap3A_2338 = arith.index_cast %add3A_2337 : i32 to index
      %swap3A_2339 = arith.constant 0 : index
      %swap3A_2340 = tpu.vector_load %arg9[%swap3A_2338, %swap3A_2339] {strides = array<i32>} : memref<800x64xf32, #tpu.memory_space<vmem>>, vector<1x16xf32>,
      %swap3A_2341 = vector.shape_cast %swap3A_2340 : vector<1x16xf32> to vector<16xf32>
      %swap3A_2342 = vector.shape_cast %get3A_2302 : vector<16xf32> to vector<1x16xf32>
      tpu.vector_store %arg9[%swap3A_2338, %swap3A_2339], %swap3A_2342 {add = true, strides = array<i32>} : memref<800x64xf32, #tpu.memory_space<vmem>>, vector<1x16xf32>,
      %swap3A_2343 = arith.index_cast %add3A_2337 : i32 to index
      %swap3A_2344 = arith.constant 16 : index
      %swap3A_2345 = tpu.vector_load %arg9[%swap3A_2343, %swap3A_2344] {strides = array<i32>} : memref<800x64xf32, #tpu.memory_space<vmem>>, vector<1x16xf32>,
      %swap3A_2346 = vector.shape_cast %swap3A_2345 : vector<1x16xf32> to vector<16xf32>
      %swap3A_2347 = vector.shape_cast %get3A_2306 : vector<16xf32> to vector<1x16xf32>
      tpu.vector_store %arg9[%swap3A_2343, %swap3A_2344], %swap3A_2347 {add = true, strides = array<i32>} : memref<800x64xf32, #tpu.memory_space<vmem>>, vector<1x16xf32>,
      %swap3A_2348 = arith.index_cast %add3A_2337 : i32 to index
      %swap3A_2349 = arith.constant 32 : index
      %swap3A_2350 = tpu.vector_load %arg9[%swap3A_2348, %swap3A_2349] {strides = array<i32>} : memref<800x64xf32, #tpu.memory_space<vmem>>, vector<1x16xf32>,
      %swap3A_2351 = vector.shape_cast %swap3A_2350 : vector<1x16xf32> to vector<16xf32>
      %swap3A_2352 = vector.shape_cast %get3A_2310 : vector<16xf32> to vector<1x16xf32>
      tpu.vector_store %arg9[%swap3A_2348, %swap3A_2349], %swap3A_2352 {add = true, strides = array<i32>} : memref<800x64xf32, #tpu.memory_space<vmem>>, vector<1x16xf32>,
      %swap3A_2353 = arith.index_cast %add3A_2337 : i32 to index
      %swap3A_2354 = arith.constant 48 : index
      %swap3A_2355 = tpu.vector_load %arg9[%swap3A_2353, %swap3A_2354] {strides = array<i32>} : memref<800x64xf32, #tpu.memory_space<vmem>>, vector<1x16xf32>,
      %swap3A_2356 = vector.shape_cast %swap3A_2355 : vector<1x16xf32> to vector<16xf32>
      %swap3A_2357 = vector.shape_cast %get3A_2314 : vector<16xf32> to vector<1x16xf32>
      tpu.vector_store %arg9[%swap3A_2353, %swap3A_2354], %swap3A_2357 {add = true, strides = array<i32>} : memref<800x64xf32, #tpu.memory_space<vmem>>, vector<1x16xf32>,
      %add3A_2358 = arith.constant 400 : i32
      %add3A_2359 = arith.addi %add3A_2358, %scan3A_2299 : i32
      %swap3A_2360 = arith.index_cast %add3A_2359 : i32 to index
      %swap3A_2361 = arith.constant 0 : index
      %swap3A_2362 = tpu.vector_load %arg9[%swap3A_2360, %swap3A_2361] {strides = array<i32>} : memref<800x64xf32, #tpu.memory_space<vmem>>, vector<1x16xf32>,
      %swap3A_2363 = vector.shape_cast %swap3A_2362 : vector<1x16xf32> to vector<16xf32>
      %swap3A_2364 = vector.shape_cast %get3A_2302 : vector<16xf32> to vector<1x16xf32>
      tpu.vector_store %arg9[%swap3A_2360, %swap3A_2361], %swap3A_2364 {add = true, strides = array<i32>} : memref<800x64xf32, #tpu.memory_space<vmem>>, vector<1x16xf32>,
      %swap3A_2365 = arith.index_cast %add3A_2359 : i32 to index
      %swap3A_2366 = arith.constant 16 : index
      %swap3A_2367 = tpu.vector_load %arg9[%swap3A_2365, %swap3A_2366] {strides = array<i32>} : memref<800x64xf32, #tpu.memory_space<vmem>>, vector<1x16xf32>,
      %swap3A_2368 = vector.shape_cast %swap3A_2367 : vector<1x16xf32> to vector<16xf32>
      %swap3A_2369 = vector.shape_cast %get3A_2306 : vector<16xf32> to vector<1x16xf32>
      tpu.vector_store %arg9[%swap3A_2365, %swap3A_2366], %swap3A_2369 {add = true, strides = array<i32>} : memref<800x64xf32, #tpu.memory_space<vmem>>, vector<1x16xf32>,
      %swap3A_2370 = arith.index_cast %add3A_2359 : i32 to index
      %swap3A_2371 = arith.constant 32 : index
      %swap3A_2372 = tpu.vector_load %arg9[%swap3A_2370, %swap3A_2371] {strides = array<i32>} : memref<800x64xf32, #tpu.memory_space<vmem>>, vector<1x16xf32>,
      %swap3A_2373 = vector.shape_cast %swap3A_2372 : vector<1x16xf32> to vector<16xf32>
      %swap3A_2374 = vector.shape_cast %get3A_2310 : vector<16xf32> to vector<1x16xf32>
      tpu.vector_store %arg9[%swap3A_2370, %swap3A_2371], %swap3A_2374 {add = true, strides = array<i32>} : memref<800x64xf32, #tpu.memory_space<vmem>>, vector<1x16xf32>,
      %swap3A_2375 = arith.index_cast %add3A_2359 : i32 to index
      %swap3A_2376 = arith.constant 48 : index
      %swap3A_2377 = tpu.vector_load %arg9[%swap3A_2375, %swap3A_2376] {strides = array<i32>} : memref<800x64xf32, #tpu.memory_space<vmem>>, vector<1x16xf32>,
      %swap3A_2378 = vector.shape_cast %swap3A_2377 : vector<1x16xf32> to vector<16xf32>
      %swap3A_2379 = vector.shape_cast %get3A_2314 : vector<16xf32> to vector<1x16xf32>
      tpu.vector_store %arg9[%swap3A_2375, %swap3A_2376], %swap3A_2379 {add = true, strides = array<i32>} : memref<800x64xf32, #tpu.memory_space<vmem>>, vector<1x16xf32>,
      %add3A_2380 = arith.constant 600 : i32
      %add3A_2381 = arith.addi %add3A_2380, %scan3A_2299 : i32
      %swap3A_2382 = arith.index_cast %add3A_2381 : i32 to index
      %swap3A_2383 = arith.constant 0 : index
      %swap3A_2384 = tpu.vector_load %arg9[%swap3A_2382, %swap3A_2383] {strides = array<i32>} : memref<800x64xf32, #tpu.memory_space<vmem>>, vector<1x16xf32>,
      %swap3A_2385 = vector.shape_cast %swap3A_2384 : vector<1x16xf32> to vector<16xf32>
      %swap3A_2386 = vector.shape_cast %get3A_2302 : vector<16xf32> to vector<1x16xf32>
      tpu.vector_store %arg9[%swap3A_2382, %swap3A_2383], %swap3A_2386 {add = true, strides = array<i32>} : memref<800x64xf32, #tpu.memory_space<vmem>>, vector<1x16xf32>,
      %swap3A_2387 = arith.index_cast %add3A_2381 : i32 to index
      %swap3A_2388 = arith.constant 16 : index
      %swap3A_2389 = tpu.vector_load %arg9[%swap3A_2387, %swap3A_2388] {strides = array<i32>} : memref<800x64xf32, #tpu.memory_space<vmem>>, vector<1x16xf32>,
      %swap3A_2390 = vector.shape_cast %swap3A_2389 : vector<1x16xf32> to vector<16xf32>
      %swap3A_2391 = vector.shape_cast %get3A_2306 : vector<16xf32> to vector<1x16xf32>
      tpu.vector_store %arg9[%swap3A_2387, %swap3A_2388], %swap3A_2391 {add = true, strides = array<i32>} : memref<800x64xf32, #tpu.memory_space<vmem>>, vector<1x16xf32>,
      %swap3A_2392 = arith.index_cast %add3A_2381 : i32 to index
      %swap3A_2393 = arith.constant 32 : index
      %swap3A_2394 = tpu.vector_load %arg9[%swap3A_2392, %swap3A_2393] {strides = array<i32>} : memref<800x64xf32, #tpu.memory_space<vmem>>, vector<1x16xf32>,
      %swap3A_2395 = vector.shape_cast %swap3A_2394 : vector<1x16xf32> to vector<16xf32>
      %swap3A_2396 = vector.shape_cast %get3A_2310 : vector<16xf32> to vector<1x16xf32>
      tpu.vector_store %arg9[%swap3A_2392, %swap3A_2393], %swap3A_2396 {add = true, strides = array<i32>} : memref<800x64xf32, #tpu.memory_space<vmem>>, vector<1x16xf32>,
      %swap3A_2397 = arith.index_cast %add3A_2381 : i32 to index
      %swap3A_2398 = arith.constant 48 : index
      %swap3A_2399 = tpu.vector_load %arg9[%swap3A_2397, %swap3A_2398] {strides = array<i32>} : memref<800x64xf32, #tpu.memory_space<vmem>>, vector<1x16xf32>,
      %swap3A_2400 = vector.shape_cast %swap3A_2399 : vector<1x16xf32> to vector<16xf32>
      %swap3A_2401 = vector.shape_cast %get3A_2314 : vector<16xf32> to vector<1x16xf32>
      tpu.vector_store %arg9[%swap3A_2397, %swap3A_2398], %swap3A_2401 {add = true, strides = array<i32>} : memref<800x64xf32, #tpu.memory_space<vmem>>, vector<1x16xf32>,
    }
    %scan3A_2120 = arith.constant 200 : i32
    %add3A_2121 = arith.constant 28 : i32
    %add3A_2122 = arith.addi %multiple_of3A_5, %add3A_2121 : i32
    %add3A_2123 = arith.constant 0 : i32
    %add3A_2124 = arith.addi %add3A_2122, %add3A_2123 : i32
    %dma_start3A_2125 = arith.constant 0 : i32
    %dma_start3A_2126 = arith.constant 0 : i32
    %dma_start3A_2127 = tpu.memref_slice %arg9[%dma_start3A_2125, %dma_start3A_2126] : memref<800x64xf32, #tpu.memory_space<vmem>> -> memref<200x64xf32, #tpu.memory_space<vmem>>
    %dma_start3A_2128 = arith.constant 0 : i32
    %dma_start3A_2129 = arith.constant 0 : i32
    %dma_start3A_2130 = tpu.memref_slice %arg5[%add3A_2124, %dma_start3A_2128, %dma_start3A_2129] : memref<1024x200x64xf32, #tpu.memory_space<hbm>> -> memref<1x200x64xf32, #tpu.memory_space<hbm>>
    %dma_start3A_2131 = tpu.memref_squeeze %dma_start3A_2130 : memref<1x200x64xf32, #tpu.memory_space<hbm>> -> memref<200x64xf32, #tpu.memory_space<hbm>>
    %dma_start3A_2132 = arith.constant 0 : i32
    %dma_start3A_2133 = arith.constant 0 : i32
    %dma_start3A_2134 = tpu.memref_slice %arg5[%add3A_2124, %dma_start3A_2132, %dma_start3A_2133] : memref<1024x200x64xf32, #tpu.memory_space<hbm>> -> memref<1x200x64xf32, #tpu.memory_space<hbm>>
    %dma_start3A_2135 = tpu.memref_squeeze %dma_start3A_2134 : memref<1x200x64xf32, #tpu.memory_space<hbm>> -> memref<200x64xf32, #tpu.memory_space<hbm>>
    %dma_start3A_2136 = arith.constant 0 : i32
    %dma_start3A_2137 = arith.constant 0 : i32
    %dma_start3A_2138 = tpu.memref_slice %arg9[%dma_start3A_2136, %dma_start3A_2137] : memref<800x64xf32, #tpu.memory_space<vmem>> -> memref<200x64xf32, #tpu.memory_space<vmem>>
    tpu.enqueue_dma source(%dma_start3A_2138 : memref<200x64xf32, #tpu.memory_space<vmem>>) target(%dma_start3A_2135 : memref<200x64xf32, #tpu.memory_space<hbm>>) target_semaphore(%arg13 : memref<!tpu.dma_semaphore, #tpu.memory_space<semaphore_mem>>)
    %add3A_2139 = arith.constant 1 : i32
    %add3A_2140 = arith.addi %add3A_2122, %add3A_2139 : i32
    %dma_start3A_2141 = arith.constant 200 : i32
    %dma_start3A_2142 = arith.constant 0 : i32
    %dma_start3A_2143 = tpu.memref_slice %arg9[%dma_start3A_2141, %dma_start3A_2142] : memref<800x64xf32, #tpu.memory_space<vmem>> -> memref<200x64xf32, #tpu.memory_space<vmem>>
    %dma_start3A_2144 = arith.constant 0 : i32
    %dma_start3A_2145 = arith.constant 0 : i32
    %dma_start3A_2146 = tpu.memref_slice %arg5[%add3A_2140, %dma_start3A_2144, %dma_start3A_2145] : memref<1024x200x64xf32, #tpu.memory_space<hbm>> -> memref<1x200x64xf32, #tpu.memory_space<hbm>>
    %dma_start3A_2147 = tpu.memref_squeeze %dma_start3A_2146 : memref<1x200x64xf32, #tpu.memory_space<hbm>> -> memref<200x64xf32, #tpu.memory_space<hbm>>
    %dma_start3A_2148 = arith.constant 0 : i32
    %dma_start3A_2149 = arith.constant 0 : i32
    %dma_start3A_2150 = tpu.memref_slice %arg5[%add3A_2140, %dma_start3A_2148, %dma_start3A_2149] : memref<1024x200x64xf32, #tpu.memory_space<hbm>> -> memref<1x200x64xf32, #tpu.memory_space<hbm>>
    %dma_start3A_2151 = tpu.memref_squeeze %dma_start3A_2150 : memref<1x200x64xf32, #tpu.memory_space<hbm>> -> memref<200x64xf32, #tpu.memory_space<hbm>>
    %dma_start3A_2152 = arith.constant 200 : i32
    %dma_start3A_2153 = arith.constant 0 : i32
    %dma_start3A_2154 = tpu.memref_slice %arg9[%dma_start3A_2152, %dma_start3A_2153] : memref<800x64xf32, #tpu.memory_space<vmem>> -> memref<200x64xf32, #tpu.memory_space<vmem>>
    tpu.enqueue_dma source(%dma_start3A_2154 : memref<200x64xf32, #tpu.memory_space<vmem>>) target(%dma_start3A_2151 : memref<200x64xf32, #tpu.memory_space<hbm>>) target_semaphore(%arg13 : memref<!tpu.dma_semaphore, #tpu.memory_space<semaphore_mem>>)
    %add3A_2155 = arith.constant 2 : i32
    %add3A_2156 = arith.addi %add3A_2122, %add3A_2155 : i32
    %dma_start3A_2157 = arith.constant 400 : i32
    %dma_start3A_2158 = arith.constant 0 : i32
    %dma_start3A_2159 = tpu.memref_slice %arg9[%dma_start3A_2157, %dma_start3A_2158] : memref<800x64xf32, #tpu.memory_space<vmem>> -> memref<200x64xf32, #tpu.memory_space<vmem>>
    %dma_start3A_2160 = arith.constant 0 : i32
    %dma_start3A_2161 = arith.constant 0 : i32
    %dma_start3A_2162 = tpu.memref_slice %arg5[%add3A_2156, %dma_start3A_2160, %dma_start3A_2161] : memref<1024x200x64xf32, #tpu.memory_space<hbm>> -> memref<1x200x64xf32, #tpu.memory_space<hbm>>
    %dma_start3A_2163 = tpu.memref_squeeze %dma_start3A_2162 : memref<1x200x64xf32, #tpu.memory_space<hbm>> -> memref<200x64xf32, #tpu.memory_space<hbm>>
    %dma_start3A_2164 = arith.constant 0 : i32
    %dma_start3A_2165 = arith.constant 0 : i32
    %dma_start3A_2166 = tpu.memref_slice %arg5[%add3A_2156, %dma_start3A_2164, %dma_start3A_2165] : memref<1024x200x64xf32, #tpu.memory_space<hbm>> -> memref<1x200x64xf32, #tpu.memory_space<hbm>>
    %dma_start3A_2167 = tpu.memref_squeeze %dma_start3A_2166 : memref<1x200x64xf32, #tpu.memory_space<hbm>> -> memref<200x64xf32, #tpu.memory_space<hbm>>
    %dma_start3A_2168 = arith.constant 400 : i32
    %dma_start3A_2169 = arith.constant 0 : i32
    %dma_start3A_2170 = tpu.memref_slice %arg9[%dma_start3A_2168, %dma_start3A_2169] : memref<800x64xf32, #tpu.memory_space<vmem>> -> memref<200x64xf32, #tpu.memory_space<vmem>>
    tpu.enqueue_dma source(%dma_start3A_2170 : memref<200x64xf32, #tpu.memory_space<vmem>>) target(%dma_start3A_2167 : memref<200x64xf32, #tpu.memory_space<hbm>>) target_semaphore(%arg13 : memref<!tpu.dma_semaphore, #tpu.memory_space<semaphore_mem>>)
    %add3A_2171 = arith.constant 3 : i32
    %add3A_2172 = arith.addi %add3A_2122, %add3A_2171 : i32
    %dma_start3A_2173 = arith.constant 600 : i32
    %dma_start3A_2174 = arith.constant 0 : i32
    %dma_start3A_2175 = tpu.memref_slice %arg9[%dma_start3A_2173, %dma_start3A_2174] : memref<800x64xf32, #tpu.memory_space<vmem>> -> memref<200x64xf32, #tpu.memory_space<vmem>>
    %dma_start3A_2176 = arith.constant 0 : i32
    %dma_start3A_2177 = arith.constant 0 : i32
    %dma_start3A_2178 = tpu.memref_slice %arg5[%add3A_2172, %dma_start3A_2176, %dma_start3A_2177] : memref<1024x200x64xf32, #tpu.memory_space<hbm>> -> memref<1x200x64xf32, #tpu.memory_space<hbm>>
    %dma_start3A_2179 = tpu.memref_squeeze %dma_start3A_2178 : memref<1x200x64xf32, #tpu.memory_space<hbm>> -> memref<200x64xf32, #tpu.memory_space<hbm>>
    %dma_start3A_2180 = arith.constant 0 : i32
    %dma_start3A_2181 = arith.constant 0 : i32
    %dma_start3A_2182 = tpu.memref_slice %arg5[%add3A_2172, %dma_start3A_2180, %dma_start3A_2181] : memref<1024x200x64xf32, #tpu.memory_space<hbm>> -> memref<1x200x64xf32, #tpu.memory_space<hbm>>
    %dma_start3A_2183 = tpu.memref_squeeze %dma_start3A_2182 : memref<1x200x64xf32, #tpu.memory_space<hbm>> -> memref<200x64xf32, #tpu.memory_space<hbm>>
    %dma_start3A_2184 = arith.constant 600 : i32
    %dma_start3A_2185 = arith.constant 0 : i32
    %dma_start3A_2186 = tpu.memref_slice %arg9[%dma_start3A_2184, %dma_start3A_2185] : memref<800x64xf32, #tpu.memory_space<vmem>> -> memref<200x64xf32, #tpu.memory_space<vmem>>
    tpu.enqueue_dma source(%dma_start3A_2186 : memref<200x64xf32, #tpu.memory_space<vmem>>) target(%dma_start3A_2183 : memref<200x64xf32, #tpu.memory_space<hbm>>) target_semaphore(%arg13 : memref<!tpu.dma_semaphore, #tpu.memory_space<semaphore_mem>>)
    %dma_wait3A_2187 = arith.constant 0 : i32
    %dma_wait3A_2188 = arith.constant 0 : i32
    %dma_wait3A_2189 = tpu.memref_slice %arg8[%dma_wait3A_2187, %dma_wait3A_2188] : memref<800x64xf32, #tpu.memory_space<vmem>> -> memref<200x64xf32, #tpu.memory_space<vmem>>
    %dma_wait3A_2190 = arith.constant 0 : i32
    %dma_wait3A_2191 = arith.constant 0 : i32
    %dma_wait3A_2192 = tpu.memref_slice %arg5[%add3A_1973, %dma_wait3A_2190, %dma_wait3A_2191] : memref<1024x200x64xf32, #tpu.memory_space<hbm>> -> memref<1x200x64xf32, #tpu.memory_space<hbm>>
    %dma_wait3A_2193 = tpu.memref_squeeze %dma_wait3A_2192 : memref<1x200x64xf32, #tpu.memory_space<hbm>> -> memref<200x64xf32, #tpu.memory_space<hbm>>
    %dma_wait3A_2194 = arith.constant 0 : i32
    %dma_wait3A_2195 = arith.constant 0 : i32
    %dma_wait3A_2196 = tpu.memref_slice %arg5[%add3A_1973, %dma_wait3A_2194, %dma_wait3A_2195] : memref<1024x200x64xf32, #tpu.memory_space<hbm>> -> memref<1x200x64xf32, #tpu.memory_space<hbm>>
    %dma_wait3A_2197 = tpu.memref_squeeze %dma_wait3A_2196 : memref<1x200x64xf32, #tpu.memory_space<hbm>> -> memref<200x64xf32, #tpu.memory_space<hbm>>
    %dma_wait3A_2198 = arith.constant 0 : i32
    %dma_wait3A_2199 = arith.constant 0 : i32
    %dma_wait3A_2200 = tpu.memref_slice %arg8[%dma_wait3A_2198, %dma_wait3A_2199] : memref<800x64xf32, #tpu.memory_space<vmem>> -> memref<200x64xf32, #tpu.memory_space<vmem>>
    tpu.wait_dma2 semaphore(%arg12 : memref<!tpu.dma_semaphore, #tpu.memory_space<semaphore_mem>>) src(%dma_wait3A_2200 : memref<200x64xf32, #tpu.memory_space<vmem>>) dst(%dma_wait3A_2197 : memref<200x64xf32, #tpu.memory_space<hbm>>)
    %dma_wait3A_2201 = arith.constant 200 : i32
    %dma_wait3A_2202 = arith.constant 0 : i32
    %dma_wait3A_2203 = tpu.memref_slice %arg8[%dma_wait3A_2201, %dma_wait3A_2202] : memref<800x64xf32, #tpu.memory_space<vmem>> -> memref<200x64xf32, #tpu.memory_space<vmem>>
    %dma_wait3A_2204 = arith.constant 0 : i32
    %dma_wait3A_2205 = arith.constant 0 : i32
    %dma_wait3A_2206 = tpu.memref_slice %arg5[%add3A_1989, %dma_wait3A_2204, %dma_wait3A_2205] : memref<1024x200x64xf32, #tpu.memory_space<hbm>> -> memref<1x200x64xf32, #tpu.memory_space<hbm>>
    %dma_wait3A_2207 = tpu.memref_squeeze %dma_wait3A_2206 : memref<1x200x64xf32, #tpu.memory_space<hbm>> -> memref<200x64xf32, #tpu.memory_space<hbm>>
    %dma_wait3A_2208 = arith.constant 0 : i32
    %dma_wait3A_2209 = arith.constant 0 : i32
    %dma_wait3A_2210 = tpu.memref_slice %arg5[%add3A_1989, %dma_wait3A_2208, %dma_wait3A_2209] : memref<1024x200x64xf32, #tpu.memory_space<hbm>> -> memref<1x200x64xf32, #tpu.memory_space<hbm>>
    %dma_wait3A_2211 = tpu.memref_squeeze %dma_wait3A_2210 : memref<1x200x64xf32, #tpu.memory_space<hbm>> -> memref<200x64xf32, #tpu.memory_space<hbm>>
    %dma_wait3A_2212 = arith.constant 200 : i32
    %dma_wait3A_2213 = arith.constant 0 : i32
    %dma_wait3A_2214 = tpu.memref_slice %arg8[%dma_wait3A_2212, %dma_wait3A_2213] : memref<800x64xf32, #tpu.memory_space<vmem>> -> memref<200x64xf32, #tpu.memory_space<vmem>>
    tpu.wait_dma2 semaphore(%arg12 : memref<!tpu.dma_semaphore, #tpu.memory_space<semaphore_mem>>) src(%dma_wait3A_2214 : memref<200x64xf32, #tpu.memory_space<vmem>>) dst(%dma_wait3A_2211 : memref<200x64xf32, #tpu.memory_space<hbm>>)
    %dma_wait3A_2215 = arith.constant 400 : i32
    %dma_wait3A_2216 = arith.constant 0 : i32
    %dma_wait3A_2217 = tpu.memref_slice %arg8[%dma_wait3A_2215, %dma_wait3A_2216] : memref<800x64xf32, #tpu.memory_space<vmem>> -> memref<200x64xf32, #tpu.memory_space<vmem>>
    %dma_wait3A_2218 = arith.constant 0 : i32
    %dma_wait3A_2219 = arith.constant 0 : i32
    %dma_wait3A_2220 = tpu.memref_slice %arg5[%add3A_2005, %dma_wait3A_2218, %dma_wait3A_2219] : memref<1024x200x64xf32, #tpu.memory_space<hbm>> -> memref<1x200x64xf32, #tpu.memory_space<hbm>>
    %dma_wait3A_2221 = tpu.memref_squeeze %dma_wait3A_2220 : memref<1x200x64xf32, #tpu.memory_space<hbm>> -> memref<200x64xf32, #tpu.memory_space<hbm>>
    %dma_wait3A_2222 = arith.constant 0 : i32
    %dma_wait3A_2223 = arith.constant 0 : i32
    %dma_wait3A_2224 = tpu.memref_slice %arg5[%add3A_2005, %dma_wait3A_2222, %dma_wait3A_2223] : memref<1024x200x64xf32, #tpu.memory_space<hbm>> -> memref<1x200x64xf32, #tpu.memory_space<hbm>>
    %dma_wait3A_2225 = tpu.memref_squeeze %dma_wait3A_2224 : memref<1x200x64xf32, #tpu.memory_space<hbm>> -> memref<200x64xf32, #tpu.memory_space<hbm>>
    %dma_wait3A_2226 = arith.constant 400 : i32
    %dma_wait3A_2227 = arith.constant 0 : i32
    %dma_wait3A_2228 = tpu.memref_slice %arg8[%dma_wait3A_2226, %dma_wait3A_2227] : memref<800x64xf32, #tpu.memory_space<vmem>> -> memref<200x64xf32, #tpu.memory_space<vmem>>
    tpu.wait_dma2 semaphore(%arg12 : memref<!tpu.dma_semaphore, #tpu.memory_space<semaphore_mem>>) src(%dma_wait3A_2228 : memref<200x64xf32, #tpu.memory_space<vmem>>) dst(%dma_wait3A_2225 : memref<200x64xf32, #tpu.memory_space<hbm>>)
    %dma_wait3A_2229 = arith.constant 600 : i32
    %dma_wait3A_2230 = arith.constant 0 : i32
    %dma_wait3A_2231 = tpu.memref_slice %arg8[%dma_wait3A_2229, %dma_wait3A_2230] : memref<800x64xf32, #tpu.memory_space<vmem>> -> memref<200x64xf32, #tpu.memory_space<vmem>>
    %dma_wait3A_2232 = arith.constant 0 : i32
    %dma_wait3A_2233 = arith.constant 0 : i32
    %dma_wait3A_2234 = tpu.memref_slice %arg5[%add3A_2021, %dma_wait3A_2232, %dma_wait3A_2233] : memref<1024x200x64xf32, #tpu.memory_space<hbm>> -> memref<1x200x64xf32, #tpu.memory_space<hbm>>
    %dma_wait3A_2235 = tpu.memref_squeeze %dma_wait3A_2234 : memref<1x200x64xf32, #tpu.memory_space<hbm>> -> memref<200x64xf32, #tpu.memory_space<hbm>>
    %dma_wait3A_2236 = arith.constant 0 : i32
    %dma_wait3A_2237 = arith.constant 0 : i32
    %dma_wait3A_2238 = tpu.memref_slice %arg5[%add3A_2021, %dma_wait3A_2236, %dma_wait3A_2237] : memref<1024x200x64xf32, #tpu.memory_space<hbm>> -> memref<1x200x64xf32, #tpu.memory_space<hbm>>
    %dma_wait3A_2239 = tpu.memref_squeeze %dma_wait3A_2238 : memref<1x200x64xf32, #tpu.memory_space<hbm>> -> memref<200x64xf32, #tpu.memory_space<hbm>>
    %dma_wait3A_2240 = arith.constant 600 : i32
    %dma_wait3A_2241 = arith.constant 0 : i32
    %dma_wait3A_2242 = tpu.memref_slice %arg8[%dma_wait3A_2240, %dma_wait3A_2241] : memref<800x64xf32, #tpu.memory_space<vmem>> -> memref<200x64xf32, #tpu.memory_space<vmem>>
    tpu.wait_dma2 semaphore(%arg12 : memref<!tpu.dma_semaphore, #tpu.memory_space<semaphore_mem>>) src(%dma_wait3A_2242 : memref<200x64xf32, #tpu.memory_space<vmem>>) dst(%dma_wait3A_2239 : memref<200x64xf32, #tpu.memory_space<hbm>>)
    %dma_wait3A_2243 = arith.constant 0 : i32
    %dma_wait3A_2244 = arith.constant 0 : i32
    %dma_wait3A_2245 = tpu.memref_slice %arg9[%dma_wait3A_2243, %dma_wait3A_2244] : memref<800x64xf32, #tpu.memory_space<vmem>> -> memref<200x64xf32, #tpu.memory_space<vmem>>
    %dma_wait3A_2246 = arith.constant 0 : i32
    %dma_wait3A_2247 = arith.constant 0 : i32
    %dma_wait3A_2248 = tpu.memref_slice %arg5[%add3A_2124, %dma_wait3A_2246, %dma_wait3A_2247] : memref<1024x200x64xf32, #tpu.memory_space<hbm>> -> memref<1x200x64xf32, #tpu.memory_space<hbm>>
    %dma_wait3A_2249 = tpu.memref_squeeze %dma_wait3A_2248 : memref<1x200x64xf32, #tpu.memory_space<hbm>> -> memref<200x64xf32, #tpu.memory_space<hbm>>
    %dma_wait3A_2250 = arith.constant 0 : i32
    %dma_wait3A_2251 = arith.constant 0 : i32
    %dma_wait3A_2252 = tpu.memref_slice %arg5[%add3A_2124, %dma_wait3A_2250, %dma_wait3A_2251] : memref<1024x200x64xf32, #tpu.memory_space<hbm>> -> memref<1x200x64xf32, #tpu.memory_space<hbm>>
    %dma_wait3A_2253 = tpu.memref_squeeze %dma_wait3A_2252 : memref<1x200x64xf32, #tpu.memory_space<hbm>> -> memref<200x64xf32, #tpu.memory_space<hbm>>
    %dma_wait3A_2254 = arith.constant 0 : i32
    %dma_wait3A_2255 = arith.constant 0 : i32
    %dma_wait3A_2256 = tpu.memref_slice %arg9[%dma_wait3A_2254, %dma_wait3A_2255] : memref<800x64xf32, #tpu.memory_space<vmem>> -> memref<200x64xf32, #tpu.memory_space<vmem>>
    tpu.wait_dma2 semaphore(%arg13 : memref<!tpu.dma_semaphore, #tpu.memory_space<semaphore_mem>>) src(%dma_wait3A_2256 : memref<200x64xf32, #tpu.memory_space<vmem>>) dst(%dma_wait3A_2253 : memref<200x64xf32, #tpu.memory_space<hbm>>)
    %dma_wait3A_2257 = arith.constant 200 : i32
    %dma_wait3A_2258 = arith.constant 0 : i32
    %dma_wait3A_2259 = tpu.memref_slice %arg9[%dma_wait3A_2257, %dma_wait3A_2258] : memref<800x64xf32, #tpu.memory_space<vmem>> -> memref<200x64xf32, #tpu.memory_space<vmem>>
    %dma_wait3A_2260 = arith.constant 0 : i32
    %dma_wait3A_2261 = arith.constant 0 : i32
    %dma_wait3A_2262 = tpu.memref_slice %arg5[%add3A_2140, %dma_wait3A_2260, %dma_wait3A_2261] : memref<1024x200x64xf32, #tpu.memory_space<hbm>> -> memref<1x200x64xf32, #tpu.memory_space<hbm>>
    %dma_wait3A_2263 = tpu.memref_squeeze %dma_wait3A_2262 : memref<1x200x64xf32, #tpu.memory_space<hbm>> -> memref<200x64xf32, #tpu.memory_space<hbm>>
    %dma_wait3A_2264 = arith.constant 0 : i32
    %dma_wait3A_2265 = arith.constant 0 : i32
    %dma_wait3A_2266 = tpu.memref_slice %arg5[%add3A_2140, %dma_wait3A_2264, %dma_wait3A_2265] : memref<1024x200x64xf32, #tpu.memory_space<hbm>> -> memref<1x200x64xf32, #tpu.memory_space<hbm>>
    %dma_wait3A_2267 = tpu.memref_squeeze %dma_wait3A_2266 : memref<1x200x64xf32, #tpu.memory_space<hbm>> -> memref<200x64xf32, #tpu.memory_space<hbm>>
    %dma_wait3A_2268 = arith.constant 200 : i32
    %dma_wait3A_2269 = arith.constant 0 : i32
    %dma_wait3A_2270 = tpu.memref_slice %arg9[%dma_wait3A_2268, %dma_wait3A_2269] : memref<800x64xf32, #tpu.memory_space<vmem>> -> memref<200x64xf32, #tpu.memory_space<vmem>>
    tpu.wait_dma2 semaphore(%arg13 : memref<!tpu.dma_semaphore, #tpu.memory_space<semaphore_mem>>) src(%dma_wait3A_2270 : memref<200x64xf32, #tpu.memory_space<vmem>>) dst(%dma_wait3A_2267 : memref<200x64xf32, #tpu.memory_space<hbm>>)
    %dma_wait3A_2271 = arith.constant 400 : i32
    %dma_wait3A_2272 = arith.constant 0 : i32
    %dma_wait3A_2273 = tpu.memref_slice %arg9[%dma_wait3A_2271, %dma_wait3A_2272] : memref<800x64xf32, #tpu.memory_space<vmem>> -> memref<200x64xf32, #tpu.memory_space<vmem>>
    %dma_wait3A_2274 = arith.constant 0 : i32
    %dma_wait3A_2275 = arith.constant 0 : i32
    %dma_wait3A_2276 = tpu.memref_slice %arg5[%add3A_2156, %dma_wait3A_2274, %dma_wait3A_2275] : memref<1024x200x64xf32, #tpu.memory_space<hbm>> -> memref<1x200x64xf32, #tpu.memory_space<hbm>>
    %dma_wait3A_2277 = tpu.memref_squeeze %dma_wait3A_2276 : memref<1x200x64xf32, #tpu.memory_space<hbm>> -> memref<200x64xf32, #tpu.memory_space<hbm>>
    %dma_wait3A_2278 = arith.constant 0 : i32
    %dma_wait3A_2279 = arith.constant 0 : i32
    %dma_wait3A_2280 = tpu.memref_slice %arg5[%add3A_2156, %dma_wait3A_2278, %dma_wait3A_2279] : memref<1024x200x64xf32, #tpu.memory_space<hbm>> -> memref<1x200x64xf32, #tpu.memory_space<hbm>>
    %dma_wait3A_2281 = tpu.memref_squeeze %dma_wait3A_2280 : memref<1x200x64xf32, #tpu.memory_space<hbm>> -> memref<200x64xf32, #tpu.memory_space<hbm>>
    %dma_wait3A_2282 = arith.constant 400 : i32
    %dma_wait3A_2283 = arith.constant 0 : i32
    %dma_wait3A_2284 = tpu.memref_slice %arg9[%dma_wait3A_2282, %dma_wait3A_2283] : memref<800x64xf32, #tpu.memory_space<vmem>> -> memref<200x64xf32, #tpu.memory_space<vmem>>
    tpu.wait_dma2 semaphore(%arg13 : memref<!tpu.dma_semaphore, #tpu.memory_space<semaphore_mem>>) src(%dma_wait3A_2284 : memref<200x64xf32, #tpu.memory_space<vmem>>) dst(%dma_wait3A_2281 : memref<200x64xf32, #tpu.memory_space<hbm>>)
    %dma_wait3A_2285 = arith.constant 600 : i32
    %dma_wait3A_2286 = arith.constant 0 : i32
    %dma_wait3A_2287 = tpu.memref_slice %arg9[%dma_wait3A_2285, %dma_wait3A_2286] : memref<800x64xf32, #tpu.memory_space<vmem>> -> memref<200x64xf32, #tpu.memory_space<vmem>>
    %dma_wait3A_2288 = arith.constant 0 : i32
    %dma_wait3A_2289 = arith.constant 0 : i32
    %dma_wait3A_2290 = tpu.memref_slice %arg5[%add3A_2172, %dma_wait3A_2288, %dma_wait3A_2289] : memref<1024x200x64xf32, #tpu.memory_space<hbm>> -> memref<1x200x64xf32, #tpu.memory_space<hbm>>
    %dma_wait3A_2291 = tpu.memref_squeeze %dma_wait3A_2290 : memref<1x200x64xf32, #tpu.memory_space<hbm>> -> memref<200x64xf32, #tpu.memory_space<hbm>>
    %dma_wait3A_2292 = arith.constant 0 : i32
    %dma_wait3A_2293 = arith.constant 0 : i32
    %dma_wait3A_2294 = tpu.memref_slice %arg5[%add3A_2172, %dma_wait3A_2292, %dma_wait3A_2293] : memref<1024x200x64xf32, #tpu.memory_space<hbm>> -> memref<1x200x64xf32, #tpu.memory_space<hbm>>
    %dma_wait3A_2295 = tpu.memref_squeeze %dma_wait3A_2294 : memref<1x200x64xf32, #tpu.memory_space<hbm>> -> memref<200x64xf32, #tpu.memory_space<hbm>>
    %dma_wait3A_2296 = arith.constant 600 : i32
    %dma_wait3A_2297 = arith.constant 0 : i32
    %dma_wait3A_2298 = tpu.memref_slice %arg9[%dma_wait3A_2296, %dma_wait3A_2297] : memref<800x64xf32, #tpu.memory_space<vmem>> -> memref<200x64xf32, #tpu.memory_space<vmem>>
    tpu.wait_dma2 semaphore(%arg13 : memref<!tpu.dma_semaphore, #tpu.memory_space<semaphore_mem>>) src(%dma_wait3A_2298 : memref<200x64xf32, #tpu.memory_space<vmem>>) dst(%dma_wait3A_2295 : memref<200x64xf32, #tpu.memory_space<hbm>>)
    return
  }
}

</mosaic_0001>

<sc_bundles>
// kernel: kernel.3.cloned.1.call-start
scs
__scs_entry_jumppad:
0x0: {  	(pc) =	sbr.rel $0x88, $3  }
0x1: {  	(tag) =	ssettag $0x0;
	lr =	simm.s32 $0x1  }
0x2: {  	[smem:$0x3F9F] =	sst lr;
	_ =	strace $0xD0000000  }
0x3: {  	_ = 	snop  }
0x4: {  	_ = 	snop  }
0x5: {  	_ = 	snop  }
0x6: {  	_ = 	snop  }
0x7: {  	_ = 	snop  }
__scs_overlays_trampoline_lowered:
0x8: {  	[smem:$0x3FAE] =	sst s0  }
0x9: {  	[smem:$0x3FAF] =	sst s1  }
0xa: {  	[smem:$0x3FB0] =	sst s2  }
0xb: {  	[smem:$0x3FB1] =	sst s3  }
0xc: {  	[smem:$0x3FB2] =	sst s4  }
0xd: {  	[smem:$0x3FB3] =	sst s5  }
0xe: {  	[smem:$0x3FB4] =	sst s6  }
0xf: {  	[smem:$0x3FB5] =	sst s7  }
0x10: {  	[smem:$0x3FB6] =	sst s8  }
0x11: {  	[smem:$0x3FB7] =	sst s9;
	s0 =	simm.s32 @!p0 $0x0  }
0x12: {  	s1 =	sld [smem:$0x3F9D];
	s0 =	simm.s32 @p0 $0x1  }
0x13: {  	[smem:$0x3FB8] =	sst s0;
	s0 =	simm.s32 @!p1 $0x0  }
0x14: {  	s2 =	sld [smem:$0x3F9C];
	s0 =	simm.s32 @p1 $0x1  }
0x15: {  	[smem:$0x3FB9] =	sst s0;
	s0 =	simm.s32 @!p2 $0x0  }
0x16: {  	s3 =	sld [smem:$0x3FDB];
	s0 =	simm.s32 @p2 $0x1  }
0x17: {  	s4 =	simm.s32 $0x1BF5;
	[smem:$0x3FBB] =	sst s0  }
0x18: {  	s0 =	sld [smem:$0x3F9E];
	_ =	swait.ge [sflag:s4], $0x0  }
0x19: {  	s7 =	sld [smem:$0x3F9F]  }
0x1a: {  	s8 =	sadd.s32 $0xFFFFE003, lr  }
0x1b: {  	s9 =	sadd.s32 $0xFFFFFEF7, lr;
	s5 =	simm.s32 $0xFFFFFFFF;
	p2 =	slt.u32 s8, $0xFFFFF086  }
0x1c: {  	p1 =	slt.u32 s9, $0xF7A;
	s5 =	simm.s32 @!p2 $0x0  }
0x1d: {  	s5 =	simm.s32 @p1 $0x1;
	p0 =	seq.s32 s7, s2  }
0x1e: {  	s7 =	smul.u32 @!p0 $0xF7A, s2;
	p2 =	seq.s32 @!p0 s5, $0x0  }
0x1f: {  	s9 =	smul.u32 $0xF7A, s1;
	s8 =	simm.s32 @!p0 $0x1BF5;
	p2 =	por !p2, p0  }
0x20: {  	[sflag:s8] =	ssyncset.s32 @!p0 $0xFFFFF086;
	s6 =	sadd.s32 @!p0 s3, s7;
	s7 =	simm.s32 @!p0 $0x108  }
0x21: {  	s3 =	sadd.s32 s3, s9;
	s6 =	sadd.s32 @!p0 $0x88, s6;
	s7 =	simm.s32 @p2 $0x1082  }
0x22: {  	[simem:s7], [sflag:s8] =	dma.local @!p0 [hbm:s6], $0xF7A  }
0x23: {  	s9 =	sor.u32 $0xD0000000, s2;
	s6 =	simm.s32 $0x108;
	_ =	swait.ge @!p0 [sflag:s8], $0x0  }
0x24: {  	s3 =	sadd.s32 $0x88, s3;
	s6 =	simm.s32 @!p1 $0x1082;
	[sflag:s4] =	ssyncset.s32 $0xFFFFF086  }
0x25: {  	[simem:s6], [sflag:s4] =	dma.local [hbm:s3], $0xF7A  }
0x26: {  	[smem:$0x3F9F] =	sst s1;
	(tag) =	ssettag s2;
	_ =	strace s9  }
0x27: {  	s1 =	sld [smem:$0x3FAF]  }
0x28: {  	s2 =	sld [smem:$0x3FB0]  }
0x29: {  	s4 =	sld [smem:$0x3FB2]  }
0x2a: {  	p0 =	seq.s32 s5, $0x0;
	s5 =	sld [smem:$0x3FB3]  }
0x2b: {  	s6 =	sld [smem:$0x3FB4]  }
0x2c: {  	s7 =	sld [smem:$0x3FB5]  }
0x2d: {  	s3 =	simm.s32 $0x108;
	s8 =	sld [smem:$0x3FB6]  }
0x2e: {  	s3 =	simm.s32 @!p0 $0x1082;
	s9 =	sld [smem:$0x3FB7]  }
0x2f: {  	lr =	sadd.s32 s0, s3;
	s0 =	sld [smem:$0x3FAE]  }
0x30: {  	s3 =	sld [smem:$0x3FB1]  }
0x31: {  	[smem:$0x3FBA] =	sst s10  }
0x32: {  	s10 =	sld [smem:$0x3FB8];
	_ =	sdelay $0x3  }
0x33: {  	p0 =	seq.s32 s10, $0x1;
	s10 =	sld [smem:$0x3FBA];
	_ =	sdelay $0x3  }
0x34: {  	[smem:$0x3FBA] =	sst s10  }
0x35: {  	s10 =	sld [smem:$0x3FB9];
	_ =	sdelay $0x3  }
0x36: {  	p1 =	seq.s32 s10, $0x1;
	s10 =	sld [smem:$0x3FBA];
	_ =	sdelay $0x3  }
0x37: {  	[smem:$0x3FBA] =	sst s10  }
0x38: {  	s10 =	sld [smem:$0x3FBB]  }
0x39: {  	_ = 	snop;
	(pc) =	sbr.ind lr, $3  }
0x3a: {  	_ = 	snop  }
0x3b: {  	_ = 	snop  }
0x3c: {  	p2 =	seq.s32 s10, $0x1;
	s10 =	sld [smem:$0x3FBA]  }
0x3d: {  	_ =	shalt  }
0x3e: {  	_ =	shalt  }
0x3f: {  	_ =	shalt  }
0x40: {  	_ =	shalt  }
0x41: {  	_ =	shalt  }
0x42: {  	_ =	shalt  }
0x43: {  	_ =	shalt  }
0x44: {  	_ =	shalt  }
0x45: {  	_ =	shalt  }
0x46: {  	_ =	shalt  }
0x47: {  	_ =	shalt  }
0x48: {  	_ =	shalt  }
0x49: {  	_ =	shalt  }
0x4a: {  	_ =	shalt  }
0x4b: {  	_ =	shalt  }
0x4c: {  	_ =	shalt  }
0x4d: {  	_ =	shalt  }
0x4e: {  	_ =	shalt  }
0x4f: {  	_ =	shalt  }
0x50: {  	_ =	shalt  }
0x51: {  	_ =	shalt  }
0x52: {  	_ =	shalt  }
0x53: {  	_ =	shalt  }
0x54: {  	_ =	shalt  }
0x55: {  	_ =	shalt  }
0x56: {  	_ =	shalt  }
0x57: {  	_ =	shalt  }
0x58: {  	_ =	shalt  }
0x59: {  	_ =	shalt  }
0x5a: {  	_ =	shalt  }
0x5b: {  	_ =	shalt  }
0x5c: {  	_ =	shalt  }
0x5d: {  	_ =	shalt  }
0x5e: {  	_ =	shalt  }
0x5f: {  	_ =	shalt  }
0x60: {  	_ =	shalt  }
0x61: {  	_ =	shalt  }
0x62: {  	_ =	shalt  }
0x63: {  	_ =	shalt  }
0x64: {  	_ =	shalt  }
0x65: {  	_ =	shalt  }
0x66: {  	_ =	shalt  }
0x67: {  	_ =	shalt  }
0x68: {  	_ =	shalt  }
0x69: {  	_ =	shalt  }
0x6a: {  	_ =	shalt  }
0x6b: {  	_ =	shalt  }
0x6c: {  	_ =	shalt  }
0x6d: {  	_ =	shalt  }
0x6e: {  	_ =	shalt  }
0x6f: {  	_ =	shalt  }
0x70: {  	_ =	shalt  }
0x71: {  	_ =	shalt  }
0x72: {  	_ =	shalt  }
0x73: {  	_ =	shalt  }
0x74: {  	_ =	shalt  }
0x75: {  	_ =	shalt  }
0x76: {  	_ =	shalt  }
0x77: {  	_ =	shalt  }
0x78: {  	_ =	shalt  }
0x79: {  	_ =	shalt  }
0x7a: {  	_ =	shalt  }
0x7b: {  	_ =	shalt  }
0x7c: {  	_ =	shalt  }
0x7d: {  	_ =	shalt  }
0x7e: {  	_ =	shalt  }
0x7f: {  	_ =	shalt  }
0x80: {  	_ =	shalt  }
0x81: {  	_ =	shalt  }
0x82: {  	_ =	shalt  }
0x83: {  	_ =	shalt  }
0x84: {  	_ =	shalt  }
0x85: {  	_ =	shalt  }
0x86: {  	_ =	shalt  }
0x87: {  	_ =	shalt  }
.Lfunc_end0:
.L_simem_size_0:
called_computation.1_lowered:
.L_overlay_start_0:
0x88: {  	s2 =	sld [smem:$0x3FD9]  }
0x89: {  	s3 =	sld [smem:$0x3FFE];
	_ =	sdelay $0x1  }
0x8a: {  	s1 =	srdreg.scid  }
0x8b: {  	s0 =	sand.u32 $0x1, s1  }
0x8c: {  	s17 =	sshll.u32 s0, $0xA;
	s2 =	sadd.s32 s3, s2  }
0x8d: {  	s2 =	sadd.s32 s2, s17  }
0x8e: {  	[smem:$0x3FC6] =	sst s2  }
0x8f: {  	_ = 	snop  }
0x90: {  	s2 =	sld [smem:$0x3FD0];
	(tm) =	ssettm $0x1  }
0x91: {  	s18 =	sld [smem:$0x3FFB];
	_ =	sdelay $0x3  }
0x92: {  	_ =	strace s18  }
0x93: {  	s3 =	sld [smem:$0x3FFC];
	_ =	sdelay $0x3  }
0x94: {  	_ =	strace s3  }
0x95: {  	s3 =	sld [smem:$0x3FFD];
	_ =	sdelay $0x3  }
0x96: {  	_ =	strace s3  }
0x97: {  	_ =	strace $0x8FFFFFFF  }
0x98: {  	s19 =	sld [smem:$0x3FDB];
	_ =	sdelay $0x1  }
0x99: {  	s4 =	simm.s32 $_scs_section_size  }
0x9a: {  	s5 =	simm.s32 $_size__tile_overlayer_lowered;
	s6 =	simm.s32 $_tile_overlayer_lowered  }
0x9b: {  	s22 =	simm.s32 $0x1BFF;
	s21 =	sshll.u32 s6, $0x1;
	s3 =	sadd.s32 s4, s19  }
0x9c: {  	s7 =	simm.s32 $0x0;
	s20 =	sshll.u32 s5, $0x1;
	s5 =	sadd.s32 s21, s3  }
0x9d: {  	[timem:s7], [sflag:s22] =	dma.local [hbm:s5], s20  }
0x9e: {  	_ =	swait.ge [sflag:s22], s20  }
0x9f: {  	s4 =	ssub.s32 $0x0, s20;
	[sflag:s22] =	ssyncset.done $0x0  }
0xa0: {  	[sflag:s22] =	ssyncadd.s32 s4;
	_ =	sdelay $0x1  }
0xa1: {  	s23 =	simm.s32 $0x1B8B  }
0xa2: {  	_ =	swait.ge [sflag:s23], $0x1  }
0xa3: {  	[sflag:s23] =	ssyncset.done $0x0  }
0xa4: {  	s25 =	simm.s32 $0x1B8E;
	s24 =	sld [smem:$0x3FFE];
	[sflag:s23] =	ssyncadd.s32 $0xFFFFFFFF  }
0xa5: {  	s26 =	simm.s32 $execute0_lowered;
	[smem:$0x3FD2] =	sst s25  }
0xa6: {  	s5 =	sshll.u32 s26, $0x1;
	_ =	strace $0x80000046;
	[dreg:$0x1] =	wrdreg $0xFFFFFFFF  }
0xa7: {  	s28 =	simm.s32 $_size_execute0_lowered;
	s3 =	sadd.s32 s3, s5;
	[dreg:$0x0] =	wrdreg $0x0  }
0xa8: {  	s5 =	sshll.u32 s28, $0x1;
	[dreg:$0x2] =	wrdreg s3  }
0xa9: {  	[dreg:$0x3] =	wrdreg s5  }
0xaa: {  	[dreg:$0x4] =	wrdreg $0xC0  }
0xab: {  	_ =	task [dreg:s7], $0x5FFFF  }
0xac: {  	[dreg:$0x1] =	wrdreg $0xFFFFFFFF  }
0xad: {  	[dreg:$0x0] =	wrdreg $0x60  }
0xae: {  	[dreg:$0x2] =	wrdreg s24  }
0xaf: {  	[dreg:$0x3] =	wrdreg s2  }
0xb0: {  	[dreg:$0x4] =	wrdreg $0x9  }
0xb1: {  	_ =	task.clear_ibuf [dreg:s7], $0x5FFFF;
	_ =	strace $0x90000046  }
0xb2: {  	s29 =	simm.s32 $0x9;
	_ =	strace $0x80000048  }
0xb3: {  	_ =	swait.ge [sflag:s29], $0x1  }
0xb4: {  	[sflag:s29] =	ssyncadd.s32 $0xFFFFFFFF  }
0xb5: {  	_ =	strace $0x90000048  }
0xb6: {  	_ =	sfence  }
0xb7: {  	s30 =	sld [smem:$0x0];
	_ =	sdelay $0x2  }
0xb8: {  	s31 =	sshll.u32 s1, $0xD;
	s1 =	sshrl.u32 s1, $0x2  }
0xb9: {  	s3 =	sand.u32 $0x4000, s31;
	s1 =	sadd.s32 s1, s30  }
0xba: {  	s0 =	sor.u32 s3, s0;
	s1 =	sshll.u32 s1, $0x11  }
0xbb: {  	s0 =	sor.u32 s1, s0  }
0xbc: {  	s0 =	sadd.s32 $0x8F2B, s0  }
0xbd: {  	[sflag:s0] =	ssyncadd.remote.s32 $0x1  }
0xbe: {  	_ =	sfence.sel $0xFFFF  }
0xbf: {  	[dreg:$0x0] =	wrdreg $0xFFFFFFFF;
	(pc) =	sbr.abs _section_cstart, $3  }
0xc0: {  	[dreg:$0x1] =	wrdreg $0xFFFFFFFF  }
0xc1: {  	_ =	task.clear_ibuf [dreg:s7], $0x2FFFF;
	_ =	strace $0x9FFFFFFF  }
0xc2: {  	(tm) =	ssettm $0x7FFFFFFF  }
0xc3: {  	_ =	shalt  }
tec
execute0_lowered:
.L_overlay_start_1:
0x0: {  	(tag) =	ssettag $0x1  }
0x1: {  	s1 =	srdreg.scid;
	s2 =	stileid.u32  }
0x2: {  	s0 =	rddreg [dreg:$0x0];
	s1 =	sand.u32 $0x1, s1;
	s3 =	sshll.u32 s2, $0x1  }
0x3: {  	s4 =	rddreg [dreg:$0x1];
	s2 =	simm.s32 $0x0;
	s5 =	sor.u32 s1, s3  }
0x4: {  	[smem:$0x7FF] =	sst s2;
	s3 =	smul.u32 $0x320, s5  }
0x5: {  	s1 =	ssub.s32 $0x2, s1;
	_ =	strace $0x80000047;
	s6 =	smul.u32 $0x64000, s5  }
0x6: {  	s8 =	sshrl.u32 s1, $0x1;
	s5 =	smul.u32 $0xC800, s5;
	s7 =	sadd.s32 s3, s0  }
0x7: {  	s3 =	sadd.s32 $0xF43000, s0;
	s6 =	sshrl.u32 s6, $0x3;
	s0 =	sadd.s32 $0x7000, s0  }
0x8: {  	[dreg:$0x3] =	wrdreg s0;
	s0 =	ssub.s32 s1, s8;
	s17 =	sadd.s32 $0xC00, s7  }
0x9: {  	s1 =	sadd.s32 s4, s6;
	s4 =	sadd.s32 s4, s5;
	[dreg:$0x4] =	wrdreg s17  }
0xa: {  	s18 =	sadd.s32 $0xC80, s1;
	[dreg:$0x5] =	wrdreg s4  }
0xb: {  	s19 =	sadd.s32 $0x12C0, s1;
	[dreg:$0x6] =	wrdreg s18  }
0xc: {  	s20 =	sadd.s32 $0x1900, s1;
	[dreg:$0x7] =	wrdreg s19  }
0xd: {  	s21 =	sadd.s32 $0x1F40, s1;
	[dreg:$0x8] =	wrdreg s20  }
0xe: {  	s22 =	sadd.s32 $0x2580, s1;
	[dreg:$0x9] =	wrdreg s21  }
0xf: {  	s23 =	sadd.s32 $0x2BC0, s1;
	[dreg:$0xa] =	wrdreg s22  }
0x10: {  	s24 =	sadd.s32 $0x3200, s1;
	[dreg:$0xb] =	wrdreg s23  }
0x11: {  	s25 =	sadd.s32 $0x3840, s1;
	[dreg:$0xc] =	wrdreg s24  }
0x12: {  	s26 =	sadd.s32 $0x3E80, s1;
	[dreg:$0xd] =	wrdreg s25  }
0x13: {  	s6 =	sadd.s32 $0x44C0, s1;
	[dreg:$0xe] =	wrdreg s26  }
0x14: {  	s7 =	sadd.s32 $0x4B00, s1;
	[dreg:$0xf] =	wrdreg s6  }
0x15: {  	s8 =	sadd.s32 $0x5140, s1;
	[dreg:$0x10] =	wrdreg s7  }
0x16: {  	s9 =	sadd.s32 $0x5780, s1;
	[dreg:$0x11] =	wrdreg s8  }
0x17: {  	s10 =	sadd.s32 $0x5DC0, s1;
	[dreg:$0x12] =	wrdreg s9  }
0x18: {  	s11 =	sadd.s32 $0x6400, s1;
	[dreg:$0x13] =	wrdreg s10  }
0x19: {  	s12 =	sadd.s32 $0x6A40, s1;
	[dreg:$0x14] =	wrdreg s11  }
0x1a: {  	s13 =	sadd.s32 $0x7080, s1;
	[dreg:$0x15] =	wrdreg s12  }
0x1b: {  	s28 =	simm.s32 $0x16300;
	s14 =	sadd.s32 $0x76C0, s1;
	[dreg:$0x16] =	wrdreg s13  }
0x1c: {  	s29 =	simm.s32 $0x17700;
	s15 =	sadd.s32 $0x7D00, s1;
	[dreg:$0x17] =	wrdreg s14  }
0x1d: {  	s30 =	simm.s32 $0x18B00;
	s16 =	sadd.s32 $0x8340, s1;
	[dreg:$0x18] =	wrdreg s15  }
0x1e: {  	s31 =	simm.s32 $0x19F00;
	s17 =	sadd.s32 $0x8980, s1;
	[dreg:$0x19] =	wrdreg s16  }
0x1f: {  	s5 =	simm.s32 $0x7D00;
	s0 =	smax.u32 s0, $0x1;
	[dreg:$0x1a] =	wrdreg s17  }
0x20: {  	s18 =	sadd.s32 $0x8FC0, s1;
	s19 =	sadd.s32 $0x9600, s1;
	[smem:$0x7FC] =	sst s0  }
0x21: {  	s20 =	sadd.s32 $0x9C40, s1;
	s21 =	sadd.s32 $0xA280, s1;
	[dreg:$0x1b] =	wrdreg s18  }
0x22: {  	s22 =	sadd.s32 $0xA8C0, s1;
	s23 =	sadd.s32 $0xAF00, s1;
	[dreg:$0x1c] =	wrdreg s19  }
0x23: {  	s24 =	sadd.s32 $0xB540, s1;
	s25 =	sadd.s32 $0xBB80, s1;
	[dreg:$0x1d] =	wrdreg s20  }
0x24: {  	s1 =	sadd.s32 $0xC1C0, s1;
	s26 =	sadd.s32 $0x640, s4;
	[dreg:$0x1e] =	wrdreg s21  }
0x25: {  	s11 =	simm.s32 $0x5;
	s12 =	simm.s32 $0x50;
	[dreg:$0x1f] =	wrdreg s22  }
0x26: {  	s13 =	simm.s32 $0x4B00;
	s0 =	simm.s32 $0x1C700;
	[smem:$0x7F8] =	sst s23  }
0x27: {  	s4 =	simm.s32 $0x1;
	s7 =	simm.s32 $0xE100;
	[smem:$0x7F9] =	sst s24  }
0x28: {  	s8 =	simm.s32 $0x3;
	s9 =	simm.s32 $0x2;
	[smem:$0x7FA] =	sst s25  }
0x29: {  	s10 =	simm.s32 $0x14500;
	s6 =	simm.s32 $0x1A900;
	[smem:$0x7FB] =	sst s1  }
0x2a: {  	s14 =	simm.s32 $0x4;
	s15 =	simm.s32 $0x0;
	[smem:$0x7FD] =	sst s26  }
0x2b: {  	s18 =	simm.s32 $0xAF00;
	s20 =	simm.s32 $0xD700;
	s21 =	simm.s32 $0xEB00  }
0x2c: {  	s22 =	simm.s32 $0xFF00;
	s23 =	simm.s32 $0x11300;
	s24 =	simm.s32 $0x12700  }
0x2d: {  	s25 =	simm.s32 $0x13B00;
	s26 =	simm.s32 $0x14F00;
	s1 =	simm.s32 $0x1B300  }
.LBB2_1:
0x2e: {  	s16 =	rddreg [dreg:$0x3];
	s17 =	simm.s32 $0x1900  }
0x2f: {  	[tilespmem:s17], [sflag:$0x5] =	stream.linear.gather [hbm4b:s16+s2], $0x3200, $0x38;
	[tilespmem:$0x1DB00] =	vst v63  }
0x30: {  	_ =	swait.ge [sflag:s11], $0x3200  }
0x31: {  	[sflag:s11] =	ssyncset.done $0x0  }
0x32: {  	s17 =	rddreg [dreg:$0x4];
	[sflag:s11] =	ssyncadd.s32 $0xFFFFCE00  }
0x33: {  	[tilespmem:s2], [sflag:$0x5] =	stream.linear.gather [hbm4b:s17+s2], $0x1900, $0x38;
	[tilespmem:$0x1DB00] =	vst v63  }
0x34: {  	_ =	swait.ge [sflag:s11], $0x1900  }
0x35: {  	[sflag:s11] =	ssyncset.done $0x0  }
0x36: {  	[sflag:s11] =	ssyncadd.s32 $0xFFFFE700  }
0x37: {  	[tilespmem:s13], [sflag:$0x1] =	stream.indirect.gather [hbm4b:s3+s12], $0x40, s2, s12, $0xb8;
	[tilespmem:$0x1DB00] =	vst v63  }
0x38: {  	s19 =	simm.s32 $0x5F00  }
0x39: {  	[tilespmem:s19], [sflag:$0x1] =	stream.indirect.gather [hbm4b:s3+s12], $0x40, s12, s12, $0xb8;
	[tilespmem:$0x1DB00] =	vst v63  }
0x3a: {  	s17 =	simm.s32 $0xA0;
	s19 =	simm.s32 $0x7300  }
0x3b: {  	[tilespmem:s19], [sflag:$0x1] =	stream.indirect.gather [hbm4b:s3+s12], $0x40, s17, s12, $0xb8;
	[tilespmem:$0x1DB00] =	vst v63  }
0x3c: {  	s17 =	simm.s32 $0xF0;
	s19 =	simm.s32 $0x8700  }
0x3d: {  	[tilespmem:s19], [sflag:$0x1] =	stream.indirect.gather [hbm4b:s3+s12], $0x40, s17, s12, $0xb8;
	[tilespmem:$0x1DB00] =	vst v63  }
0x3e: {  	s17 =	simm.s32 $0x140;
	s19 =	simm.s32 $0x9B00  }
0x3f: {  	[tilespmem:s19], [sflag:$0x1] =	stream.indirect.gather [hbm4b:s3+s12], $0x40, s17, s12, $0xb8;
	[tilespmem:$0x1DB00] =	vst v63  }
0x40: {  	s19 =	simm.s32 $0x190  }
0x41: {  	[tilespmem:s18], [sflag:$0x1] =	stream.indirect.gather [hbm4b:s3+s12], $0x40, s19, s12, $0xb8;
	[tilespmem:$0x1DB00] =	vst v63  }
0x42: {  	s17 =	simm.s32 $0x1E0;
	s19 =	simm.s32 $0xC300  }
0x43: {  	[tilespmem:s19], [sflag:$0x1] =	stream.indirect.gather [hbm4b:s3+s12], $0x40, s17, s12, $0xb8;
	[tilespmem:$0x1DB00] =	vst v63  }
0x44: {  	s19 =	simm.s32 $0x230  }
0x45: {  	[tilespmem:s20], [sflag:$0x1] =	stream.indirect.gather [hbm4b:s3+s12], $0x40, s19, s12, $0xb8;
	[tilespmem:$0x1DB00] =	vst v63  }
0x46: {  	s17 =	simm.s32 $0x280  }
0x47: {  	[tilespmem:s21], [sflag:$0x1] =	stream.indirect.gather [hbm4b:s3+s12], $0x40, s17, s12, $0xb8;
	[tilespmem:$0x1DB00] =	vst v63  }
0x48: {  	s19 =	simm.s32 $0x2D0  }
0x49: {  	[tilespmem:s22], [sflag:$0x1] =	stream.indirect.gather [hbm4b:s3+s12], $0x40, s19, s12, $0xb8;
	[tilespmem:$0x1DB00] =	vst v63  }
0x4a: {  	s17 =	simm.s32 $0x320  }
0x4b: {  	[tilespmem:s23], [sflag:$0x2] =	stream.indirect.gather [hbm4b:s3+s12], $0x40, s17, s12, $0xb8;
	[tilespmem:$0x1DB00] =	vst v63  }
0x4c: {  	s19 =	simm.s32 $0x370  }
0x4d: {  	[tilespmem:s24], [sflag:$0x2] =	stream.indirect.gather [hbm4b:s3+s12], $0x40, s19, s12, $0xb8;
	[tilespmem:$0x1DB00] =	vst v63  }
0x4e: {  	s17 =	simm.s32 $0x3C0  }
0x4f: {  	[tilespmem:s25], [sflag:$0x2] =	stream.indirect.gather [hbm4b:s3+s12], $0x40, s17, s12, $0xb8;
	[tilespmem:$0x1DB00] =	vst v63  }
0x50: {  	s19 =	simm.s32 $0x410  }
0x51: {  	[tilespmem:s26], [sflag:$0x2] =	stream.indirect.gather [hbm4b:s3+s12], $0x40, s19, s12, $0xb8;
	[tilespmem:$0x1DB00] =	vst v63  }
0x52: {  	s17 =	simm.s32 $0x460  }
0x53: {  	[tilespmem:s28], [sflag:$0x2] =	stream.indirect.gather [hbm4b:s3+s12], $0x40, s17, s12, $0xb8;
	[tilespmem:$0x1DB00] =	vst v63  }
0x54: {  	s19 =	simm.s32 $0x4B0  }
0x55: {  	[tilespmem:s29], [sflag:$0x2] =	stream.indirect.gather [hbm4b:s3+s12], $0x40, s19, s12, $0xb8;
	[tilespmem:$0x1DB00] =	vst v63  }
0x56: {  	s17 =	simm.s32 $0x500  }
0x57: {  	[tilespmem:s30], [sflag:$0x2] =	stream.indirect.gather [hbm4b:s3+s12], $0x40, s17, s12, $0xb8;
	[tilespmem:$0x1DB00] =	vst v63  }
0x58: {  	s19 =	simm.s32 $0x550  }
0x59: {  	[tilespmem:s31], [sflag:$0x2] =	stream.indirect.gather [hbm4b:s3+s12], $0x40, s19, s12, $0xb8;
	[tilespmem:$0x1DB00] =	vst v63  }
0x5a: {  	s17 =	simm.s32 $0x5A0  }
0x5b: {  	[tilespmem:s1], [sflag:$0x2] =	stream.indirect.gather [hbm4b:s3+s12], $0x40, s17, s12, $0xb8;
	[tilespmem:$0x1DB00] =	vst v63  }
0x5c: {  	s19 =	simm.s32 $0x5F0  }
0x5d: {  	[tilespmem:s0], [sflag:$0x2] =	stream.indirect.gather [hbm4b:s3+s12], $0x40, s19, s12, $0xb8;
	[tilespmem:$0x1DB00] =	vst v63  }
0x5e: {  	_ =	swait.ge [sflag:s4], $0x1400  }
0x5f: {  	[sflag:s4] =	ssyncset.done $0x0  }
0x60: {  	[sflag:s4] =	ssyncadd.s32 $0xFFFFEC00  }
0x61: {  	_ =	swait.ge [sflag:s4], $0x1400  }
0x62: {  	[sflag:s4] =	ssyncset.done $0x0  }
0x63: {  	[sflag:s4] =	ssyncadd.s32 $0xFFFFEC00  }
0x64: {  	_ =	swait.ge [sflag:s4], $0x1400  }
0x65: {  	[sflag:s4] =	ssyncset.done $0x0  }
0x66: {  	[sflag:s4] =	ssyncadd.s32 $0xFFFFEC00  }
0x67: {  	_ =	swait.ge [sflag:s4], $0x1400  }
0x68: {  	[sflag:s4] =	ssyncset.done $0x0  }
0x69: {  	[sflag:s4] =	ssyncadd.s32 $0xFFFFEC00  }
0x6a: {  	_ =	swait.ge [sflag:s4], $0x1400  }
0x6b: {  	[sflag:s4] =	ssyncset.done $0x0  }
0x6c: {  	[sflag:s4] =	ssyncadd.s32 $0xFFFFEC00  }
0x6d: {  	_ =	swait.ge [sflag:s4], $0x1400  }
0x6e: {  	[sflag:s4] =	ssyncset.done $0x0  }
0x6f: {  	[sflag:s4] =	ssyncadd.s32 $0xFFFFEC00  }
0x70: {  	_ =	swait.ge [sflag:s4], $0x1400  }
0x71: {  	[sflag:s4] =	ssyncset.done $0x0  }
0x72: {  	[sflag:s4] =	ssyncadd.s32 $0xFFFFEC00  }
0x73: {  	_ =	swait.ge [sflag:s4], $0x1400  }
0x74: {  	[sflag:s4] =	ssyncset.done $0x0  }
0x75: {  	[sflag:s4] =	ssyncadd.s32 $0xFFFFEC00  }
0x76: {  	_ =	swait.ge [sflag:s4], $0x1400  }
0x77: {  	[sflag:s4] =	ssyncset.done $0x0  }
0x78: {  	[sflag:s4] =	ssyncadd.s32 $0xFFFFEC00  }
0x79: {  	_ =	swait.ge [sflag:s4], $0x1400  }
0x7a: {  	[sflag:s4] =	ssyncset.done $0x0  }
0x7b: {  	s16 =	simm.s32 $0x0;
	[sflag:s4] =	ssyncadd.s32 $0xFFFFEC00  }
0x7c: {  	v1 =	vld [tilespmem:s16+$0x1930]  }
0x7d: {  	v2 =	vld [tilespmem:s16+$0x1900]  }
0x7e: {  	v3 =	vld [tilespmem:s16+$0x1910]  }
0x7f: {  	v0 =	vld [tilespmem:s16+$0x1920];
	_ =	sdelay $0x1  }
0x80: {  	[tilespmem:s16+$0xE130] =	vst.add.f32.msk $0xffff, v1  }
0x81: {  	[tilespmem:s16+$0x4B00] =	vst.add.f32.msk $0xffff, v2  }
0x82: {  	[tilespmem:s16+$0x4B10] =	vst.add.f32.msk $0xffff, v3  }
0x83: {  	[tilespmem:s16+$0x4B20] =	vst.add.f32.msk $0xffff, v0  }
0x84: {  	[tilespmem:s16+$0x4B30] =	vst.add.f32.msk $0xffff, v1  }
0x85: {  	[tilespmem:s16+$0x7D00] =	vst.add.f32.msk $0xffff, v2  }
0x86: {  	[tilespmem:s16+$0x7D10] =	vst.add.f32.msk $0xffff, v3  }
0x87: {  	[tilespmem:s16+$0x7D20] =	vst.add.f32.msk $0xffff, v0  }
0x88: {  	[tilespmem:s16+$0x7D30] =	vst.add.f32.msk $0xffff, v1  }
0x89: {  	[tilespmem:s16+$0xAF00] =	vst.add.f32.msk $0xffff, v2  }
0x8a: {  	[tilespmem:s16+$0xAF10] =	vst.add.f32.msk $0xffff, v3  }
0x8b: {  	[tilespmem:s16+$0xAF20] =	vst.add.f32.msk $0xffff, v0  }
0x8c: {  	[tilespmem:s16+$0xAF30] =	vst.add.f32.msk $0xffff, v1  }
0x8d: {  	[tilespmem:s16+$0xE100] =	vst.add.f32.msk $0xffff, v2  }
0x8e: {  	s17 =	simm.s32 $0x200;
	s19 =	simm.s32 $0x40;
	[tilespmem:s16+$0xE110] =	vst.add.f32.msk $0xffff, v3  }
.LBB2_2:
0x8f: {  	p0 =	sne.s32 s17, $0xC700;
	v1 =	vld [tilespmem:s19+$0x1930]  }
0x90: {  	v2 =	vld [tilespmem:s19+$0x1900]  }
0x91: {  	v3 =	vld [tilespmem:s19+$0x1910]  }
0x92: {  	v4 =	vld [tilespmem:s19+$0x1920]  }
0x93: {  	[tilespmem:s16+$0xE120] =	vst.add.f32.msk $0xffff, v0;
	s16 =	smov.u32 s19  }
0x94: {  	[tilespmem:s16+$0xE130] =	vst.add.f32.msk $0xffff, v1  }
0x95: {  	[tilespmem:s16+$0x4B00] =	vst.add.f32.msk $0xffff, v2  }
0x96: {  	[tilespmem:s16+$0x4B10] =	vst.add.f32.msk $0xffff, v3  }
0x97: {  	[tilespmem:s16+$0x4B20] =	vst.add.f32.msk $0xffff, v4;
	v0 =	vmov v4  }
0x98: {  	[tilespmem:s16+$0x4B30] =	vst.add.f32.msk $0xffff, v1  }
0x99: {  	[tilespmem:s16+$0x7D00] =	vst.add.f32.msk $0xffff, v2  }
0x9a: {  	[tilespmem:s16+$0x7D10] =	vst.add.f32.msk $0xffff, v3  }
0x9b: {  	[tilespmem:s16+$0x7D20] =	vst.add.f32.msk $0xffff, v0  }
0x9c: {  	[tilespmem:s16+$0x7D30] =	vst.add.f32.msk $0xffff, v1  }
0x9d: {  	[tilespmem:s16+$0xAF00] =	vst.add.f32.msk $0xffff, v2  }
.Ltmp0:
0x9e: {  	[tilespmem:s16+$0xAF10] =	vst.add.f32.msk $0xffff, v3;
	(pc) =	sbr.rel @p0 .LBB2_2-.Ltmp0, $4  }
0x9f: {  	[tilespmem:s16+$0xAF20] =	vst.add.f32.msk $0xffff, v0  }
0xa0: {  	[tilespmem:s16+$0xAF30] =	vst.add.f32.msk $0xffff, v1  }
0xa1: {  	[tilespmem:s16+$0xE100] =	vst.add.f32.msk $0xffff, v2  }
0xa2: {  	s19 =	sshra.s32 s17, $0x2;
	s17 =	sadd.s32 $0x100, s17;
	[tilespmem:s16+$0xE110] =	vst.add.f32.msk $0xffff, v3  }
0xa3: {  	v1 =	vld [tilespmem:s19+$0x1930]  }
0xa4: {  	v2 =	vld [tilespmem:s19+$0x1900]  }
0xa5: {  	v3 =	vld [tilespmem:s19+$0x1910]  }
0xa6: {  	v4 =	vld [tilespmem:s19+$0x1920]  }
0xa7: {  	[tilespmem:s16+$0xE120] =	vst.add.f32.msk $0xffff, v0  }
0xa8: {  	[tilespmem:s19+$0xE130] =	vst.add.f32.msk $0xffff, v1  }
0xa9: {  	[tilespmem:s19+$0x4B00] =	vst.add.f32.msk $0xffff, v2  }
0xaa: {  	[tilespmem:s19+$0x4B10] =	vst.add.f32.msk $0xffff, v3  }
0xab: {  	[tilespmem:s19+$0x4B20] =	vst.add.f32.msk $0xffff, v4  }
0xac: {  	[tilespmem:s19+$0x4B30] =	vst.add.f32.msk $0xffff, v1  }
0xad: {  	[tilespmem:s19+$0x7D00] =	vst.add.f32.msk $0xffff, v2  }
0xae: {  	[tilespmem:s19+$0x7D10] =	vst.add.f32.msk $0xffff, v3  }
0xaf: {  	[tilespmem:s19+$0x7D20] =	vst.add.f32.msk $0xffff, v4  }
0xb0: {  	[tilespmem:s19+$0x7D30] =	vst.add.f32.msk $0xffff, v1  }
0xb1: {  	[tilespmem:s19+$0xAF00] =	vst.add.f32.msk $0xffff, v2  }
0xb2: {  	[tilespmem:s19+$0xAF10] =	vst.add.f32.msk $0xffff, v3  }
0xb3: {  	[tilespmem:s19+$0xAF20] =	vst.add.f32.msk $0xffff, v4  }
0xb4: {  	[tilespmem:s19+$0xAF30] =	vst.add.f32.msk $0xffff, v1  }
0xb5: {  	[tilespmem:s19+$0xE100] =	vst.add.f32.msk $0xffff, v2  }
0xb6: {  	s17 =	rddreg [dreg:$0x5];
	[tilespmem:s19+$0xE110] =	vst.add.f32.msk $0xffff, v3  }
0xb7: {  	s16 =	simm.s32 $0x0;
	[tilespmem:s19+$0xE120] =	vst.add.f32.msk $0xffff, v4;
	s19 =	sld [smem:$0x7FD]  }
0xb8: {  	[hbm4b:s17+s16] =	stream.linear.scatter [tilespmem:s13], [sflag:$0x3], $0x3200, $0x38;
	[tilespmem:$0x1DB00] =	vst v63  }
0xb9: {  	_ = 	snop  }
0xba: {  	[hbm4b:s19+s16] =	stream.linear.scatter [tilespmem:s5], [sflag:$0x3], $0x3200, $0x38;
	[tilespmem:$0x1DB00] =	vst v63  }
0xbb: {  	s19 =	rddreg [dreg:$0x6]  }
0xbc: {  	[hbm4b:s19+s16] =	stream.linear.scatter [tilespmem:s18], [sflag:$0x3], $0x3200, $0x38;
	[tilespmem:$0x1DB00] =	vst v63  }
0xbd: {  	s19 =	rddreg [dreg:$0x7]  }
0xbe: {  	[hbm4b:s19+s16] =	stream.linear.scatter [tilespmem:s7], [sflag:$0x3], $0x3200, $0x38;
	[tilespmem:$0x1DB00] =	vst v63  }
0xbf: {  	_ =	swait.ge [sflag:s8], $0x3200  }
0xc0: {  	[sflag:s8] =	ssyncset.done $0x0  }
0xc1: {  	[sflag:s8] =	ssyncadd.s32 $0xFFFFCE00  }
0xc2: {  	_ =	swait.ge [sflag:s8], $0x3200  }
0xc3: {  	[sflag:s8] =	ssyncset.done $0x0  }
0xc4: {  	[sflag:s8] =	ssyncadd.s32 $0xFFFFCE00  }
0xc5: {  	_ =	swait.ge [sflag:s8], $0x3200  }
0xc6: {  	[sflag:s8] =	ssyncset.done $0x0  }
0xc7: {  	[sflag:s8] =	ssyncadd.s32 $0xFFFFCE00  }
0xc8: {  	_ =	swait.ge [sflag:s8], $0x3200  }
0xc9: {  	[sflag:s8] =	ssyncset.done $0x0  }
0xca: {  	s19 =	simm.s32 $0x640;
	[sflag:s8] =	ssyncadd.s32 $0xFFFFCE00  }
0xcb: {  	[tilespmem:s13], [sflag:$0x1] =	stream.indirect.gather [hbm4b:s3+s12], $0x40, s19, s12, $0xb8;
	[tilespmem:$0x1DB00] =	vst v63  }
0xcc: {  	s17 =	simm.s32 $0x5F00;
	s19 =	simm.s32 $0x690  }
0xcd: {  	[tilespmem:s17], [sflag:$0x1] =	stream.indirect.gather [hbm4b:s3+s12], $0x40, s19, s12, $0xb8;
	[tilespmem:$0x1DB00] =	vst v63  }
0xce: {  	s17 =	simm.s32 $0x7300;
	s19 =	simm.s32 $0x6E0  }
0xcf: {  	[tilespmem:s17], [sflag:$0x1] =	stream.indirect.gather [hbm4b:s3+s12], $0x40, s19, s12, $0xb8;
	[tilespmem:$0x1DB00] =	vst v63  }
0xd0: {  	s17 =	simm.s32 $0x8700;
	s19 =	simm.s32 $0x730  }
0xd1: {  	[tilespmem:s17], [sflag:$0x1] =	stream.indirect.gather [hbm4b:s3+s12], $0x40, s19, s12, $0xb8;
	[tilespmem:$0x1DB00] =	vst v63  }
0xd2: {  	s17 =	simm.s32 $0x9B00;
	s19 =	simm.s32 $0x780  }
0xd3: {  	[tilespmem:s17], [sflag:$0x1] =	stream.indirect.gather [hbm4b:s3+s12], $0x40, s19, s12, $0xb8;
	[tilespmem:$0x1DB00] =	vst v63  }
0xd4: {  	s19 =	simm.s32 $0x7D0  }
0xd5: {  	[tilespmem:s18], [sflag:$0x1] =	stream.indirect.gather [hbm4b:s3+s12], $0x40, s19, s12, $0xb8;
	[tilespmem:$0x1DB00] =	vst v63  }
0xd6: {  	s17 =	simm.s32 $0xC300;
	s19 =	simm.s32 $0x820  }
0xd7: {  	[tilespmem:s17], [sflag:$0x1] =	stream.indirect.gather [hbm4b:s3+s12], $0x40, s19, s12, $0xb8;
	[tilespmem:$0x1DB00] =	vst v63  }
0xd8: {  	s19 =	simm.s32 $0x870  }
0xd9: {  	[tilespmem:s20], [sflag:$0x1] =	stream.indirect.gather [hbm4b:s3+s12], $0x40, s19, s12, $0xb8;
	[tilespmem:$0x1DB00] =	vst v63  }
0xda: {  	s17 =	simm.s32 $0x8C0  }
0xdb: {  	[tilespmem:s21], [sflag:$0x1] =	stream.indirect.gather [hbm4b:s3+s12], $0x40, s17, s12, $0xb8;
	[tilespmem:$0x1DB00] =	vst v63  }
0xdc: {  	s19 =	simm.s32 $0x910  }
0xdd: {  	[tilespmem:s22], [sflag:$0x1] =	stream.indirect.gather [hbm4b:s3+s12], $0x40, s19, s12, $0xb8;
	[tilespmem:$0x1DB00] =	vst v63  }
0xde: {  	_ =	swait.ge [sflag:s9], $0x1400  }
0xdf: {  	[sflag:s9] =	ssyncset.done $0x0  }
0xe0: {  	[sflag:s9] =	ssyncadd.s32 $0xFFFFEC00  }
0xe1: {  	_ =	swait.ge [sflag:s9], $0x1400  }
0xe2: {  	[sflag:s9] =	ssyncset.done $0x0  }
0xe3: {  	[sflag:s9] =	ssyncadd.s32 $0xFFFFEC00  }
0xe4: {  	_ =	swait.ge [sflag:s9], $0x1400  }
0xe5: {  	[sflag:s9] =	ssyncset.done $0x0  }
0xe6: {  	[sflag:s9] =	ssyncadd.s32 $0xFFFFEC00  }
0xe7: {  	_ =	swait.ge [sflag:s9], $0x1400  }
0xe8: {  	[sflag:s9] =	ssyncset.done $0x0  }
0xe9: {  	[sflag:s9] =	ssyncadd.s32 $0xFFFFEC00  }
0xea: {  	_ =	swait.ge [sflag:s9], $0x1400  }
0xeb: {  	[sflag:s9] =	ssyncset.done $0x0  }
0xec: {  	[sflag:s9] =	ssyncadd.s32 $0xFFFFEC00  }
0xed: {  	_ =	swait.ge [sflag:s9], $0x1400  }
0xee: {  	[sflag:s9] =	ssyncset.done $0x0  }
0xef: {  	[sflag:s9] =	ssyncadd.s32 $0xFFFFEC00  }
0xf0: {  	_ =	swait.ge [sflag:s9], $0x1400  }
0xf1: {  	[sflag:s9] =	ssyncset.done $0x0  }
0xf2: {  	[sflag:s9] =	ssyncadd.s32 $0xFFFFEC00  }
0xf3: {  	_ =	swait.ge [sflag:s9], $0x1400  }
0xf4: {  	[sflag:s9] =	ssyncset.done $0x0  }
0xf5: {  	[sflag:s9] =	ssyncadd.s32 $0xFFFFEC00  }
0xf6: {  	_ =	swait.ge [sflag:s9], $0x1400  }
0xf7: {  	[sflag:s9] =	ssyncset.done $0x0  }
0xf8: {  	[sflag:s9] =	ssyncadd.s32 $0xFFFFEC00  }
0xf9: {  	_ =	swait.ge [sflag:s9], $0x1400  }
0xfa: {  	[sflag:s9] =	ssyncset.done $0x0  }
0xfb: {  	s16 =	simm.s32 $0x0;
	[sflag:s9] =	ssyncadd.s32 $0xFFFFEC00  }
0xfc: {  	v1 =	vld [tilespmem:s16+$0x1930]  }
0xfd: {  	v2 =	vld [tilespmem:s16+$0x1900]  }
0xfe: {  	v3 =	vld [tilespmem:s16+$0x1910]  }
0xff: {  	v0 =	vld [tilespmem:s16+$0x1920];
	_ =	sdelay $0x1  }
0x100: {  	[tilespmem:s16+$0x1A930] =	vst.add.f32.msk $0xffff, v1  }
0x101: {  	[tilespmem:s16+$0x11300] =	vst.add.f32.msk $0xffff, v2  }
0x102: {  	[tilespmem:s16+$0x11310] =	vst.add.f32.msk $0xffff, v3  }
0x103: {  	[tilespmem:s16+$0x11320] =	vst.add.f32.msk $0xffff, v0  }
0x104: {  	[tilespmem:s16+$0x11330] =	vst.add.f32.msk $0xffff, v1  }
0x105: {  	[tilespmem:s16+$0x14500] =	vst.add.f32.msk $0xffff, v2  }
0x106: {  	[tilespmem:s16+$0x14510] =	vst.add.f32.msk $0xffff, v3  }
0x107: {  	[tilespmem:s16+$0x14520] =	vst.add.f32.msk $0xffff, v0  }
0x108: {  	[tilespmem:s16+$0x14530] =	vst.add.f32.msk $0xffff, v1  }
0x109: {  	[tilespmem:s16+$0x17700] =	vst.add.f32.msk $0xffff, v2  }
0x10a: {  	[tilespmem:s16+$0x17710] =	vst.add.f32.msk $0xffff, v3  }
0x10b: {  	[tilespmem:s16+$0x17720] =	vst.add.f32.msk $0xffff, v0  }
0x10c: {  	[tilespmem:s16+$0x17730] =	vst.add.f32.msk $0xffff, v1  }
0x10d: {  	[tilespmem:s16+$0x1A900] =	vst.add.f32.msk $0xffff, v2  }
0x10e: {  	s17 =	simm.s32 $0x200;
	s19 =	simm.s32 $0x40;
	[tilespmem:s16+$0x1A910] =	vst.add.f32.msk $0xffff, v3  }
.LBB2_4:
0x10f: {  	p0 =	sne.s32 s17, $0xC700;
	v1 =	vld [tilespmem:s19+$0x1930]  }
0x110: {  	v2 =	vld [tilespmem:s19+$0x1900]  }
0x111: {  	v3 =	vld [tilespmem:s19+$0x1910]  }
0x112: {  	v4 =	vld [tilespmem:s19+$0x1920]  }
0x113: {  	[tilespmem:s16+$0x1A920] =	vst.add.f32.msk $0xffff, v0;
	s16 =	smov.u32 s19  }
0x114: {  	[tilespmem:s16+$0x1A930] =	vst.add.f32.msk $0xffff, v1  }
0x115: {  	[tilespmem:s16+$0x11300] =	vst.add.f32.msk $0xffff, v2  }
0x116: {  	[tilespmem:s16+$0x11310] =	vst.add.f32.msk $0xffff, v3  }
0x117: {  	[tilespmem:s16+$0x11320] =	vst.add.f32.msk $0xffff, v4;
	v0 =	vmov v4  }
0x118: {  	[tilespmem:s16+$0x11330] =	vst.add.f32.msk $0xffff, v1  }
0x119: {  	[tilespmem:s16+$0x14500] =	vst.add.f32.msk $0xffff, v2  }
0x11a: {  	[tilespmem:s16+$0x14510] =	vst.add.f32.msk $0xffff, v3  }
0x11b: {  	[tilespmem:s16+$0x14520] =	vst.add.f32.msk $0xffff, v0  }
0x11c: {  	[tilespmem:s16+$0x14530] =	vst.add.f32.msk $0xffff, v1  }
0x11d: {  	[tilespmem:s16+$0x17700] =	vst.add.f32.msk $0xffff, v2  }
.Ltmp1:
0x11e: {  	[tilespmem:s16+$0x17710] =	vst.add.f32.msk $0xffff, v3;
	(pc) =	sbr.rel @p0 .LBB2_4-.Ltmp1, $4  }
0x11f: {  	[tilespmem:s16+$0x17720] =	vst.add.f32.msk $0xffff, v0  }
0x120: {  	[tilespmem:s16+$0x17730] =	vst.add.f32.msk $0xffff, v1  }
0x121: {  	[tilespmem:s16+$0x1A900] =	vst.add.f32.msk $0xffff, v2  }
0x122: {  	s19 =	sshra.s32 s17, $0x2;
	s17 =	sadd.s32 $0x100, s17;
	[tilespmem:s16+$0x1A910] =	vst.add.f32.msk $0xffff, v3  }
0x123: {  	v1 =	vld [tilespmem:s19+$0x1930]  }
0x124: {  	v2 =	vld [tilespmem:s19+$0x1900]  }
0x125: {  	v3 =	vld [tilespmem:s19+$0x1910]  }
0x126: {  	v4 =	vld [tilespmem:s19+$0x1920]  }
0x127: {  	[tilespmem:s16+$0x1A920] =	vst.add.f32.msk $0xffff, v0  }
0x128: {  	[tilespmem:s19+$0x1A930] =	vst.add.f32.msk $0xffff, v1  }
0x129: {  	[tilespmem:s19+$0x11300] =	vst.add.f32.msk $0xffff, v2  }
0x12a: {  	[tilespmem:s19+$0x11310] =	vst.add.f32.msk $0xffff, v3  }
0x12b: {  	[tilespmem:s19+$0x11320] =	vst.add.f32.msk $0xffff, v4  }
0x12c: {  	[tilespmem:s19+$0x11330] =	vst.add.f32.msk $0xffff, v1  }
0x12d: {  	[tilespmem:s19+$0x14500] =	vst.add.f32.msk $0xffff, v2  }
0x12e: {  	[tilespmem:s19+$0x14510] =	vst.add.f32.msk $0xffff, v3  }
0x12f: {  	[tilespmem:s19+$0x14520] =	vst.add.f32.msk $0xffff, v4  }
0x130: {  	[tilespmem:s19+$0x14530] =	vst.add.f32.msk $0xffff, v1  }
0x131: {  	[tilespmem:s19+$0x17700] =	vst.add.f32.msk $0xffff, v2  }
0x132: {  	[tilespmem:s19+$0x17710] =	vst.add.f32.msk $0xffff, v3  }
0x133: {  	[tilespmem:s19+$0x17720] =	vst.add.f32.msk $0xffff, v4  }
0x134: {  	[tilespmem:s19+$0x17730] =	vst.add.f32.msk $0xffff, v1  }
0x135: {  	[tilespmem:s19+$0x1A900] =	vst.add.f32.msk $0xffff, v2  }
0x136: {  	[tilespmem:s19+$0x1A910] =	vst.add.f32.msk $0xffff, v3  }
0x137: {  	s16 =	simm.s32 $0x0;
	s17 =	rddreg [dreg:$0x8];
	[tilespmem:s19+$0x1A920] =	vst.add.f32.msk $0xffff, v4  }
0x138: {  	[hbm4b:s17+s16] =	stream.linear.scatter [tilespmem:s23], [sflag:$0x4], $0x3200, $0x38;
	[tilespmem:$0x1DB00] =	vst v63  }
0x139: {  	s19 =	rddreg [dreg:$0x9]  }
0x13a: {  	[hbm4b:s19+s16] =	stream.linear.scatter [tilespmem:s10], [sflag:$0x4], $0x3200, $0x38;
	[tilespmem:$0x1DB00] =	vst v63  }
0x13b: {  	s19 =	rddreg [dreg:$0xa]  }
0x13c: {  	[hbm4b:s19+s16] =	stream.linear.scatter [tilespmem:s29], [sflag:$0x4], $0x3200, $0x38;
	[tilespmem:$0x1DB00] =	vst v63  }
0x13d: {  	s19 =	rddreg [dreg:$0xb]  }
0x13e: {  	[hbm4b:s19+s16] =	stream.linear.scatter [tilespmem:s6], [sflag:$0x4], $0x3200, $0x38;
	[tilespmem:$0x1DB00] =	vst v63  }
0x13f: {  	_ =	swait.ge [sflag:s14], $0x3200  }
0x140: {  	[sflag:s14] =	ssyncset.done $0x0  }
0x141: {  	[sflag:s14] =	ssyncadd.s32 $0xFFFFCE00  }
0x142: {  	_ =	swait.ge [sflag:s14], $0x3200  }
0x143: {  	[sflag:s14] =	ssyncset.done $0x0  }
0x144: {  	[sflag:s14] =	ssyncadd.s32 $0xFFFFCE00  }
0x145: {  	_ =	swait.ge [sflag:s14], $0x3200  }
0x146: {  	[sflag:s14] =	ssyncset.done $0x0  }
0x147: {  	[sflag:s14] =	ssyncadd.s32 $0xFFFFCE00  }
0x148: {  	_ =	swait.ge [sflag:s14], $0x3200  }
0x149: {  	[sflag:s14] =	ssyncset.done $0x0  }
0x14a: {  	s17 =	simm.s32 $0x960;
	[sflag:s14] =	ssyncadd.s32 $0xFFFFCE00  }
0x14b: {  	[tilespmem:s23], [sflag:$0x2] =	stream.indirect.gather [hbm4b:s3+s12], $0x40, s17, s12, $0xb8;
	[tilespmem:$0x1DB00] =	vst v63  }
0x14c: {  	s19 =	simm.s32 $0x9B0  }
0x14d: {  	[tilespmem:s24], [sflag:$0x2] =	stream.indirect.gather [hbm4b:s3+s12], $0x40, s19, s12, $0xb8;
	[tilespmem:$0x1DB00] =	vst v63  }
0x14e: {  	s17 =	simm.s32 $0xA00  }
0x14f: {  	[tilespmem:s25], [sflag:$0x2] =	stream.indirect.gather [hbm4b:s3+s12], $0x40, s17, s12, $0xb8;
	[tilespmem:$0x1DB00] =	vst v63  }
0x150: {  	s19 =	simm.s32 $0xA50  }
0x151: {  	[tilespmem:s26], [sflag:$0x2] =	stream.indirect.gather [hbm4b:s3+s12], $0x40, s19, s12, $0xb8;
	[tilespmem:$0x1DB00] =	vst v63  }
0x152: {  	s17 =	simm.s32 $0xAA0  }
0x153: {  	[tilespmem:s28], [sflag:$0x2] =	stream.indirect.gather [hbm4b:s3+s12], $0x40, s17, s12, $0xb8;
	[tilespmem:$0x1DB00] =	vst v63  }
0x154: {  	s19 =	simm.s32 $0xAF0  }
0x155: {  	[tilespmem:s29], [sflag:$0x2] =	stream.indirect.gather [hbm4b:s3+s12], $0x40, s19, s12, $0xb8;
	[tilespmem:$0x1DB00] =	vst v63  }
0x156: {  	s17 =	simm.s32 $0xB40  }
0x157: {  	[tilespmem:s30], [sflag:$0x2] =	stream.indirect.gather [hbm4b:s3+s12], $0x40, s17, s12, $0xb8;
	[tilespmem:$0x1DB00] =	vst v63  }
0x158: {  	s19 =	simm.s32 $0xB90  }
0x159: {  	[tilespmem:s31], [sflag:$0x2] =	stream.indirect.gather [hbm4b:s3+s12], $0x40, s19, s12, $0xb8;
	[tilespmem:$0x1DB00] =	vst v63  }
0x15a: {  	s17 =	simm.s32 $0xBE0  }
0x15b: {  	[tilespmem:s1], [sflag:$0x2] =	stream.indirect.gather [hbm4b:s3+s12], $0x40, s17, s12, $0xb8;
	[tilespmem:$0x1DB00] =	vst v63  }
0x15c: {  	s19 =	simm.s32 $0xC30  }
0x15d: {  	[tilespmem:s0], [sflag:$0x2] =	stream.indirect.gather [hbm4b:s3+s12], $0x40, s19, s12, $0xb8;
	[tilespmem:$0x1DB00] =	vst v63  }
0x15e: {  	_ =	swait.ge [sflag:s4], $0x1400  }
0x15f: {  	[sflag:s4] =	ssyncset.done $0x0  }
0x160: {  	[sflag:s4] =	ssyncadd.s32 $0xFFFFEC00  }
0x161: {  	_ =	swait.ge [sflag:s4], $0x1400  }
0x162: {  	[sflag:s4] =	ssyncset.done $0x0  }
0x163: {  	[sflag:s4] =	ssyncadd.s32 $0xFFFFEC00  }
0x164: {  	_ =	swait.ge [sflag:s4], $0x1400  }
0x165: {  	[sflag:s4] =	ssyncset.done $0x0  }
0x166: {  	[sflag:s4] =	ssyncadd.s32 $0xFFFFEC00  }
0x167: {  	_ =	swait.ge [sflag:s4], $0x1400  }
0x168: {  	[sflag:s4] =	ssyncset.done $0x0  }
0x169: {  	[sflag:s4] =	ssyncadd.s32 $0xFFFFEC00  }
0x16a: {  	_ =	swait.ge [sflag:s4], $0x1400  }
0x16b: {  	[sflag:s4] =	ssyncset.done $0x0  }
0x16c: {  	[sflag:s4] =	ssyncadd.s32 $0xFFFFEC00  }
0x16d: {  	_ =	swait.ge [sflag:s4], $0x1400  }
0x16e: {  	[sflag:s4] =	ssyncset.done $0x0  }
0x16f: {  	[sflag:s4] =	ssyncadd.s32 $0xFFFFEC00  }
0x170: {  	_ =	swait.ge [sflag:s4], $0x1400  }
0x171: {  	[sflag:s4] =	ssyncset.done $0x0  }
0x172: {  	[sflag:s4] =	ssyncadd.s32 $0xFFFFEC00  }
0x173: {  	_ =	swait.ge [sflag:s4], $0x1400  }
0x174: {  	[sflag:s4] =	ssyncset.done $0x0  }
0x175: {  	[sflag:s4] =	ssyncadd.s32 $0xFFFFEC00  }
0x176: {  	_ =	swait.ge [sflag:s4], $0x1400  }
0x177: {  	[sflag:s4] =	ssyncset.done $0x0  }
0x178: {  	[sflag:s4] =	ssyncadd.s32 $0xFFFFEC00  }
0x179: {  	_ =	swait.ge [sflag:s4], $0x1400  }
0x17a: {  	[sflag:s4] =	ssyncset.done $0x0  }
0x17b: {  	s16 =	simm.s32 $0x0;
	[sflag:s4] =	ssyncadd.s32 $0xFFFFEC00  }
0x17c: {  	v1 =	vld [tilespmem:s16+$0x1930]  }
0x17d: {  	v2 =	vld [tilespmem:s16+$0x1900]  }
0x17e: {  	v3 =	vld [tilespmem:s16+$0x1910]  }
0x17f: {  	v0 =	vld [tilespmem:s16+$0x1920];
	_ =	sdelay $0x1  }
0x180: {  	[tilespmem:s16+$0xE130] =	vst.add.f32.msk $0xffff, v1  }
0x181: {  	[tilespmem:s16+$0x4B00] =	vst.add.f32.msk $0xffff, v2  }
0x182: {  	[tilespmem:s16+$0x4B10] =	vst.add.f32.msk $0xffff, v3  }
0x183: {  	[tilespmem:s16+$0x4B20] =	vst.add.f32.msk $0xffff, v0  }
0x184: {  	[tilespmem:s16+$0x4B30] =	vst.add.f32.msk $0xffff, v1  }
0x185: {  	[tilespmem:s16+$0x7D00] =	vst.add.f32.msk $0xffff, v2  }
0x186: {  	[tilespmem:s16+$0x7D10] =	vst.add.f32.msk $0xffff, v3  }
0x187: {  	[tilespmem:s16+$0x7D20] =	vst.add.f32.msk $0xffff, v0  }
0x188: {  	[tilespmem:s16+$0x7D30] =	vst.add.f32.msk $0xffff, v1  }
0x189: {  	[tilespmem:s16+$0xAF00] =	vst.add.f32.msk $0xffff, v2  }
0x18a: {  	[tilespmem:s16+$0xAF10] =	vst.add.f32.msk $0xffff, v3  }
0x18b: {  	[tilespmem:s16+$0xAF20] =	vst.add.f32.msk $0xffff, v0  }
0x18c: {  	[tilespmem:s16+$0xAF30] =	vst.add.f32.msk $0xffff, v1  }
0x18d: {  	[tilespmem:s16+$0xE100] =	vst.add.f32.msk $0xffff, v2  }
0x18e: {  	s17 =	simm.s32 $0x200;
	s19 =	simm.s32 $0x40;
	[tilespmem:s16+$0xE110] =	vst.add.f32.msk $0xffff, v3  }
.LBB2_6:
0x18f: {  	p0 =	sne.s32 s17, $0xC700;
	v1 =	vld [tilespmem:s19+$0x1930]  }
0x190: {  	v2 =	vld [tilespmem:s19+$0x1900]  }
0x191: {  	v3 =	vld [tilespmem:s19+$0x1910]  }
0x192: {  	v4 =	vld [tilespmem:s19+$0x1920]  }
0x193: {  	[tilespmem:s16+$0xE120] =	vst.add.f32.msk $0xffff, v0;
	s16 =	smov.u32 s19  }
0x194: {  	[tilespmem:s16+$0xE130] =	vst.add.f32.msk $0xffff, v1  }
0x195: {  	[tilespmem:s16+$0x4B00] =	vst.add.f32.msk $0xffff, v2  }
0x196: {  	[tilespmem:s16+$0x4B10] =	vst.add.f32.msk $0xffff, v3  }
0x197: {  	[tilespmem:s16+$0x4B20] =	vst.add.f32.msk $0xffff, v4;
	v0 =	vmov v4  }
0x198: {  	[tilespmem:s16+$0x4B30] =	vst.add.f32.msk $0xffff, v1  }
0x199: {  	[tilespmem:s16+$0x7D00] =	vst.add.f32.msk $0xffff, v2  }
0x19a: {  	[tilespmem:s16+$0x7D10] =	vst.add.f32.msk $0xffff, v3  }
0x19b: {  	[tilespmem:s16+$0x7D20] =	vst.add.f32.msk $0xffff, v0  }
0x19c: {  	[tilespmem:s16+$0x7D30] =	vst.add.f32.msk $0xffff, v1  }
0x19d: {  	[tilespmem:s16+$0xAF00] =	vst.add.f32.msk $0xffff, v2  }
.Ltmp2:
0x19e: {  	[tilespmem:s16+$0xAF10] =	vst.add.f32.msk $0xffff, v3;
	(pc) =	sbr.rel @p0 .LBB2_6-.Ltmp2, $4  }
0x19f: {  	[tilespmem:s16+$0xAF20] =	vst.add.f32.msk $0xffff, v0  }
0x1a0: {  	[tilespmem:s16+$0xAF30] =	vst.add.f32.msk $0xffff, v1  }
0x1a1: {  	[tilespmem:s16+$0xE100] =	vst.add.f32.msk $0xffff, v2  }
0x1a2: {  	s19 =	sshra.s32 s17, $0x2;
	s17 =	sadd.s32 $0x100, s17;
	[tilespmem:s16+$0xE110] =	vst.add.f32.msk $0xffff, v3  }
0x1a3: {  	v1 =	vld [tilespmem:s19+$0x1930]  }
0x1a4: {  	v2 =	vld [tilespmem:s19+$0x1900]  }
0x1a5: {  	v3 =	vld [tilespmem:s19+$0x1910]  }
0x1a6: {  	v4 =	vld [tilespmem:s19+$0x1920]  }
0x1a7: {  	[tilespmem:s16+$0xE120] =	vst.add.f32.msk $0xffff, v0  }
0x1a8: {  	[tilespmem:s19+$0xE130] =	vst.add.f32.msk $0xffff, v1  }
0x1a9: {  	[tilespmem:s19+$0x4B00] =	vst.add.f32.msk $0xffff, v2  }
0x1aa: {  	[tilespmem:s19+$0x4B10] =	vst.add.f32.msk $0xffff, v3  }
0x1ab: {  	[tilespmem:s19+$0x4B20] =	vst.add.f32.msk $0xffff, v4  }
0x1ac: {  	[tilespmem:s19+$0x4B30] =	vst.add.f32.msk $0xffff, v1  }
0x1ad: {  	[tilespmem:s19+$0x7D00] =	vst.add.f32.msk $0xffff, v2  }
0x1ae: {  	[tilespmem:s19+$0x7D10] =	vst.add.f32.msk $0xffff, v3  }
0x1af: {  	[tilespmem:s19+$0x7D20] =	vst.add.f32.msk $0xffff, v4  }
0x1b0: {  	[tilespmem:s19+$0x7D30] =	vst.add.f32.msk $0xffff, v1  }
0x1b1: {  	[tilespmem:s19+$0xAF00] =	vst.add.f32.msk $0xffff, v2  }
0x1b2: {  	[tilespmem:s19+$0xAF10] =	vst.add.f32.msk $0xffff, v3  }
0x1b3: {  	[tilespmem:s19+$0xAF20] =	vst.add.f32.msk $0xffff, v4  }
0x1b4: {  	[tilespmem:s19+$0xAF30] =	vst.add.f32.msk $0xffff, v1  }
0x1b5: {  	[tilespmem:s19+$0xE100] =	vst.add.f32.msk $0xffff, v2  }
0x1b6: {  	[tilespmem:s19+$0xE110] =	vst.add.f32.msk $0xffff, v3  }
0x1b7: {  	s16 =	simm.s32 $0x0;
	s17 =	rddreg [dreg:$0xc];
	[tilespmem:s19+$0xE120] =	vst.add.f32.msk $0xffff, v4  }
0x1b8: {  	[hbm4b:s17+s16] =	stream.linear.scatter [tilespmem:s13], [sflag:$0x3], $0x3200, $0x38;
	[tilespmem:$0x1DB00] =	vst v63  }
0x1b9: {  	s19 =	rddreg [dreg:$0xd]  }
0x1ba: {  	[hbm4b:s19+s16] =	stream.linear.scatter [tilespmem:s5], [sflag:$0x3], $0x3200, $0x38;
	[tilespmem:$0x1DB00] =	vst v63  }
0x1bb: {  	s19 =	rddreg [dreg:$0xe]  }
0x1bc: {  	[hbm4b:s19+s16] =	stream.linear.scatter [tilespmem:s18], [sflag:$0x3], $0x3200, $0x38;
	[tilespmem:$0x1DB00] =	vst v63  }
0x1bd: {  	s19 =	rddreg [dreg:$0xf]  }
0x1be: {  	[hbm4b:s19+s16] =	stream.linear.scatter [tilespmem:s7], [sflag:$0x3], $0x3200, $0x38;
	[tilespmem:$0x1DB00] =	vst v63  }
0x1bf: {  	_ =	swait.ge [sflag:s8], $0x3200  }
0x1c0: {  	[sflag:s8] =	ssyncset.done $0x0  }
0x1c1: {  	[sflag:s8] =	ssyncadd.s32 $0xFFFFCE00  }
0x1c2: {  	_ =	swait.ge [sflag:s8], $0x3200  }
0x1c3: {  	[sflag:s8] =	ssyncset.done $0x0  }
0x1c4: {  	[sflag:s8] =	ssyncadd.s32 $0xFFFFCE00  }
0x1c5: {  	_ =	swait.ge [sflag:s8], $0x3200  }
0x1c6: {  	[sflag:s8] =	ssyncset.done $0x0  }
0x1c7: {  	[sflag:s8] =	ssyncadd.s32 $0xFFFFCE00  }
0x1c8: {  	_ =	swait.ge [sflag:s8], $0x3200  }
0x1c9: {  	[sflag:s8] =	ssyncset.done $0x0  }
0x1ca: {  	s19 =	simm.s32 $0xC80;
	[sflag:s8] =	ssyncadd.s32 $0xFFFFCE00  }
0x1cb: {  	[tilespmem:s13], [sflag:$0x1] =	stream.indirect.gather [hbm4b:s3+s12], $0x40, s19, s12, $0xb8;
	[tilespmem:$0x1DB00] =	vst v63  }
0x1cc: {  	s17 =	simm.s32 $0x5F00;
	s19 =	simm.s32 $0xCD0  }
0x1cd: {  	[tilespmem:s17], [sflag:$0x1] =	stream.indirect.gather [hbm4b:s3+s12], $0x40, s19, s12, $0xb8;
	[tilespmem:$0x1DB00] =	vst v63  }
0x1ce: {  	s17 =	simm.s32 $0x7300;
	s19 =	simm.s32 $0xD20  }
0x1cf: {  	[tilespmem:s17], [sflag:$0x1] =	stream.indirect.gather [hbm4b:s3+s12], $0x40, s19, s12, $0xb8;
	[tilespmem:$0x1DB00] =	vst v63  }
0x1d0: {  	s17 =	simm.s32 $0x8700;
	s19 =	simm.s32 $0xD70  }
0x1d1: {  	[tilespmem:s17], [sflag:$0x1] =	stream.indirect.gather [hbm4b:s3+s12], $0x40, s19, s12, $0xb8;
	[tilespmem:$0x1DB00] =	vst v63  }
0x1d2: {  	s17 =	simm.s32 $0x9B00;
	s19 =	simm.s32 $0xDC0  }
0x1d3: {  	[tilespmem:s17], [sflag:$0x1] =	stream.indirect.gather [hbm4b:s3+s12], $0x40, s19, s12, $0xb8;
	[tilespmem:$0x1DB00] =	vst v63  }
0x1d4: {  	s19 =	simm.s32 $0xE10  }
0x1d5: {  	[tilespmem:s18], [sflag:$0x1] =	stream.indirect.gather [hbm4b:s3+s12], $0x40, s19, s12, $0xb8;
	[tilespmem:$0x1DB00] =	vst v63  }
0x1d6: {  	s17 =	simm.s32 $0xC300;
	s19 =	simm.s32 $0xE60  }
0x1d7: {  	[tilespmem:s17], [sflag:$0x1] =	stream.indirect.gather [hbm4b:s3+s12], $0x40, s19, s12, $0xb8;
	[tilespmem:$0x1DB00] =	vst v63  }
0x1d8: {  	s19 =	simm.s32 $0xEB0  }
0x1d9: {  	[tilespmem:s20], [sflag:$0x1] =	stream.indirect.gather [hbm4b:s3+s12], $0x40, s19, s12, $0xb8;
	[tilespmem:$0x1DB00] =	vst v63  }
0x1da: {  	s17 =	simm.s32 $0xF00  }
0x1db: {  	[tilespmem:s21], [sflag:$0x1] =	stream.indirect.gather [hbm4b:s3+s12], $0x40, s17, s12, $0xb8;
	[tilespmem:$0x1DB00] =	vst v63  }
0x1dc: {  	s19 =	simm.s32 $0xF50  }
0x1dd: {  	[tilespmem:s22], [sflag:$0x1] =	stream.indirect.gather [hbm4b:s3+s12], $0x40, s19, s12, $0xb8;
	[tilespmem:$0x1DB00] =	vst v63  }
0x1de: {  	_ =	swait.ge [sflag:s9], $0x1400  }
0x1df: {  	[sflag:s9] =	ssyncset.done $0x0  }
0x1e0: {  	[sflag:s9] =	ssyncadd.s32 $0xFFFFEC00  }
0x1e1: {  	_ =	swait.ge [sflag:s9], $0x1400  }
0x1e2: {  	[sflag:s9] =	ssyncset.done $0x0  }
0x1e3: {  	[sflag:s9] =	ssyncadd.s32 $0xFFFFEC00  }
0x1e4: {  	_ =	swait.ge [sflag:s9], $0x1400  }
0x1e5: {  	[sflag:s9] =	ssyncset.done $0x0  }
0x1e6: {  	[sflag:s9] =	ssyncadd.s32 $0xFFFFEC00  }
0x1e7: {  	_ =	swait.ge [sflag:s9], $0x1400  }
0x1e8: {  	[sflag:s9] =	ssyncset.done $0x0  }
0x1e9: {  	[sflag:s9] =	ssyncadd.s32 $0xFFFFEC00  }
0x1ea: {  	_ =	swait.ge [sflag:s9], $0x1400  }
0x1eb: {  	[sflag:s9] =	ssyncset.done $0x0  }
0x1ec: {  	[sflag:s9] =	ssyncadd.s32 $0xFFFFEC00  }
0x1ed: {  	_ =	swait.ge [sflag:s9], $0x1400  }
0x1ee: {  	[sflag:s9] =	ssyncset.done $0x0  }
0x1ef: {  	[sflag:s9] =	ssyncadd.s32 $0xFFFFEC00  }
0x1f0: {  	_ =	swait.ge [sflag:s9], $0x1400  }
0x1f1: {  	[sflag:s9] =	ssyncset.done $0x0  }
0x1f2: {  	[sflag:s9] =	ssyncadd.s32 $0xFFFFEC00  }
0x1f3: {  	_ =	swait.ge [sflag:s9], $0x1400  }
0x1f4: {  	[sflag:s9] =	ssyncset.done $0x0  }
0x1f5: {  	[sflag:s9] =	ssyncadd.s32 $0xFFFFEC00  }
0x1f6: {  	_ =	swait.ge [sflag:s9], $0x1400  }
0x1f7: {  	[sflag:s9] =	ssyncset.done $0x0  }
0x1f8: {  	[sflag:s9] =	ssyncadd.s32 $0xFFFFEC00  }
0x1f9: {  	_ =	swait.ge [sflag:s9], $0x1400  }
0x1fa: {  	[sflag:s9] =	ssyncset.done $0x0  }
0x1fb: {  	s16 =	simm.s32 $0x0;
	[sflag:s9] =	ssyncadd.s32 $0xFFFFEC00  }
0x1fc: {  	v1 =	vld [tilespmem:s16+$0x1930]  }
0x1fd: {  	v2 =	vld [tilespmem:s16+$0x1900]  }
0x1fe: {  	v3 =	vld [tilespmem:s16+$0x1910]  }
0x1ff: {  	v0 =	vld [tilespmem:s16+$0x1920];
	_ =	sdelay $0x1  }
0x200: {  	[tilespmem:s16+$0x1A930] =	vst.add.f32.msk $0xffff, v1  }
0x201: {  	[tilespmem:s16+$0x11300] =	vst.add.f32.msk $0xffff, v2  }
0x202: {  	[tilespmem:s16+$0x11310] =	vst.add.f32.msk $0xffff, v3  }
0x203: {  	[tilespmem:s16+$0x11320] =	vst.add.f32.msk $0xffff, v0  }
0x204: {  	[tilespmem:s16+$0x11330] =	vst.add.f32.msk $0xffff, v1  }
0x205: {  	[tilespmem:s16+$0x14500] =	vst.add.f32.msk $0xffff, v2  }
0x206: {  	[tilespmem:s16+$0x14510] =	vst.add.f32.msk $0xffff, v3  }
0x207: {  	[tilespmem:s16+$0x14520] =	vst.add.f32.msk $0xffff, v0  }
0x208: {  	[tilespmem:s16+$0x14530] =	vst.add.f32.msk $0xffff, v1  }
0x209: {  	[tilespmem:s16+$0x17700] =	vst.add.f32.msk $0xffff, v2  }
0x20a: {  	[tilespmem:s16+$0x17710] =	vst.add.f32.msk $0xffff, v3  }
0x20b: {  	[tilespmem:s16+$0x17720] =	vst.add.f32.msk $0xffff, v0  }
0x20c: {  	[tilespmem:s16+$0x17730] =	vst.add.f32.msk $0xffff, v1  }
0x20d: {  	[tilespmem:s16+$0x1A900] =	vst.add.f32.msk $0xffff, v2  }
0x20e: {  	s17 =	simm.s32 $0x200;
	s19 =	simm.s32 $0x40;
	[tilespmem:s16+$0x1A910] =	vst.add.f32.msk $0xffff, v3  }
.LBB2_8:
0x20f: {  	p0 =	sne.s32 s17, $0xC700;
	v1 =	vld [tilespmem:s19+$0x1930]  }
0x210: {  	v2 =	vld [tilespmem:s19+$0x1900]  }
0x211: {  	v3 =	vld [tilespmem:s19+$0x1910]  }
0x212: {  	v4 =	vld [tilespmem:s19+$0x1920]  }
0x213: {  	[tilespmem:s16+$0x1A920] =	vst.add.f32.msk $0xffff, v0;
	s16 =	smov.u32 s19  }
0x214: {  	[tilespmem:s16+$0x1A930] =	vst.add.f32.msk $0xffff, v1  }
0x215: {  	[tilespmem:s16+$0x11300] =	vst.add.f32.msk $0xffff, v2  }
0x216: {  	[tilespmem:s16+$0x11310] =	vst.add.f32.msk $0xffff, v3  }
0x217: {  	[tilespmem:s16+$0x11320] =	vst.add.f32.msk $0xffff, v4;
	v0 =	vmov v4  }
0x218: {  	[tilespmem:s16+$0x11330] =	vst.add.f32.msk $0xffff, v1  }
0x219: {  	[tilespmem:s16+$0x14500] =	vst.add.f32.msk $0xffff, v2  }
0x21a: {  	[tilespmem:s16+$0x14510] =	vst.add.f32.msk $0xffff, v3  }
0x21b: {  	[tilespmem:s16+$0x14520] =	vst.add.f32.msk $0xffff, v0  }
0x21c: {  	[tilespmem:s16+$0x14530] =	vst.add.f32.msk $0xffff, v1  }
0x21d: {  	[tilespmem:s16+$0x17700] =	vst.add.f32.msk $0xffff, v2  }
.Ltmp3:
0x21e: {  	[tilespmem:s16+$0x17710] =	vst.add.f32.msk $0xffff, v3;
	(pc) =	sbr.rel @p0 .LBB2_8-.Ltmp3, $4  }
0x21f: {  	[tilespmem:s16+$0x17720] =	vst.add.f32.msk $0xffff, v0  }
0x220: {  	[tilespmem:s16+$0x17730] =	vst.add.f32.msk $0xffff, v1  }
0x221: {  	[tilespmem:s16+$0x1A900] =	vst.add.f32.msk $0xffff, v2  }
0x222: {  	s19 =	sshra.s32 s17, $0x2;
	s17 =	sadd.s32 $0x100, s17;
	[tilespmem:s16+$0x1A910] =	vst.add.f32.msk $0xffff, v3  }
0x223: {  	v1 =	vld [tilespmem:s19+$0x1930]  }
0x224: {  	v2 =	vld [tilespmem:s19+$0x1900]  }
0x225: {  	v3 =	vld [tilespmem:s19+$0x1910]  }
0x226: {  	v4 =	vld [tilespmem:s19+$0x1920]  }
0x227: {  	[tilespmem:s16+$0x1A920] =	vst.add.f32.msk $0xffff, v0  }
0x228: {  	[tilespmem:s19+$0x1A930] =	vst.add.f32.msk $0xffff, v1  }
0x229: {  	[tilespmem:s19+$0x11300] =	vst.add.f32.msk $0xffff, v2  }
0x22a: {  	[tilespmem:s19+$0x11310] =	vst.add.f32.msk $0xffff, v3  }
0x22b: {  	[tilespmem:s19+$0x11320] =	vst.add.f32.msk $0xffff, v4  }
0x22c: {  	[tilespmem:s19+$0x11330] =	vst.add.f32.msk $0xffff, v1  }
0x22d: {  	[tilespmem:s19+$0x14500] =	vst.add.f32.msk $0xffff, v2  }
0x22e: {  	[tilespmem:s19+$0x14510] =	vst.add.f32.msk $0xffff, v3  }
0x22f: {  	[tilespmem:s19+$0x14520] =	vst.add.f32.msk $0xffff, v4  }
0x230: {  	[tilespmem:s19+$0x14530] =	vst.add.f32.msk $0xffff, v1  }
0x231: {  	[tilespmem:s19+$0x17700] =	vst.add.f32.msk $0xffff, v2  }
0x232: {  	[tilespmem:s19+$0x17710] =	vst.add.f32.msk $0xffff, v3  }
0x233: {  	[tilespmem:s19+$0x17720] =	vst.add.f32.msk $0xffff, v4  }
0x234: {  	[tilespmem:s19+$0x17730] =	vst.add.f32.msk $0xffff, v1  }
0x235: {  	[tilespmem:s19+$0x1A900] =	vst.add.f32.msk $0xffff, v2  }
0x236: {  	[tilespmem:s19+$0x1A910] =	vst.add.f32.msk $0xffff, v3  }
0x237: {  	s16 =	simm.s32 $0x0;
	s17 =	rddreg [dreg:$0x10];
	[tilespmem:s19+$0x1A920] =	vst.add.f32.msk $0xffff, v4  }
0x238: {  	[hbm4b:s17+s16] =	stream.linear.scatter [tilespmem:s23], [sflag:$0x4], $0x3200, $0x38;
	[tilespmem:$0x1DB00] =	vst v63  }
0x239: {  	s19 =	rddreg [dreg:$0x11]  }
0x23a: {  	[hbm4b:s19+s16] =	stream.linear.scatter [tilespmem:s10], [sflag:$0x4], $0x3200, $0x38;
	[tilespmem:$0x1DB00] =	vst v63  }
0x23b: {  	s19 =	rddreg [dreg:$0x12]  }
0x23c: {  	[hbm4b:s19+s16] =	stream.linear.scatter [tilespmem:s29], [sflag:$0x4], $0x3200, $0x38;
	[tilespmem:$0x1DB00] =	vst v63  }
0x23d: {  	s19 =	rddreg [dreg:$0x13]  }
0x23e: {  	[hbm4b:s19+s16] =	stream.linear.scatter [tilespmem:s6], [sflag:$0x4], $0x3200, $0x38;
	[tilespmem:$0x1DB00] =	vst v63  }
0x23f: {  	_ =	swait.ge [sflag:s14], $0x3200  }
0x240: {  	[sflag:s14] =	ssyncset.done $0x0  }
0x241: {  	[sflag:s14] =	ssyncadd.s32 $0xFFFFCE00  }
0x242: {  	_ =	swait.ge [sflag:s14], $0x3200  }
0x243: {  	[sflag:s14] =	ssyncset.done $0x0  }
0x244: {  	[sflag:s14] =	ssyncadd.s32 $0xFFFFCE00  }
0x245: {  	_ =	swait.ge [sflag:s14], $0x3200  }
0x246: {  	[sflag:s14] =	ssyncset.done $0x0  }
0x247: {  	[sflag:s14] =	ssyncadd.s32 $0xFFFFCE00  }
0x248: {  	_ =	swait.ge [sflag:s14], $0x3200  }
0x249: {  	[sflag:s14] =	ssyncset.done $0x0  }
0x24a: {  	s17 =	simm.s32 $0xFA0;
	[sflag:s14] =	ssyncadd.s32 $0xFFFFCE00  }
0x24b: {  	[tilespmem:s23], [sflag:$0x2] =	stream.indirect.gather [hbm4b:s3+s12], $0x40, s17, s12, $0xb8;
	[tilespmem:$0x1DB00] =	vst v63  }
0x24c: {  	s19 =	simm.s32 $0xFF0  }
0x24d: {  	[tilespmem:s24], [sflag:$0x2] =	stream.indirect.gather [hbm4b:s3+s12], $0x40, s19, s12, $0xb8;
	[tilespmem:$0x1DB00] =	vst v63  }
0x24e: {  	s17 =	simm.s32 $0x1040  }
0x24f: {  	[tilespmem:s25], [sflag:$0x2] =	stream.indirect.gather [hbm4b:s3+s12], $0x40, s17, s12, $0xb8;
	[tilespmem:$0x1DB00] =	vst v63  }
0x250: {  	s19 =	simm.s32 $0x1090  }
0x251: {  	[tilespmem:s26], [sflag:$0x2] =	stream.indirect.gather [hbm4b:s3+s12], $0x40, s19, s12, $0xb8;
	[tilespmem:$0x1DB00] =	vst v63  }
0x252: {  	s17 =	simm.s32 $0x10E0  }
0x253: {  	[tilespmem:s28], [sflag:$0x2] =	stream.indirect.gather [hbm4b:s3+s12], $0x40, s17, s12, $0xb8;
	[tilespmem:$0x1DB00] =	vst v63  }
0x254: {  	s19 =	simm.s32 $0x1130  }
0x255: {  	[tilespmem:s29], [sflag:$0x2] =	stream.indirect.gather [hbm4b:s3+s12], $0x40, s19, s12, $0xb8;
	[tilespmem:$0x1DB00] =	vst v63  }
0x256: {  	s17 =	simm.s32 $0x1180  }
0x257: {  	[tilespmem:s30], [sflag:$0x2] =	stream.indirect.gather [hbm4b:s3+s12], $0x40, s17, s12, $0xb8;
	[tilespmem:$0x1DB00] =	vst v63  }
0x258: {  	s19 =	simm.s32 $0x11D0  }
0x259: {  	[tilespmem:s31], [sflag:$0x2] =	stream.indirect.gather [hbm4b:s3+s12], $0x40, s19, s12, $0xb8;
	[tilespmem:$0x1DB00] =	vst v63  }
0x25a: {  	s17 =	simm.s32 $0x1220  }
0x25b: {  	[tilespmem:s1], [sflag:$0x2] =	stream.indirect.gather [hbm4b:s3+s12], $0x40, s17, s12, $0xb8;
	[tilespmem:$0x1DB00] =	vst v63  }
0x25c: {  	s19 =	simm.s32 $0x1270  }
0x25d: {  	[tilespmem:s0], [sflag:$0x2] =	stream.indirect.gather [hbm4b:s3+s12], $0x40, s19, s12, $0xb8;
	[tilespmem:$0x1DB00] =	vst v63  }
0x25e: {  	_ =	swait.ge [sflag:s4], $0x1400  }
0x25f: {  	[sflag:s4] =	ssyncset.done $0x0  }
0x260: {  	[sflag:s4] =	ssyncadd.s32 $0xFFFFEC00  }
0x261: {  	_ =	swait.ge [sflag:s4], $0x1400  }
0x262: {  	[sflag:s4] =	ssyncset.done $0x0  }
0x263: {  	[sflag:s4] =	ssyncadd.s32 $0xFFFFEC00  }
0x264: {  	_ =	swait.ge [sflag:s4], $0x1400  }
0x265: {  	[sflag:s4] =	ssyncset.done $0x0  }
0x266: {  	[sflag:s4] =	ssyncadd.s32 $0xFFFFEC00  }
0x267: {  	_ =	swait.ge [sflag:s4], $0x1400  }
0x268: {  	[sflag:s4] =	ssyncset.done $0x0  }
0x269: {  	[sflag:s4] =	ssyncadd.s32 $0xFFFFEC00  }
0x26a: {  	_ =	swait.ge [sflag:s4], $0x1400  }
0x26b: {  	[sflag:s4] =	ssyncset.done $0x0  }
0x26c: {  	[sflag:s4] =	ssyncadd.s32 $0xFFFFEC00  }
0x26d: {  	_ =	swait.ge [sflag:s4], $0x1400  }
0x26e: {  	[sflag:s4] =	ssyncset.done $0x0  }
0x26f: {  	[sflag:s4] =	ssyncadd.s32 $0xFFFFEC00  }
0x270: {  	_ =	swait.ge [sflag:s4], $0x1400  }
0x271: {  	[sflag:s4] =	ssyncset.done $0x0  }
0x272: {  	[sflag:s4] =	ssyncadd.s32 $0xFFFFEC00  }
0x273: {  	_ =	swait.ge [sflag:s4], $0x1400  }
0x274: {  	[sflag:s4] =	ssyncset.done $0x0  }
0x275: {  	[sflag:s4] =	ssyncadd.s32 $0xFFFFEC00  }
0x276: {  	_ =	swait.ge [sflag:s4], $0x1400  }
0x277: {  	[sflag:s4] =	ssyncset.done $0x0  }
0x278: {  	[sflag:s4] =	ssyncadd.s32 $0xFFFFEC00  }
0x279: {  	_ =	swait.ge [sflag:s4], $0x1400  }
0x27a: {  	[sflag:s4] =	ssyncset.done $0x0  }
0x27b: {  	s16 =	simm.s32 $0x0;
	[sflag:s4] =	ssyncadd.s32 $0xFFFFEC00  }
0x27c: {  	v1 =	vld [tilespmem:s16+$0x1930]  }
0x27d: {  	v2 =	vld [tilespmem:s16+$0x1900]  }
0x27e: {  	v3 =	vld [tilespmem:s16+$0x1910]  }
0x27f: {  	v0 =	vld [tilespmem:s16+$0x1920];
	_ =	sdelay $0x1  }
0x280: {  	[tilespmem:s16+$0xE130] =	vst.add.f32.msk $0xffff, v1  }
0x281: {  	[tilespmem:s16+$0x4B00] =	vst.add.f32.msk $0xffff, v2  }
0x282: {  	[tilespmem:s16+$0x4B10] =	vst.add.f32.msk $0xffff, v3  }
0x283: {  	[tilespmem:s16+$0x4B20] =	vst.add.f32.msk $0xffff, v0  }
0x284: {  	[tilespmem:s16+$0x4B30] =	vst.add.f32.msk $0xffff, v1  }
0x285: {  	[tilespmem:s16+$0x7D00] =	vst.add.f32.msk $0xffff, v2  }
0x286: {  	[tilespmem:s16+$0x7D10] =	vst.add.f32.msk $0xffff, v3  }
0x287: {  	[tilespmem:s16+$0x7D20] =	vst.add.f32.msk $0xffff, v0  }
0x288: {  	[tilespmem:s16+$0x7D30] =	vst.add.f32.msk $0xffff, v1  }
0x289: {  	[tilespmem:s16+$0xAF00] =	vst.add.f32.msk $0xffff, v2  }
0x28a: {  	[tilespmem:s16+$0xAF10] =	vst.add.f32.msk $0xffff, v3  }
0x28b: {  	[tilespmem:s16+$0xAF20] =	vst.add.f32.msk $0xffff, v0  }
0x28c: {  	[tilespmem:s16+$0xAF30] =	vst.add.f32.msk $0xffff, v1  }
0x28d: {  	[tilespmem:s16+$0xE100] =	vst.add.f32.msk $0xffff, v2  }
0x28e: {  	s17 =	simm.s32 $0x200;
	s19 =	simm.s32 $0x40;
	[tilespmem:s16+$0xE110] =	vst.add.f32.msk $0xffff, v3  }
.LBB2_10:
0x28f: {  	p0 =	sne.s32 s17, $0xC700;
	v1 =	vld [tilespmem:s19+$0x1930]  }
0x290: {  	v2 =	vld [tilespmem:s19+$0x1900]  }
0x291: {  	v3 =	vld [tilespmem:s19+$0x1910]  }
0x292: {  	v4 =	vld [tilespmem:s19+$0x1920]  }
0x293: {  	[tilespmem:s16+$0xE120] =	vst.add.f32.msk $0xffff, v0;
	s16 =	smov.u32 s19  }
0x294: {  	[tilespmem:s16+$0xE130] =	vst.add.f32.msk $0xffff, v1  }
0x295: {  	[tilespmem:s16+$0x4B00] =	vst.add.f32.msk $0xffff, v2  }
0x296: {  	[tilespmem:s16+$0x4B10] =	vst.add.f32.msk $0xffff, v3  }
0x297: {  	[tilespmem:s16+$0x4B20] =	vst.add.f32.msk $0xffff, v4;
	v0 =	vmov v4  }
0x298: {  	[tilespmem:s16+$0x4B30] =	vst.add.f32.msk $0xffff, v1  }
0x299: {  	[tilespmem:s16+$0x7D00] =	vst.add.f32.msk $0xffff, v2  }
0x29a: {  	[tilespmem:s16+$0x7D10] =	vst.add.f32.msk $0xffff, v3  }
0x29b: {  	[tilespmem:s16+$0x7D20] =	vst.add.f32.msk $0xffff, v0  }
0x29c: {  	[tilespmem:s16+$0x7D30] =	vst.add.f32.msk $0xffff, v1  }
0x29d: {  	[tilespmem:s16+$0xAF00] =	vst.add.f32.msk $0xffff, v2  }
.Ltmp4:
0x29e: {  	[tilespmem:s16+$0xAF10] =	vst.add.f32.msk $0xffff, v3;
	(pc) =	sbr.rel @p0 .LBB2_10-.Ltmp4, $4  }
0x29f: {  	[tilespmem:s16+$0xAF20] =	vst.add.f32.msk $0xffff, v0  }
0x2a0: {  	[tilespmem:s16+$0xAF30] =	vst.add.f32.msk $0xffff, v1  }
0x2a1: {  	[tilespmem:s16+$0xE100] =	vst.add.f32.msk $0xffff, v2  }
0x2a2: {  	s19 =	sshra.s32 s17, $0x2;
	s17 =	sadd.s32 $0x100, s17;
	[tilespmem:s16+$0xE110] =	vst.add.f32.msk $0xffff, v3  }
0x2a3: {  	v1 =	vld [tilespmem:s19+$0x1930]  }
0x2a4: {  	v2 =	vld [tilespmem:s19+$0x1900]  }
0x2a5: {  	v3 =	vld [tilespmem:s19+$0x1910]  }
0x2a6: {  	v4 =	vld [tilespmem:s19+$0x1920]  }
0x2a7: {  	[tilespmem:s16+$0xE120] =	vst.add.f32.msk $0xffff, v0  }
0x2a8: {  	[tilespmem:s19+$0xE130] =	vst.add.f32.msk $0xffff, v1  }
0x2a9: {  	[tilespmem:s19+$0x4B00] =	vst.add.f32.msk $0xffff, v2  }
0x2aa: {  	[tilespmem:s19+$0x4B10] =	vst.add.f32.msk $0xffff, v3  }
0x2ab: {  	[tilespmem:s19+$0x4B20] =	vst.add.f32.msk $0xffff, v4  }
0x2ac: {  	[tilespmem:s19+$0x4B30] =	vst.add.f32.msk $0xffff, v1  }
0x2ad: {  	[tilespmem:s19+$0x7D00] =	vst.add.f32.msk $0xffff, v2  }
0x2ae: {  	[tilespmem:s19+$0x7D10] =	vst.add.f32.msk $0xffff, v3  }
0x2af: {  	[tilespmem:s19+$0x7D20] =	vst.add.f32.msk $0xffff, v4  }
0x2b0: {  	[tilespmem:s19+$0x7D30] =	vst.add.f32.msk $0xffff, v1  }
0x2b1: {  	[tilespmem:s19+$0xAF00] =	vst.add.f32.msk $0xffff, v2  }
0x2b2: {  	[tilespmem:s19+$0xAF10] =	vst.add.f32.msk $0xffff, v3  }
0x2b3: {  	[tilespmem:s19+$0xAF20] =	vst.add.f32.msk $0xffff, v4  }
0x2b4: {  	[tilespmem:s19+$0xAF30] =	vst.add.f32.msk $0xffff, v1  }
0x2b5: {  	[tilespmem:s19+$0xE100] =	vst.add.f32.msk $0xffff, v2  }
0x2b6: {  	[tilespmem:s19+$0xE110] =	vst.add.f32.msk $0xffff, v3  }
0x2b7: {  	s16 =	simm.s32 $0x0;
	s17 =	rddreg [dreg:$0x14];
	[tilespmem:s19+$0xE120] =	vst.add.f32.msk $0xffff, v4  }
0x2b8: {  	[hbm4b:s17+s16] =	stream.linear.scatter [tilespmem:s13], [sflag:$0x3], $0x3200, $0x38;
	[tilespmem:$0x1DB00] =	vst v63  }
0x2b9: {  	s19 =	rddreg [dreg:$0x15]  }
0x2ba: {  	[hbm4b:s19+s16] =	stream.linear.scatter [tilespmem:s5], [sflag:$0x3], $0x3200, $0x38;
	[tilespmem:$0x1DB00] =	vst v63  }
0x2bb: {  	s19 =	rddreg [dreg:$0x16]  }
0x2bc: {  	[hbm4b:s19+s16] =	stream.linear.scatter [tilespmem:s18], [sflag:$0x3], $0x3200, $0x38;
	[tilespmem:$0x1DB00] =	vst v63  }
0x2bd: {  	s19 =	rddreg [dreg:$0x17]  }
0x2be: {  	[hbm4b:s19+s16] =	stream.linear.scatter [tilespmem:s7], [sflag:$0x3], $0x3200, $0x38;
	[tilespmem:$0x1DB00] =	vst v63  }
0x2bf: {  	_ =	swait.ge [sflag:s8], $0x3200  }
0x2c0: {  	[sflag:s8] =	ssyncset.done $0x0  }
0x2c1: {  	[sflag:s8] =	ssyncadd.s32 $0xFFFFCE00  }
0x2c2: {  	_ =	swait.ge [sflag:s8], $0x3200  }
0x2c3: {  	[sflag:s8] =	ssyncset.done $0x0  }
0x2c4: {  	[sflag:s8] =	ssyncadd.s32 $0xFFFFCE00  }
0x2c5: {  	_ =	swait.ge [sflag:s8], $0x3200  }
0x2c6: {  	[sflag:s8] =	ssyncset.done $0x0  }
0x2c7: {  	[sflag:s8] =	ssyncadd.s32 $0xFFFFCE00  }
0x2c8: {  	_ =	swait.ge [sflag:s8], $0x3200  }
0x2c9: {  	[sflag:s8] =	ssyncset.done $0x0  }
0x2ca: {  	s19 =	simm.s32 $0x12C0;
	[sflag:s8] =	ssyncadd.s32 $0xFFFFCE00  }
0x2cb: {  	[tilespmem:s13], [sflag:$0x1] =	stream.indirect.gather [hbm4b:s3+s12], $0x40, s19, s12, $0xb8;
	[tilespmem:$0x1DB00] =	vst v63  }
0x2cc: {  	s17 =	simm.s32 $0x5F00;
	s19 =	simm.s32 $0x1310  }
0x2cd: {  	[tilespmem:s17], [sflag:$0x1] =	stream.indirect.gather [hbm4b:s3+s12], $0x40, s19, s12, $0xb8;
	[tilespmem:$0x1DB00] =	vst v63  }
0x2ce: {  	s17 =	simm.s32 $0x7300;
	s19 =	simm.s32 $0x1360  }
0x2cf: {  	[tilespmem:s17], [sflag:$0x1] =	stream.indirect.gather [hbm4b:s3+s12], $0x40, s19, s12, $0xb8;
	[tilespmem:$0x1DB00] =	vst v63  }
0x2d0: {  	s17 =	simm.s32 $0x8700;
	s19 =	simm.s32 $0x13B0  }
0x2d1: {  	[tilespmem:s17], [sflag:$0x1] =	stream.indirect.gather [hbm4b:s3+s12], $0x40, s19, s12, $0xb8;
	[tilespmem:$0x1DB00] =	vst v63  }
0x2d2: {  	s17 =	simm.s32 $0x9B00;
	s19 =	simm.s32 $0x1400  }
0x2d3: {  	[tilespmem:s17], [sflag:$0x1] =	stream.indirect.gather [hbm4b:s3+s12], $0x40, s19, s12, $0xb8;
	[tilespmem:$0x1DB00] =	vst v63  }
0x2d4: {  	s19 =	simm.s32 $0x1450  }
0x2d5: {  	[tilespmem:s18], [sflag:$0x1] =	stream.indirect.gather [hbm4b:s3+s12], $0x40, s19, s12, $0xb8;
	[tilespmem:$0x1DB00] =	vst v63  }
0x2d6: {  	s17 =	simm.s32 $0xC300;
	s19 =	simm.s32 $0x14A0  }
0x2d7: {  	[tilespmem:s17], [sflag:$0x1] =	stream.indirect.gather [hbm4b:s3+s12], $0x40, s19, s12, $0xb8;
	[tilespmem:$0x1DB00] =	vst v63  }
0x2d8: {  	s19 =	simm.s32 $0x14F0  }
0x2d9: {  	[tilespmem:s20], [sflag:$0x1] =	stream.indirect.gather [hbm4b:s3+s12], $0x40, s19, s12, $0xb8;
	[tilespmem:$0x1DB00] =	vst v63  }
0x2da: {  	s17 =	simm.s32 $0x1540  }
0x2db: {  	[tilespmem:s21], [sflag:$0x1] =	stream.indirect.gather [hbm4b:s3+s12], $0x40, s17, s12, $0xb8;
	[tilespmem:$0x1DB00] =	vst v63  }
0x2dc: {  	s19 =	simm.s32 $0x1590  }
0x2dd: {  	[tilespmem:s22], [sflag:$0x1] =	stream.indirect.gather [hbm4b:s3+s12], $0x40, s19, s12, $0xb8;
	[tilespmem:$0x1DB00] =	vst v63  }
0x2de: {  	_ =	swait.ge [sflag:s9], $0x1400  }
0x2df: {  	[sflag:s9] =	ssyncset.done $0x0  }
0x2e0: {  	[sflag:s9] =	ssyncadd.s32 $0xFFFFEC00  }
0x2e1: {  	_ =	swait.ge [sflag:s9], $0x1400  }
0x2e2: {  	[sflag:s9] =	ssyncset.done $0x0  }
0x2e3: {  	[sflag:s9] =	ssyncadd.s32 $0xFFFFEC00  }
0x2e4: {  	_ =	swait.ge [sflag:s9], $0x1400  }
0x2e5: {  	[sflag:s9] =	ssyncset.done $0x0  }
0x2e6: {  	[sflag:s9] =	ssyncadd.s32 $0xFFFFEC00  }
0x2e7: {  	_ =	swait.ge [sflag:s9], $0x1400  }
0x2e8: {  	[sflag:s9] =	ssyncset.done $0x0  }
0x2e9: {  	[sflag:s9] =	ssyncadd.s32 $0xFFFFEC00  }
0x2ea: {  	_ =	swait.ge [sflag:s9], $0x1400  }
0x2eb: {  	[sflag:s9] =	ssyncset.done $0x0  }
0x2ec: {  	[sflag:s9] =	ssyncadd.s32 $0xFFFFEC00  }
0x2ed: {  	_ =	swait.ge [sflag:s9], $0x1400  }
0x2ee: {  	[sflag:s9] =	ssyncset.done $0x0  }
0x2ef: {  	[sflag:s9] =	ssyncadd.s32 $0xFFFFEC00  }
0x2f0: {  	_ =	swait.ge [sflag:s9], $0x1400  }
0x2f1: {  	[sflag:s9] =	ssyncset.done $0x0  }
0x2f2: {  	[sflag:s9] =	ssyncadd.s32 $0xFFFFEC00  }
0x2f3: {  	_ =	swait.ge [sflag:s9], $0x1400  }
0x2f4: {  	[sflag:s9] =	ssyncset.done $0x0  }
0x2f5: {  	[sflag:s9] =	ssyncadd.s32 $0xFFFFEC00  }
0x2f6: {  	_ =	swait.ge [sflag:s9], $0x1400  }
0x2f7: {  	[sflag:s9] =	ssyncset.done $0x0  }
0x2f8: {  	[sflag:s9] =	ssyncadd.s32 $0xFFFFEC00  }
0x2f9: {  	_ =	swait.ge [sflag:s9], $0x1400  }
0x2fa: {  	[sflag:s9] =	ssyncset.done $0x0  }
0x2fb: {  	s16 =	simm.s32 $0x0;
	[sflag:s9] =	ssyncadd.s32 $0xFFFFEC00  }
0x2fc: {  	v1 =	vld [tilespmem:s16+$0x1930]  }
0x2fd: {  	v2 =	vld [tilespmem:s16+$0x1900]  }
0x2fe: {  	v3 =	vld [tilespmem:s16+$0x1910]  }
0x2ff: {  	v0 =	vld [tilespmem:s16+$0x1920];
	_ =	sdelay $0x1  }
0x300: {  	[tilespmem:s16+$0x1A930] =	vst.add.f32.msk $0xffff, v1  }
0x301: {  	[tilespmem:s16+$0x11300] =	vst.add.f32.msk $0xffff, v2  }
0x302: {  	[tilespmem:s16+$0x11310] =	vst.add.f32.msk $0xffff, v3  }
0x303: {  	[tilespmem:s16+$0x11320] =	vst.add.f32.msk $0xffff, v0  }
0x304: {  	[tilespmem:s16+$0x11330] =	vst.add.f32.msk $0xffff, v1  }
0x305: {  	[tilespmem:s16+$0x14500] =	vst.add.f32.msk $0xffff, v2  }
0x306: {  	[tilespmem:s16+$0x14510] =	vst.add.f32.msk $0xffff, v3  }
0x307: {  	[tilespmem:s16+$0x14520] =	vst.add.f32.msk $0xffff, v0  }
0x308: {  	[tilespmem:s16+$0x14530] =	vst.add.f32.msk $0xffff, v1  }
0x309: {  	[tilespmem:s16+$0x17700] =	vst.add.f32.msk $0xffff, v2  }
0x30a: {  	[tilespmem:s16+$0x17710] =	vst.add.f32.msk $0xffff, v3  }
0x30b: {  	[tilespmem:s16+$0x17720] =	vst.add.f32.msk $0xffff, v0  }
0x30c: {  	[tilespmem:s16+$0x17730] =	vst.add.f32.msk $0xffff, v1  }
0x30d: {  	[tilespmem:s16+$0x1A900] =	vst.add.f32.msk $0xffff, v2  }
0x30e: {  	s17 =	simm.s32 $0x200;
	s19 =	simm.s32 $0x40;
	[tilespmem:s16+$0x1A910] =	vst.add.f32.msk $0xffff, v3  }
.LBB2_12:
0x30f: {  	p0 =	sne.s32 s17, $0xC700;
	v1 =	vld [tilespmem:s19+$0x1930]  }
0x310: {  	v2 =	vld [tilespmem:s19+$0x1900]  }
0x311: {  	v3 =	vld [tilespmem:s19+$0x1910]  }
0x312: {  	v4 =	vld [tilespmem:s19+$0x1920]  }
0x313: {  	[tilespmem:s16+$0x1A920] =	vst.add.f32.msk $0xffff, v0;
	s16 =	smov.u32 s19  }
0x314: {  	[tilespmem:s16+$0x1A930] =	vst.add.f32.msk $0xffff, v1  }
0x315: {  	[tilespmem:s16+$0x11300] =	vst.add.f32.msk $0xffff, v2  }
0x316: {  	[tilespmem:s16+$0x11310] =	vst.add.f32.msk $0xffff, v3  }
0x317: {  	[tilespmem:s16+$0x11320] =	vst.add.f32.msk $0xffff, v4;
	v0 =	vmov v4  }
0x318: {  	[tilespmem:s16+$0x11330] =	vst.add.f32.msk $0xffff, v1  }
0x319: {  	[tilespmem:s16+$0x14500] =	vst.add.f32.msk $0xffff, v2  }
0x31a: {  	[tilespmem:s16+$0x14510] =	vst.add.f32.msk $0xffff, v3  }
0x31b: {  	[tilespmem:s16+$0x14520] =	vst.add.f32.msk $0xffff, v0  }
0x31c: {  	[tilespmem:s16+$0x14530] =	vst.add.f32.msk $0xffff, v1  }
0x31d: {  	[tilespmem:s16+$0x17700] =	vst.add.f32.msk $0xffff, v2  }
.Ltmp5:
0x31e: {  	[tilespmem:s16+$0x17710] =	vst.add.f32.msk $0xffff, v3;
	(pc) =	sbr.rel @p0 .LBB2_12-.Ltmp5, $4  }
0x31f: {  	[tilespmem:s16+$0x17720] =	vst.add.f32.msk $0xffff, v0  }
0x320: {  	[tilespmem:s16+$0x17730] =	vst.add.f32.msk $0xffff, v1  }
0x321: {  	[tilespmem:s16+$0x1A900] =	vst.add.f32.msk $0xffff, v2  }
0x322: {  	s19 =	sshra.s32 s17, $0x2;
	s17 =	sadd.s32 $0x100, s17;
	[tilespmem:s16+$0x1A910] =	vst.add.f32.msk $0xffff, v3  }
0x323: {  	v1 =	vld [tilespmem:s19+$0x1930]  }
0x324: {  	v2 =	vld [tilespmem:s19+$0x1900]  }
0x325: {  	v3 =	vld [tilespmem:s19+$0x1910]  }
0x326: {  	v4 =	vld [tilespmem:s19+$0x1920]  }
0x327: {  	[tilespmem:s16+$0x1A920] =	vst.add.f32.msk $0xffff, v0  }
0x328: {  	[tilespmem:s19+$0x1A930] =	vst.add.f32.msk $0xffff, v1  }
0x329: {  	[tilespmem:s19+$0x11300] =	vst.add.f32.msk $0xffff, v2  }
0x32a: {  	[tilespmem:s19+$0x11310] =	vst.add.f32.msk $0xffff, v3  }
0x32b: {  	[tilespmem:s19+$0x11320] =	vst.add.f32.msk $0xffff, v4  }
0x32c: {  	[tilespmem:s19+$0x11330] =	vst.add.f32.msk $0xffff, v1  }
0x32d: {  	[tilespmem:s19+$0x14500] =	vst.add.f32.msk $0xffff, v2  }
0x32e: {  	[tilespmem:s19+$0x14510] =	vst.add.f32.msk $0xffff, v3  }
0x32f: {  	[tilespmem:s19+$0x14520] =	vst.add.f32.msk $0xffff, v4  }
0x330: {  	[tilespmem:s19+$0x14530] =	vst.add.f32.msk $0xffff, v1  }
0x331: {  	[tilespmem:s19+$0x17700] =	vst.add.f32.msk $0xffff, v2  }
0x332: {  	[tilespmem:s19+$0x17710] =	vst.add.f32.msk $0xffff, v3  }
0x333: {  	[tilespmem:s19+$0x17720] =	vst.add.f32.msk $0xffff, v4  }
0x334: {  	[tilespmem:s19+$0x17730] =	vst.add.f32.msk $0xffff, v1  }
0x335: {  	[tilespmem:s19+$0x1A900] =	vst.add.f32.msk $0xffff, v2  }
0x336: {  	[tilespmem:s19+$0x1A910] =	vst.add.f32.msk $0xffff, v3  }
0x337: {  	s16 =	simm.s32 $0x0;
	s17 =	rddreg [dreg:$0x18];
	[tilespmem:s19+$0x1A920] =	vst.add.f32.msk $0xffff, v4  }
0x338: {  	[hbm4b:s17+s16] =	stream.linear.scatter [tilespmem:s23], [sflag:$0x4], $0x3200, $0x38;
	[tilespmem:$0x1DB00] =	vst v63  }
0x339: {  	s19 =	rddreg [dreg:$0x19]  }
0x33a: {  	[hbm4b:s19+s16] =	stream.linear.scatter [tilespmem:s10], [sflag:$0x4], $0x3200, $0x38;
	[tilespmem:$0x1DB00] =	vst v63  }
0x33b: {  	s19 =	rddreg [dreg:$0x1a]  }
0x33c: {  	[hbm4b:s19+s16] =	stream.linear.scatter [tilespmem:s29], [sflag:$0x4], $0x3200, $0x38;
	[tilespmem:$0x1DB00] =	vst v63  }
0x33d: {  	s19 =	rddreg [dreg:$0x1b]  }
0x33e: {  	[hbm4b:s19+s16] =	stream.linear.scatter [tilespmem:s6], [sflag:$0x4], $0x3200, $0x38;
	[tilespmem:$0x1DB00] =	vst v63  }
0x33f: {  	_ =	swait.ge [sflag:s14], $0x3200  }
0x340: {  	[sflag:s14] =	ssyncset.done $0x0  }
0x341: {  	[sflag:s14] =	ssyncadd.s32 $0xFFFFCE00  }
0x342: {  	_ =	swait.ge [sflag:s14], $0x3200  }
0x343: {  	[sflag:s14] =	ssyncset.done $0x0  }
0x344: {  	[sflag:s14] =	ssyncadd.s32 $0xFFFFCE00  }
0x345: {  	_ =	swait.ge [sflag:s14], $0x3200  }
0x346: {  	[sflag:s14] =	ssyncset.done $0x0  }
0x347: {  	[sflag:s14] =	ssyncadd.s32 $0xFFFFCE00  }
0x348: {  	_ =	swait.ge [sflag:s14], $0x3200  }
0x349: {  	[sflag:s14] =	ssyncset.done $0x0  }
0x34a: {  	s17 =	simm.s32 $0x15E0;
	[sflag:s14] =	ssyncadd.s32 $0xFFFFCE00  }
0x34b: {  	[tilespmem:s23], [sflag:$0x2] =	stream.indirect.gather [hbm4b:s3+s12], $0x40, s17, s12, $0xb8;
	[tilespmem:$0x1DB00] =	vst v63  }
0x34c: {  	s19 =	simm.s32 $0x1630  }
0x34d: {  	[tilespmem:s24], [sflag:$0x2] =	stream.indirect.gather [hbm4b:s3+s12], $0x40, s19, s12, $0xb8;
	[tilespmem:$0x1DB00] =	vst v63  }
0x34e: {  	s17 =	simm.s32 $0x1680  }
0x34f: {  	[tilespmem:s25], [sflag:$0x2] =	stream.indirect.gather [hbm4b:s3+s12], $0x40, s17, s12, $0xb8;
	[tilespmem:$0x1DB00] =	vst v63  }
0x350: {  	s19 =	simm.s32 $0x16D0  }
0x351: {  	[tilespmem:s26], [sflag:$0x2] =	stream.indirect.gather [hbm4b:s3+s12], $0x40, s19, s12, $0xb8;
	[tilespmem:$0x1DB00] =	vst v63  }
0x352: {  	s17 =	simm.s32 $0x1720  }
0x353: {  	[tilespmem:s28], [sflag:$0x2] =	stream.indirect.gather [hbm4b:s3+s12], $0x40, s17, s12, $0xb8;
	[tilespmem:$0x1DB00] =	vst v63  }
0x354: {  	s19 =	simm.s32 $0x1770  }
0x355: {  	[tilespmem:s29], [sflag:$0x2] =	stream.indirect.gather [hbm4b:s3+s12], $0x40, s19, s12, $0xb8;
	[tilespmem:$0x1DB00] =	vst v63  }
0x356: {  	s17 =	simm.s32 $0x17C0  }
0x357: {  	[tilespmem:s30], [sflag:$0x2] =	stream.indirect.gather [hbm4b:s3+s12], $0x40, s17, s12, $0xb8;
	[tilespmem:$0x1DB00] =	vst v63  }
0x358: {  	s19 =	simm.s32 $0x1810  }
0x359: {  	[tilespmem:s31], [sflag:$0x2] =	stream.indirect.gather [hbm4b:s3+s12], $0x40, s19, s12, $0xb8;
	[tilespmem:$0x1DB00] =	vst v63  }
0x35a: {  	s17 =	simm.s32 $0x1860  }
0x35b: {  	[tilespmem:s1], [sflag:$0x2] =	stream.indirect.gather [hbm4b:s3+s12], $0x40, s17, s12, $0xb8;
	[tilespmem:$0x1DB00] =	vst v63  }
0x35c: {  	s19 =	simm.s32 $0x18B0  }
0x35d: {  	[tilespmem:s0], [sflag:$0x2] =	stream.indirect.gather [hbm4b:s3+s12], $0x40, s19, s12, $0xb8;
	[tilespmem:$0x1DB00] =	vst v63  }
0x35e: {  	_ =	swait.ge [sflag:s4], $0x1400  }
0x35f: {  	[sflag:s4] =	ssyncset.done $0x0  }
0x360: {  	[sflag:s4] =	ssyncadd.s32 $0xFFFFEC00  }
0x361: {  	_ =	swait.ge [sflag:s4], $0x1400  }
0x362: {  	[sflag:s4] =	ssyncset.done $0x0  }
0x363: {  	[sflag:s4] =	ssyncadd.s32 $0xFFFFEC00  }
0x364: {  	_ =	swait.ge [sflag:s4], $0x1400  }
0x365: {  	[sflag:s4] =	ssyncset.done $0x0  }
0x366: {  	[sflag:s4] =	ssyncadd.s32 $0xFFFFEC00  }
0x367: {  	_ =	swait.ge [sflag:s4], $0x1400  }
0x368: {  	[sflag:s4] =	ssyncset.done $0x0  }
0x369: {  	[sflag:s4] =	ssyncadd.s32 $0xFFFFEC00  }
0x36a: {  	_ =	swait.ge [sflag:s4], $0x1400  }
0x36b: {  	[sflag:s4] =	ssyncset.done $0x0  }
0x36c: {  	[sflag:s4] =	ssyncadd.s32 $0xFFFFEC00  }
0x36d: {  	_ =	swait.ge [sflag:s4], $0x1400  }
0x36e: {  	[sflag:s4] =	ssyncset.done $0x0  }
0x36f: {  	[sflag:s4] =	ssyncadd.s32 $0xFFFFEC00  }
0x370: {  	_ =	swait.ge [sflag:s4], $0x1400  }
0x371: {  	[sflag:s4] =	ssyncset.done $0x0  }
0x372: {  	[sflag:s4] =	ssyncadd.s32 $0xFFFFEC00  }
0x373: {  	_ =	swait.ge [sflag:s4], $0x1400  }
0x374: {  	[sflag:s4] =	ssyncset.done $0x0  }
0x375: {  	[sflag:s4] =	ssyncadd.s32 $0xFFFFEC00  }
0x376: {  	_ =	swait.ge [sflag:s4], $0x1400  }
0x377: {  	[sflag:s4] =	ssyncset.done $0x0  }
0x378: {  	[sflag:s4] =	ssyncadd.s32 $0xFFFFEC00  }
0x379: {  	_ =	swait.ge [sflag:s4], $0x1400  }
0x37a: {  	[sflag:s4] =	ssyncset.done $0x0  }
0x37b: {  	s16 =	simm.s32 $0x0;
	[sflag:s4] =	ssyncadd.s32 $0xFFFFEC00  }
0x37c: {  	v1 =	vld [tilespmem:s16+$0x1930]  }
0x37d: {  	v2 =	vld [tilespmem:s16+$0x1900]  }
0x37e: {  	v3 =	vld [tilespmem:s16+$0x1910]  }
0x37f: {  	v0 =	vld [tilespmem:s16+$0x1920];
	_ =	sdelay $0x1  }
0x380: {  	[tilespmem:s16+$0xE130] =	vst.add.f32.msk $0xffff, v1  }
0x381: {  	[tilespmem:s16+$0x4B00] =	vst.add.f32.msk $0xffff, v2  }
0x382: {  	[tilespmem:s16+$0x4B10] =	vst.add.f32.msk $0xffff, v3  }
0x383: {  	[tilespmem:s16+$0x4B20] =	vst.add.f32.msk $0xffff, v0  }
0x384: {  	[tilespmem:s16+$0x4B30] =	vst.add.f32.msk $0xffff, v1  }
0x385: {  	[tilespmem:s16+$0x7D00] =	vst.add.f32.msk $0xffff, v2  }
0x386: {  	[tilespmem:s16+$0x7D10] =	vst.add.f32.msk $0xffff, v3  }
0x387: {  	[tilespmem:s16+$0x7D20] =	vst.add.f32.msk $0xffff, v0  }
0x388: {  	[tilespmem:s16+$0x7D30] =	vst.add.f32.msk $0xffff, v1  }
0x389: {  	[tilespmem:s16+$0xAF00] =	vst.add.f32.msk $0xffff, v2  }
0x38a: {  	[tilespmem:s16+$0xAF10] =	vst.add.f32.msk $0xffff, v3  }
0x38b: {  	[tilespmem:s16+$0xAF20] =	vst.add.f32.msk $0xffff, v0  }
0x38c: {  	[tilespmem:s16+$0xAF30] =	vst.add.f32.msk $0xffff, v1  }
0x38d: {  	[tilespmem:s16+$0xE100] =	vst.add.f32.msk $0xffff, v2  }
0x38e: {  	s17 =	simm.s32 $0x200;
	s19 =	simm.s32 $0x40;
	[tilespmem:s16+$0xE110] =	vst.add.f32.msk $0xffff, v3  }
.LBB2_14:
0x38f: {  	p0 =	sne.s32 s17, $0xC700;
	v1 =	vld [tilespmem:s19+$0x1930]  }
0x390: {  	v2 =	vld [tilespmem:s19+$0x1900]  }
0x391: {  	v3 =	vld [tilespmem:s19+$0x1910]  }
0x392: {  	v4 =	vld [tilespmem:s19+$0x1920]  }
0x393: {  	[tilespmem:s16+$0xE120] =	vst.add.f32.msk $0xffff, v0;
	s16 =	smov.u32 s19  }
0x394: {  	[tilespmem:s16+$0xE130] =	vst.add.f32.msk $0xffff, v1  }
0x395: {  	[tilespmem:s16+$0x4B00] =	vst.add.f32.msk $0xffff, v2  }
0x396: {  	[tilespmem:s16+$0x4B10] =	vst.add.f32.msk $0xffff, v3  }
0x397: {  	[tilespmem:s16+$0x4B20] =	vst.add.f32.msk $0xffff, v4;
	v0 =	vmov v4  }
0x398: {  	[tilespmem:s16+$0x4B30] =	vst.add.f32.msk $0xffff, v1  }
0x399: {  	[tilespmem:s16+$0x7D00] =	vst.add.f32.msk $0xffff, v2  }
0x39a: {  	[tilespmem:s16+$0x7D10] =	vst.add.f32.msk $0xffff, v3  }
0x39b: {  	[tilespmem:s16+$0x7D20] =	vst.add.f32.msk $0xffff, v0  }
0x39c: {  	[tilespmem:s16+$0x7D30] =	vst.add.f32.msk $0xffff, v1  }
0x39d: {  	[tilespmem:s16+$0xAF00] =	vst.add.f32.msk $0xffff, v2  }
.Ltmp6:
0x39e: {  	[tilespmem:s16+$0xAF10] =	vst.add.f32.msk $0xffff, v3;
	(pc) =	sbr.rel @p0 .LBB2_14-.Ltmp6, $4  }
0x39f: {  	[tilespmem:s16+$0xAF20] =	vst.add.f32.msk $0xffff, v0  }
0x3a0: {  	[tilespmem:s16+$0xAF30] =	vst.add.f32.msk $0xffff, v1  }
0x3a1: {  	[tilespmem:s16+$0xE100] =	vst.add.f32.msk $0xffff, v2  }
0x3a2: {  	s19 =	sshra.s32 s17, $0x2;
	s17 =	sadd.s32 $0x100, s17;
	[tilespmem:s16+$0xE110] =	vst.add.f32.msk $0xffff, v3  }
0x3a3: {  	v1 =	vld [tilespmem:s19+$0x1930]  }
0x3a4: {  	v2 =	vld [tilespmem:s19+$0x1900]  }
0x3a5: {  	v3 =	vld [tilespmem:s19+$0x1910]  }
0x3a6: {  	v4 =	vld [tilespmem:s19+$0x1920]  }
0x3a7: {  	[tilespmem:s16+$0xE120] =	vst.add.f32.msk $0xffff, v0  }
0x3a8: {  	[tilespmem:s19+$0xE130] =	vst.add.f32.msk $0xffff, v1  }
0x3a9: {  	[tilespmem:s19+$0x4B00] =	vst.add.f32.msk $0xffff, v2  }
0x3aa: {  	[tilespmem:s19+$0x4B10] =	vst.add.f32.msk $0xffff, v3  }
0x3ab: {  	[tilespmem:s19+$0x4B20] =	vst.add.f32.msk $0xffff, v4  }
0x3ac: {  	[tilespmem:s19+$0x4B30] =	vst.add.f32.msk $0xffff, v1  }
0x3ad: {  	[tilespmem:s19+$0x7D00] =	vst.add.f32.msk $0xffff, v2  }
0x3ae: {  	[tilespmem:s19+$0x7D10] =	vst.add.f32.msk $0xffff, v3  }
0x3af: {  	[tilespmem:s19+$0x7D20] =	vst.add.f32.msk $0xffff, v4  }
0x3b0: {  	[tilespmem:s19+$0x7D30] =	vst.add.f32.msk $0xffff, v1  }
0x3b1: {  	[tilespmem:s19+$0xAF00] =	vst.add.f32.msk $0xffff, v2  }
0x3b2: {  	[tilespmem:s19+$0xAF10] =	vst.add.f32.msk $0xffff, v3  }
0x3b3: {  	[tilespmem:s19+$0xAF20] =	vst.add.f32.msk $0xffff, v4  }
0x3b4: {  	[tilespmem:s19+$0xAF30] =	vst.add.f32.msk $0xffff, v1  }
0x3b5: {  	[tilespmem:s19+$0xE100] =	vst.add.f32.msk $0xffff, v2  }
0x3b6: {  	[tilespmem:s19+$0xE110] =	vst.add.f32.msk $0xffff, v3  }
0x3b7: {  	s16 =	simm.s32 $0x0;
	s17 =	rddreg [dreg:$0x1c];
	[tilespmem:s19+$0xE120] =	vst.add.f32.msk $0xffff, v4  }
0x3b8: {  	[hbm4b:s17+s16] =	stream.linear.scatter [tilespmem:s13], [sflag:$0x3], $0x3200, $0x38;
	[tilespmem:$0x1DB00] =	vst v63  }
0x3b9: {  	s19 =	rddreg [dreg:$0x1d]  }
0x3ba: {  	[hbm4b:s19+s16] =	stream.linear.scatter [tilespmem:s5], [sflag:$0x3], $0x3200, $0x38;
	[tilespmem:$0x1DB00] =	vst v63  }
0x3bb: {  	s19 =	rddreg [dreg:$0x1e]  }
0x3bc: {  	[hbm4b:s19+s16] =	stream.linear.scatter [tilespmem:s18], [sflag:$0x3], $0x3200, $0x38;
	[tilespmem:$0x1DB00] =	vst v63  }
0x3bd: {  	s19 =	rddreg [dreg:$0x1f]  }
0x3be: {  	[hbm4b:s19+s16] =	stream.linear.scatter [tilespmem:s7], [sflag:$0x3], $0x3200, $0x38;
	[tilespmem:$0x1DB00] =	vst v63  }
0x3bf: {  	_ =	swait.ge [sflag:s9], $0x1400  }
0x3c0: {  	[sflag:s9] =	ssyncset.done $0x0  }
0x3c1: {  	[sflag:s9] =	ssyncadd.s32 $0xFFFFEC00  }
0x3c2: {  	_ =	swait.ge [sflag:s9], $0x1400  }
0x3c3: {  	[sflag:s9] =	ssyncset.done $0x0  }
0x3c4: {  	[sflag:s9] =	ssyncadd.s32 $0xFFFFEC00  }
0x3c5: {  	_ =	swait.ge [sflag:s9], $0x1400  }
0x3c6: {  	[sflag:s9] =	ssyncset.done $0x0  }
0x3c7: {  	[sflag:s9] =	ssyncadd.s32 $0xFFFFEC00  }
0x3c8: {  	_ =	swait.ge [sflag:s9], $0x1400  }
0x3c9: {  	[sflag:s9] =	ssyncset.done $0x0  }
0x3ca: {  	[sflag:s9] =	ssyncadd.s32 $0xFFFFEC00  }
0x3cb: {  	_ =	swait.ge [sflag:s9], $0x1400  }
0x3cc: {  	[sflag:s9] =	ssyncset.done $0x0  }
0x3cd: {  	[sflag:s9] =	ssyncadd.s32 $0xFFFFEC00  }
0x3ce: {  	_ =	swait.ge [sflag:s9], $0x1400  }
0x3cf: {  	[sflag:s9] =	ssyncset.done $0x0  }
0x3d0: {  	[sflag:s9] =	ssyncadd.s32 $0xFFFFEC00  }
0x3d1: {  	_ =	swait.ge [sflag:s9], $0x1400  }
0x3d2: {  	[sflag:s9] =	ssyncset.done $0x0  }
0x3d3: {  	[sflag:s9] =	ssyncadd.s32 $0xFFFFEC00  }
0x3d4: {  	_ =	swait.ge [sflag:s9], $0x1400  }
0x3d5: {  	[sflag:s9] =	ssyncset.done $0x0  }
0x3d6: {  	[sflag:s9] =	ssyncadd.s32 $0xFFFFEC00  }
0x3d7: {  	_ =	swait.ge [sflag:s9], $0x1400  }
0x3d8: {  	[sflag:s9] =	ssyncset.done $0x0  }
0x3d9: {  	[sflag:s9] =	ssyncadd.s32 $0xFFFFEC00  }
0x3da: {  	_ =	swait.ge [sflag:s9], $0x1400  }
0x3db: {  	[sflag:s9] =	ssyncset.done $0x0  }
0x3dc: {  	s16 =	simm.s32 $0x0;
	[sflag:s9] =	ssyncadd.s32 $0xFFFFEC00  }
0x3dd: {  	v1 =	vld [tilespmem:s16+$0x1930]  }
0x3de: {  	v2 =	vld [tilespmem:s16+$0x1900]  }
0x3df: {  	v3 =	vld [tilespmem:s16+$0x1910]  }
0x3e0: {  	v0 =	vld [tilespmem:s16+$0x1920];
	_ =	sdelay $0x1  }
0x3e1: {  	[tilespmem:s16+$0x1A930] =	vst.add.f32.msk $0xffff, v1  }
0x3e2: {  	[tilespmem:s16+$0x11300] =	vst.add.f32.msk $0xffff, v2  }
0x3e3: {  	[tilespmem:s16+$0x11310] =	vst.add.f32.msk $0xffff, v3  }
0x3e4: {  	[tilespmem:s16+$0x11320] =	vst.add.f32.msk $0xffff, v0  }
0x3e5: {  	[tilespmem:s16+$0x11330] =	vst.add.f32.msk $0xffff, v1  }
0x3e6: {  	[tilespmem:s16+$0x14500] =	vst.add.f32.msk $0xffff, v2  }
0x3e7: {  	[tilespmem:s16+$0x14510] =	vst.add.f32.msk $0xffff, v3  }
0x3e8: {  	[tilespmem:s16+$0x14520] =	vst.add.f32.msk $0xffff, v0  }
0x3e9: {  	[tilespmem:s16+$0x14530] =	vst.add.f32.msk $0xffff, v1  }
0x3ea: {  	[tilespmem:s16+$0x17700] =	vst.add.f32.msk $0xffff, v2  }
0x3eb: {  	[tilespmem:s16+$0x17710] =	vst.add.f32.msk $0xffff, v3  }
0x3ec: {  	[tilespmem:s16+$0x17720] =	vst.add.f32.msk $0xffff, v0  }
0x3ed: {  	[tilespmem:s16+$0x17730] =	vst.add.f32.msk $0xffff, v1  }
0x3ee: {  	[tilespmem:s16+$0x1A900] =	vst.add.f32.msk $0xffff, v2  }
0x3ef: {  	s17 =	simm.s32 $0x200;
	s19 =	simm.s32 $0x40;
	[tilespmem:s16+$0x1A910] =	vst.add.f32.msk $0xffff, v3  }
.LBB2_16:
0x3f0: {  	p0 =	sne.s32 s17, $0xC700;
	v1 =	vld [tilespmem:s19+$0x1930]  }
0x3f1: {  	v2 =	vld [tilespmem:s19+$0x1900]  }
0x3f2: {  	v3 =	vld [tilespmem:s19+$0x1910]  }
0x3f3: {  	v4 =	vld [tilespmem:s19+$0x1920]  }
0x3f4: {  	[tilespmem:s16+$0x1A920] =	vst.add.f32.msk $0xffff, v0;
	s16 =	smov.u32 s19  }
0x3f5: {  	[tilespmem:s16+$0x1A930] =	vst.add.f32.msk $0xffff, v1  }
0x3f6: {  	[tilespmem:s16+$0x11300] =	vst.add.f32.msk $0xffff, v2  }
0x3f7: {  	[tilespmem:s16+$0x11310] =	vst.add.f32.msk $0xffff, v3  }
0x3f8: {  	[tilespmem:s16+$0x11320] =	vst.add.f32.msk $0xffff, v4;
	v0 =	vmov v4  }
0x3f9: {  	[tilespmem:s16+$0x11330] =	vst.add.f32.msk $0xffff, v1  }
0x3fa: {  	[tilespmem:s16+$0x14500] =	vst.add.f32.msk $0xffff, v2  }
0x3fb: {  	[tilespmem:s16+$0x14510] =	vst.add.f32.msk $0xffff, v3  }
0x3fc: {  	[tilespmem:s16+$0x14520] =	vst.add.f32.msk $0xffff, v0  }
0x3fd: {  	[tilespmem:s16+$0x14530] =	vst.add.f32.msk $0xffff, v1  }
0x3fe: {  	[tilespmem:s16+$0x17700] =	vst.add.f32.msk $0xffff, v2  }
.Ltmp7:
0x3ff: {  	[tilespmem:s16+$0x17710] =	vst.add.f32.msk $0xffff, v3;
	(pc) =	sbr.rel @p0 .LBB2_16-.Ltmp7, $4  }
0x400: {  	[tilespmem:s16+$0x17720] =	vst.add.f32.msk $0xffff, v0  }
0x401: {  	[tilespmem:s16+$0x17730] =	vst.add.f32.msk $0xffff, v1  }
0x402: {  	[tilespmem:s16+$0x1A900] =	vst.add.f32.msk $0xffff, v2  }
0x403: {  	s19 =	sshra.s32 s17, $0x2;
	s17 =	sadd.s32 $0x100, s17;
	[tilespmem:s16+$0x1A910] =	vst.add.f32.msk $0xffff, v3  }
0x404: {  	v1 =	vld [tilespmem:s19+$0x1930]  }
0x405: {  	v2 =	vld [tilespmem:s19+$0x1900]  }
0x406: {  	v3 =	vld [tilespmem:s19+$0x1910]  }
0x407: {  	v4 =	vld [tilespmem:s19+$0x1920]  }
0x408: {  	[tilespmem:s16+$0x1A920] =	vst.add.f32.msk $0xffff, v0  }
0x409: {  	[tilespmem:s19+$0x1A930] =	vst.add.f32.msk $0xffff, v1  }
0x40a: {  	[tilespmem:s19+$0x11300] =	vst.add.f32.msk $0xffff, v2  }
0x40b: {  	[tilespmem:s19+$0x11310] =	vst.add.f32.msk $0xffff, v3  }
0x40c: {  	[tilespmem:s19+$0x11320] =	vst.add.f32.msk $0xffff, v4  }
0x40d: {  	[tilespmem:s19+$0x11330] =	vst.add.f32.msk $0xffff, v1  }
0x40e: {  	[tilespmem:s19+$0x14500] =	vst.add.f32.msk $0xffff, v2  }
0x40f: {  	[tilespmem:s19+$0x14510] =	vst.add.f32.msk $0xffff, v3  }
0x410: {  	[tilespmem:s19+$0x14520] =	vst.add.f32.msk $0xffff, v4  }
0x411: {  	[tilespmem:s19+$0x14530] =	vst.add.f32.msk $0xffff, v1  }
0x412: {  	[tilespmem:s19+$0x17700] =	vst.add.f32.msk $0xffff, v2  }
0x413: {  	[tilespmem:s19+$0x17710] =	vst.add.f32.msk $0xffff, v3  }
0x414: {  	[tilespmem:s19+$0x17720] =	vst.add.f32.msk $0xffff, v4  }
0x415: {  	[tilespmem:s19+$0x17730] =	vst.add.f32.msk $0xffff, v1  }
0x416: {  	[tilespmem:s19+$0x1A900] =	vst.add.f32.msk $0xffff, v2  }
0x417: {  	[tilespmem:s19+$0x1A910] =	vst.add.f32.msk $0xffff, v3  }
0x418: {  	[tilespmem:s19+$0x1A920] =	vst.add.f32.msk $0xffff, v4;
	s19 =	sld [smem:$0x7F8];
	_ =	sdelay $0x1  }
0x419: {  	s17 =	sld [smem:$0x7F9]  }
0x41a: {  	[hbm4b:s19+s2] =	stream.linear.scatter [tilespmem:s23], [sflag:$0x4], $0x3200, $0x38;
	[tilespmem:$0x1DB00] =	vst v63  }
0x41b: {  	s19 =	sld [smem:$0x7FA]  }
0x41c: {  	[hbm4b:s17+s2] =	stream.linear.scatter [tilespmem:s10], [sflag:$0x4], $0x3200, $0x38;
	[tilespmem:$0x1DB00] =	vst v63  }
0x41d: {  	s17 =	sld [smem:$0x7FB]  }
0x41e: {  	[hbm4b:s19+s2] =	stream.linear.scatter [tilespmem:s29], [sflag:$0x4], $0x3200, $0x38;
	[tilespmem:$0x1DB00] =	vst v63  }
0x41f: {  	_ = 	snop  }
0x420: {  	[hbm4b:s17+s2] =	stream.linear.scatter [tilespmem:s6], [sflag:$0x4], $0x3200, $0x38;
	[tilespmem:$0x1DB00] =	vst v63  }
0x421: {  	_ =	swait.ge [sflag:s8], $0x3200  }
0x422: {  	[sflag:s8] =	ssyncset.done $0x0  }
0x423: {  	[sflag:s8] =	ssyncadd.s32 $0xFFFFCE00  }
0x424: {  	_ =	swait.ge [sflag:s8], $0x3200  }
0x425: {  	[sflag:s8] =	ssyncset.done $0x0  }
0x426: {  	[sflag:s8] =	ssyncadd.s32 $0xFFFFCE00  }
0x427: {  	_ =	swait.ge [sflag:s8], $0x3200  }
0x428: {  	[sflag:s8] =	ssyncset.done $0x0  }
0x429: {  	[sflag:s8] =	ssyncadd.s32 $0xFFFFCE00  }
0x42a: {  	_ =	swait.ge [sflag:s8], $0x3200  }
0x42b: {  	[sflag:s8] =	ssyncset.done $0x0  }
0x42c: {  	[sflag:s8] =	ssyncadd.s32 $0xFFFFCE00  }
0x42d: {  	_ =	swait.ge [sflag:s14], $0x3200  }
0x42e: {  	[sflag:s14] =	ssyncset.done $0x0  }
0x42f: {  	[sflag:s14] =	ssyncadd.s32 $0xFFFFCE00  }
0x430: {  	_ =	swait.ge [sflag:s14], $0x3200  }
0x431: {  	[sflag:s14] =	ssyncset.done $0x0  }
0x432: {  	[sflag:s14] =	ssyncadd.s32 $0xFFFFCE00  }
0x433: {  	_ =	swait.ge [sflag:s14], $0x3200  }
0x434: {  	[sflag:s14] =	ssyncset.done $0x0  }
0x435: {  	[sflag:s14] =	ssyncadd.s32 $0xFFFFCE00  }
0x436: {  	_ =	swait.ge [sflag:s14], $0x3200  }
0x437: {  	s19 =	sld [smem:$0x7FC];
	_ =	sdelay $0x1  }
0x438: {  	s15 =	sadd.s32 $0x1, s15  }
0x439: {  	p0 =	sne.s32 s15, s19  }
.Ltmp8:
0x43a: {  	_ = 	snop;
	(pc) =	sbr.rel @p0 .LBB2_1-.Ltmp8, $3  }
0x43b: {  	_ =	sdelay $0x1  }
0x43c: {  	[sflag:s14] =	ssyncset.done $0x0  }
0x43d: {  	[sflag:s14] =	ssyncadd.s32 $0xFFFFCE00  }
0x43e: {  	_ =	sfence.sel $0x180000  }
0x43f: {  	[bflag:$0x0] =	sbarrier.arrive $0xFFFF  }
0x440: {  	_ =	strace $0x90000047  }
0x441: {  	s0 =	stileid.u32;
	[bflag:$0x2] =	sbarrier.arrive $0xFFFF  }
0x442: {  	p0 =	sne.s32 s0, $0x0;
	s0 =	rddreg [dreg:$0x2]  }
0x443: {  	s0 =	sadd.s32 @!p0 $0x100000, s0  }
0x444: {  	[sflag:s0] =	ssyncadd.tile.s32 @!p0 $0x1;
	_ =	shalt  }
.Lfunc_end2:
_tile_overlayer_lowered:
.L_overlay_start_2:
0x445: {  	(tag) =	ssettag $0x2  }
0x446: {  	s0 =	rddreg [dreg:$0x0];
	s2 =	stileid.u32  }
0x447: {  	s1 =	rddreg [dreg:$0x1];
	p0 =	sne.s32 s2, $0x0  }
0x448: {  	s3 =	rddreg [dreg:$0x2];
	[bflag:$0x3] =	sbarrier.arrive $0xFFFF;
	s2 =	simm.s32 @!p0 $0x1C05  }
0x449: {  	[timem:s3], [sflag:s2] =	dma.local @!p0 [hbm:s0], s1  }
0x44a: {  	s0 =	simm.s32 @!p0 $0x5  }
0x44b: {  	_ =	swait.ge @!p0 [sflag:s0], s1  }
0x44c: {  	s1 =	ssub.s32 @!p0 $0x0, s1;
	[sflag:s0] =	ssyncset.done @!p0 $0x0  }
0x44d: {  	[sflag:s0] =	ssyncadd.s32 @!p0 s1  }
0x44e: {  	[bflag:$0x3] =	sbarrier.arrive $0xFFFF  }
0x44f: {  	_ =	shalt  }

// kernel: sparse-core-data-format-call.cloned.1.call-start
scs
called_computation_lowered:
.L_overlay_start_0:
0x0: {  	s2 =	sld [smem:$0x3FD9]  }
0x1: {  	s3 =	sld [smem:$0x3FFE];
	_ =	sdelay $0x1  }
0x2: {  	s1 =	srdreg.scid  }
0x3: {  	s0 =	sand.u32 $0x1, s1  }
0x4: {  	s18 =	sshll.u32 s0, $0xA;
	s2 =	sadd.s32 s3, s2  }
0x5: {  	s2 =	sadd.s32 s2, s18  }
0x6: {  	[smem:$0x3FC6] =	sst s2  }
0x7: {  	_ = 	snop  }
0x8: {  	s2 =	sld [smem:$0x3FD0];
	(tm) =	ssettm $0x1  }
0x9: {  	s19 =	sld [smem:$0x3FFB];
	_ =	sdelay $0x3  }
0xa: {  	_ =	strace s19  }
0xb: {  	s3 =	sld [smem:$0x3FFC];
	_ =	sdelay $0x3  }
0xc: {  	_ =	strace s3  }
0xd: {  	s3 =	sld [smem:$0x3FFD];
	_ =	sdelay $0x3  }
0xe: {  	_ =	strace s3  }
0xf: {  	_ =	strace $0x8FFFFFFF  }
0x10: {  	s20 =	sld [smem:$0x3FDB];
	_ =	sdelay $0x1  }
0x11: {  	s4 =	simm.s32 $_scs_section_size  }
0x12: {  	s5 =	simm.s32 $_size__tile_overlayer_lowered;
	s6 =	simm.s32 $_tile_overlayer_lowered  }
0x13: {  	s23 =	simm.s32 $0x1BFF;
	s22 =	sshll.u32 s6, $0x1;
	s3 =	sadd.s32 s4, s20  }
0x14: {  	s7 =	simm.s32 $0x0;
	s21 =	sshll.u32 s5, $0x1;
	s5 =	sadd.s32 s22, s3  }
0x15: {  	[timem:s7], [sflag:s23] =	dma.local [hbm:s5], s21  }
0x16: {  	_ =	swait.ge [sflag:s23], s21  }
0x17: {  	s4 =	ssub.s32 $0x0, s21;
	[sflag:s23] =	ssyncset.done $0x0  }
0x18: {  	[sflag:s23] =	ssyncadd.s32 s4;
	_ =	sdelay $0x1  }
0x19: {  	s24 =	simm.s32 $0x1B8B  }
0x1a: {  	_ =	swait.ge [sflag:s24], $0x1  }
0x1b: {  	[sflag:s24] =	ssyncset.done $0x0  }
0x1c: {  	s26 =	simm.s32 $0x1B8E;
	s25 =	sld [smem:$0x3FFE];
	[sflag:s24] =	ssyncadd.s32 $0xFFFFFFFF  }
0x1d: {  	s27 =	simm.s32 $execute0_lowered;
	[smem:$0x3FD2] =	sst s26  }
0x1e: {  	s5 =	sshll.u32 s27, $0x1;
	_ =	strace $0x80000049;
	[dreg:$0x1] =	wrdreg $0xFFFFFFFF  }
0x1f: {  	s28 =	simm.s32 $_size_execute0_lowered;
	s3 =	sadd.s32 s3, s5;
	[dreg:$0x0] =	wrdreg $0x0  }
0x20: {  	s5 =	sshll.u32 s28, $0x1;
	[dreg:$0x2] =	wrdreg s3  }
0x21: {  	[dreg:$0x3] =	wrdreg s5  }
0x22: {  	[dreg:$0x4] =	wrdreg $0xC0  }
0x23: {  	_ =	task [dreg:s7], $0x5FFFF  }
0x24: {  	[dreg:$0x1] =	wrdreg $0xFFFFFFFF  }
0x25: {  	[dreg:$0x0] =	wrdreg $0x60  }
0x26: {  	[dreg:$0x2] =	wrdreg s25  }
0x27: {  	[dreg:$0x3] =	wrdreg s2  }
0x28: {  	[dreg:$0x4] =	wrdreg $0x9  }
0x29: {  	_ =	task.clear_ibuf [dreg:s7], $0x5FFFF;
	_ =	strace $0x90000049  }
0x2a: {  	s29 =	simm.s32 $0x9;
	_ =	strace $0x8000004B  }
0x2b: {  	_ =	swait.ge [sflag:s29], $0x1  }
0x2c: {  	[sflag:s29] =	ssyncadd.s32 $0xFFFFFFFF  }
0x2d: {  	_ =	strace $0x9000004B  }
0x2e: {  	_ =	sfence  }
0x2f: {  	s30 =	sld [smem:$0x0];
	_ =	sdelay $0x2  }
0x30: {  	s31 =	sshll.u32 s1, $0xD;
	s1 =	sshrl.u32 s1, $0x2  }
0x31: {  	s3 =	sand.u32 $0x4000, s31;
	s1 =	sadd.s32 s1, s30  }
0x32: {  	s0 =	sor.u32 s3, s0;
	s1 =	sshll.u32 s1, $0x11  }
0x33: {  	s0 =	sor.u32 s1, s0  }
0x34: {  	s0 =	sadd.s32 $0x8F2B, s0  }
0x35: {  	[sflag:s0] =	ssyncadd.remote.s32 $0x1  }
0x36: {  	_ =	sfence.sel $0xFFFF  }
0x37: {  	[dreg:$0x0] =	wrdreg $0xFFFFFFFF;
	(pc) =	sbr.abs _section_cstart, $3  }
0x38: {  	[dreg:$0x1] =	wrdreg $0xFFFFFFFF  }
0x39: {  	_ =	task.clear_ibuf [dreg:s7], $0x2FFFF;
	_ =	strace $0x9FFFFFFF  }
0x3a: {  	(tm) =	ssettm $0x7FFFFFFF  }
0x3b: {  	_ =	shalt  }
tec
execute0_lowered:
.L_overlay_start_1:
0x0: {  	(tag) =	ssettag $0x1  }
0x1: {  	s0 =	stileid.u32;
	s6 =	rddreg [dreg:$0x0]  }
0x2: {  	s2 =	rddreg [dreg:$0x1];
	s5 =	srdreg.scid  }
0x3: {  	s31 =	simm.s32 $0x2;
	s13 =	simm.s32 $0x0;
	s1 =	sshll.u32 s0, $0x7  }
0x4: {  	s14 =	simm.s32 $0x0;
	s12 =	simm.s32 $0x0;
	s3 =	sand.u32 $0x380, s1  }
0x5: {  	s5 =	sshll.u32 s5, $0x4;
	s6 =	sadd.s32 $0xC00, s6;
	s4 =	ssub.s32 $0x400, s3  }
0x6: {  	s1 =	rddreg [dreg:$0x2];
	_ =	strace $0x8000004A;
	s7 =	sand.u32 $0x380, s4  }
0x7: {  	s5 =	sand.u32 $0x10, s5;
	p0 =	sne.s32 s7, $0x0;
	s7 =	simm.s32 $0x1  }
.Ltmp0:
0x8: {  	s8 =	sshrl.u32 s4, $0xA;
	s7 =	simm.s32 @!p0 $0x0;
	(pc) =	sbr.rel .LBB1_1-.Ltmp0, $4  }
0x9: {  	s9 =	sor.u32 s0, s5;
	s4 =	simm.s32 $0x1;
	s30 =	sadd.s32 s7, s8  }
0xa: {  	s11 =	smov.u32 s3;
	[sflag:s4] =	ssyncpa.u1 $0x0;
	s5 =	smul.u32 $0x32, s30  }
0xb: {  	[sflag:s31] =	ssyncpa.u1 $0x0;
	p0 =	por $0x0, $0x0;
	s7 =	sshrl.u32 s9, $0x3  }
0xc: {  	s9 =	simm.s32 $0x2000;
	s10 =	smov.u32 s7;
	s8 =	sor.u32 $0x1, s5  }
.LBB1_4:
0xd: {  	s17 =	sand.u32 $0x1F80, s14;
	s13 =	sshll.u32 s13, $0xD  }
0xe: {  	[tilespmem:s16+$0x810 ss:$0x81] =	vst.msk $0xffff, v2;
	s18 =	sshrl.u32 s14, $0x3;
	s31 =	sand.u32 $0x7, s14;
	s17 =	sadd.s32 s2, s17  }
0xf: {  	[tilespmem:s16+$0x1020 ss:$0x81] =	vst.msk $0xffff, v0;
	s18 =	sand.u32 $0xF, s18;
	s14 =	sshll.u32 s31, $0x12;
	s13 =	sadd.s32 s13, s17  }
0x10: {  	[tilespmem:s16+$0x0 ss:$0x81] =	vst.msk $0xffff, v1;
	s14 =	sor.u32 $0x400, s14;
	s13 =	sadd.s32 s18, s13  }
0x11: {  	[hbm4b:s13+s14] =	stream.strided.scatter [tilespmem:s15], [sflag:$0x2], $0x2000, s9, s14, $0x20;
	[tilespmem:$0x8080] =	vst v63  }
.LBB1_5:
0x12: {  	s15 =	sadd.s32 $0x4, s10  }
0x13: {  	s13 =	sadd.s32 $0x400, s11;
	s17 =	smov.u32 s11;
	p2 =	sgt.s32 s15, $0xC7  }
0x14: {  	s17 =	smov.u32 @p2 s13  }
0x15: {  	s15 =	smov.u32 @p2 s7;
	p2 =	sgt.s32 s17, $0x3FF  }
0x16: {  	s17 =	smov.u32 @p2 s3;
	p2 =	sne.s32 s12, s8  }
.Ltmp1:
0x17: {  	p1 =	slt.u32 s12, $0x2;
	(pc) =	sbr.rel @!p2 .LBB1_6-.Ltmp1, $4  }
0x18: {  	s16 =	simm.s32 @!p1 $0x2  }
0x19: {  	s14 =	smov.u32 s11;
	p0 =	por !p0, !p0;
	_ =	swait.ge @!p1 [sflag:s16], $0x2000  }
0x1a: {  	s13 =	smov.u32 s10;
	[sflag:s16] =	ssyncset.done @!p1 $0x0;
	s10 =	smov.u32 s15  }
0x1b: {  	s12 =	sadd.s32 $0x1, s12;
	[sflag:s16] =	ssyncadd.s32 @!p1 $0xFFFFE000;
	s11 =	smov.u32 s17  }
.LBB1_1:
0x1c: {  	p1 =	sge.u32 s12, s5  }
0x1d: {  	s15 =	sand.u32 @!p1 $0x1FFFFFF, s10  }
0x1e: {  	s16 =	smulhi.u32 @!p1 $0x147AE15, s15;
	_ =	sdelay $0x1  }
0x1f: {  	s16 =	smul.u32 @!p1 $0xC8, s16  }
0x20: {  	s17 =	sxor.u32 @!p1 $0xFFFFFFFF, s12;
	s18 =	smul.u32 @!p1 $0xC80, s11  }
0x21: {  	s31 =	sadd.s32 $0xFFFFFFFF, s12;
	s17 =	sshll.u32 @!p1 s17, $0xD;
	s15 =	ssub.s32 @!p1 s15, s16  }
0x22: {  	s16 =	sand.u32 @!p1 $0x2000, s17;
	s17 =	sadd.s32 @!p1 s6, s18;
	s15 =	sshll.u32 @!p1 s15, $0x4  }
0x23: {  	s18 =	simm.s32 @!p1 $0x6400;
	s15 =	sadd.s32 @!p1 s15, s17;
	s17 =	simm.s32 @!p1 $0x40  }
0x24: {  	[tilespmem:s16], [sflag:$0x1] =	stream.strided.gather @!p1 [hbm4b:s15+s17], $0x2000, s18, s17, $0x38;
	[tilespmem:$0x8080] =	vst v63  }
0x25: {  	p1 =	sge.u32 s31, s5  }
.Ltmp2:
0x26: {  	_ = 	snop;
	(pc) =	sbr.rel @p1 .LBB1_5-.Ltmp2, $1  }
0x27: {  	_ =	sdelay $0x3  }
0x28: {  	s15 =	simm.s32 $0x1  }
0x29: {  	_ =	swait.ge [sflag:s4], $0x2000;
	s15 =	simm.s32 @!p0 $0x0  }
0x2a: {  	[sflag:s4] =	ssyncset.done $0x0;
	s16 =	sshll.u32 s15, $0xD  }
0x2b: {  	[sflag:s4] =	ssyncadd.s32 $0xFFFFE000;
	s19 =	sor.u32 $0x20, s16  }
0x2c: {  	s15 =	smul.u32 $0x8100, s15;
	v3 =	vld [tilespmem:s19+$0x10]  }
0x2d: {  	s30 =	sand.u32 $0x1, s12;
	v2 =	vld [tilespmem:s19+$0xFFFFFFF0]  }
0x2e: {  	s16 =	smul.u32 $0x8100, s30;
	s15 =	sshrl.u32 s15, $0x2;
	v0 =	vld [tilespmem:s19+$0x0]  }
0x2f: {  	v1 =	vld [tilespmem:s19+$0xFFFFFFE0];
	s17 =	sor.u32 $0x4000, s15  }
0x30: {  	s31 =	sshrl.u32 s16, $0x2;
	s16 =	sadd.s32 $0x0, s17  }
0x31: {  	s18 =	simm.s32 $0x4;
	s19 =	sadd.s32 $0x40, s19;
	s15 =	sor.u32 $0x4000, s31;
	[tilespmem:s16+$0x1830 ss:$0x81] =	vst.msk $0xffff, v3  }
.LBB1_3:
0x32: {  	v3 =	vld [tilespmem:s19+$0x10];
	p1 =	sne.s32 s18, $0x1FC;
	[tilespmem:s16+$0x810 ss:$0x81] =	vst.msk $0xffff, v2;
	s20 =	smov.u32 s18;
	s18 =	sadd.s32 $0x4, s18  }
.Ltmp3:
0x33: {  	v2 =	vld [tilespmem:s19+$0xFFFFFFF0];
	[tilespmem:s16+$0x1020 ss:$0x81] =	vst.msk $0xffff, v0;
	(pc) =	sbr.rel @p1 .LBB1_3-.Ltmp3, $4  }
0x34: {  	v0 =	vld [tilespmem:s19+$0x0];
	[tilespmem:s16+$0x0 ss:$0x81] =	vst.msk $0xffff, v1  }
0x35: {  	s16 =	sshra.s32 s20, $0x2;
	v1 =	vld [tilespmem:s19+$0xFFFFFFE0]  }
0x36: {  	s16 =	sadd.s32 s16, s17  }
0x37: {  	s19 =	sadd.s32 $0x40, s19;
	[tilespmem:s16+$0x1830 ss:$0x81] =	vst.msk $0xffff, v3  }
.Ltmp4:
0x38: {  	_ = 	snop;
	(pc) =	sbr.rel .LBB1_4-.Ltmp4, $1  }
0x39: {  	_ =	sdelay $0x3  }
.LBB1_6:
0x3a: {  	_ =	sfence.sel $0x180000  }
0x3b: {  	s2 =	simm.s32 $0x1;
	[bflag:$0x0] =	sbarrier.arrive $0xFFFF  }
0x3c: {  	s31 =	simm.s32 $0x2;
	[sflag:s2] =	ssyncpa.u1 $0x1  }
0x3d: {  	[sflag:s31] =	ssyncpa.u1 $0x1  }
0x3e: {  	p0 =	sne.s32 s0, $0x0;
	_ =	strace $0x9000004A  }
0x3f: {  	s0 =	sadd.s32 @!p0 $0x100000, s1;
	[bflag:$0x2] =	sbarrier.arrive $0xFFFF  }
0x40: {  	[sflag:s0] =	ssyncadd.tile.s32 @!p0 $0x1;
	_ =	shalt  }
.Lfunc_end1:
_tile_overlayer_lowered:
.L_overlay_start_2:
0x41: {  	(tag) =	ssettag $0x2  }
0x42: {  	s0 =	rddreg [dreg:$0x0];
	s2 =	stileid.u32  }
0x43: {  	s1 =	rddreg [dreg:$0x1];
	p0 =	sne.s32 s2, $0x0  }
0x44: {  	s3 =	rddreg [dreg:$0x2];
	[bflag:$0x3] =	sbarrier.arrive $0xFFFF;
	s2 =	simm.s32 @!p0 $0x1C01  }
0x45: {  	[timem:s3], [sflag:s2] =	dma.local @!p0 [hbm:s0], s1  }
0x46: {  	s0 =	simm.s32 @!p0 $0x1  }
0x47: {  	_ =	swait.ge @!p0 [sflag:s0], s1  }
0x48: {  	s1 =	ssub.s32 @!p0 $0x0, s1;
	[sflag:s0] =	ssyncset.done @!p0 $0x0  }
0x49: {  	[sflag:s0] =	ssyncadd.s32 @!p0 s1  }
0x4a: {  	[bflag:$0x3] =	sbarrier.arrive $0xFFFF  }
0x4b: {  	_ =	shalt  }

</sc_bundles>
